<compile_context>
chip_gen: v7x
topology: tpu7x:2x2x1
jax: 0.10.2.dev20260603
libtpu: 0.0.44.dev20260713+nightly
codegen_flags: <defaults>
</compile_context>

<pallas_src>
import functools

import jax
import jax.numpy as jnp
from jax import lax
from jax.experimental import pallas as pl
from jax.experimental.pallas import tpu as pltpu
from jax.experimental.pallas import tpu_sc as plsc

_N = 10000
_E = 320000
_D_IN = 128
_D_HID = 256
_D_OUT = 128

_NC = 2
_NS = 16
_MC = 128
_E_PAD = 327680
_NCHUNK = _E_PAD // _MC
_NP = 10240
_NPT = _NP // _NS


@functools.cache
def _agg_call(chunks_per_tile, off_mult, core_stride, gather=True):
    mesh = plsc.VectorSubcoreMesh(core_axis_name="c", subcore_axis_name="s")
    group = 16
    ngroups = chunks_per_tile // group
    assert chunks_per_tile % group == 0

    @functools.partial(
        pl.kernel,
        out_type=jax.ShapeDtypeStruct((2 * _NP, 128), jnp.float32),
        mesh=mesh,
        scratch_types=[
            pltpu.VMEM((group, _MC), jnp.int32),
            pltpu.VMEM((group, _MC), jnp.int32),
            pltpu.VMEM((_MC, 128), jnp.float32),
            pltpu.SemaphoreType.DMA,
            pltpu.VMEM_SHARED((_NP, 128), jnp.float32),
        ],
    )
    def agg_kernel(table_hbm, src_hbm, dst_hbm, out_hbm, sidx, didx, rows, sem, acc):
        c = lax.axis_index("c")
        s = lax.axis_index("s")
        row0 = s * _NPT
        for t in range(_NPT // _MC):
            pltpu.sync_copy(
                table_hbm.at[pl.ds(c * off_mult + row0 + t * _MC, _MC)], rows)
            pltpu.sync_copy(rows, acc.at[pl.ds(row0 + t * _MC, _MC)])
        plsc.subcore_barrier()
        if not gather:
            pltpu.sync_copy(table_hbm.at[pl.ds(0, _MC)], rows)
        base = (c * core_stride + s) * chunks_per_tile
        goff = jnp.full((16,), c * off_mult, jnp.int32)

        def grp(g, _):
            gbase = base + g * group
            if gather:
                pltpu.sync_copy(src_hbm.at[pl.ds(gbase, group)], sidx)
            pltpu.sync_copy(dst_hbm.at[pl.ds(gbase, group)], didx)
            if gather and off_mult:
                def addoff(j, _):
                    for l in range(_MC // 16):
                        sidx[j, pl.ds(l * 16, 16)] = sidx[j, pl.ds(l * 16, 16)] + goff
                    return 0

                lax.fori_loop(0, group, addoff, 0)

            for j in range(group):
                if gather:
                    pltpu.async_copy(table_hbm.at[sidx.at[j]], rows, sem).wait()
                pltpu.sync_copy(rows, acc.at[didx.at[j]], add=True)
            return 0

        lax.fori_loop(0, ngroups, grp, 0)
        plsc.subcore_barrier()
        for t in range(_NPT // _MC):
            pltpu.sync_copy(acc.at[pl.ds(row0 + t * _MC, _MC)], rows)
            pltpu.sync_copy(rows, out_hbm.at[pl.ds(c * _NP + row0 + t * _MC, _MC)])

    return agg_kernel


_R = 1024
_NB = _NP // _R


def _scale1(x, W1, deg):

    def body(x_ref, w_ref, dega_ref, degb_ref, out_ref):
        dis = lax.rsqrt(dega_ref[:, 0:1] + degb_ref[:, 0:1] - 1.0)
        out_ref[:, :] = dis * jnp.dot(x_ref[:, :], w_ref[:, :],
                                      preferred_element_type=jnp.float32)

    return pl.pallas_call(
        body,
        grid=(2, _NB),
        in_specs=[
            pl.BlockSpec((_R, _D_IN), lambda h, i: (i, 0)),
            pl.BlockSpec((_D_IN, 128), lambda h, i: (0, h)),
            pl.BlockSpec((_R, 128), lambda h, i: (i, 0)),
            pl.BlockSpec((_R, 128), lambda h, i: (_NB + i, 0)),
        ],
        out_specs=pl.BlockSpec((_R, 128), lambda h, i: (h * _NB + i, 0)),
        out_shape=jax.ShapeDtypeStruct((2 * _NP, 128), jnp.float32),
    )(x, W1, deg, deg)


def _combine1(S1, deg, b1, W2):

    def body(sa_ref, sb_ref, dega_ref, degb_ref, b1_ref, w2_ref, out_ref):
        dis = lax.rsqrt(dega_ref[:, 0:1] + degb_ref[:, 0:1] - 1.0)
        za = dis * sa_ref[:, :] + b1_ref[0:1, 0:128]
        zb = dis * sb_ref[:, :] + b1_ref[0:1, 128:256]
        a = jnp.concatenate([jnp.maximum(za, 0.0), jnp.maximum(zb, 0.0)], axis=1)
        out_ref[:, :] = dis * jnp.dot(a, w2_ref[:, :],
                                      preferred_element_type=jnp.float32)

    return pl.pallas_call(
        body,
        grid=(_NB,),
        in_specs=[
            pl.BlockSpec((_R, 128), lambda i: (i, 0)),
            pl.BlockSpec((_R, 128), lambda i: (_NB + i, 0)),
            pl.BlockSpec((_R, 128), lambda i: (i, 0)),
            pl.BlockSpec((_R, 128), lambda i: (_NB + i, 0)),
            pl.BlockSpec((1, _D_HID), lambda i: (0, 0)),
            pl.BlockSpec((_D_HID, _D_OUT), lambda i: (0, 0)),
        ],
        out_specs=pl.BlockSpec((_R, _D_OUT), lambda i: (i, 0)),
        out_shape=jax.ShapeDtypeStruct((_NP, _D_OUT), jnp.float32),
    )(S1, S1, deg, deg, b1.reshape(1, _D_HID), W2)


def _final(S2, hp2, deg, b2):

    def body(sa_ref, sb_ref, hp_ref, dega_ref, degb_ref, b2_ref, out_ref):
        dis = lax.rsqrt(dega_ref[:, 0:1] + degb_ref[:, 0:1] - 1.0)
        h = dis * (sa_ref[:, :] + sb_ref[:, :] - hp_ref[:, :]) + b2_ref[0:1, :]
        nrm = jnp.sqrt(jnp.sum(h * h, axis=1, keepdims=True))
        out_ref[:, :] = h / jnp.maximum(nrm, 1e-12)

    return pl.pallas_call(
        body,
        grid=(_NB,),
        in_specs=[
            pl.BlockSpec((_R, 128), lambda i: (i, 0)),
            pl.BlockSpec((_R, 128), lambda i: (_NB + i, 0)),
            pl.BlockSpec((_R, 128), lambda i: (i, 0)),
            pl.BlockSpec((_R, 128), lambda i: (i, 0)),
            pl.BlockSpec((_R, 128), lambda i: (_NB + i, 0)),
            pl.BlockSpec((1, _D_OUT), lambda i: (0, 0)),
        ],
        out_specs=pl.BlockSpec((_R, _D_OUT), lambda i: (i, 0)),
        out_shape=jax.ShapeDtypeStruct((_N, _D_OUT), jnp.float32),
    )(S2, S2, hp2, deg, deg, b2.reshape(1, _D_OUT))


def kernel(x, edge_index, W1, b1, W2, b2):
    src = edge_index[0]
    dst = edge_index[1]
    npad = _E_PAD - _E
    src2d = jnp.concatenate(
        [src, jnp.zeros((npad,), jnp.int32)]).reshape(_NCHUNK, _MC)
    dst2d = jnp.concatenate(
        [dst, jnp.full((npad,), _N, jnp.int32)]).reshape(_NCHUNK, _MC)

    ones_tab = jnp.ones((_NP, 128), jnp.float32)
    deg = _agg_call(_NCHUNK // (_NC * _NS), 0, _NS, False)(ones_tab, src2d, dst2d)
    hp1 = _scale1(x, W1, deg)
    S1 = _agg_call(_NCHUNK // _NS, _NP, 0)(hp1, src2d, dst2d)
    hp2 = _combine1(S1, deg, b1, W2)
    S2 = _agg_call(_NCHUNK // (_NC * _NS), 0, _NS)(hp2, src2d, dst2d)
    return _final(S2, hp2, deg, b2)

# --- scband reference (transcript-rebuilt; emitter-appended) ---
"""Pipeline reference for scband-gcn-75969381531757 (READ-ONLY COPY).

The authoritative reference and input builder live on the scoring server;
editing this copy changes nothing except your own understanding.
"""

import jax, jax.numpy as jnp
import numpy as np

N = 10000
E = 320000
D_IN = 128
D_HID = 256
D_OUT = 128


def _glorot(key, shape):
    fan_in, fan_out = shape[0], shape[1]
    limit = float(np.sqrt(6.0 / (fan_in + fan_out)))
    return jax.random.uniform(key, shape, dtype=jnp.float32, minval=-limit, maxval=limit)


def setup_inputs(seed: int = 0) -> dict:
    key = jax.random.key(seed)
    k1, k2, k3, k4 = jax.random.split(key, 4)
    x = jax.random.normal(k1, (N, D_IN), dtype=jnp.float32)
    edge_index = jax.random.randint(k2, (2, E), 0, N, dtype=jnp.int32)
    W1 = _glorot(k3, (D_IN, D_HID))
    b1 = jnp.zeros((D_HID,), dtype=jnp.float32)
    W2 = _glorot(k4, (D_HID, D_OUT))
    b2 = jnp.zeros((D_OUT,), dtype=jnp.float32)
    return {"x": x, "edge_index": edge_index, "W1": W1, "b1": b1, "W2": W2, "b2": b2}


def _gcn_conv(x, edge_index, W, b):
    # PyG GCNConv: add self-loops, symmetric normalization, linear, scatter-add aggregate, bias.
    src = edge_index[0]
    dst = edge_index[1]
    loop = jnp.arange(N, dtype=src.dtype)
    src_f = jnp.concatenate([src, loop])
    dst_f = jnp.concatenate([dst, loop])
    deg = jnp.zeros((N,), dtype=x.dtype).at[dst_f].add(1.0)
    deg_inv_sqrt = jnp.where(deg > 0, jax.lax.rsqrt(jnp.maximum(deg, 1e-12)), 0.0)
    norm = deg_inv_sqrt[src_f] * deg_inv_sqrt[dst_f]
    h = x @ W
    msg = h[src_f] * norm[:, None]
    out = jax.ops.segment_sum(msg, dst_f, num_segments=N)
    return out + b


def reference(x, edge_index, W1, b1, W2, b2):
    h = _gcn_conv(x, edge_index, W1, b1)
    h = jax.nn.relu(h)
    # dropout is identity in eval mode
    h = _gcn_conv(h, edge_index, W2, b2)
    # F.normalize(p=2, dim=-1)
    nrm = jnp.sqrt(jnp.sum(h * h, axis=-1, keepdims=True))
    return h / jnp.maximum(nrm, 1e-12)

if __name__ == "__main__":
    import jax
    _d = setup_inputs()
    print(jax.jit(kernel)(*tuple(_d.values())))

</pallas_src>

<mosaic_0001>
#map = affine_map<(d0, d1) -> (0, 0)>
module attributes {stable_mosaic.version = 14 : i64} {
  func.func @agg_kernel(%arg0: i32, %arg1: i32, %arg2: memref<20480x128xf32, #tpu.memory_space<hbm>>, %arg3: memref<2560x128xi32, #tpu.memory_space<hbm>>, %arg4: memref<2560x128xi32, #tpu.memory_space<hbm>>, %arg5: memref<20480x128xf32, #tpu.memory_space<hbm>>, %arg6: memref<16x128xi32, #tpu.memory_space<vmem>>, %arg7: memref<16x128xi32, #tpu.memory_space<vmem>>, %arg8: memref<128x128xf32, #tpu.memory_space<vmem>>, %arg9: memref<!tpu.dma_semaphore, #tpu.memory_space<semaphore_mem>>, %arg10: memref<10240x128xf32, #tpu.memory_space<vmem_shared>>) attributes {dimension_semantics = [#tpu.dimension_semantics<core_parallel>, #tpu.dimension_semantics<subcore_parallel>], iteration_bounds = array<i64: 2, 16>, scalar_prefetch = 0 : i64, scratch_operands = 5 : i64, tpu.core_type = #tpu.core_type<sc_vector_subcore>, window_params = [{transform_indices = #map}, {transform_indices = #map}, {transform_indices = #map}, {transform_indices = #map}]} {
    %mul3A = arith.constant 640 : i32
    %mul3A_0 = arith.muli %arg1, %mul3A : i32
    %mul3A_1 = arith.constant 10240 : i32
    %mul3A_2 = arith.muli %arg0, %mul3A_1 : i32
    %add3A = arith.addi %mul3A_2, %mul3A_0 : i32
    %add3A_3 = arith.constant 0 : i32
    %add3A_4 = arith.addi %add3A, %add3A_3 : i32
    "tpu.region"() ({
      %run_scoped3A = tpu.sem_alloc : memref<!tpu.dma_semaphore, #tpu.memory_space<semaphore_mem>>
      %dma_start3A = arith.constant 0 : i32
      %dma_start3A_84 = tpu.memref_slice %arg2[%add3A_4, %dma_start3A] : memref<20480x128xf32, #tpu.memory_space<hbm>> -> memref<128x128xf32, #tpu.memory_space<hbm>>
      %dma_start3A_85 = arith.constant 0 : i32
      %dma_start3A_86 = tpu.memref_slice %arg2[%add3A_4, %dma_start3A_85] : memref<20480x128xf32, #tpu.memory_space<hbm>> -> memref<128x128xf32, #tpu.memory_space<hbm>>
      tpu.enqueue_dma source(%dma_start3A_86 : memref<128x128xf32, #tpu.memory_space<hbm>>) target(%arg8 : memref<128x128xf32, #tpu.memory_space<vmem>>) target_semaphore(%run_scoped3A : memref<!tpu.dma_semaphore, #tpu.memory_space<semaphore_mem>>)
      %dma_wait3A = arith.constant 0 : i32
      %dma_wait3A_87 = tpu.memref_slice %arg2[%add3A_4, %dma_wait3A] : memref<20480x128xf32, #tpu.memory_space<hbm>> -> memref<128x128xf32, #tpu.memory_space<hbm>>
      %dma_wait3A_88 = arith.constant 0 : i32
      %dma_wait3A_89 = tpu.memref_slice %arg2[%add3A_4, %dma_wait3A_88] : memref<20480x128xf32, #tpu.memory_space<hbm>> -> memref<128x128xf32, #tpu.memory_space<hbm>>
      tpu.wait_dma2 semaphore(%run_scoped3A : memref<!tpu.dma_semaphore, #tpu.memory_space<semaphore_mem>>) src(%dma_wait3A_89 : memref<128x128xf32, #tpu.memory_space<hbm>>) dst(%arg8 : memref<128x128xf32, #tpu.memory_space<vmem>>)
      tpu.yield
    }) : () -> ()
    %add3A_5 = arith.constant 0 : i32
    %add3A_6 = arith.addi %mul3A_0, %add3A_5 : i32
    "tpu.region"() ({
      %run_scoped3A = tpu.sem_alloc : memref<!tpu.dma_semaphore, #tpu.memory_space<semaphore_mem>>
      %dma_start3A = arith.constant 0 : i32
      %dma_start3A_84 = tpu.memref_slice %arg10[%add3A_6, %dma_start3A] : memref<10240x128xf32, #tpu.memory_space<vmem_shared>> -> memref<128x128xf32, #tpu.memory_space<vmem_shared>>
      %dma_start3A_85 = arith.constant 0 : i32
      %dma_start3A_86 = tpu.memref_slice %arg10[%add3A_6, %dma_start3A_85] : memref<10240x128xf32, #tpu.memory_space<vmem_shared>> -> memref<128x128xf32, #tpu.memory_space<vmem_shared>>
      tpu.enqueue_dma source(%arg8 : memref<128x128xf32, #tpu.memory_space<vmem>>) target(%dma_start3A_86 : memref<128x128xf32, #tpu.memory_space<vmem_shared>>) target_semaphore(%run_scoped3A : memref<!tpu.dma_semaphore, #tpu.memory_space<semaphore_mem>>)
      %dma_wait3A = arith.constant 0 : i32
      %dma_wait3A_87 = tpu.memref_slice %arg10[%add3A_6, %dma_wait3A] : memref<10240x128xf32, #tpu.memory_space<vmem_shared>> -> memref<128x128xf32, #tpu.memory_space<vmem_shared>>
      %dma_wait3A_88 = arith.constant 0 : i32
      %dma_wait3A_89 = tpu.memref_slice %arg10[%add3A_6, %dma_wait3A_88] : memref<10240x128xf32, #tpu.memory_space<vmem_shared>> -> memref<128x128xf32, #tpu.memory_space<vmem_shared>>
      tpu.wait_dma2 semaphore(%run_scoped3A : memref<!tpu.dma_semaphore, #tpu.memory_space<semaphore_mem>>) src(%arg8 : memref<128x128xf32, #tpu.memory_space<vmem>>) dst(%dma_wait3A_89 : memref<128x128xf32, #tpu.memory_space<vmem_shared>>)
      tpu.yield
    }) : () -> ()
    %mul3A_7 = arith.constant 10240 : i32
    %mul3A_8 = arith.muli %arg0, %mul3A_7 : i32
    %add3A_9 = arith.addi %mul3A_8, %mul3A_0 : i32
    %add3A_10 = arith.constant 128 : i32
    %add3A_11 = arith.addi %add3A_9, %add3A_10 : i32
    "tpu.region"() ({
      %run_scoped3A = tpu.sem_alloc : memref<!tpu.dma_semaphore, #tpu.memory_space<semaphore_mem>>
      %dma_start3A = arith.constant 0 : i32
      %dma_start3A_84 = tpu.memref_slice %arg2[%add3A_11, %dma_start3A] : memref<20480x128xf32, #tpu.memory_space<hbm>> -> memref<128x128xf32, #tpu.memory_space<hbm>>
      %dma_start3A_85 = arith.constant 0 : i32
      %dma_start3A_86 = tpu.memref_slice %arg2[%add3A_11, %dma_start3A_85] : memref<20480x128xf32, #tpu.memory_space<hbm>> -> memref<128x128xf32, #tpu.memory_space<hbm>>
      tpu.enqueue_dma source(%dma_start3A_86 : memref<128x128xf32, #tpu.memory_space<hbm>>) target(%arg8 : memref<128x128xf32, #tpu.memory_space<vmem>>) target_semaphore(%run_scoped3A : memref<!tpu.dma_semaphore, #tpu.memory_space<semaphore_mem>>)
      %dma_wait3A = arith.constant 0 : i32
      %dma_wait3A_87 = tpu.memref_slice %arg2[%add3A_11, %dma_wait3A] : memref<20480x128xf32, #tpu.memory_space<hbm>> -> memref<128x128xf32, #tpu.memory_space<hbm>>
      %dma_wait3A_88 = arith.constant 0 : i32
      %dma_wait3A_89 = tpu.memref_slice %arg2[%add3A_11, %dma_wait3A_88] : memref<20480x128xf32, #tpu.memory_space<hbm>> -> memref<128x128xf32, #tpu.memory_space<hbm>>
      tpu.wait_dma2 semaphore(%run_scoped3A : memref<!tpu.dma_semaphore, #tpu.memory_space<semaphore_mem>>) src(%dma_wait3A_89 : memref<128x128xf32, #tpu.memory_space<hbm>>) dst(%arg8 : memref<128x128xf32, #tpu.memory_space<vmem>>)
      tpu.yield
    }) : () -> ()
    %add3A_12 = arith.constant 128 : i32
    %add3A_13 = arith.addi %mul3A_0, %add3A_12 : i32
    "tpu.region"() ({
      %run_scoped3A = tpu.sem_alloc : memref<!tpu.dma_semaphore, #tpu.memory_space<semaphore_mem>>
      %dma_start3A = arith.constant 0 : i32
      %dma_start3A_84 = tpu.memref_slice %arg10[%add3A_13, %dma_start3A] : memref<10240x128xf32, #tpu.memory_space<vmem_shared>> -> memref<128x128xf32, #tpu.memory_space<vmem_shared>>
      %dma_start3A_85 = arith.constant 0 : i32
      %dma_start3A_86 = tpu.memref_slice %arg10[%add3A_13, %dma_start3A_85] : memref<10240x128xf32, #tpu.memory_space<vmem_shared>> -> memref<128x128xf32, #tpu.memory_space<vmem_shared>>
      tpu.enqueue_dma source(%arg8 : memref<128x128xf32, #tpu.memory_space<vmem>>) target(%dma_start3A_86 : memref<128x128xf32, #tpu.memory_space<vmem_shared>>) target_semaphore(%run_scoped3A : memref<!tpu.dma_semaphore, #tpu.memory_space<semaphore_mem>>)
      %dma_wait3A = arith.constant 0 : i32
      %dma_wait3A_87 = tpu.memref_slice %arg10[%add3A_13, %dma_wait3A] : memref<10240x128xf32, #tpu.memory_space<vmem_shared>> -> memref<128x128xf32, #tpu.memory_space<vmem_shared>>
      %dma_wait3A_88 = arith.constant 0 : i32
      %dma_wait3A_89 = tpu.memref_slice %arg10[%add3A_13, %dma_wait3A_88] : memref<10240x128xf32, #tpu.memory_space<vmem_shared>> -> memref<128x128xf32, #tpu.memory_space<vmem_shared>>
      tpu.wait_dma2 semaphore(%run_scoped3A : memref<!tpu.dma_semaphore, #tpu.memory_space<semaphore_mem>>) src(%arg8 : memref<128x128xf32, #tpu.memory_space<vmem>>) dst(%dma_wait3A_89 : memref<128x128xf32, #tpu.memory_space<vmem_shared>>)
      tpu.yield
    }) : () -> ()
    %mul3A_14 = arith.constant 10240 : i32
    %mul3A_15 = arith.muli %arg0, %mul3A_14 : i32
    %add3A_16 = arith.addi %mul3A_15, %mul3A_0 : i32
    %add3A_17 = arith.constant 256 : i32
    %add3A_18 = arith.addi %add3A_16, %add3A_17 : i32
    "tpu.region"() ({
      %run_scoped3A = tpu.sem_alloc : memref<!tpu.dma_semaphore, #tpu.memory_space<semaphore_mem>>
      %dma_start3A = arith.constant 0 : i32
      %dma_start3A_84 = tpu.memref_slice %arg2[%add3A_18, %dma_start3A] : memref<20480x128xf32, #tpu.memory_space<hbm>> -> memref<128x128xf32, #tpu.memory_space<hbm>>
      %dma_start3A_85 = arith.constant 0 : i32
      %dma_start3A_86 = tpu.memref_slice %arg2[%add3A_18, %dma_start3A_85] : memref<20480x128xf32, #tpu.memory_space<hbm>> -> memref<128x128xf32, #tpu.memory_space<hbm>>
      tpu.enqueue_dma source(%dma_start3A_86 : memref<128x128xf32, #tpu.memory_space<hbm>>) target(%arg8 : memref<128x128xf32, #tpu.memory_space<vmem>>) target_semaphore(%run_scoped3A : memref<!tpu.dma_semaphore, #tpu.memory_space<semaphore_mem>>)
      %dma_wait3A = arith.constant 0 : i32
      %dma_wait3A_87 = tpu.memref_slice %arg2[%add3A_18, %dma_wait3A] : memref<20480x128xf32, #tpu.memory_space<hbm>> -> memref<128x128xf32, #tpu.memory_space<hbm>>
      %dma_wait3A_88 = arith.constant 0 : i32
      %dma_wait3A_89 = tpu.memref_slice %arg2[%add3A_18, %dma_wait3A_88] : memref<20480x128xf32, #tpu.memory_space<hbm>> -> memref<128x128xf32, #tpu.memory_space<hbm>>
      tpu.wait_dma2 semaphore(%run_scoped3A : memref<!tpu.dma_semaphore, #tpu.memory_space<semaphore_mem>>) src(%dma_wait3A_89 : memref<128x128xf32, #tpu.memory_space<hbm>>) dst(%arg8 : memref<128x128xf32, #tpu.memory_space<vmem>>)
      tpu.yield
    }) : () -> ()
    %add3A_19 = arith.constant 256 : i32
    %add3A_20 = arith.addi %mul3A_0, %add3A_19 : i32
    "tpu.region"() ({
      %run_scoped3A = tpu.sem_alloc : memref<!tpu.dma_semaphore, #tpu.memory_space<semaphore_mem>>
      %dma_start3A = arith.constant 0 : i32
      %dma_start3A_84 = tpu.memref_slice %arg10[%add3A_20, %dma_start3A] : memref<10240x128xf32, #tpu.memory_space<vmem_shared>> -> memref<128x128xf32, #tpu.memory_space<vmem_shared>>
      %dma_start3A_85 = arith.constant 0 : i32
      %dma_start3A_86 = tpu.memref_slice %arg10[%add3A_20, %dma_start3A_85] : memref<10240x128xf32, #tpu.memory_space<vmem_shared>> -> memref<128x128xf32, #tpu.memory_space<vmem_shared>>
      tpu.enqueue_dma source(%arg8 : memref<128x128xf32, #tpu.memory_space<vmem>>) target(%dma_start3A_86 : memref<128x128xf32, #tpu.memory_space<vmem_shared>>) target_semaphore(%run_scoped3A : memref<!tpu.dma_semaphore, #tpu.memory_space<semaphore_mem>>)
      %dma_wait3A = arith.constant 0 : i32
      %dma_wait3A_87 = tpu.memref_slice %arg10[%add3A_20, %dma_wait3A] : memref<10240x128xf32, #tpu.memory_space<vmem_shared>> -> memref<128x128xf32, #tpu.memory_space<vmem_shared>>
      %dma_wait3A_88 = arith.constant 0 : i32
      %dma_wait3A_89 = tpu.memref_slice %arg10[%add3A_20, %dma_wait3A_88] : memref<10240x128xf32, #tpu.memory_space<vmem_shared>> -> memref<128x128xf32, #tpu.memory_space<vmem_shared>>
      tpu.wait_dma2 semaphore(%run_scoped3A : memref<!tpu.dma_semaphore, #tpu.memory_space<semaphore_mem>>) src(%arg8 : memref<128x128xf32, #tpu.memory_space<vmem>>) dst(%dma_wait3A_89 : memref<128x128xf32, #tpu.memory_space<vmem_shared>>)
      tpu.yield
    }) : () -> ()
    %mul3A_21 = arith.constant 10240 : i32
    %mul3A_22 = arith.muli %arg0, %mul3A_21 : i32
    %add3A_23 = arith.addi %mul3A_22, %mul3A_0 : i32
    %add3A_24 = arith.constant 384 : i32
    %add3A_25 = arith.addi %add3A_23, %add3A_24 : i32
    "tpu.region"() ({
      %run_scoped3A = tpu.sem_alloc : memref<!tpu.dma_semaphore, #tpu.memory_space<semaphore_mem>>
      %dma_start3A = arith.constant 0 : i32
      %dma_start3A_84 = tpu.memref_slice %arg2[%add3A_25, %dma_start3A] : memref<20480x128xf32, #tpu.memory_space<hbm>> -> memref<128x128xf32, #tpu.memory_space<hbm>>
      %dma_start3A_85 = arith.constant 0 : i32
      %dma_start3A_86 = tpu.memref_slice %arg2[%add3A_25, %dma_start3A_85] : memref<20480x128xf32, #tpu.memory_space<hbm>> -> memref<128x128xf32, #tpu.memory_space<hbm>>
      tpu.enqueue_dma source(%dma_start3A_86 : memref<128x128xf32, #tpu.memory_space<hbm>>) target(%arg8 : memref<128x128xf32, #tpu.memory_space<vmem>>) target_semaphore(%run_scoped3A : memref<!tpu.dma_semaphore, #tpu.memory_space<semaphore_mem>>)
      %dma_wait3A = arith.constant 0 : i32
      %dma_wait3A_87 = tpu.memref_slice %arg2[%add3A_25, %dma_wait3A] : memref<20480x128xf32, #tpu.memory_space<hbm>> -> memref<128x128xf32, #tpu.memory_space<hbm>>
      %dma_wait3A_88 = arith.constant 0 : i32
      %dma_wait3A_89 = tpu.memref_slice %arg2[%add3A_25, %dma_wait3A_88] : memref<20480x128xf32, #tpu.memory_space<hbm>> -> memref<128x128xf32, #tpu.memory_space<hbm>>
      tpu.wait_dma2 semaphore(%run_scoped3A : memref<!tpu.dma_semaphore, #tpu.memory_space<semaphore_mem>>) src(%dma_wait3A_89 : memref<128x128xf32, #tpu.memory_space<hbm>>) dst(%arg8 : memref<128x128xf32, #tpu.memory_space<vmem>>)
      tpu.yield
    }) : () -> ()
    %add3A_26 = arith.constant 384 : i32
    %add3A_27 = arith.addi %mul3A_0, %add3A_26 : i32
    "tpu.region"() ({
      %run_scoped3A = tpu.sem_alloc : memref<!tpu.dma_semaphore, #tpu.memory_space<semaphore_mem>>
      %dma_start3A = arith.constant 0 : i32
      %dma_start3A_84 = tpu.memref_slice %arg10[%add3A_27, %dma_start3A] : memref<10240x128xf32, #tpu.memory_space<vmem_shared>> -> memref<128x128xf32, #tpu.memory_space<vmem_shared>>
      %dma_start3A_85 = arith.constant 0 : i32
      %dma_start3A_86 = tpu.memref_slice %arg10[%add3A_27, %dma_start3A_85] : memref<10240x128xf32, #tpu.memory_space<vmem_shared>> -> memref<128x128xf32, #tpu.memory_space<vmem_shared>>
      tpu.enqueue_dma source(%arg8 : memref<128x128xf32, #tpu.memory_space<vmem>>) target(%dma_start3A_86 : memref<128x128xf32, #tpu.memory_space<vmem_shared>>) target_semaphore(%run_scoped3A : memref<!tpu.dma_semaphore, #tpu.memory_space<semaphore_mem>>)
      %dma_wait3A = arith.constant 0 : i32
      %dma_wait3A_87 = tpu.memref_slice %arg10[%add3A_27, %dma_wait3A] : memref<10240x128xf32, #tpu.memory_space<vmem_shared>> -> memref<128x128xf32, #tpu.memory_space<vmem_shared>>
      %dma_wait3A_88 = arith.constant 0 : i32
      %dma_wait3A_89 = tpu.memref_slice %arg10[%add3A_27, %dma_wait3A_88] : memref<10240x128xf32, #tpu.memory_space<vmem_shared>> -> memref<128x128xf32, #tpu.memory_space<vmem_shared>>
      tpu.wait_dma2 semaphore(%run_scoped3A : memref<!tpu.dma_semaphore, #tpu.memory_space<semaphore_mem>>) src(%arg8 : memref<128x128xf32, #tpu.memory_space<vmem>>) dst(%dma_wait3A_89 : memref<128x128xf32, #tpu.memory_space<vmem_shared>>)
      tpu.yield
    }) : () -> ()
    %mul3A_28 = arith.constant 10240 : i32
    %mul3A_29 = arith.muli %arg0, %mul3A_28 : i32
    %add3A_30 = arith.addi %mul3A_29, %mul3A_0 : i32
    %add3A_31 = arith.constant 512 : i32
    %add3A_32 = arith.addi %add3A_30, %add3A_31 : i32
    "tpu.region"() ({
      %run_scoped3A = tpu.sem_alloc : memref<!tpu.dma_semaphore, #tpu.memory_space<semaphore_mem>>
      %dma_start3A = arith.constant 0 : i32
      %dma_start3A_84 = tpu.memref_slice %arg2[%add3A_32, %dma_start3A] : memref<20480x128xf32, #tpu.memory_space<hbm>> -> memref<128x128xf32, #tpu.memory_space<hbm>>
      %dma_start3A_85 = arith.constant 0 : i32
      %dma_start3A_86 = tpu.memref_slice %arg2[%add3A_32, %dma_start3A_85] : memref<20480x128xf32, #tpu.memory_space<hbm>> -> memref<128x128xf32, #tpu.memory_space<hbm>>
      tpu.enqueue_dma source(%dma_start3A_86 : memref<128x128xf32, #tpu.memory_space<hbm>>) target(%arg8 : memref<128x128xf32, #tpu.memory_space<vmem>>) target_semaphore(%run_scoped3A : memref<!tpu.dma_semaphore, #tpu.memory_space<semaphore_mem>>)
      %dma_wait3A = arith.constant 0 : i32
      %dma_wait3A_87 = tpu.memref_slice %arg2[%add3A_32, %dma_wait3A] : memref<20480x128xf32, #tpu.memory_space<hbm>> -> memref<128x128xf32, #tpu.memory_space<hbm>>
      %dma_wait3A_88 = arith.constant 0 : i32
      %dma_wait3A_89 = tpu.memref_slice %arg2[%add3A_32, %dma_wait3A_88] : memref<20480x128xf32, #tpu.memory_space<hbm>> -> memref<128x128xf32, #tpu.memory_space<hbm>>
      tpu.wait_dma2 semaphore(%run_scoped3A : memref<!tpu.dma_semaphore, #tpu.memory_space<semaphore_mem>>) src(%dma_wait3A_89 : memref<128x128xf32, #tpu.memory_space<hbm>>) dst(%arg8 : memref<128x128xf32, #tpu.memory_space<vmem>>)
      tpu.yield
    }) : () -> ()
    %add3A_33 = arith.constant 512 : i32
    %add3A_34 = arith.addi %mul3A_0, %add3A_33 : i32
    "tpu.region"() ({
      %run_scoped3A = tpu.sem_alloc : memref<!tpu.dma_semaphore, #tpu.memory_space<semaphore_mem>>
      %dma_start3A = arith.constant 0 : i32
      %dma_start3A_84 = tpu.memref_slice %arg10[%add3A_34, %dma_start3A] : memref<10240x128xf32, #tpu.memory_space<vmem_shared>> -> memref<128x128xf32, #tpu.memory_space<vmem_shared>>
      %dma_start3A_85 = arith.constant 0 : i32
      %dma_start3A_86 = tpu.memref_slice %arg10[%add3A_34, %dma_start3A_85] : memref<10240x128xf32, #tpu.memory_space<vmem_shared>> -> memref<128x128xf32, #tpu.memory_space<vmem_shared>>
      tpu.enqueue_dma source(%arg8 : memref<128x128xf32, #tpu.memory_space<vmem>>) target(%dma_start3A_86 : memref<128x128xf32, #tpu.memory_space<vmem_shared>>) target_semaphore(%run_scoped3A : memref<!tpu.dma_semaphore, #tpu.memory_space<semaphore_mem>>)
      %dma_wait3A = arith.constant 0 : i32
      %dma_wait3A_87 = tpu.memref_slice %arg10[%add3A_34, %dma_wait3A] : memref<10240x128xf32, #tpu.memory_space<vmem_shared>> -> memref<128x128xf32, #tpu.memory_space<vmem_shared>>
      %dma_wait3A_88 = arith.constant 0 : i32
      %dma_wait3A_89 = tpu.memref_slice %arg10[%add3A_34, %dma_wait3A_88] : memref<10240x128xf32, #tpu.memory_space<vmem_shared>> -> memref<128x128xf32, #tpu.memory_space<vmem_shared>>
      tpu.wait_dma2 semaphore(%run_scoped3A : memref<!tpu.dma_semaphore, #tpu.memory_space<semaphore_mem>>) src(%arg8 : memref<128x128xf32, #tpu.memory_space<vmem>>) dst(%dma_wait3A_89 : memref<128x128xf32, #tpu.memory_space<vmem_shared>>)
      tpu.yield
    }) : () -> ()
    %barrier3A = arith.constant 0 : index
    tpu.barrier barrier_id(%barrier3A)
    %mul3A_35 = arith.constant 0 : i32
    %mul3A_36 = arith.muli %arg0, %mul3A_35 : i32
    %add3A_37 = arith.addi %mul3A_36, %arg1 : i32
    %mul3A_38 = arith.constant 160 : i32
    %mul3A_39 = arith.muli %add3A_37, %mul3A_38 : i32
    %mul3A_40 = arith.constant 10240 : i32
    %mul3A_41 = arith.muli %arg0, %mul3A_40 : i32
    %broadcast_in_dim3A = vector.broadcast %mul3A_41 : i32 to vector<16xi32>
    %scan3A = arith.constant 0 : i32
    %scan3A_42 = arith.constant 0 : i32
    %scan3A_43 = arith.constant 10 : i32
    %scan3A_44 = arith.addi %scan3A_42, %scan3A_43 : i32
    %scan3A_45 = arith.constant 1 : i32
    %scan3A_46 = scf.for %scan3A_84 = %scan3A_42 to %scan3A_44 step %scan3A_45 iter_args(%scan3A_85 = %scan3A) -> (i32)  : i32 {
      %mul3A_86 = arith.constant 16 : i32
      %mul3A_87 = arith.muli %scan3A_84, %mul3A_86 : i32
      %add3A_88 = arith.addi %mul3A_39, %mul3A_87 : i32
      "tpu.region"() ({
        %run_scoped3A_334 = tpu.sem_alloc : memref<!tpu.dma_semaphore, #tpu.memory_space<semaphore_mem>>
        %dma_start3A_335 = arith.constant 0 : i32
        %dma_start3A_336 = tpu.memref_slice %arg3[%add3A_88, %dma_start3A_335] : memref<2560x128xi32, #tpu.memory_space<hbm>> -> memref<16x128xi32, #tpu.memory_space<hbm>>
        %dma_start3A_337 = arith.constant 0 : i32
        %dma_start3A_338 = tpu.memref_slice %arg3[%add3A_88, %dma_start3A_337] : memref<2560x128xi32, #tpu.memory_space<hbm>> -> memref<16x128xi32, #tpu.memory_space<hbm>>
        tpu.enqueue_dma source(%dma_start3A_338 : memref<16x128xi32, #tpu.memory_space<hbm>>) target(%arg6 : memref<16x128xi32, #tpu.memory_space<vmem>>) target_semaphore(%run_scoped3A_334 : memref<!tpu.dma_semaphore, #tpu.memory_space<semaphore_mem>>)
        %dma_wait3A_339 = arith.constant 0 : i32
        %dma_wait3A_340 = tpu.memref_slice %arg3[%add3A_88, %dma_wait3A_339] : memref<2560x128xi32, #tpu.memory_space<hbm>> -> memref<16x128xi32, #tpu.memory_space<hbm>>
        %dma_wait3A_341 = arith.constant 0 : i32
        %dma_wait3A_342 = tpu.memref_slice %arg3[%add3A_88, %dma_wait3A_341] : memref<2560x128xi32, #tpu.memory_space<hbm>> -> memref<16x128xi32, #tpu.memory_space<hbm>>
        tpu.wait_dma2 semaphore(%run_scoped3A_334 : memref<!tpu.dma_semaphore, #tpu.memory_space<semaphore_mem>>) src(%dma_wait3A_342 : memref<16x128xi32, #tpu.memory_space<hbm>>) dst(%arg6 : memref<16x128xi32, #tpu.memory_space<vmem>>)
        tpu.yield
      }) : () -> ()
      "tpu.region"() ({
        %run_scoped3A_334 = tpu.sem_alloc : memref<!tpu.dma_semaphore, #tpu.memory_space<semaphore_mem>>
        %dma_start3A_335 = arith.constant 0 : i32
        %dma_start3A_336 = tpu.memref_slice %arg4[%add3A_88, %dma_start3A_335] : memref<2560x128xi32, #tpu.memory_space<hbm>> -> memref<16x128xi32, #tpu.memory_space<hbm>>
        %dma_start3A_337 = arith.constant 0 : i32
        %dma_start3A_338 = tpu.memref_slice %arg4[%add3A_88, %dma_start3A_337] : memref<2560x128xi32, #tpu.memory_space<hbm>> -> memref<16x128xi32, #tpu.memory_space<hbm>>
        tpu.enqueue_dma source(%dma_start3A_338 : memref<16x128xi32, #tpu.memory_space<hbm>>) target(%arg7 : memref<16x128xi32, #tpu.memory_space<vmem>>) target_semaphore(%run_scoped3A_334 : memref<!tpu.dma_semaphore, #tpu.memory_space<semaphore_mem>>)
        %dma_wait3A_339 = arith.constant 0 : i32
        %dma_wait3A_340 = tpu.memref_slice %arg4[%add3A_88, %dma_wait3A_339] : memref<2560x128xi32, #tpu.memory_space<hbm>> -> memref<16x128xi32, #tpu.memory_space<hbm>>
        %dma_wait3A_341 = arith.constant 0 : i32
        %dma_wait3A_342 = tpu.memref_slice %arg4[%add3A_88, %dma_wait3A_341] : memref<2560x128xi32, #tpu.memory_space<hbm>> -> memref<16x128xi32, #tpu.memory_space<hbm>>
        tpu.wait_dma2 semaphore(%run_scoped3A_334 : memref<!tpu.dma_semaphore, #tpu.memory_space<semaphore_mem>>) src(%dma_wait3A_342 : memref<16x128xi32, #tpu.memory_space<hbm>>) dst(%arg7 : memref<16x128xi32, #tpu.memory_space<vmem>>)
        tpu.yield
      }) : () -> ()
      %scan3A_89 = arith.constant 0 : i32
      %scan3A_90 = arith.constant 0 : i32
      %scan3A_91 = arith.constant 16 : i32
      %scan3A_92 = arith.addi %scan3A_90, %scan3A_91 : i32
      %scan3A_93 = arith.constant 1 : i32
      %scan3A_94 = scf.for %scan3A_334 = %scan3A_90 to %scan3A_92 step %scan3A_93 iter_args(%scan3A_335 = %scan3A_89) -> (i32)  : i32 {
        %get3A = arith.index_cast %scan3A_334 : i32 to index
        %get3A_336 = arith.constant 0 : index
        %get3A_337 = tpu.vector_load %arg6[%get3A, %get3A_336] {strides = array<i32>} : memref<16x128xi32, #tpu.memory_space<vmem>>, vector<1x16xi32>,
        %get3A_338 = vector.shape_cast %get3A_337 : vector<1x16xi32> to vector<16xi32>
        %add3A_339 = arith.addi %get3A_338, %broadcast_in_dim3A : vector<16xi32>
        %swap3A = arith.index_cast %scan3A_334 : i32 to index
        %swap3A_340 = arith.constant 0 : index
        %swap3A_341 = tpu.vector_load %arg6[%swap3A, %swap3A_340] {strides = array<i32>} : memref<16x128xi32, #tpu.memory_space<vmem>>, vector<1x16xi32>,
        %swap3A_342 = vector.shape_cast %swap3A_341 : vector<1x16xi32> to vector<16xi32>
        %swap3A_343 = vector.shape_cast %add3A_339 : vector<16xi32> to vector<1x16xi32>
        tpu.vector_store %arg6[%swap3A, %swap3A_340], %swap3A_343 {strides = array<i32>} : memref<16x128xi32, #tpu.memory_space<vmem>>, vector<1x16xi32>,
        %get3A_344 = arith.index_cast %scan3A_334 : i32 to index
        %get3A_345 = arith.constant 16 : index
        %get3A_346 = tpu.vector_load %arg6[%get3A_344, %get3A_345] {strides = array<i32>} : memref<16x128xi32, #tpu.memory_space<vmem>>, vector<1x16xi32>,
        %get3A_347 = vector.shape_cast %get3A_346 : vector<1x16xi32> to vector<16xi32>
        %add3A_348 = arith.addi %get3A_347, %broadcast_in_dim3A : vector<16xi32>
        %swap3A_349 = arith.index_cast %scan3A_334 : i32 to index
        %swap3A_350 = arith.constant 16 : index
        %swap3A_351 = tpu.vector_load %arg6[%swap3A_349, %swap3A_350] {strides = array<i32>} : memref<16x128xi32, #tpu.memory_space<vmem>>, vector<1x16xi32>,
        %swap3A_352 = vector.shape_cast %swap3A_351 : vector<1x16xi32> to vector<16xi32>
        %swap3A_353 = vector.shape_cast %add3A_348 : vector<16xi32> to vector<1x16xi32>
        tpu.vector_store %arg6[%swap3A_349, %swap3A_350], %swap3A_353 {strides = array<i32>} : memref<16x128xi32, #tpu.memory_space<vmem>>, vector<1x16xi32>,
        %get3A_354 = arith.index_cast %scan3A_334 : i32 to index
        %get3A_355 = arith.constant 32 : index
        %get3A_356 = tpu.vector_load %arg6[%get3A_354, %get3A_355] {strides = array<i32>} : memref<16x128xi32, #tpu.memory_space<vmem>>, vector<1x16xi32>,
        %get3A_357 = vector.shape_cast %get3A_356 : vector<1x16xi32> to vector<16xi32>
        %add3A_358 = arith.addi %get3A_357, %broadcast_in_dim3A : vector<16xi32>
        %swap3A_359 = arith.index_cast %scan3A_334 : i32 to index
        %swap3A_360 = arith.constant 32 : index
        %swap3A_361 = tpu.vector_load %arg6[%swap3A_359, %swap3A_360] {strides = array<i32>} : memref<16x128xi32, #tpu.memory_space<vmem>>, vector<1x16xi32>,
        %swap3A_362 = vector.shape_cast %swap3A_361 : vector<1x16xi32> to vector<16xi32>
        %swap3A_363 = vector.shape_cast %add3A_358 : vector<16xi32> to vector<1x16xi32>
        tpu.vector_store %arg6[%swap3A_359, %swap3A_360], %swap3A_363 {strides = array<i32>} : memref<16x128xi32, #tpu.memory_space<vmem>>, vector<1x16xi32>,
        %get3A_364 = arith.index_cast %scan3A_334 : i32 to index
        %get3A_365 = arith.constant 48 : index
        %get3A_366 = tpu.vector_load %arg6[%get3A_364, %get3A_365] {strides = array<i32>} : memref<16x128xi32, #tpu.memory_space<vmem>>, vector<1x16xi32>,
        %get3A_367 = vector.shape_cast %get3A_366 : vector<1x16xi32> to vector<16xi32>
        %add3A_368 = arith.addi %get3A_367, %broadcast_in_dim3A : vector<16xi32>
        %swap3A_369 = arith.index_cast %scan3A_334 : i32 to index
        %swap3A_370 = arith.constant 48 : index
        %swap3A_371 = tpu.vector_load %arg6[%swap3A_369, %swap3A_370] {strides = array<i32>} : memref<16x128xi32, #tpu.memory_space<vmem>>, vector<1x16xi32>,
        %swap3A_372 = vector.shape_cast %swap3A_371 : vector<1x16xi32> to vector<16xi32>
        %swap3A_373 = vector.shape_cast %add3A_368 : vector<16xi32> to vector<1x16xi32>
        tpu.vector_store %arg6[%swap3A_369, %swap3A_370], %swap3A_373 {strides = array<i32>} : memref<16x128xi32, #tpu.memory_space<vmem>>, vector<1x16xi32>,
        %get3A_374 = arith.index_cast %scan3A_334 : i32 to index
        %get3A_375 = arith.constant 64 : index
        %get3A_376 = tpu.vector_load %arg6[%get3A_374, %get3A_375] {strides = array<i32>} : memref<16x128xi32, #tpu.memory_space<vmem>>, vector<1x16xi32>,
        %get3A_377 = vector.shape_cast %get3A_376 : vector<1x16xi32> to vector<16xi32>
        %add3A_378 = arith.addi %get3A_377, %broadcast_in_dim3A : vector<16xi32>
        %swap3A_379 = arith.index_cast %scan3A_334 : i32 to index
        %swap3A_380 = arith.constant 64 : index
        %swap3A_381 = tpu.vector_load %arg6[%swap3A_379, %swap3A_380] {strides = array<i32>} : memref<16x128xi32, #tpu.memory_space<vmem>>, vector<1x16xi32>,
        %swap3A_382 = vector.shape_cast %swap3A_381 : vector<1x16xi32> to vector<16xi32>
        %swap3A_383 = vector.shape_cast %add3A_378 : vector<16xi32> to vector<1x16xi32>
        tpu.vector_store %arg6[%swap3A_379, %swap3A_380], %swap3A_383 {strides = array<i32>} : memref<16x128xi32, #tpu.memory_space<vmem>>, vector<1x16xi32>,
        %get3A_384 = arith.index_cast %scan3A_334 : i32 to index
        %get3A_385 = arith.constant 80 : index
        %get3A_386 = tpu.vector_load %arg6[%get3A_384, %get3A_385] {strides = array<i32>} : memref<16x128xi32, #tpu.memory_space<vmem>>, vector<1x16xi32>,
        %get3A_387 = vector.shape_cast %get3A_386 : vector<1x16xi32> to vector<16xi32>
        %add3A_388 = arith.addi %get3A_387, %broadcast_in_dim3A : vector<16xi32>
        %swap3A_389 = arith.index_cast %scan3A_334 : i32 to index
        %swap3A_390 = arith.constant 80 : index
        %swap3A_391 = tpu.vector_load %arg6[%swap3A_389, %swap3A_390] {strides = array<i32>} : memref<16x128xi32, #tpu.memory_space<vmem>>, vector<1x16xi32>,
        %swap3A_392 = vector.shape_cast %swap3A_391 : vector<1x16xi32> to vector<16xi32>
        %swap3A_393 = vector.shape_cast %add3A_388 : vector<16xi32> to vector<1x16xi32>
        tpu.vector_store %arg6[%swap3A_389, %swap3A_390], %swap3A_393 {strides = array<i32>} : memref<16x128xi32, #tpu.memory_space<vmem>>, vector<1x16xi32>,
        %get3A_394 = arith.index_cast %scan3A_334 : i32 to index
        %get3A_395 = arith.constant 96 : index
        %get3A_396 = tpu.vector_load %arg6[%get3A_394, %get3A_395] {strides = array<i32>} : memref<16x128xi32, #tpu.memory_space<vmem>>, vector<1x16xi32>,
        %get3A_397 = vector.shape_cast %get3A_396 : vector<1x16xi32> to vector<16xi32>
        %add3A_398 = arith.addi %get3A_397, %broadcast_in_dim3A : vector<16xi32>
        %swap3A_399 = arith.index_cast %scan3A_334 : i32 to index
        %swap3A_400 = arith.constant 96 : index
        %swap3A_401 = tpu.vector_load %arg6[%swap3A_399, %swap3A_400] {strides = array<i32>} : memref<16x128xi32, #tpu.memory_space<vmem>>, vector<1x16xi32>,
        %swap3A_402 = vector.shape_cast %swap3A_401 : vector<1x16xi32> to vector<16xi32>
        %swap3A_403 = vector.shape_cast %add3A_398 : vector<16xi32> to vector<1x16xi32>
        tpu.vector_store %arg6[%swap3A_399, %swap3A_400], %swap3A_403 {strides = array<i32>} : memref<16x128xi32, #tpu.memory_space<vmem>>, vector<1x16xi32>,
        %get3A_404 = arith.index_cast %scan3A_334 : i32 to index
        %get3A_405 = arith.constant 112 : index
        %get3A_406 = tpu.vector_load %arg6[%get3A_404, %get3A_405] {strides = array<i32>} : memref<16x128xi32, #tpu.memory_space<vmem>>, vector<1x16xi32>,
        %get3A_407 = vector.shape_cast %get3A_406 : vector<1x16xi32> to vector<16xi32>
        %add3A_408 = arith.addi %get3A_407, %broadcast_in_dim3A : vector<16xi32>
        %swap3A_409 = arith.index_cast %scan3A_334 : i32 to index
        %swap3A_410 = arith.constant 112 : index
        %swap3A_411 = tpu.vector_load %arg6[%swap3A_409, %swap3A_410] {strides = array<i32>} : memref<16x128xi32, #tpu.memory_space<vmem>>, vector<1x16xi32>,
        %swap3A_412 = vector.shape_cast %swap3A_411 : vector<1x16xi32> to vector<16xi32>
        %swap3A_413 = vector.shape_cast %add3A_408 : vector<16xi32> to vector<1x16xi32>
        tpu.vector_store %arg6[%swap3A_409, %swap3A_410], %swap3A_413 {strides = array<i32>} : memref<16x128xi32, #tpu.memory_space<vmem>>, vector<1x16xi32>,
        %scan3A_414 = arith.constant 0 : i32
        scf.yield %scan3A_414 : i32
      }
      %scan3A_95 = arith.constant 16 : i32
      %dma_start3A = arith.constant 0 : i32
      %dma_start3A_96 = arith.constant 0 : i32
      %dma_start3A_97 = tpu.memref_slice %arg6[%dma_start3A, %dma_start3A_96] : memref<16x128xi32, #tpu.memory_space<vmem>> -> memref<1x128xi32, #tpu.memory_space<vmem>>
      %dma_start3A_98 = tpu.memref_squeeze %dma_start3A_97 : memref<1x128xi32, #tpu.memory_space<vmem>> -> memref<128xi32, #tpu.memory_space<vmem>>
      %dma_start3A_99 = arith.constant 0 : i32
      %dma_start3A_100 = arith.constant 0 : i32
      %dma_start3A_101 = tpu.memref_slice %arg2[%dma_start3A_99, %dma_start3A_100] : memref<20480x128xf32, #tpu.memory_space<hbm>> -> memref<20480x128xf32, #tpu.memory_space<hbm>>
      tpu.enqueue_indirect_dma source(%dma_start3A_101 : memref<20480x128xf32, #tpu.memory_space<hbm>>) target(%arg8 : memref<128x128xf32, #tpu.memory_space<vmem>>) offsets(%dma_start3A_98 : memref<128xi32, #tpu.memory_space<vmem>>) semaphore(%arg9 : memref<!tpu.dma_semaphore, #tpu.memory_space<semaphore_mem>>)
      %dma_wait3A = arith.constant 0 : i32
      %dma_wait3A_102 = arith.constant 0 : i32
      %dma_wait3A_103 = tpu.memref_slice %arg6[%dma_wait3A, %dma_wait3A_102] : memref<16x128xi32, #tpu.memory_space<vmem>> -> memref<1x128xi32, #tpu.memory_space<vmem>>
      %dma_wait3A_104 = tpu.memref_squeeze %dma_wait3A_103 : memref<1x128xi32, #tpu.memory_space<vmem>> -> memref<128xi32, #tpu.memory_space<vmem>>
      %dma_wait3A_105 = arith.constant 0 : i32
      %dma_wait3A_106 = arith.constant 0 : i32
      %dma_wait3A_107 = tpu.memref_slice %arg2[%dma_wait3A_105, %dma_wait3A_106] : memref<20480x128xf32, #tpu.memory_space<hbm>> -> memref<20480x128xf32, #tpu.memory_space<hbm>>
      tpu.wait_indirect_dma semaphore(%arg9 : memref<!tpu.dma_semaphore, #tpu.memory_space<semaphore_mem>>) src(%dma_wait3A_107 : memref<20480x128xf32, #tpu.memory_space<hbm>>) dst(%arg8 : memref<128x128xf32, #tpu.memory_space<vmem>>)
      %run_scoped3A = arith.constant 0 : i32
      "tpu.region"() ({
        %run_scoped3A_334 = tpu.sem_alloc : memref<!tpu.dma_semaphore, #tpu.memory_space<semaphore_mem>>
        %dma_start3A_335 = arith.constant 0 : i32
        %dma_start3A_336 = tpu.memref_slice %arg7[%run_scoped3A, %dma_start3A_335] : memref<16x128xi32, #tpu.memory_space<vmem>> -> memref<1x128xi32, #tpu.memory_space<vmem>>
        %dma_start3A_337 = tpu.memref_squeeze %dma_start3A_336 : memref<1x128xi32, #tpu.memory_space<vmem>> -> memref<128xi32, #tpu.memory_space<vmem>>
        %dma_start3A_338 = arith.constant 0 : i32
        %dma_start3A_339 = arith.constant 0 : i32
        %dma_start3A_340 = tpu.memref_slice %arg10[%dma_start3A_338, %dma_start3A_339] : memref<10240x128xf32, #tpu.memory_space<vmem_shared>> -> memref<10240x128xf32, #tpu.memory_space<vmem_shared>>
        tpu.enqueue_indirect_dma source(%arg8 : memref<128x128xf32, #tpu.memory_space<vmem>>) target(%dma_start3A_340 : memref<10240x128xf32, #tpu.memory_space<vmem_shared>>) offsets(%dma_start3A_337 : memref<128xi32, #tpu.memory_space<vmem>>) semaphore(%run_scoped3A_334 : memref<!tpu.dma_semaphore, #tpu.memory_space<semaphore_mem>>) {add = true}
        %dma_wait3A_341 = arith.constant 0 : i32
        %dma_wait3A_342 = tpu.memref_slice %arg7[%run_scoped3A, %dma_wait3A_341] : memref<16x128xi32, #tpu.memory_space<vmem>> -> memref<1x128xi32, #tpu.memory_space<vmem>>
        %dma_wait3A_343 = tpu.memref_squeeze %dma_wait3A_342 : memref<1x128xi32, #tpu.memory_space<vmem>> -> memref<128xi32, #tpu.memory_space<vmem>>
        %dma_wait3A_344 = arith.constant 0 : i32
        %dma_wait3A_345 = arith.constant 0 : i32
        %dma_wait3A_346 = tpu.memref_slice %arg10[%dma_wait3A_344, %dma_wait3A_345] : memref<10240x128xf32, #tpu.memory_space<vmem_shared>> -> memref<10240x128xf32, #tpu.memory_space<vmem_shared>>
        tpu.wait_indirect_dma semaphore(%run_scoped3A_334 : memref<!tpu.dma_semaphore, #tpu.memory_space<semaphore_mem>>) src(%arg8 : memref<128x128xf32, #tpu.memory_space<vmem>>) dst(%dma_wait3A_346 : memref<10240x128xf32, #tpu.memory_space<vmem_shared>>)
        tpu.yield
      }) : () -> ()
      %dma_start3A_108 = arith.constant 1 : i32
      %dma_start3A_109 = arith.constant 0 : i32
      %dma_start3A_110 = tpu.memref_slice %arg6[%dma_start3A_108, %dma_start3A_109] : memref<16x128xi32, #tpu.memory_space<vmem>> -> memref<1x128xi32, #tpu.memory_space<vmem>>
      %dma_start3A_111 = tpu.memref_squeeze %dma_start3A_110 : memref<1x128xi32, #tpu.memory_space<vmem>> -> memref<128xi32, #tpu.memory_space<vmem>>
      %dma_start3A_112 = arith.constant 0 : i32
      %dma_start3A_113 = arith.constant 0 : i32
      %dma_start3A_114 = tpu.memref_slice %arg2[%dma_start3A_112, %dma_start3A_113] : memref<20480x128xf32, #tpu.memory_space<hbm>> -> memref<20480x128xf32, #tpu.memory_space<hbm>>
      tpu.enqueue_indirect_dma source(%dma_start3A_114 : memref<20480x128xf32, #tpu.memory_space<hbm>>) target(%arg8 : memref<128x128xf32, #tpu.memory_space<vmem>>) offsets(%dma_start3A_111 : memref<128xi32, #tpu.memory_space<vmem>>) semaphore(%arg9 : memref<!tpu.dma_semaphore, #tpu.memory_space<semaphore_mem>>)
      %dma_wait3A_115 = arith.constant 1 : i32
      %dma_wait3A_116 = arith.constant 0 : i32
      %dma_wait3A_117 = tpu.memref_slice %arg6[%dma_wait3A_115, %dma_wait3A_116] : memref<16x128xi32, #tpu.memory_space<vmem>> -> memref<1x128xi32, #tpu.memory_space<vmem>>
      %dma_wait3A_118 = tpu.memref_squeeze %dma_wait3A_117 : memref<1x128xi32, #tpu.memory_space<vmem>> -> memref<128xi32, #tpu.memory_space<vmem>>
      %dma_wait3A_119 = arith.constant 0 : i32
      %dma_wait3A_120 = arith.constant 0 : i32
      %dma_wait3A_121 = tpu.memref_slice %arg2[%dma_wait3A_119, %dma_wait3A_120] : memref<20480x128xf32, #tpu.memory_space<hbm>> -> memref<20480x128xf32, #tpu.memory_space<hbm>>
      tpu.wait_indirect_dma semaphore(%arg9 : memref<!tpu.dma_semaphore, #tpu.memory_space<semaphore_mem>>) src(%dma_wait3A_121 : memref<20480x128xf32, #tpu.memory_space<hbm>>) dst(%arg8 : memref<128x128xf32, #tpu.memory_space<vmem>>)
      %run_scoped3A_122 = arith.constant 1 : i32
      "tpu.region"() ({
        %run_scoped3A_334 = tpu.sem_alloc : memref<!tpu.dma_semaphore, #tpu.memory_space<semaphore_mem>>
        %dma_start3A_335 = arith.constant 0 : i32
        %dma_start3A_336 = tpu.memref_slice %arg7[%run_scoped3A_122, %dma_start3A_335] : memref<16x128xi32, #tpu.memory_space<vmem>> -> memref<1x128xi32, #tpu.memory_space<vmem>>
        %dma_start3A_337 = tpu.memref_squeeze %dma_start3A_336 : memref<1x128xi32, #tpu.memory_space<vmem>> -> memref<128xi32, #tpu.memory_space<vmem>>
        %dma_start3A_338 = arith.constant 0 : i32
        %dma_start3A_339 = arith.constant 0 : i32
        %dma_start3A_340 = tpu.memref_slice %arg10[%dma_start3A_338, %dma_start3A_339] : memref<10240x128xf32, #tpu.memory_space<vmem_shared>> -> memref<10240x128xf32, #tpu.memory_space<vmem_shared>>
        tpu.enqueue_indirect_dma source(%arg8 : memref<128x128xf32, #tpu.memory_space<vmem>>) target(%dma_start3A_340 : memref<10240x128xf32, #tpu.memory_space<vmem_shared>>) offsets(%dma_start3A_337 : memref<128xi32, #tpu.memory_space<vmem>>) semaphore(%run_scoped3A_334 : memref<!tpu.dma_semaphore, #tpu.memory_space<semaphore_mem>>) {add = true}
        %dma_wait3A_341 = arith.constant 0 : i32
        %dma_wait3A_342 = tpu.memref_slice %arg7[%run_scoped3A_122, %dma_wait3A_341] : memref<16x128xi32, #tpu.memory_space<vmem>> -> memref<1x128xi32, #tpu.memory_space<vmem>>
        %dma_wait3A_343 = tpu.memref_squeeze %dma_wait3A_342 : memref<1x128xi32, #tpu.memory_space<vmem>> -> memref<128xi32, #tpu.memory_space<vmem>>
        %dma_wait3A_344 = arith.constant 0 : i32
        %dma_wait3A_345 = arith.constant 0 : i32
        %dma_wait3A_346 = tpu.memref_slice %arg10[%dma_wait3A_344, %dma_wait3A_345] : memref<10240x128xf32, #tpu.memory_space<vmem_shared>> -> memref<10240x128xf32, #tpu.memory_space<vmem_shared>>
        tpu.wait_indirect_dma semaphore(%run_scoped3A_334 : memref<!tpu.dma_semaphore, #tpu.memory_space<semaphore_mem>>) src(%arg8 : memref<128x128xf32, #tpu.memory_space<vmem>>) dst(%dma_wait3A_346 : memref<10240x128xf32, #tpu.memory_space<vmem_shared>>)
        tpu.yield
      }) : () -> ()
      %dma_start3A_123 = arith.constant 2 : i32
      %dma_start3A_124 = arith.constant 0 : i32
      %dma_start3A_125 = tpu.memref_slice %arg6[%dma_start3A_123, %dma_start3A_124] : memref<16x128xi32, #tpu.memory_space<vmem>> -> memref<1x128xi32, #tpu.memory_space<vmem>>
      %dma_start3A_126 = tpu.memref_squeeze %dma_start3A_125 : memref<1x128xi32, #tpu.memory_space<vmem>> -> memref<128xi32, #tpu.memory_space<vmem>>
      %dma_start3A_127 = arith.constant 0 : i32
      %dma_start3A_128 = arith.constant 0 : i32
      %dma_start3A_129 = tpu.memref_slice %arg2[%dma_start3A_127, %dma_start3A_128] : memref<20480x128xf32, #tpu.memory_space<hbm>> -> memref<20480x128xf32, #tpu.memory_space<hbm>>
      tpu.enqueue_indirect_dma source(%dma_start3A_129 : memref<20480x128xf32, #tpu.memory_space<hbm>>) target(%arg8 : memref<128x128xf32, #tpu.memory_space<vmem>>) offsets(%dma_start3A_126 : memref<128xi32, #tpu.memory_space<vmem>>) semaphore(%arg9 : memref<!tpu.dma_semaphore, #tpu.memory_space<semaphore_mem>>)
      %dma_wait3A_130 = arith.constant 2 : i32
      %dma_wait3A_131 = arith.constant 0 : i32
      %dma_wait3A_132 = tpu.memref_slice %arg6[%dma_wait3A_130, %dma_wait3A_131] : memref<16x128xi32, #tpu.memory_space<vmem>> -> memref<1x128xi32, #tpu.memory_space<vmem>>
      %dma_wait3A_133 = tpu.memref_squeeze %dma_wait3A_132 : memref<1x128xi32, #tpu.memory_space<vmem>> -> memref<128xi32, #tpu.memory_space<vmem>>
      %dma_wait3A_134 = arith.constant 0 : i32
      %dma_wait3A_135 = arith.constant 0 : i32
      %dma_wait3A_136 = tpu.memref_slice %arg2[%dma_wait3A_134, %dma_wait3A_135] : memref<20480x128xf32, #tpu.memory_space<hbm>> -> memref<20480x128xf32, #tpu.memory_space<hbm>>
      tpu.wait_indirect_dma semaphore(%arg9 : memref<!tpu.dma_semaphore, #tpu.memory_space<semaphore_mem>>) src(%dma_wait3A_136 : memref<20480x128xf32, #tpu.memory_space<hbm>>) dst(%arg8 : memref<128x128xf32, #tpu.memory_space<vmem>>)
      %run_scoped3A_137 = arith.constant 2 : i32
      "tpu.region"() ({
        %run_scoped3A_334 = tpu.sem_alloc : memref<!tpu.dma_semaphore, #tpu.memory_space<semaphore_mem>>
        %dma_start3A_335 = arith.constant 0 : i32
        %dma_start3A_336 = tpu.memref_slice %arg7[%run_scoped3A_137, %dma_start3A_335] : memref<16x128xi32, #tpu.memory_space<vmem>> -> memref<1x128xi32, #tpu.memory_space<vmem>>
        %dma_start3A_337 = tpu.memref_squeeze %dma_start3A_336 : memref<1x128xi32, #tpu.memory_space<vmem>> -> memref<128xi32, #tpu.memory_space<vmem>>
        %dma_start3A_338 = arith.constant 0 : i32
        %dma_start3A_339 = arith.constant 0 : i32
        %dma_start3A_340 = tpu.memref_slice %arg10[%dma_start3A_338, %dma_start3A_339] : memref<10240x128xf32, #tpu.memory_space<vmem_shared>> -> memref<10240x128xf32, #tpu.memory_space<vmem_shared>>
        tpu.enqueue_indirect_dma source(%arg8 : memref<128x128xf32, #tpu.memory_space<vmem>>) target(%dma_start3A_340 : memref<10240x128xf32, #tpu.memory_space<vmem_shared>>) offsets(%dma_start3A_337 : memref<128xi32, #tpu.memory_space<vmem>>) semaphore(%run_scoped3A_334 : memref<!tpu.dma_semaphore, #tpu.memory_space<semaphore_mem>>) {add = true}
        %dma_wait3A_341 = arith.constant 0 : i32
        %dma_wait3A_342 = tpu.memref_slice %arg7[%run_scoped3A_137, %dma_wait3A_341] : memref<16x128xi32, #tpu.memory_space<vmem>> -> memref<1x128xi32, #tpu.memory_space<vmem>>
        %dma_wait3A_343 = tpu.memref_squeeze %dma_wait3A_342 : memref<1x128xi32, #tpu.memory_space<vmem>> -> memref<128xi32, #tpu.memory_space<vmem>>
        %dma_wait3A_344 = arith.constant 0 : i32
        %dma_wait3A_345 = arith.constant 0 : i32
        %dma_wait3A_346 = tpu.memref_slice %arg10[%dma_wait3A_344, %dma_wait3A_345] : memref<10240x128xf32, #tpu.memory_space<vmem_shared>> -> memref<10240x128xf32, #tpu.memory_space<vmem_shared>>
        tpu.wait_indirect_dma semaphore(%run_scoped3A_334 : memref<!tpu.dma_semaphore, #tpu.memory_space<semaphore_mem>>) src(%arg8 : memref<128x128xf32, #tpu.memory_space<vmem>>) dst(%dma_wait3A_346 : memref<10240x128xf32, #tpu.memory_space<vmem_shared>>)
        tpu.yield
      }) : () -> ()
      %dma_start3A_138 = arith.constant 3 : i32
      %dma_start3A_139 = arith.constant 0 : i32
      %dma_start3A_140 = tpu.memref_slice %arg6[%dma_start3A_138, %dma_start3A_139] : memref<16x128xi32, #tpu.memory_space<vmem>> -> memref<1x128xi32, #tpu.memory_space<vmem>>
      %dma_start3A_141 = tpu.memref_squeeze %dma_start3A_140 : memref<1x128xi32, #tpu.memory_space<vmem>> -> memref<128xi32, #tpu.memory_space<vmem>>
      %dma_start3A_142 = arith.constant 0 : i32
      %dma_start3A_143 = arith.constant 0 : i32
      %dma_start3A_144 = tpu.memref_slice %arg2[%dma_start3A_142, %dma_start3A_143] : memref<20480x128xf32, #tpu.memory_space<hbm>> -> memref<20480x128xf32, #tpu.memory_space<hbm>>
      tpu.enqueue_indirect_dma source(%dma_start3A_144 : memref<20480x128xf32, #tpu.memory_space<hbm>>) target(%arg8 : memref<128x128xf32, #tpu.memory_space<vmem>>) offsets(%dma_start3A_141 : memref<128xi32, #tpu.memory_space<vmem>>) semaphore(%arg9 : memref<!tpu.dma_semaphore, #tpu.memory_space<semaphore_mem>>)
      %dma_wait3A_145 = arith.constant 3 : i32
      %dma_wait3A_146 = arith.constant 0 : i32
      %dma_wait3A_147 = tpu.memref_slice %arg6[%dma_wait3A_145, %dma_wait3A_146] : memref<16x128xi32, #tpu.memory_space<vmem>> -> memref<1x128xi32, #tpu.memory_space<vmem>>
      %dma_wait3A_148 = tpu.memref_squeeze %dma_wait3A_147 : memref<1x128xi32, #tpu.memory_space<vmem>> -> memref<128xi32, #tpu.memory_space<vmem>>
      %dma_wait3A_149 = arith.constant 0 : i32
      %dma_wait3A_150 = arith.constant 0 : i32
      %dma_wait3A_151 = tpu.memref_slice %arg2[%dma_wait3A_149, %dma_wait3A_150] : memref<20480x128xf32, #tpu.memory_space<hbm>> -> memref<20480x128xf32, #tpu.memory_space<hbm>>
      tpu.wait_indirect_dma semaphore(%arg9 : memref<!tpu.dma_semaphore, #tpu.memory_space<semaphore_mem>>) src(%dma_wait3A_151 : memref<20480x128xf32, #tpu.memory_space<hbm>>) dst(%arg8 : memref<128x128xf32, #tpu.memory_space<vmem>>)
      %run_scoped3A_152 = arith.constant 3 : i32
      "tpu.region"() ({
        %run_scoped3A_334 = tpu.sem_alloc : memref<!tpu.dma_semaphore, #tpu.memory_space<semaphore_mem>>
        %dma_start3A_335 = arith.constant 0 : i32
        %dma_start3A_336 = tpu.memref_slice %arg7[%run_scoped3A_152, %dma_start3A_335] : memref<16x128xi32, #tpu.memory_space<vmem>> -> memref<1x128xi32, #tpu.memory_space<vmem>>
        %dma_start3A_337 = tpu.memref_squeeze %dma_start3A_336 : memref<1x128xi32, #tpu.memory_space<vmem>> -> memref<128xi32, #tpu.memory_space<vmem>>
        %dma_start3A_338 = arith.constant 0 : i32
        %dma_start3A_339 = arith.constant 0 : i32
        %dma_start3A_340 = tpu.memref_slice %arg10[%dma_start3A_338, %dma_start3A_339] : memref<10240x128xf32, #tpu.memory_space<vmem_shared>> -> memref<10240x128xf32, #tpu.memory_space<vmem_shared>>
        tpu.enqueue_indirect_dma source(%arg8 : memref<128x128xf32, #tpu.memory_space<vmem>>) target(%dma_start3A_340 : memref<10240x128xf32, #tpu.memory_space<vmem_shared>>) offsets(%dma_start3A_337 : memref<128xi32, #tpu.memory_space<vmem>>) semaphore(%run_scoped3A_334 : memref<!tpu.dma_semaphore, #tpu.memory_space<semaphore_mem>>) {add = true}
        %dma_wait3A_341 = arith.constant 0 : i32
        %dma_wait3A_342 = tpu.memref_slice %arg7[%run_scoped3A_152, %dma_wait3A_341] : memref<16x128xi32, #tpu.memory_space<vmem>> -> memref<1x128xi32, #tpu.memory_space<vmem>>
        %dma_wait3A_343 = tpu.memref_squeeze %dma_wait3A_342 : memref<1x128xi32, #tpu.memory_space<vmem>> -> memref<128xi32, #tpu.memory_space<vmem>>
        %dma_wait3A_344 = arith.constant 0 : i32
        %dma_wait3A_345 = arith.constant 0 : i32
        %dma_wait3A_346 = tpu.memref_slice %arg10[%dma_wait3A_344, %dma_wait3A_345] : memref<10240x128xf32, #tpu.memory_space<vmem_shared>> -> memref<10240x128xf32, #tpu.memory_space<vmem_shared>>
        tpu.wait_indirect_dma semaphore(%run_scoped3A_334 : memref<!tpu.dma_semaphore, #tpu.memory_space<semaphore_mem>>) src(%arg8 : memref<128x128xf32, #tpu.memory_space<vmem>>) dst(%dma_wait3A_346 : memref<10240x128xf32, #tpu.memory_space<vmem_shared>>)
        tpu.yield
      }) : () -> ()
      %dma_start3A_153 = arith.constant 4 : i32
      %dma_start3A_154 = arith.constant 0 : i32
      %dma_start3A_155 = tpu.memref_slice %arg6[%dma_start3A_153, %dma_start3A_154] : memref<16x128xi32, #tpu.memory_space<vmem>> -> memref<1x128xi32, #tpu.memory_space<vmem>>
      %dma_start3A_156 = tpu.memref_squeeze %dma_start3A_155 : memref<1x128xi32, #tpu.memory_space<vmem>> -> memref<128xi32, #tpu.memory_space<vmem>>
      %dma_start3A_157 = arith.constant 0 : i32
      %dma_start3A_158 = arith.constant 0 : i32
      %dma_start3A_159 = tpu.memref_slice %arg2[%dma_start3A_157, %dma_start3A_158] : memref<20480x128xf32, #tpu.memory_space<hbm>> -> memref<20480x128xf32, #tpu.memory_space<hbm>>
      tpu.enqueue_indirect_dma source(%dma_start3A_159 : memref<20480x128xf32, #tpu.memory_space<hbm>>) target(%arg8 : memref<128x128xf32, #tpu.memory_space<vmem>>) offsets(%dma_start3A_156 : memref<128xi32, #tpu.memory_space<vmem>>) semaphore(%arg9 : memref<!tpu.dma_semaphore, #tpu.memory_space<semaphore_mem>>)
      %dma_wait3A_160 = arith.constant 4 : i32
      %dma_wait3A_161 = arith.constant 0 : i32
      %dma_wait3A_162 = tpu.memref_slice %arg6[%dma_wait3A_160, %dma_wait3A_161] : memref<16x128xi32, #tpu.memory_space<vmem>> -> memref<1x128xi32, #tpu.memory_space<vmem>>
      %dma_wait3A_163 = tpu.memref_squeeze %dma_wait3A_162 : memref<1x128xi32, #tpu.memory_space<vmem>> -> memref<128xi32, #tpu.memory_space<vmem>>
      %dma_wait3A_164 = arith.constant 0 : i32
      %dma_wait3A_165 = arith.constant 0 : i32
      %dma_wait3A_166 = tpu.memref_slice %arg2[%dma_wait3A_164, %dma_wait3A_165] : memref<20480x128xf32, #tpu.memory_space<hbm>> -> memref<20480x128xf32, #tpu.memory_space<hbm>>
      tpu.wait_indirect_dma semaphore(%arg9 : memref<!tpu.dma_semaphore, #tpu.memory_space<semaphore_mem>>) src(%dma_wait3A_166 : memref<20480x128xf32, #tpu.memory_space<hbm>>) dst(%arg8 : memref<128x128xf32, #tpu.memory_space<vmem>>)
      %run_scoped3A_167 = arith.constant 4 : i32
      "tpu.region"() ({
        %run_scoped3A_334 = tpu.sem_alloc : memref<!tpu.dma_semaphore, #tpu.memory_space<semaphore_mem>>
        %dma_start3A_335 = arith.constant 0 : i32
        %dma_start3A_336 = tpu.memref_slice %arg7[%run_scoped3A_167, %dma_start3A_335] : memref<16x128xi32, #tpu.memory_space<vmem>> -> memref<1x128xi32, #tpu.memory_space<vmem>>
        %dma_start3A_337 = tpu.memref_squeeze %dma_start3A_336 : memref<1x128xi32, #tpu.memory_space<vmem>> -> memref<128xi32, #tpu.memory_space<vmem>>
        %dma_start3A_338 = arith.constant 0 : i32
        %dma_start3A_339 = arith.constant 0 : i32
        %dma_start3A_340 = tpu.memref_slice %arg10[%dma_start3A_338, %dma_start3A_339] : memref<10240x128xf32, #tpu.memory_space<vmem_shared>> -> memref<10240x128xf32, #tpu.memory_space<vmem_shared>>
        tpu.enqueue_indirect_dma source(%arg8 : memref<128x128xf32, #tpu.memory_space<vmem>>) target(%dma_start3A_340 : memref<10240x128xf32, #tpu.memory_space<vmem_shared>>) offsets(%dma_start3A_337 : memref<128xi32, #tpu.memory_space<vmem>>) semaphore(%run_scoped3A_334 : memref<!tpu.dma_semaphore, #tpu.memory_space<semaphore_mem>>) {add = true}
        %dma_wait3A_341 = arith.constant 0 : i32
        %dma_wait3A_342 = tpu.memref_slice %arg7[%run_scoped3A_167, %dma_wait3A_341] : memref<16x128xi32, #tpu.memory_space<vmem>> -> memref<1x128xi32, #tpu.memory_space<vmem>>
        %dma_wait3A_343 = tpu.memref_squeeze %dma_wait3A_342 : memref<1x128xi32, #tpu.memory_space<vmem>> -> memref<128xi32, #tpu.memory_space<vmem>>
        %dma_wait3A_344 = arith.constant 0 : i32
        %dma_wait3A_345 = arith.constant 0 : i32
        %dma_wait3A_346 = tpu.memref_slice %arg10[%dma_wait3A_344, %dma_wait3A_345] : memref<10240x128xf32, #tpu.memory_space<vmem_shared>> -> memref<10240x128xf32, #tpu.memory_space<vmem_shared>>
        tpu.wait_indirect_dma semaphore(%run_scoped3A_334 : memref<!tpu.dma_semaphore, #tpu.memory_space<semaphore_mem>>) src(%arg8 : memref<128x128xf32, #tpu.memory_space<vmem>>) dst(%dma_wait3A_346 : memref<10240x128xf32, #tpu.memory_space<vmem_shared>>)
        tpu.yield
      }) : () -> ()
      %dma_start3A_168 = arith.constant 5 : i32
      %dma_start3A_169 = arith.constant 0 : i32
      %dma_start3A_170 = tpu.memref_slice %arg6[%dma_start3A_168, %dma_start3A_169] : memref<16x128xi32, #tpu.memory_space<vmem>> -> memref<1x128xi32, #tpu.memory_space<vmem>>
      %dma_start3A_171 = tpu.memref_squeeze %dma_start3A_170 : memref<1x128xi32, #tpu.memory_space<vmem>> -> memref<128xi32, #tpu.memory_space<vmem>>
      %dma_start3A_172 = arith.constant 0 : i32
      %dma_start3A_173 = arith.constant 0 : i32
      %dma_start3A_174 = tpu.memref_slice %arg2[%dma_start3A_172, %dma_start3A_173] : memref<20480x128xf32, #tpu.memory_space<hbm>> -> memref<20480x128xf32, #tpu.memory_space<hbm>>
      tpu.enqueue_indirect_dma source(%dma_start3A_174 : memref<20480x128xf32, #tpu.memory_space<hbm>>) target(%arg8 : memref<128x128xf32, #tpu.memory_space<vmem>>) offsets(%dma_start3A_171 : memref<128xi32, #tpu.memory_space<vmem>>) semaphore(%arg9 : memref<!tpu.dma_semaphore, #tpu.memory_space<semaphore_mem>>)
      %dma_wait3A_175 = arith.constant 5 : i32
      %dma_wait3A_176 = arith.constant 0 : i32
      %dma_wait3A_177 = tpu.memref_slice %arg6[%dma_wait3A_175, %dma_wait3A_176] : memref<16x128xi32, #tpu.memory_space<vmem>> -> memref<1x128xi32, #tpu.memory_space<vmem>>
      %dma_wait3A_178 = tpu.memref_squeeze %dma_wait3A_177 : memref<1x128xi32, #tpu.memory_space<vmem>> -> memref<128xi32, #tpu.memory_space<vmem>>
      %dma_wait3A_179 = arith.constant 0 : i32
      %dma_wait3A_180 = arith.constant 0 : i32
      %dma_wait3A_181 = tpu.memref_slice %arg2[%dma_wait3A_179, %dma_wait3A_180] : memref<20480x128xf32, #tpu.memory_space<hbm>> -> memref<20480x128xf32, #tpu.memory_space<hbm>>
      tpu.wait_indirect_dma semaphore(%arg9 : memref<!tpu.dma_semaphore, #tpu.memory_space<semaphore_mem>>) src(%dma_wait3A_181 : memref<20480x128xf32, #tpu.memory_space<hbm>>) dst(%arg8 : memref<128x128xf32, #tpu.memory_space<vmem>>)
      %run_scoped3A_182 = arith.constant 5 : i32
      "tpu.region"() ({
        %run_scoped3A_334 = tpu.sem_alloc : memref<!tpu.dma_semaphore, #tpu.memory_space<semaphore_mem>>
        %dma_start3A_335 = arith.constant 0 : i32
        %dma_start3A_336 = tpu.memref_slice %arg7[%run_scoped3A_182, %dma_start3A_335] : memref<16x128xi32, #tpu.memory_space<vmem>> -> memref<1x128xi32, #tpu.memory_space<vmem>>
        %dma_start3A_337 = tpu.memref_squeeze %dma_start3A_336 : memref<1x128xi32, #tpu.memory_space<vmem>> -> memref<128xi32, #tpu.memory_space<vmem>>
        %dma_start3A_338 = arith.constant 0 : i32
        %dma_start3A_339 = arith.constant 0 : i32
        %dma_start3A_340 = tpu.memref_slice %arg10[%dma_start3A_338, %dma_start3A_339] : memref<10240x128xf32, #tpu.memory_space<vmem_shared>> -> memref<10240x128xf32, #tpu.memory_space<vmem_shared>>
        tpu.enqueue_indirect_dma source(%arg8 : memref<128x128xf32, #tpu.memory_space<vmem>>) target(%dma_start3A_340 : memref<10240x128xf32, #tpu.memory_space<vmem_shared>>) offsets(%dma_start3A_337 : memref<128xi32, #tpu.memory_space<vmem>>) semaphore(%run_scoped3A_334 : memref<!tpu.dma_semaphore, #tpu.memory_space<semaphore_mem>>) {add = true}
        %dma_wait3A_341 = arith.constant 0 : i32
        %dma_wait3A_342 = tpu.memref_slice %arg7[%run_scoped3A_182, %dma_wait3A_341] : memref<16x128xi32, #tpu.memory_space<vmem>> -> memref<1x128xi32, #tpu.memory_space<vmem>>
        %dma_wait3A_343 = tpu.memref_squeeze %dma_wait3A_342 : memref<1x128xi32, #tpu.memory_space<vmem>> -> memref<128xi32, #tpu.memory_space<vmem>>
        %dma_wait3A_344 = arith.constant 0 : i32
        %dma_wait3A_345 = arith.constant 0 : i32
        %dma_wait3A_346 = tpu.memref_slice %arg10[%dma_wait3A_344, %dma_wait3A_345] : memref<10240x128xf32, #tpu.memory_space<vmem_shared>> -> memref<10240x128xf32, #tpu.memory_space<vmem_shared>>
        tpu.wait_indirect_dma semaphore(%run_scoped3A_334 : memref<!tpu.dma_semaphore, #tpu.memory_space<semaphore_mem>>) src(%arg8 : memref<128x128xf32, #tpu.memory_space<vmem>>) dst(%dma_wait3A_346 : memref<10240x128xf32, #tpu.memory_space<vmem_shared>>)
        tpu.yield
      }) : () -> ()
      %dma_start3A_183 = arith.constant 6 : i32
      %dma_start3A_184 = arith.constant 0 : i32
      %dma_start3A_185 = tpu.memref_slice %arg6[%dma_start3A_183, %dma_start3A_184] : memref<16x128xi32, #tpu.memory_space<vmem>> -> memref<1x128xi32, #tpu.memory_space<vmem>>
      %dma_start3A_186 = tpu.memref_squeeze %dma_start3A_185 : memref<1x128xi32, #tpu.memory_space<vmem>> -> memref<128xi32, #tpu.memory_space<vmem>>
      %dma_start3A_187 = arith.constant 0 : i32
      %dma_start3A_188 = arith.constant 0 : i32
      %dma_start3A_189 = tpu.memref_slice %arg2[%dma_start3A_187, %dma_start3A_188] : memref<20480x128xf32, #tpu.memory_space<hbm>> -> memref<20480x128xf32, #tpu.memory_space<hbm>>
      tpu.enqueue_indirect_dma source(%dma_start3A_189 : memref<20480x128xf32, #tpu.memory_space<hbm>>) target(%arg8 : memref<128x128xf32, #tpu.memory_space<vmem>>) offsets(%dma_start3A_186 : memref<128xi32, #tpu.memory_space<vmem>>) semaphore(%arg9 : memref<!tpu.dma_semaphore, #tpu.memory_space<semaphore_mem>>)
      %dma_wait3A_190 = arith.constant 6 : i32
      %dma_wait3A_191 = arith.constant 0 : i32
      %dma_wait3A_192 = tpu.memref_slice %arg6[%dma_wait3A_190, %dma_wait3A_191] : memref<16x128xi32, #tpu.memory_space<vmem>> -> memref<1x128xi32, #tpu.memory_space<vmem>>
      %dma_wait3A_193 = tpu.memref_squeeze %dma_wait3A_192 : memref<1x128xi32, #tpu.memory_space<vmem>> -> memref<128xi32, #tpu.memory_space<vmem>>
      %dma_wait3A_194 = arith.constant 0 : i32
      %dma_wait3A_195 = arith.constant 0 : i32
      %dma_wait3A_196 = tpu.memref_slice %arg2[%dma_wait3A_194, %dma_wait3A_195] : memref<20480x128xf32, #tpu.memory_space<hbm>> -> memref<20480x128xf32, #tpu.memory_space<hbm>>
      tpu.wait_indirect_dma semaphore(%arg9 : memref<!tpu.dma_semaphore, #tpu.memory_space<semaphore_mem>>) src(%dma_wait3A_196 : memref<20480x128xf32, #tpu.memory_space<hbm>>) dst(%arg8 : memref<128x128xf32, #tpu.memory_space<vmem>>)
      %run_scoped3A_197 = arith.constant 6 : i32
      "tpu.region"() ({
        %run_scoped3A_334 = tpu.sem_alloc : memref<!tpu.dma_semaphore, #tpu.memory_space<semaphore_mem>>
        %dma_start3A_335 = arith.constant 0 : i32
        %dma_start3A_336 = tpu.memref_slice %arg7[%run_scoped3A_197, %dma_start3A_335] : memref<16x128xi32, #tpu.memory_space<vmem>> -> memref<1x128xi32, #tpu.memory_space<vmem>>
        %dma_start3A_337 = tpu.memref_squeeze %dma_start3A_336 : memref<1x128xi32, #tpu.memory_space<vmem>> -> memref<128xi32, #tpu.memory_space<vmem>>
        %dma_start3A_338 = arith.constant 0 : i32
        %dma_start3A_339 = arith.constant 0 : i32
        %dma_start3A_340 = tpu.memref_slice %arg10[%dma_start3A_338, %dma_start3A_339] : memref<10240x128xf32, #tpu.memory_space<vmem_shared>> -> memref<10240x128xf32, #tpu.memory_space<vmem_shared>>
        tpu.enqueue_indirect_dma source(%arg8 : memref<128x128xf32, #tpu.memory_space<vmem>>) target(%dma_start3A_340 : memref<10240x128xf32, #tpu.memory_space<vmem_shared>>) offsets(%dma_start3A_337 : memref<128xi32, #tpu.memory_space<vmem>>) semaphore(%run_scoped3A_334 : memref<!tpu.dma_semaphore, #tpu.memory_space<semaphore_mem>>) {add = true}
        %dma_wait3A_341 = arith.constant 0 : i32
        %dma_wait3A_342 = tpu.memref_slice %arg7[%run_scoped3A_197, %dma_wait3A_341] : memref<16x128xi32, #tpu.memory_space<vmem>> -> memref<1x128xi32, #tpu.memory_space<vmem>>
        %dma_wait3A_343 = tpu.memref_squeeze %dma_wait3A_342 : memref<1x128xi32, #tpu.memory_space<vmem>> -> memref<128xi32, #tpu.memory_space<vmem>>
        %dma_wait3A_344 = arith.constant 0 : i32
        %dma_wait3A_345 = arith.constant 0 : i32
        %dma_wait3A_346 = tpu.memref_slice %arg10[%dma_wait3A_344, %dma_wait3A_345] : memref<10240x128xf32, #tpu.memory_space<vmem_shared>> -> memref<10240x128xf32, #tpu.memory_space<vmem_shared>>
        tpu.wait_indirect_dma semaphore(%run_scoped3A_334 : memref<!tpu.dma_semaphore, #tpu.memory_space<semaphore_mem>>) src(%arg8 : memref<128x128xf32, #tpu.memory_space<vmem>>) dst(%dma_wait3A_346 : memref<10240x128xf32, #tpu.memory_space<vmem_shared>>)
        tpu.yield
      }) : () -> ()
      %dma_start3A_198 = arith.constant 7 : i32
      %dma_start3A_199 = arith.constant 0 : i32
      %dma_start3A_200 = tpu.memref_slice %arg6[%dma_start3A_198, %dma_start3A_199] : memref<16x128xi32, #tpu.memory_space<vmem>> -> memref<1x128xi32, #tpu.memory_space<vmem>>
      %dma_start3A_201 = tpu.memref_squeeze %dma_start3A_200 : memref<1x128xi32, #tpu.memory_space<vmem>> -> memref<128xi32, #tpu.memory_space<vmem>>
      %dma_start3A_202 = arith.constant 0 : i32
      %dma_start3A_203 = arith.constant 0 : i32
      %dma_start3A_204 = tpu.memref_slice %arg2[%dma_start3A_202, %dma_start3A_203] : memref<20480x128xf32, #tpu.memory_space<hbm>> -> memref<20480x128xf32, #tpu.memory_space<hbm>>
      tpu.enqueue_indirect_dma source(%dma_start3A_204 : memref<20480x128xf32, #tpu.memory_space<hbm>>) target(%arg8 : memref<128x128xf32, #tpu.memory_space<vmem>>) offsets(%dma_start3A_201 : memref<128xi32, #tpu.memory_space<vmem>>) semaphore(%arg9 : memref<!tpu.dma_semaphore, #tpu.memory_space<semaphore_mem>>)
      %dma_wait3A_205 = arith.constant 7 : i32
      %dma_wait3A_206 = arith.constant 0 : i32
      %dma_wait3A_207 = tpu.memref_slice %arg6[%dma_wait3A_205, %dma_wait3A_206] : memref<16x128xi32, #tpu.memory_space<vmem>> -> memref<1x128xi32, #tpu.memory_space<vmem>>
      %dma_wait3A_208 = tpu.memref_squeeze %dma_wait3A_207 : memref<1x128xi32, #tpu.memory_space<vmem>> -> memref<128xi32, #tpu.memory_space<vmem>>
      %dma_wait3A_209 = arith.constant 0 : i32
      %dma_wait3A_210 = arith.constant 0 : i32
      %dma_wait3A_211 = tpu.memref_slice %arg2[%dma_wait3A_209, %dma_wait3A_210] : memref<20480x128xf32, #tpu.memory_space<hbm>> -> memref<20480x128xf32, #tpu.memory_space<hbm>>
      tpu.wait_indirect_dma semaphore(%arg9 : memref<!tpu.dma_semaphore, #tpu.memory_space<semaphore_mem>>) src(%dma_wait3A_211 : memref<20480x128xf32, #tpu.memory_space<hbm>>) dst(%arg8 : memref<128x128xf32, #tpu.memory_space<vmem>>)
      %run_scoped3A_212 = arith.constant 7 : i32
      "tpu.region"() ({
        %run_scoped3A_334 = tpu.sem_alloc : memref<!tpu.dma_semaphore, #tpu.memory_space<semaphore_mem>>
        %dma_start3A_335 = arith.constant 0 : i32
        %dma_start3A_336 = tpu.memref_slice %arg7[%run_scoped3A_212, %dma_start3A_335] : memref<16x128xi32, #tpu.memory_space<vmem>> -> memref<1x128xi32, #tpu.memory_space<vmem>>
        %dma_start3A_337 = tpu.memref_squeeze %dma_start3A_336 : memref<1x128xi32, #tpu.memory_space<vmem>> -> memref<128xi32, #tpu.memory_space<vmem>>
        %dma_start3A_338 = arith.constant 0 : i32
        %dma_start3A_339 = arith.constant 0 : i32
        %dma_start3A_340 = tpu.memref_slice %arg10[%dma_start3A_338, %dma_start3A_339] : memref<10240x128xf32, #tpu.memory_space<vmem_shared>> -> memref<10240x128xf32, #tpu.memory_space<vmem_shared>>
        tpu.enqueue_indirect_dma source(%arg8 : memref<128x128xf32, #tpu.memory_space<vmem>>) target(%dma_start3A_340 : memref<10240x128xf32, #tpu.memory_space<vmem_shared>>) offsets(%dma_start3A_337 : memref<128xi32, #tpu.memory_space<vmem>>) semaphore(%run_scoped3A_334 : memref<!tpu.dma_semaphore, #tpu.memory_space<semaphore_mem>>) {add = true}
        %dma_wait3A_341 = arith.constant 0 : i32
        %dma_wait3A_342 = tpu.memref_slice %arg7[%run_scoped3A_212, %dma_wait3A_341] : memref<16x128xi32, #tpu.memory_space<vmem>> -> memref<1x128xi32, #tpu.memory_space<vmem>>
        %dma_wait3A_343 = tpu.memref_squeeze %dma_wait3A_342 : memref<1x128xi32, #tpu.memory_space<vmem>> -> memref<128xi32, #tpu.memory_space<vmem>>
        %dma_wait3A_344 = arith.constant 0 : i32
        %dma_wait3A_345 = arith.constant 0 : i32
        %dma_wait3A_346 = tpu.memref_slice %arg10[%dma_wait3A_344, %dma_wait3A_345] : memref<10240x128xf32, #tpu.memory_space<vmem_shared>> -> memref<10240x128xf32, #tpu.memory_space<vmem_shared>>
        tpu.wait_indirect_dma semaphore(%run_scoped3A_334 : memref<!tpu.dma_semaphore, #tpu.memory_space<semaphore_mem>>) src(%arg8 : memref<128x128xf32, #tpu.memory_space<vmem>>) dst(%dma_wait3A_346 : memref<10240x128xf32, #tpu.memory_space<vmem_shared>>)
        tpu.yield
      }) : () -> ()
      %dma_start3A_213 = arith.constant 8 : i32
      %dma_start3A_214 = arith.constant 0 : i32
      %dma_start3A_215 = tpu.memref_slice %arg6[%dma_start3A_213, %dma_start3A_214] : memref<16x128xi32, #tpu.memory_space<vmem>> -> memref<1x128xi32, #tpu.memory_space<vmem>>
      %dma_start3A_216 = tpu.memref_squeeze %dma_start3A_215 : memref<1x128xi32, #tpu.memory_space<vmem>> -> memref<128xi32, #tpu.memory_space<vmem>>
      %dma_start3A_217 = arith.constant 0 : i32
      %dma_start3A_218 = arith.constant 0 : i32
      %dma_start3A_219 = tpu.memref_slice %arg2[%dma_start3A_217, %dma_start3A_218] : memref<20480x128xf32, #tpu.memory_space<hbm>> -> memref<20480x128xf32, #tpu.memory_space<hbm>>
      tpu.enqueue_indirect_dma source(%dma_start3A_219 : memref<20480x128xf32, #tpu.memory_space<hbm>>) target(%arg8 : memref<128x128xf32, #tpu.memory_space<vmem>>) offsets(%dma_start3A_216 : memref<128xi32, #tpu.memory_space<vmem>>) semaphore(%arg9 : memref<!tpu.dma_semaphore, #tpu.memory_space<semaphore_mem>>)
      %dma_wait3A_220 = arith.constant 8 : i32
      %dma_wait3A_221 = arith.constant 0 : i32
      %dma_wait3A_222 = tpu.memref_slice %arg6[%dma_wait3A_220, %dma_wait3A_221] : memref<16x128xi32, #tpu.memory_space<vmem>> -> memref<1x128xi32, #tpu.memory_space<vmem>>
      %dma_wait3A_223 = tpu.memref_squeeze %dma_wait3A_222 : memref<1x128xi32, #tpu.memory_space<vmem>> -> memref<128xi32, #tpu.memory_space<vmem>>
      %dma_wait3A_224 = arith.constant 0 : i32
      %dma_wait3A_225 = arith.constant 0 : i32
      %dma_wait3A_226 = tpu.memref_slice %arg2[%dma_wait3A_224, %dma_wait3A_225] : memref<20480x128xf32, #tpu.memory_space<hbm>> -> memref<20480x128xf32, #tpu.memory_space<hbm>>
      tpu.wait_indirect_dma semaphore(%arg9 : memref<!tpu.dma_semaphore, #tpu.memory_space<semaphore_mem>>) src(%dma_wait3A_226 : memref<20480x128xf32, #tpu.memory_space<hbm>>) dst(%arg8 : memref<128x128xf32, #tpu.memory_space<vmem>>)
      %run_scoped3A_227 = arith.constant 8 : i32
      "tpu.region"() ({
        %run_scoped3A_334 = tpu.sem_alloc : memref<!tpu.dma_semaphore, #tpu.memory_space<semaphore_mem>>
        %dma_start3A_335 = arith.constant 0 : i32
        %dma_start3A_336 = tpu.memref_slice %arg7[%run_scoped3A_227, %dma_start3A_335] : memref<16x128xi32, #tpu.memory_space<vmem>> -> memref<1x128xi32, #tpu.memory_space<vmem>>
        %dma_start3A_337 = tpu.memref_squeeze %dma_start3A_336 : memref<1x128xi32, #tpu.memory_space<vmem>> -> memref<128xi32, #tpu.memory_space<vmem>>
        %dma_start3A_338 = arith.constant 0 : i32
        %dma_start3A_339 = arith.constant 0 : i32
        %dma_start3A_340 = tpu.memref_slice %arg10[%dma_start3A_338, %dma_start3A_339] : memref<10240x128xf32, #tpu.memory_space<vmem_shared>> -> memref<10240x128xf32, #tpu.memory_space<vmem_shared>>
        tpu.enqueue_indirect_dma source(%arg8 : memref<128x128xf32, #tpu.memory_space<vmem>>) target(%dma_start3A_340 : memref<10240x128xf32, #tpu.memory_space<vmem_shared>>) offsets(%dma_start3A_337 : memref<128xi32, #tpu.memory_space<vmem>>) semaphore(%run_scoped3A_334 : memref<!tpu.dma_semaphore, #tpu.memory_space<semaphore_mem>>) {add = true}
        %dma_wait3A_341 = arith.constant 0 : i32
        %dma_wait3A_342 = tpu.memref_slice %arg7[%run_scoped3A_227, %dma_wait3A_341] : memref<16x128xi32, #tpu.memory_space<vmem>> -> memref<1x128xi32, #tpu.memory_space<vmem>>
        %dma_wait3A_343 = tpu.memref_squeeze %dma_wait3A_342 : memref<1x128xi32, #tpu.memory_space<vmem>> -> memref<128xi32, #tpu.memory_space<vmem>>
        %dma_wait3A_344 = arith.constant 0 : i32
        %dma_wait3A_345 = arith.constant 0 : i32
        %dma_wait3A_346 = tpu.memref_slice %arg10[%dma_wait3A_344, %dma_wait3A_345] : memref<10240x128xf32, #tpu.memory_space<vmem_shared>> -> memref<10240x128xf32, #tpu.memory_space<vmem_shared>>
        tpu.wait_indirect_dma semaphore(%run_scoped3A_334 : memref<!tpu.dma_semaphore, #tpu.memory_space<semaphore_mem>>) src(%arg8 : memref<128x128xf32, #tpu.memory_space<vmem>>) dst(%dma_wait3A_346 : memref<10240x128xf32, #tpu.memory_space<vmem_shared>>)
        tpu.yield
      }) : () -> ()
      %dma_start3A_228 = arith.constant 9 : i32
      %dma_start3A_229 = arith.constant 0 : i32
      %dma_start3A_230 = tpu.memref_slice %arg6[%dma_start3A_228, %dma_start3A_229] : memref<16x128xi32, #tpu.memory_space<vmem>> -> memref<1x128xi32, #tpu.memory_space<vmem>>
      %dma_start3A_231 = tpu.memref_squeeze %dma_start3A_230 : memref<1x128xi32, #tpu.memory_space<vmem>> -> memref<128xi32, #tpu.memory_space<vmem>>
      %dma_start3A_232 = arith.constant 0 : i32
      %dma_start3A_233 = arith.constant 0 : i32
      %dma_start3A_234 = tpu.memref_slice %arg2[%dma_start3A_232, %dma_start3A_233] : memref<20480x128xf32, #tpu.memory_space<hbm>> -> memref<20480x128xf32, #tpu.memory_space<hbm>>
      tpu.enqueue_indirect_dma source(%dma_start3A_234 : memref<20480x128xf32, #tpu.memory_space<hbm>>) target(%arg8 : memref<128x128xf32, #tpu.memory_space<vmem>>) offsets(%dma_start3A_231 : memref<128xi32, #tpu.memory_space<vmem>>) semaphore(%arg9 : memref<!tpu.dma_semaphore, #tpu.memory_space<semaphore_mem>>)
      %dma_wait3A_235 = arith.constant 9 : i32
      %dma_wait3A_236 = arith.constant 0 : i32
      %dma_wait3A_237 = tpu.memref_slice %arg6[%dma_wait3A_235, %dma_wait3A_236] : memref<16x128xi32, #tpu.memory_space<vmem>> -> memref<1x128xi32, #tpu.memory_space<vmem>>
      %dma_wait3A_238 = tpu.memref_squeeze %dma_wait3A_237 : memref<1x128xi32, #tpu.memory_space<vmem>> -> memref<128xi32, #tpu.memory_space<vmem>>
      %dma_wait3A_239 = arith.constant 0 : i32
      %dma_wait3A_240 = arith.constant 0 : i32
      %dma_wait3A_241 = tpu.memref_slice %arg2[%dma_wait3A_239, %dma_wait3A_240] : memref<20480x128xf32, #tpu.memory_space<hbm>> -> memref<20480x128xf32, #tpu.memory_space<hbm>>
      tpu.wait_indirect_dma semaphore(%arg9 : memref<!tpu.dma_semaphore, #tpu.memory_space<semaphore_mem>>) src(%dma_wait3A_241 : memref<20480x128xf32, #tpu.memory_space<hbm>>) dst(%arg8 : memref<128x128xf32, #tpu.memory_space<vmem>>)
      %run_scoped3A_242 = arith.constant 9 : i32
      "tpu.region"() ({
        %run_scoped3A_334 = tpu.sem_alloc : memref<!tpu.dma_semaphore, #tpu.memory_space<semaphore_mem>>
        %dma_start3A_335 = arith.constant 0 : i32
        %dma_start3A_336 = tpu.memref_slice %arg7[%run_scoped3A_242, %dma_start3A_335] : memref<16x128xi32, #tpu.memory_space<vmem>> -> memref<1x128xi32, #tpu.memory_space<vmem>>
        %dma_start3A_337 = tpu.memref_squeeze %dma_start3A_336 : memref<1x128xi32, #tpu.memory_space<vmem>> -> memref<128xi32, #tpu.memory_space<vmem>>
        %dma_start3A_338 = arith.constant 0 : i32
        %dma_start3A_339 = arith.constant 0 : i32
        %dma_start3A_340 = tpu.memref_slice %arg10[%dma_start3A_338, %dma_start3A_339] : memref<10240x128xf32, #tpu.memory_space<vmem_shared>> -> memref<10240x128xf32, #tpu.memory_space<vmem_shared>>
        tpu.enqueue_indirect_dma source(%arg8 : memref<128x128xf32, #tpu.memory_space<vmem>>) target(%dma_start3A_340 : memref<10240x128xf32, #tpu.memory_space<vmem_shared>>) offsets(%dma_start3A_337 : memref<128xi32, #tpu.memory_space<vmem>>) semaphore(%run_scoped3A_334 : memref<!tpu.dma_semaphore, #tpu.memory_space<semaphore_mem>>) {add = true}
        %dma_wait3A_341 = arith.constant 0 : i32
        %dma_wait3A_342 = tpu.memref_slice %arg7[%run_scoped3A_242, %dma_wait3A_341] : memref<16x128xi32, #tpu.memory_space<vmem>> -> memref<1x128xi32, #tpu.memory_space<vmem>>
        %dma_wait3A_343 = tpu.memref_squeeze %dma_wait3A_342 : memref<1x128xi32, #tpu.memory_space<vmem>> -> memref<128xi32, #tpu.memory_space<vmem>>
        %dma_wait3A_344 = arith.constant 0 : i32
        %dma_wait3A_345 = arith.constant 0 : i32
        %dma_wait3A_346 = tpu.memref_slice %arg10[%dma_wait3A_344, %dma_wait3A_345] : memref<10240x128xf32, #tpu.memory_space<vmem_shared>> -> memref<10240x128xf32, #tpu.memory_space<vmem_shared>>
        tpu.wait_indirect_dma semaphore(%run_scoped3A_334 : memref<!tpu.dma_semaphore, #tpu.memory_space<semaphore_mem>>) src(%arg8 : memref<128x128xf32, #tpu.memory_space<vmem>>) dst(%dma_wait3A_346 : memref<10240x128xf32, #tpu.memory_space<vmem_shared>>)
        tpu.yield
      }) : () -> ()
      %dma_start3A_243 = arith.constant 10 : i32
      %dma_start3A_244 = arith.constant 0 : i32
      %dma_start3A_245 = tpu.memref_slice %arg6[%dma_start3A_243, %dma_start3A_244] : memref<16x128xi32, #tpu.memory_space<vmem>> -> memref<1x128xi32, #tpu.memory_space<vmem>>
      %dma_start3A_246 = tpu.memref_squeeze %dma_start3A_245 : memref<1x128xi32, #tpu.memory_space<vmem>> -> memref<128xi32, #tpu.memory_space<vmem>>
      %dma_start3A_247 = arith.constant 0 : i32
      %dma_start3A_248 = arith.constant 0 : i32
      %dma_start3A_249 = tpu.memref_slice %arg2[%dma_start3A_247, %dma_start3A_248] : memref<20480x128xf32, #tpu.memory_space<hbm>> -> memref<20480x128xf32, #tpu.memory_space<hbm>>
      tpu.enqueue_indirect_dma source(%dma_start3A_249 : memref<20480x128xf32, #tpu.memory_space<hbm>>) target(%arg8 : memref<128x128xf32, #tpu.memory_space<vmem>>) offsets(%dma_start3A_246 : memref<128xi32, #tpu.memory_space<vmem>>) semaphore(%arg9 : memref<!tpu.dma_semaphore, #tpu.memory_space<semaphore_mem>>)
      %dma_wait3A_250 = arith.constant 10 : i32
      %dma_wait3A_251 = arith.constant 0 : i32
      %dma_wait3A_252 = tpu.memref_slice %arg6[%dma_wait3A_250, %dma_wait3A_251] : memref<16x128xi32, #tpu.memory_space<vmem>> -> memref<1x128xi32, #tpu.memory_space<vmem>>
      %dma_wait3A_253 = tpu.memref_squeeze %dma_wait3A_252 : memref<1x128xi32, #tpu.memory_space<vmem>> -> memref<128xi32, #tpu.memory_space<vmem>>
      %dma_wait3A_254 = arith.constant 0 : i32
      %dma_wait3A_255 = arith.constant 0 : i32
      %dma_wait3A_256 = tpu.memref_slice %arg2[%dma_wait3A_254, %dma_wait3A_255] : memref<20480x128xf32, #tpu.memory_space<hbm>> -> memref<20480x128xf32, #tpu.memory_space<hbm>>
      tpu.wait_indirect_dma semaphore(%arg9 : memref<!tpu.dma_semaphore, #tpu.memory_space<semaphore_mem>>) src(%dma_wait3A_256 : memref<20480x128xf32, #tpu.memory_space<hbm>>) dst(%arg8 : memref<128x128xf32, #tpu.memory_space<vmem>>)
      %run_scoped3A_257 = arith.constant 10 : i32
      "tpu.region"() ({
        %run_scoped3A_334 = tpu.sem_alloc : memref<!tpu.dma_semaphore, #tpu.memory_space<semaphore_mem>>
        %dma_start3A_335 = arith.constant 0 : i32
        %dma_start3A_336 = tpu.memref_slice %arg7[%run_scoped3A_257, %dma_start3A_335] : memref<16x128xi32, #tpu.memory_space<vmem>> -> memref<1x128xi32, #tpu.memory_space<vmem>>
        %dma_start3A_337 = tpu.memref_squeeze %dma_start3A_336 : memref<1x128xi32, #tpu.memory_space<vmem>> -> memref<128xi32, #tpu.memory_space<vmem>>
        %dma_start3A_338 = arith.constant 0 : i32
        %dma_start3A_339 = arith.constant 0 : i32
        %dma_start3A_340 = tpu.memref_slice %arg10[%dma_start3A_338, %dma_start3A_339] : memref<10240x128xf32, #tpu.memory_space<vmem_shared>> -> memref<10240x128xf32, #tpu.memory_space<vmem_shared>>
        tpu.enqueue_indirect_dma source(%arg8 : memref<128x128xf32, #tpu.memory_space<vmem>>) target(%dma_start3A_340 : memref<10240x128xf32, #tpu.memory_space<vmem_shared>>) offsets(%dma_start3A_337 : memref<128xi32, #tpu.memory_space<vmem>>) semaphore(%run_scoped3A_334 : memref<!tpu.dma_semaphore, #tpu.memory_space<semaphore_mem>>) {add = true}
        %dma_wait3A_341 = arith.constant 0 : i32
        %dma_wait3A_342 = tpu.memref_slice %arg7[%run_scoped3A_257, %dma_wait3A_341] : memref<16x128xi32, #tpu.memory_space<vmem>> -> memref<1x128xi32, #tpu.memory_space<vmem>>
        %dma_wait3A_343 = tpu.memref_squeeze %dma_wait3A_342 : memref<1x128xi32, #tpu.memory_space<vmem>> -> memref<128xi32, #tpu.memory_space<vmem>>
        %dma_wait3A_344 = arith.constant 0 : i32
        %dma_wait3A_345 = arith.constant 0 : i32
        %dma_wait3A_346 = tpu.memref_slice %arg10[%dma_wait3A_344, %dma_wait3A_345] : memref<10240x128xf32, #tpu.memory_space<vmem_shared>> -> memref<10240x128xf32, #tpu.memory_space<vmem_shared>>
        tpu.wait_indirect_dma semaphore(%run_scoped3A_334 : memref<!tpu.dma_semaphore, #tpu.memory_space<semaphore_mem>>) src(%arg8 : memref<128x128xf32, #tpu.memory_space<vmem>>) dst(%dma_wait3A_346 : memref<10240x128xf32, #tpu.memory_space<vmem_shared>>)
        tpu.yield
      }) : () -> ()
      %dma_start3A_258 = arith.constant 11 : i32
      %dma_start3A_259 = arith.constant 0 : i32
      %dma_start3A_260 = tpu.memref_slice %arg6[%dma_start3A_258, %dma_start3A_259] : memref<16x128xi32, #tpu.memory_space<vmem>> -> memref<1x128xi32, #tpu.memory_space<vmem>>
      %dma_start3A_261 = tpu.memref_squeeze %dma_start3A_260 : memref<1x128xi32, #tpu.memory_space<vmem>> -> memref<128xi32, #tpu.memory_space<vmem>>
      %dma_start3A_262 = arith.constant 0 : i32
      %dma_start3A_263 = arith.constant 0 : i32
      %dma_start3A_264 = tpu.memref_slice %arg2[%dma_start3A_262, %dma_start3A_263] : memref<20480x128xf32, #tpu.memory_space<hbm>> -> memref<20480x128xf32, #tpu.memory_space<hbm>>
      tpu.enqueue_indirect_dma source(%dma_start3A_264 : memref<20480x128xf32, #tpu.memory_space<hbm>>) target(%arg8 : memref<128x128xf32, #tpu.memory_space<vmem>>) offsets(%dma_start3A_261 : memref<128xi32, #tpu.memory_space<vmem>>) semaphore(%arg9 : memref<!tpu.dma_semaphore, #tpu.memory_space<semaphore_mem>>)
      %dma_wait3A_265 = arith.constant 11 : i32
      %dma_wait3A_266 = arith.constant 0 : i32
      %dma_wait3A_267 = tpu.memref_slice %arg6[%dma_wait3A_265, %dma_wait3A_266] : memref<16x128xi32, #tpu.memory_space<vmem>> -> memref<1x128xi32, #tpu.memory_space<vmem>>
      %dma_wait3A_268 = tpu.memref_squeeze %dma_wait3A_267 : memref<1x128xi32, #tpu.memory_space<vmem>> -> memref<128xi32, #tpu.memory_space<vmem>>
      %dma_wait3A_269 = arith.constant 0 : i32
      %dma_wait3A_270 = arith.constant 0 : i32
      %dma_wait3A_271 = tpu.memref_slice %arg2[%dma_wait3A_269, %dma_wait3A_270] : memref<20480x128xf32, #tpu.memory_space<hbm>> -> memref<20480x128xf32, #tpu.memory_space<hbm>>
      tpu.wait_indirect_dma semaphore(%arg9 : memref<!tpu.dma_semaphore, #tpu.memory_space<semaphore_mem>>) src(%dma_wait3A_271 : memref<20480x128xf32, #tpu.memory_space<hbm>>) dst(%arg8 : memref<128x128xf32, #tpu.memory_space<vmem>>)
      %run_scoped3A_272 = arith.constant 11 : i32
      "tpu.region"() ({
        %run_scoped3A_334 = tpu.sem_alloc : memref<!tpu.dma_semaphore, #tpu.memory_space<semaphore_mem>>
        %dma_start3A_335 = arith.constant 0 : i32
        %dma_start3A_336 = tpu.memref_slice %arg7[%run_scoped3A_272, %dma_start3A_335] : memref<16x128xi32, #tpu.memory_space<vmem>> -> memref<1x128xi32, #tpu.memory_space<vmem>>
        %dma_start3A_337 = tpu.memref_squeeze %dma_start3A_336 : memref<1x128xi32, #tpu.memory_space<vmem>> -> memref<128xi32, #tpu.memory_space<vmem>>
        %dma_start3A_338 = arith.constant 0 : i32
        %dma_start3A_339 = arith.constant 0 : i32
        %dma_start3A_340 = tpu.memref_slice %arg10[%dma_start3A_338, %dma_start3A_339] : memref<10240x128xf32, #tpu.memory_space<vmem_shared>> -> memref<10240x128xf32, #tpu.memory_space<vmem_shared>>
        tpu.enqueue_indirect_dma source(%arg8 : memref<128x128xf32, #tpu.memory_space<vmem>>) target(%dma_start3A_340 : memref<10240x128xf32, #tpu.memory_space<vmem_shared>>) offsets(%dma_start3A_337 : memref<128xi32, #tpu.memory_space<vmem>>) semaphore(%run_scoped3A_334 : memref<!tpu.dma_semaphore, #tpu.memory_space<semaphore_mem>>) {add = true}
        %dma_wait3A_341 = arith.constant 0 : i32
        %dma_wait3A_342 = tpu.memref_slice %arg7[%run_scoped3A_272, %dma_wait3A_341] : memref<16x128xi32, #tpu.memory_space<vmem>> -> memref<1x128xi32, #tpu.memory_space<vmem>>
        %dma_wait3A_343 = tpu.memref_squeeze %dma_wait3A_342 : memref<1x128xi32, #tpu.memory_space<vmem>> -> memref<128xi32, #tpu.memory_space<vmem>>
        %dma_wait3A_344 = arith.constant 0 : i32
        %dma_wait3A_345 = arith.constant 0 : i32
        %dma_wait3A_346 = tpu.memref_slice %arg10[%dma_wait3A_344, %dma_wait3A_345] : memref<10240x128xf32, #tpu.memory_space<vmem_shared>> -> memref<10240x128xf32, #tpu.memory_space<vmem_shared>>
        tpu.wait_indirect_dma semaphore(%run_scoped3A_334 : memref<!tpu.dma_semaphore, #tpu.memory_space<semaphore_mem>>) src(%arg8 : memref<128x128xf32, #tpu.memory_space<vmem>>) dst(%dma_wait3A_346 : memref<10240x128xf32, #tpu.memory_space<vmem_shared>>)
        tpu.yield
      }) : () -> ()
      %dma_start3A_273 = arith.constant 12 : i32
      %dma_start3A_274 = arith.constant 0 : i32
      %dma_start3A_275 = tpu.memref_slice %arg6[%dma_start3A_273, %dma_start3A_274] : memref<16x128xi32, #tpu.memory_space<vmem>> -> memref<1x128xi32, #tpu.memory_space<vmem>>
      %dma_start3A_276 = tpu.memref_squeeze %dma_start3A_275 : memref<1x128xi32, #tpu.memory_space<vmem>> -> memref<128xi32, #tpu.memory_space<vmem>>
      %dma_start3A_277 = arith.constant 0 : i32
      %dma_start3A_278 = arith.constant 0 : i32
      %dma_start3A_279 = tpu.memref_slice %arg2[%dma_start3A_277, %dma_start3A_278] : memref<20480x128xf32, #tpu.memory_space<hbm>> -> memref<20480x128xf32, #tpu.memory_space<hbm>>
      tpu.enqueue_indirect_dma source(%dma_start3A_279 : memref<20480x128xf32, #tpu.memory_space<hbm>>) target(%arg8 : memref<128x128xf32, #tpu.memory_space<vmem>>) offsets(%dma_start3A_276 : memref<128xi32, #tpu.memory_space<vmem>>) semaphore(%arg9 : memref<!tpu.dma_semaphore, #tpu.memory_space<semaphore_mem>>)
      %dma_wait3A_280 = arith.constant 12 : i32
      %dma_wait3A_281 = arith.constant 0 : i32
      %dma_wait3A_282 = tpu.memref_slice %arg6[%dma_wait3A_280, %dma_wait3A_281] : memref<16x128xi32, #tpu.memory_space<vmem>> -> memref<1x128xi32, #tpu.memory_space<vmem>>
      %dma_wait3A_283 = tpu.memref_squeeze %dma_wait3A_282 : memref<1x128xi32, #tpu.memory_space<vmem>> -> memref<128xi32, #tpu.memory_space<vmem>>
      %dma_wait3A_284 = arith.constant 0 : i32
      %dma_wait3A_285 = arith.constant 0 : i32
      %dma_wait3A_286 = tpu.memref_slice %arg2[%dma_wait3A_284, %dma_wait3A_285] : memref<20480x128xf32, #tpu.memory_space<hbm>> -> memref<20480x128xf32, #tpu.memory_space<hbm>>
      tpu.wait_indirect_dma semaphore(%arg9 : memref<!tpu.dma_semaphore, #tpu.memory_space<semaphore_mem>>) src(%dma_wait3A_286 : memref<20480x128xf32, #tpu.memory_space<hbm>>) dst(%arg8 : memref<128x128xf32, #tpu.memory_space<vmem>>)
      %run_scoped3A_287 = arith.constant 12 : i32
      "tpu.region"() ({
        %run_scoped3A_334 = tpu.sem_alloc : memref<!tpu.dma_semaphore, #tpu.memory_space<semaphore_mem>>
        %dma_start3A_335 = arith.constant 0 : i32
        %dma_start3A_336 = tpu.memref_slice %arg7[%run_scoped3A_287, %dma_start3A_335] : memref<16x128xi32, #tpu.memory_space<vmem>> -> memref<1x128xi32, #tpu.memory_space<vmem>>
        %dma_start3A_337 = tpu.memref_squeeze %dma_start3A_336 : memref<1x128xi32, #tpu.memory_space<vmem>> -> memref<128xi32, #tpu.memory_space<vmem>>
        %dma_start3A_338 = arith.constant 0 : i32
        %dma_start3A_339 = arith.constant 0 : i32
        %dma_start3A_340 = tpu.memref_slice %arg10[%dma_start3A_338, %dma_start3A_339] : memref<10240x128xf32, #tpu.memory_space<vmem_shared>> -> memref<10240x128xf32, #tpu.memory_space<vmem_shared>>
        tpu.enqueue_indirect_dma source(%arg8 : memref<128x128xf32, #tpu.memory_space<vmem>>) target(%dma_start3A_340 : memref<10240x128xf32, #tpu.memory_space<vmem_shared>>) offsets(%dma_start3A_337 : memref<128xi32, #tpu.memory_space<vmem>>) semaphore(%run_scoped3A_334 : memref<!tpu.dma_semaphore, #tpu.memory_space<semaphore_mem>>) {add = true}
        %dma_wait3A_341 = arith.constant 0 : i32
        %dma_wait3A_342 = tpu.memref_slice %arg7[%run_scoped3A_287, %dma_wait3A_341] : memref<16x128xi32, #tpu.memory_space<vmem>> -> memref<1x128xi32, #tpu.memory_space<vmem>>
        %dma_wait3A_343 = tpu.memref_squeeze %dma_wait3A_342 : memref<1x128xi32, #tpu.memory_space<vmem>> -> memref<128xi32, #tpu.memory_space<vmem>>
        %dma_wait3A_344 = arith.constant 0 : i32
        %dma_wait3A_345 = arith.constant 0 : i32
        %dma_wait3A_346 = tpu.memref_slice %arg10[%dma_wait3A_344, %dma_wait3A_345] : memref<10240x128xf32, #tpu.memory_space<vmem_shared>> -> memref<10240x128xf32, #tpu.memory_space<vmem_shared>>
        tpu.wait_indirect_dma semaphore(%run_scoped3A_334 : memref<!tpu.dma_semaphore, #tpu.memory_space<semaphore_mem>>) src(%arg8 : memref<128x128xf32, #tpu.memory_space<vmem>>) dst(%dma_wait3A_346 : memref<10240x128xf32, #tpu.memory_space<vmem_shared>>)
        tpu.yield
      }) : () -> ()
      %dma_start3A_288 = arith.constant 13 : i32
      %dma_start3A_289 = arith.constant 0 : i32
      %dma_start3A_290 = tpu.memref_slice %arg6[%dma_start3A_288, %dma_start3A_289] : memref<16x128xi32, #tpu.memory_space<vmem>> -> memref<1x128xi32, #tpu.memory_space<vmem>>
      %dma_start3A_291 = tpu.memref_squeeze %dma_start3A_290 : memref<1x128xi32, #tpu.memory_space<vmem>> -> memref<128xi32, #tpu.memory_space<vmem>>
      %dma_start3A_292 = arith.constant 0 : i32
      %dma_start3A_293 = arith.constant 0 : i32
      %dma_start3A_294 = tpu.memref_slice %arg2[%dma_start3A_292, %dma_start3A_293] : memref<20480x128xf32, #tpu.memory_space<hbm>> -> memref<20480x128xf32, #tpu.memory_space<hbm>>
      tpu.enqueue_indirect_dma source(%dma_start3A_294 : memref<20480x128xf32, #tpu.memory_space<hbm>>) target(%arg8 : memref<128x128xf32, #tpu.memory_space<vmem>>) offsets(%dma_start3A_291 : memref<128xi32, #tpu.memory_space<vmem>>) semaphore(%arg9 : memref<!tpu.dma_semaphore, #tpu.memory_space<semaphore_mem>>)
      %dma_wait3A_295 = arith.constant 13 : i32
      %dma_wait3A_296 = arith.constant 0 : i32
      %dma_wait3A_297 = tpu.memref_slice %arg6[%dma_wait3A_295, %dma_wait3A_296] : memref<16x128xi32, #tpu.memory_space<vmem>> -> memref<1x128xi32, #tpu.memory_space<vmem>>
      %dma_wait3A_298 = tpu.memref_squeeze %dma_wait3A_297 : memref<1x128xi32, #tpu.memory_space<vmem>> -> memref<128xi32, #tpu.memory_space<vmem>>
      %dma_wait3A_299 = arith.constant 0 : i32
      %dma_wait3A_300 = arith.constant 0 : i32
      %dma_wait3A_301 = tpu.memref_slice %arg2[%dma_wait3A_299, %dma_wait3A_300] : memref<20480x128xf32, #tpu.memory_space<hbm>> -> memref<20480x128xf32, #tpu.memory_space<hbm>>
      tpu.wait_indirect_dma semaphore(%arg9 : memref<!tpu.dma_semaphore, #tpu.memory_space<semaphore_mem>>) src(%dma_wait3A_301 : memref<20480x128xf32, #tpu.memory_space<hbm>>) dst(%arg8 : memref<128x128xf32, #tpu.memory_space<vmem>>)
      %run_scoped3A_302 = arith.constant 13 : i32
      "tpu.region"() ({
        %run_scoped3A_334 = tpu.sem_alloc : memref<!tpu.dma_semaphore, #tpu.memory_space<semaphore_mem>>
        %dma_start3A_335 = arith.constant 0 : i32
        %dma_start3A_336 = tpu.memref_slice %arg7[%run_scoped3A_302, %dma_start3A_335] : memref<16x128xi32, #tpu.memory_space<vmem>> -> memref<1x128xi32, #tpu.memory_space<vmem>>
        %dma_start3A_337 = tpu.memref_squeeze %dma_start3A_336 : memref<1x128xi32, #tpu.memory_space<vmem>> -> memref<128xi32, #tpu.memory_space<vmem>>
        %dma_start3A_338 = arith.constant 0 : i32
        %dma_start3A_339 = arith.constant 0 : i32
        %dma_start3A_340 = tpu.memref_slice %arg10[%dma_start3A_338, %dma_start3A_339] : memref<10240x128xf32, #tpu.memory_space<vmem_shared>> -> memref<10240x128xf32, #tpu.memory_space<vmem_shared>>
        tpu.enqueue_indirect_dma source(%arg8 : memref<128x128xf32, #tpu.memory_space<vmem>>) target(%dma_start3A_340 : memref<10240x128xf32, #tpu.memory_space<vmem_shared>>) offsets(%dma_start3A_337 : memref<128xi32, #tpu.memory_space<vmem>>) semaphore(%run_scoped3A_334 : memref<!tpu.dma_semaphore, #tpu.memory_space<semaphore_mem>>) {add = true}
        %dma_wait3A_341 = arith.constant 0 : i32
        %dma_wait3A_342 = tpu.memref_slice %arg7[%run_scoped3A_302, %dma_wait3A_341] : memref<16x128xi32, #tpu.memory_space<vmem>> -> memref<1x128xi32, #tpu.memory_space<vmem>>
        %dma_wait3A_343 = tpu.memref_squeeze %dma_wait3A_342 : memref<1x128xi32, #tpu.memory_space<vmem>> -> memref<128xi32, #tpu.memory_space<vmem>>
        %dma_wait3A_344 = arith.constant 0 : i32
        %dma_wait3A_345 = arith.constant 0 : i32
        %dma_wait3A_346 = tpu.memref_slice %arg10[%dma_wait3A_344, %dma_wait3A_345] : memref<10240x128xf32, #tpu.memory_space<vmem_shared>> -> memref<10240x128xf32, #tpu.memory_space<vmem_shared>>
        tpu.wait_indirect_dma semaphore(%run_scoped3A_334 : memref<!tpu.dma_semaphore, #tpu.memory_space<semaphore_mem>>) src(%arg8 : memref<128x128xf32, #tpu.memory_space<vmem>>) dst(%dma_wait3A_346 : memref<10240x128xf32, #tpu.memory_space<vmem_shared>>)
        tpu.yield
      }) : () -> ()
      %dma_start3A_303 = arith.constant 14 : i32
      %dma_start3A_304 = arith.constant 0 : i32
      %dma_start3A_305 = tpu.memref_slice %arg6[%dma_start3A_303, %dma_start3A_304] : memref<16x128xi32, #tpu.memory_space<vmem>> -> memref<1x128xi32, #tpu.memory_space<vmem>>
      %dma_start3A_306 = tpu.memref_squeeze %dma_start3A_305 : memref<1x128xi32, #tpu.memory_space<vmem>> -> memref<128xi32, #tpu.memory_space<vmem>>
      %dma_start3A_307 = arith.constant 0 : i32
      %dma_start3A_308 = arith.constant 0 : i32
      %dma_start3A_309 = tpu.memref_slice %arg2[%dma_start3A_307, %dma_start3A_308] : memref<20480x128xf32, #tpu.memory_space<hbm>> -> memref<20480x128xf32, #tpu.memory_space<hbm>>
      tpu.enqueue_indirect_dma source(%dma_start3A_309 : memref<20480x128xf32, #tpu.memory_space<hbm>>) target(%arg8 : memref<128x128xf32, #tpu.memory_space<vmem>>) offsets(%dma_start3A_306 : memref<128xi32, #tpu.memory_space<vmem>>) semaphore(%arg9 : memref<!tpu.dma_semaphore, #tpu.memory_space<semaphore_mem>>)
      %dma_wait3A_310 = arith.constant 14 : i32
      %dma_wait3A_311 = arith.constant 0 : i32
      %dma_wait3A_312 = tpu.memref_slice %arg6[%dma_wait3A_310, %dma_wait3A_311] : memref<16x128xi32, #tpu.memory_space<vmem>> -> memref<1x128xi32, #tpu.memory_space<vmem>>
      %dma_wait3A_313 = tpu.memref_squeeze %dma_wait3A_312 : memref<1x128xi32, #tpu.memory_space<vmem>> -> memref<128xi32, #tpu.memory_space<vmem>>
      %dma_wait3A_314 = arith.constant 0 : i32
      %dma_wait3A_315 = arith.constant 0 : i32
      %dma_wait3A_316 = tpu.memref_slice %arg2[%dma_wait3A_314, %dma_wait3A_315] : memref<20480x128xf32, #tpu.memory_space<hbm>> -> memref<20480x128xf32, #tpu.memory_space<hbm>>
      tpu.wait_indirect_dma semaphore(%arg9 : memref<!tpu.dma_semaphore, #tpu.memory_space<semaphore_mem>>) src(%dma_wait3A_316 : memref<20480x128xf32, #tpu.memory_space<hbm>>) dst(%arg8 : memref<128x128xf32, #tpu.memory_space<vmem>>)
      %run_scoped3A_317 = arith.constant 14 : i32
      "tpu.region"() ({
        %run_scoped3A_334 = tpu.sem_alloc : memref<!tpu.dma_semaphore, #tpu.memory_space<semaphore_mem>>
        %dma_start3A_335 = arith.constant 0 : i32
        %dma_start3A_336 = tpu.memref_slice %arg7[%run_scoped3A_317, %dma_start3A_335] : memref<16x128xi32, #tpu.memory_space<vmem>> -> memref<1x128xi32, #tpu.memory_space<vmem>>
        %dma_start3A_337 = tpu.memref_squeeze %dma_start3A_336 : memref<1x128xi32, #tpu.memory_space<vmem>> -> memref<128xi32, #tpu.memory_space<vmem>>
        %dma_start3A_338 = arith.constant 0 : i32
        %dma_start3A_339 = arith.constant 0 : i32
        %dma_start3A_340 = tpu.memref_slice %arg10[%dma_start3A_338, %dma_start3A_339] : memref<10240x128xf32, #tpu.memory_space<vmem_shared>> -> memref<10240x128xf32, #tpu.memory_space<vmem_shared>>
        tpu.enqueue_indirect_dma source(%arg8 : memref<128x128xf32, #tpu.memory_space<vmem>>) target(%dma_start3A_340 : memref<10240x128xf32, #tpu.memory_space<vmem_shared>>) offsets(%dma_start3A_337 : memref<128xi32, #tpu.memory_space<vmem>>) semaphore(%run_scoped3A_334 : memref<!tpu.dma_semaphore, #tpu.memory_space<semaphore_mem>>) {add = true}
        %dma_wait3A_341 = arith.constant 0 : i32
        %dma_wait3A_342 = tpu.memref_slice %arg7[%run_scoped3A_317, %dma_wait3A_341] : memref<16x128xi32, #tpu.memory_space<vmem>> -> memref<1x128xi32, #tpu.memory_space<vmem>>
        %dma_wait3A_343 = tpu.memref_squeeze %dma_wait3A_342 : memref<1x128xi32, #tpu.memory_space<vmem>> -> memref<128xi32, #tpu.memory_space<vmem>>
        %dma_wait3A_344 = arith.constant 0 : i32
        %dma_wait3A_345 = arith.constant 0 : i32
        %dma_wait3A_346 = tpu.memref_slice %arg10[%dma_wait3A_344, %dma_wait3A_345] : memref<10240x128xf32, #tpu.memory_space<vmem_shared>> -> memref<10240x128xf32, #tpu.memory_space<vmem_shared>>
        tpu.wait_indirect_dma semaphore(%run_scoped3A_334 : memref<!tpu.dma_semaphore, #tpu.memory_space<semaphore_mem>>) src(%arg8 : memref<128x128xf32, #tpu.memory_space<vmem>>) dst(%dma_wait3A_346 : memref<10240x128xf32, #tpu.memory_space<vmem_shared>>)
        tpu.yield
      }) : () -> ()
      %dma_start3A_318 = arith.constant 15 : i32
      %dma_start3A_319 = arith.constant 0 : i32
      %dma_start3A_320 = tpu.memref_slice %arg6[%dma_start3A_318, %dma_start3A_319] : memref<16x128xi32, #tpu.memory_space<vmem>> -> memref<1x128xi32, #tpu.memory_space<vmem>>
      %dma_start3A_321 = tpu.memref_squeeze %dma_start3A_320 : memref<1x128xi32, #tpu.memory_space<vmem>> -> memref<128xi32, #tpu.memory_space<vmem>>
      %dma_start3A_322 = arith.constant 0 : i32
      %dma_start3A_323 = arith.constant 0 : i32
      %dma_start3A_324 = tpu.memref_slice %arg2[%dma_start3A_322, %dma_start3A_323] : memref<20480x128xf32, #tpu.memory_space<hbm>> -> memref<20480x128xf32, #tpu.memory_space<hbm>>
      tpu.enqueue_indirect_dma source(%dma_start3A_324 : memref<20480x128xf32, #tpu.memory_space<hbm>>) target(%arg8 : memref<128x128xf32, #tpu.memory_space<vmem>>) offsets(%dma_start3A_321 : memref<128xi32, #tpu.memory_space<vmem>>) semaphore(%arg9 : memref<!tpu.dma_semaphore, #tpu.memory_space<semaphore_mem>>)
      %dma_wait3A_325 = arith.constant 15 : i32
      %dma_wait3A_326 = arith.constant 0 : i32
      %dma_wait3A_327 = tpu.memref_slice %arg6[%dma_wait3A_325, %dma_wait3A_326] : memref<16x128xi32, #tpu.memory_space<vmem>> -> memref<1x128xi32, #tpu.memory_space<vmem>>
      %dma_wait3A_328 = tpu.memref_squeeze %dma_wait3A_327 : memref<1x128xi32, #tpu.memory_space<vmem>> -> memref<128xi32, #tpu.memory_space<vmem>>
      %dma_wait3A_329 = arith.constant 0 : i32
      %dma_wait3A_330 = arith.constant 0 : i32
      %dma_wait3A_331 = tpu.memref_slice %arg2[%dma_wait3A_329, %dma_wait3A_330] : memref<20480x128xf32, #tpu.memory_space<hbm>> -> memref<20480x128xf32, #tpu.memory_space<hbm>>
      tpu.wait_indirect_dma semaphore(%arg9 : memref<!tpu.dma_semaphore, #tpu.memory_space<semaphore_mem>>) src(%dma_wait3A_331 : memref<20480x128xf32, #tpu.memory_space<hbm>>) dst(%arg8 : memref<128x128xf32, #tpu.memory_space<vmem>>)
      %run_scoped3A_332 = arith.constant 15 : i32
      "tpu.region"() ({
        %run_scoped3A_334 = tpu.sem_alloc : memref<!tpu.dma_semaphore, #tpu.memory_space<semaphore_mem>>
        %dma_start3A_335 = arith.constant 0 : i32
        %dma_start3A_336 = tpu.memref_slice %arg7[%run_scoped3A_332, %dma_start3A_335] : memref<16x128xi32, #tpu.memory_space<vmem>> -> memref<1x128xi32, #tpu.memory_space<vmem>>
        %dma_start3A_337 = tpu.memref_squeeze %dma_start3A_336 : memref<1x128xi32, #tpu.memory_space<vmem>> -> memref<128xi32, #tpu.memory_space<vmem>>
        %dma_start3A_338 = arith.constant 0 : i32
        %dma_start3A_339 = arith.constant 0 : i32
        %dma_start3A_340 = tpu.memref_slice %arg10[%dma_start3A_338, %dma_start3A_339] : memref<10240x128xf32, #tpu.memory_space<vmem_shared>> -> memref<10240x128xf32, #tpu.memory_space<vmem_shared>>
        tpu.enqueue_indirect_dma source(%arg8 : memref<128x128xf32, #tpu.memory_space<vmem>>) target(%dma_start3A_340 : memref<10240x128xf32, #tpu.memory_space<vmem_shared>>) offsets(%dma_start3A_337 : memref<128xi32, #tpu.memory_space<vmem>>) semaphore(%run_scoped3A_334 : memref<!tpu.dma_semaphore, #tpu.memory_space<semaphore_mem>>) {add = true}
        %dma_wait3A_341 = arith.constant 0 : i32
        %dma_wait3A_342 = tpu.memref_slice %arg7[%run_scoped3A_332, %dma_wait3A_341] : memref<16x128xi32, #tpu.memory_space<vmem>> -> memref<1x128xi32, #tpu.memory_space<vmem>>
        %dma_wait3A_343 = tpu.memref_squeeze %dma_wait3A_342 : memref<1x128xi32, #tpu.memory_space<vmem>> -> memref<128xi32, #tpu.memory_space<vmem>>
        %dma_wait3A_344 = arith.constant 0 : i32
        %dma_wait3A_345 = arith.constant 0 : i32
        %dma_wait3A_346 = tpu.memref_slice %arg10[%dma_wait3A_344, %dma_wait3A_345] : memref<10240x128xf32, #tpu.memory_space<vmem_shared>> -> memref<10240x128xf32, #tpu.memory_space<vmem_shared>>
        tpu.wait_indirect_dma semaphore(%run_scoped3A_334 : memref<!tpu.dma_semaphore, #tpu.memory_space<semaphore_mem>>) src(%arg8 : memref<128x128xf32, #tpu.memory_space<vmem>>) dst(%dma_wait3A_346 : memref<10240x128xf32, #tpu.memory_space<vmem_shared>>)
        tpu.yield
      }) : () -> ()
      %scan3A_333 = arith.constant 0 : i32
      scf.yield %scan3A_333 : i32
    }
    %scan3A_47 = arith.constant 10 : i32
    %barrier3A_48 = arith.constant 0 : index
    tpu.barrier barrier_id(%barrier3A_48)
    %add3A_49 = arith.constant 0 : i32
    %add3A_50 = arith.addi %mul3A_0, %add3A_49 : i32
    "tpu.region"() ({
      %run_scoped3A = tpu.sem_alloc : memref<!tpu.dma_semaphore, #tpu.memory_space<semaphore_mem>>
      %dma_start3A = arith.constant 0 : i32
      %dma_start3A_84 = tpu.memref_slice %arg10[%add3A_50, %dma_start3A] : memref<10240x128xf32, #tpu.memory_space<vmem_shared>> -> memref<128x128xf32, #tpu.memory_space<vmem_shared>>
      %dma_start3A_85 = arith.constant 0 : i32
      %dma_start3A_86 = tpu.memref_slice %arg10[%add3A_50, %dma_start3A_85] : memref<10240x128xf32, #tpu.memory_space<vmem_shared>> -> memref<128x128xf32, #tpu.memory_space<vmem_shared>>
      tpu.enqueue_dma source(%dma_start3A_86 : memref<128x128xf32, #tpu.memory_space<vmem_shared>>) target(%arg8 : memref<128x128xf32, #tpu.memory_space<vmem>>) target_semaphore(%run_scoped3A : memref<!tpu.dma_semaphore, #tpu.memory_space<semaphore_mem>>)
      %dma_wait3A = arith.constant 0 : i32
      %dma_wait3A_87 = tpu.memref_slice %arg10[%add3A_50, %dma_wait3A] : memref<10240x128xf32, #tpu.memory_space<vmem_shared>> -> memref<128x128xf32, #tpu.memory_space<vmem_shared>>
      %dma_wait3A_88 = arith.constant 0 : i32
      %dma_wait3A_89 = tpu.memref_slice %arg10[%add3A_50, %dma_wait3A_88] : memref<10240x128xf32, #tpu.memory_space<vmem_shared>> -> memref<128x128xf32, #tpu.memory_space<vmem_shared>>
      tpu.wait_dma2 semaphore(%run_scoped3A : memref<!tpu.dma_semaphore, #tpu.memory_space<semaphore_mem>>) src(%dma_wait3A_89 : memref<128x128xf32, #tpu.memory_space<vmem_shared>>) dst(%arg8 : memref<128x128xf32, #tpu.memory_space<vmem>>)
      tpu.yield
    }) : () -> ()
    %mul3A_51 = arith.constant 10240 : i32
    %mul3A_52 = arith.muli %arg0, %mul3A_51 : i32
    %add3A_53 = arith.addi %mul3A_52, %mul3A_0 : i32
    %add3A_54 = arith.constant 0 : i32
    %add3A_55 = arith.addi %add3A_53, %add3A_54 : i32
    "tpu.region"() ({
      %run_scoped3A = tpu.sem_alloc : memref<!tpu.dma_semaphore, #tpu.memory_space<semaphore_mem>>
      %dma_start3A = arith.constant 0 : i32
      %dma_start3A_84 = tpu.memref_slice %arg5[%add3A_55, %dma_start3A] : memref<20480x128xf32, #tpu.memory_space<hbm>> -> memref<128x128xf32, #tpu.memory_space<hbm>>
      %dma_start3A_85 = arith.constant 0 : i32
      %dma_start3A_86 = tpu.memref_slice %arg5[%add3A_55, %dma_start3A_85] : memref<20480x128xf32, #tpu.memory_space<hbm>> -> memref<128x128xf32, #tpu.memory_space<hbm>>
      tpu.enqueue_dma source(%arg8 : memref<128x128xf32, #tpu.memory_space<vmem>>) target(%dma_start3A_86 : memref<128x128xf32, #tpu.memory_space<hbm>>) target_semaphore(%run_scoped3A : memref<!tpu.dma_semaphore, #tpu.memory_space<semaphore_mem>>)
      %dma_wait3A = arith.constant 0 : i32
      %dma_wait3A_87 = tpu.memref_slice %arg5[%add3A_55, %dma_wait3A] : memref<20480x128xf32, #tpu.memory_space<hbm>> -> memref<128x128xf32, #tpu.memory_space<hbm>>
      %dma_wait3A_88 = arith.constant 0 : i32
      %dma_wait3A_89 = tpu.memref_slice %arg5[%add3A_55, %dma_wait3A_88] : memref<20480x128xf32, #tpu.memory_space<hbm>> -> memref<128x128xf32, #tpu.memory_space<hbm>>
      tpu.wait_dma2 semaphore(%run_scoped3A : memref<!tpu.dma_semaphore, #tpu.memory_space<semaphore_mem>>) src(%arg8 : memref<128x128xf32, #tpu.memory_space<vmem>>) dst(%dma_wait3A_89 : memref<128x128xf32, #tpu.memory_space<hbm>>)
      tpu.yield
    }) : () -> ()
    %add3A_56 = arith.constant 128 : i32
    %add3A_57 = arith.addi %mul3A_0, %add3A_56 : i32
    "tpu.region"() ({
      %run_scoped3A = tpu.sem_alloc : memref<!tpu.dma_semaphore, #tpu.memory_space<semaphore_mem>>
      %dma_start3A = arith.constant 0 : i32
      %dma_start3A_84 = tpu.memref_slice %arg10[%add3A_57, %dma_start3A] : memref<10240x128xf32, #tpu.memory_space<vmem_shared>> -> memref<128x128xf32, #tpu.memory_space<vmem_shared>>
      %dma_start3A_85 = arith.constant 0 : i32
      %dma_start3A_86 = tpu.memref_slice %arg10[%add3A_57, %dma_start3A_85] : memref<10240x128xf32, #tpu.memory_space<vmem_shared>> -> memref<128x128xf32, #tpu.memory_space<vmem_shared>>
      tpu.enqueue_dma source(%dma_start3A_86 : memref<128x128xf32, #tpu.memory_space<vmem_shared>>) target(%arg8 : memref<128x128xf32, #tpu.memory_space<vmem>>) target_semaphore(%run_scoped3A : memref<!tpu.dma_semaphore, #tpu.memory_space<semaphore_mem>>)
      %dma_wait3A = arith.constant 0 : i32
      %dma_wait3A_87 = tpu.memref_slice %arg10[%add3A_57, %dma_wait3A] : memref<10240x128xf32, #tpu.memory_space<vmem_shared>> -> memref<128x128xf32, #tpu.memory_space<vmem_shared>>
      %dma_wait3A_88 = arith.constant 0 : i32
      %dma_wait3A_89 = tpu.memref_slice %arg10[%add3A_57, %dma_wait3A_88] : memref<10240x128xf32, #tpu.memory_space<vmem_shared>> -> memref<128x128xf32, #tpu.memory_space<vmem_shared>>
      tpu.wait_dma2 semaphore(%run_scoped3A : memref<!tpu.dma_semaphore, #tpu.memory_space<semaphore_mem>>) src(%dma_wait3A_89 : memref<128x128xf32, #tpu.memory_space<vmem_shared>>) dst(%arg8 : memref<128x128xf32, #tpu.memory_space<vmem>>)
      tpu.yield
    }) : () -> ()
    %mul3A_58 = arith.constant 10240 : i32
    %mul3A_59 = arith.muli %arg0, %mul3A_58 : i32
    %add3A_60 = arith.addi %mul3A_59, %mul3A_0 : i32
    %add3A_61 = arith.constant 128 : i32
    %add3A_62 = arith.addi %add3A_60, %add3A_61 : i32
    "tpu.region"() ({
      %run_scoped3A = tpu.sem_alloc : memref<!tpu.dma_semaphore, #tpu.memory_space<semaphore_mem>>
      %dma_start3A = arith.constant 0 : i32
      %dma_start3A_84 = tpu.memref_slice %arg5[%add3A_62, %dma_start3A] : memref<20480x128xf32, #tpu.memory_space<hbm>> -> memref<128x128xf32, #tpu.memory_space<hbm>>
      %dma_start3A_85 = arith.constant 0 : i32
      %dma_start3A_86 = tpu.memref_slice %arg5[%add3A_62, %dma_start3A_85] : memref<20480x128xf32, #tpu.memory_space<hbm>> -> memref<128x128xf32, #tpu.memory_space<hbm>>
      tpu.enqueue_dma source(%arg8 : memref<128x128xf32, #tpu.memory_space<vmem>>) target(%dma_start3A_86 : memref<128x128xf32, #tpu.memory_space<hbm>>) target_semaphore(%run_scoped3A : memref<!tpu.dma_semaphore, #tpu.memory_space<semaphore_mem>>)
      %dma_wait3A = arith.constant 0 : i32
      %dma_wait3A_87 = tpu.memref_slice %arg5[%add3A_62, %dma_wait3A] : memref<20480x128xf32, #tpu.memory_space<hbm>> -> memref<128x128xf32, #tpu.memory_space<hbm>>
      %dma_wait3A_88 = arith.constant 0 : i32
      %dma_wait3A_89 = tpu.memref_slice %arg5[%add3A_62, %dma_wait3A_88] : memref<20480x128xf32, #tpu.memory_space<hbm>> -> memref<128x128xf32, #tpu.memory_space<hbm>>
      tpu.wait_dma2 semaphore(%run_scoped3A : memref<!tpu.dma_semaphore, #tpu.memory_space<semaphore_mem>>) src(%arg8 : memref<128x128xf32, #tpu.memory_space<vmem>>) dst(%dma_wait3A_89 : memref<128x128xf32, #tpu.memory_space<hbm>>)
      tpu.yield
    }) : () -> ()
    %add3A_63 = arith.constant 256 : i32
    %add3A_64 = arith.addi %mul3A_0, %add3A_63 : i32
    "tpu.region"() ({
      %run_scoped3A = tpu.sem_alloc : memref<!tpu.dma_semaphore, #tpu.memory_space<semaphore_mem>>
      %dma_start3A = arith.constant 0 : i32
      %dma_start3A_84 = tpu.memref_slice %arg10[%add3A_64, %dma_start3A] : memref<10240x128xf32, #tpu.memory_space<vmem_shared>> -> memref<128x128xf32, #tpu.memory_space<vmem_shared>>
      %dma_start3A_85 = arith.constant 0 : i32
      %dma_start3A_86 = tpu.memref_slice %arg10[%add3A_64, %dma_start3A_85] : memref<10240x128xf32, #tpu.memory_space<vmem_shared>> -> memref<128x128xf32, #tpu.memory_space<vmem_shared>>
      tpu.enqueue_dma source(%dma_start3A_86 : memref<128x128xf32, #tpu.memory_space<vmem_shared>>) target(%arg8 : memref<128x128xf32, #tpu.memory_space<vmem>>) target_semaphore(%run_scoped3A : memref<!tpu.dma_semaphore, #tpu.memory_space<semaphore_mem>>)
      %dma_wait3A = arith.constant 0 : i32
      %dma_wait3A_87 = tpu.memref_slice %arg10[%add3A_64, %dma_wait3A] : memref<10240x128xf32, #tpu.memory_space<vmem_shared>> -> memref<128x128xf32, #tpu.memory_space<vmem_shared>>
      %dma_wait3A_88 = arith.constant 0 : i32
      %dma_wait3A_89 = tpu.memref_slice %arg10[%add3A_64, %dma_wait3A_88] : memref<10240x128xf32, #tpu.memory_space<vmem_shared>> -> memref<128x128xf32, #tpu.memory_space<vmem_shared>>
      tpu.wait_dma2 semaphore(%run_scoped3A : memref<!tpu.dma_semaphore, #tpu.memory_space<semaphore_mem>>) src(%dma_wait3A_89 : memref<128x128xf32, #tpu.memory_space<vmem_shared>>) dst(%arg8 : memref<128x128xf32, #tpu.memory_space<vmem>>)
      tpu.yield
    }) : () -> ()
    %mul3A_65 = arith.constant 10240 : i32
    %mul3A_66 = arith.muli %arg0, %mul3A_65 : i32
    %add3A_67 = arith.addi %mul3A_66, %mul3A_0 : i32
    %add3A_68 = arith.constant 256 : i32
    %add3A_69 = arith.addi %add3A_67, %add3A_68 : i32
    "tpu.region"() ({
      %run_scoped3A = tpu.sem_alloc : memref<!tpu.dma_semaphore, #tpu.memory_space<semaphore_mem>>
      %dma_start3A = arith.constant 0 : i32
      %dma_start3A_84 = tpu.memref_slice %arg5[%add3A_69, %dma_start3A] : memref<20480x128xf32, #tpu.memory_space<hbm>> -> memref<128x128xf32, #tpu.memory_space<hbm>>
      %dma_start3A_85 = arith.constant 0 : i32
      %dma_start3A_86 = tpu.memref_slice %arg5[%add3A_69, %dma_start3A_85] : memref<20480x128xf32, #tpu.memory_space<hbm>> -> memref<128x128xf32, #tpu.memory_space<hbm>>
      tpu.enqueue_dma source(%arg8 : memref<128x128xf32, #tpu.memory_space<vmem>>) target(%dma_start3A_86 : memref<128x128xf32, #tpu.memory_space<hbm>>) target_semaphore(%run_scoped3A : memref<!tpu.dma_semaphore, #tpu.memory_space<semaphore_mem>>)
      %dma_wait3A = arith.constant 0 : i32
      %dma_wait3A_87 = tpu.memref_slice %arg5[%add3A_69, %dma_wait3A] : memref<20480x128xf32, #tpu.memory_space<hbm>> -> memref<128x128xf32, #tpu.memory_space<hbm>>
      %dma_wait3A_88 = arith.constant 0 : i32
      %dma_wait3A_89 = tpu.memref_slice %arg5[%add3A_69, %dma_wait3A_88] : memref<20480x128xf32, #tpu.memory_space<hbm>> -> memref<128x128xf32, #tpu.memory_space<hbm>>
      tpu.wait_dma2 semaphore(%run_scoped3A : memref<!tpu.dma_semaphore, #tpu.memory_space<semaphore_mem>>) src(%arg8 : memref<128x128xf32, #tpu.memory_space<vmem>>) dst(%dma_wait3A_89 : memref<128x128xf32, #tpu.memory_space<hbm>>)
      tpu.yield
    }) : () -> ()
    %add3A_70 = arith.constant 384 : i32
    %add3A_71 = arith.addi %mul3A_0, %add3A_70 : i32
    "tpu.region"() ({
      %run_scoped3A = tpu.sem_alloc : memref<!tpu.dma_semaphore, #tpu.memory_space<semaphore_mem>>
      %dma_start3A = arith.constant 0 : i32
      %dma_start3A_84 = tpu.memref_slice %arg10[%add3A_71, %dma_start3A] : memref<10240x128xf32, #tpu.memory_space<vmem_shared>> -> memref<128x128xf32, #tpu.memory_space<vmem_shared>>
      %dma_start3A_85 = arith.constant 0 : i32
      %dma_start3A_86 = tpu.memref_slice %arg10[%add3A_71, %dma_start3A_85] : memref<10240x128xf32, #tpu.memory_space<vmem_shared>> -> memref<128x128xf32, #tpu.memory_space<vmem_shared>>
      tpu.enqueue_dma source(%dma_start3A_86 : memref<128x128xf32, #tpu.memory_space<vmem_shared>>) target(%arg8 : memref<128x128xf32, #tpu.memory_space<vmem>>) target_semaphore(%run_scoped3A : memref<!tpu.dma_semaphore, #tpu.memory_space<semaphore_mem>>)
      %dma_wait3A = arith.constant 0 : i32
      %dma_wait3A_87 = tpu.memref_slice %arg10[%add3A_71, %dma_wait3A] : memref<10240x128xf32, #tpu.memory_space<vmem_shared>> -> memref<128x128xf32, #tpu.memory_space<vmem_shared>>
      %dma_wait3A_88 = arith.constant 0 : i32
      %dma_wait3A_89 = tpu.memref_slice %arg10[%add3A_71, %dma_wait3A_88] : memref<10240x128xf32, #tpu.memory_space<vmem_shared>> -> memref<128x128xf32, #tpu.memory_space<vmem_shared>>
      tpu.wait_dma2 semaphore(%run_scoped3A : memref<!tpu.dma_semaphore, #tpu.memory_space<semaphore_mem>>) src(%dma_wait3A_89 : memref<128x128xf32, #tpu.memory_space<vmem_shared>>) dst(%arg8 : memref<128x128xf32, #tpu.memory_space<vmem>>)
      tpu.yield
    }) : () -> ()
    %mul3A_72 = arith.constant 10240 : i32
    %mul3A_73 = arith.muli %arg0, %mul3A_72 : i32
    %add3A_74 = arith.addi %mul3A_73, %mul3A_0 : i32
    %add3A_75 = arith.constant 384 : i32
    %add3A_76 = arith.addi %add3A_74, %add3A_75 : i32
    "tpu.region"() ({
      %run_scoped3A = tpu.sem_alloc : memref<!tpu.dma_semaphore, #tpu.memory_space<semaphore_mem>>
      %dma_start3A = arith.constant 0 : i32
      %dma_start3A_84 = tpu.memref_slice %arg5[%add3A_76, %dma_start3A] : memref<20480x128xf32, #tpu.memory_space<hbm>> -> memref<128x128xf32, #tpu.memory_space<hbm>>
      %dma_start3A_85 = arith.constant 0 : i32
      %dma_start3A_86 = tpu.memref_slice %arg5[%add3A_76, %dma_start3A_85] : memref<20480x128xf32, #tpu.memory_space<hbm>> -> memref<128x128xf32, #tpu.memory_space<hbm>>
      tpu.enqueue_dma source(%arg8 : memref<128x128xf32, #tpu.memory_space<vmem>>) target(%dma_start3A_86 : memref<128x128xf32, #tpu.memory_space<hbm>>) target_semaphore(%run_scoped3A : memref<!tpu.dma_semaphore, #tpu.memory_space<semaphore_mem>>)
      %dma_wait3A = arith.constant 0 : i32
      %dma_wait3A_87 = tpu.memref_slice %arg5[%add3A_76, %dma_wait3A] : memref<20480x128xf32, #tpu.memory_space<hbm>> -> memref<128x128xf32, #tpu.memory_space<hbm>>
      %dma_wait3A_88 = arith.constant 0 : i32
      %dma_wait3A_89 = tpu.memref_slice %arg5[%add3A_76, %dma_wait3A_88] : memref<20480x128xf32, #tpu.memory_space<hbm>> -> memref<128x128xf32, #tpu.memory_space<hbm>>
      tpu.wait_dma2 semaphore(%run_scoped3A : memref<!tpu.dma_semaphore, #tpu.memory_space<semaphore_mem>>) src(%arg8 : memref<128x128xf32, #tpu.memory_space<vmem>>) dst(%dma_wait3A_89 : memref<128x128xf32, #tpu.memory_space<hbm>>)
      tpu.yield
    }) : () -> ()
    %add3A_77 = arith.constant 512 : i32
    %add3A_78 = arith.addi %mul3A_0, %add3A_77 : i32
    "tpu.region"() ({
      %run_scoped3A = tpu.sem_alloc : memref<!tpu.dma_semaphore, #tpu.memory_space<semaphore_mem>>
      %dma_start3A = arith.constant 0 : i32
      %dma_start3A_84 = tpu.memref_slice %arg10[%add3A_78, %dma_start3A] : memref<10240x128xf32, #tpu.memory_space<vmem_shared>> -> memref<128x128xf32, #tpu.memory_space<vmem_shared>>
      %dma_start3A_85 = arith.constant 0 : i32
      %dma_start3A_86 = tpu.memref_slice %arg10[%add3A_78, %dma_start3A_85] : memref<10240x128xf32, #tpu.memory_space<vmem_shared>> -> memref<128x128xf32, #tpu.memory_space<vmem_shared>>
      tpu.enqueue_dma source(%dma_start3A_86 : memref<128x128xf32, #tpu.memory_space<vmem_shared>>) target(%arg8 : memref<128x128xf32, #tpu.memory_space<vmem>>) target_semaphore(%run_scoped3A : memref<!tpu.dma_semaphore, #tpu.memory_space<semaphore_mem>>)
      %dma_wait3A = arith.constant 0 : i32
      %dma_wait3A_87 = tpu.memref_slice %arg10[%add3A_78, %dma_wait3A] : memref<10240x128xf32, #tpu.memory_space<vmem_shared>> -> memref<128x128xf32, #tpu.memory_space<vmem_shared>>
      %dma_wait3A_88 = arith.constant 0 : i32
      %dma_wait3A_89 = tpu.memref_slice %arg10[%add3A_78, %dma_wait3A_88] : memref<10240x128xf32, #tpu.memory_space<vmem_shared>> -> memref<128x128xf32, #tpu.memory_space<vmem_shared>>
      tpu.wait_dma2 semaphore(%run_scoped3A : memref<!tpu.dma_semaphore, #tpu.memory_space<semaphore_mem>>) src(%dma_wait3A_89 : memref<128x128xf32, #tpu.memory_space<vmem_shared>>) dst(%arg8 : memref<128x128xf32, #tpu.memory_space<vmem>>)
      tpu.yield
    }) : () -> ()
    %mul3A_79 = arith.constant 10240 : i32
    %mul3A_80 = arith.muli %arg0, %mul3A_79 : i32
    %add3A_81 = arith.addi %mul3A_80, %mul3A_0 : i32
    %add3A_82 = arith.constant 512 : i32
    %add3A_83 = arith.addi %add3A_81, %add3A_82 : i32
    "tpu.region"() ({
      %run_scoped3A = tpu.sem_alloc : memref<!tpu.dma_semaphore, #tpu.memory_space<semaphore_mem>>
      %dma_start3A = arith.constant 0 : i32
      %dma_start3A_84 = tpu.memref_slice %arg5[%add3A_83, %dma_start3A] : memref<20480x128xf32, #tpu.memory_space<hbm>> -> memref<128x128xf32, #tpu.memory_space<hbm>>
      %dma_start3A_85 = arith.constant 0 : i32
      %dma_start3A_86 = tpu.memref_slice %arg5[%add3A_83, %dma_start3A_85] : memref<20480x128xf32, #tpu.memory_space<hbm>> -> memref<128x128xf32, #tpu.memory_space<hbm>>
      tpu.enqueue_dma source(%arg8 : memref<128x128xf32, #tpu.memory_space<vmem>>) target(%dma_start3A_86 : memref<128x128xf32, #tpu.memory_space<hbm>>) target_semaphore(%run_scoped3A : memref<!tpu.dma_semaphore, #tpu.memory_space<semaphore_mem>>)
      %dma_wait3A = arith.constant 0 : i32
      %dma_wait3A_87 = tpu.memref_slice %arg5[%add3A_83, %dma_wait3A] : memref<20480x128xf32, #tpu.memory_space<hbm>> -> memref<128x128xf32, #tpu.memory_space<hbm>>
      %dma_wait3A_88 = arith.constant 0 : i32
      %dma_wait3A_89 = tpu.memref_slice %arg5[%add3A_83, %dma_wait3A_88] : memref<20480x128xf32, #tpu.memory_space<hbm>> -> memref<128x128xf32, #tpu.memory_space<hbm>>
      tpu.wait_dma2 semaphore(%run_scoped3A : memref<!tpu.dma_semaphore, #tpu.memory_space<semaphore_mem>>) src(%arg8 : memref<128x128xf32, #tpu.memory_space<vmem>>) dst(%dma_wait3A_89 : memref<128x128xf32, #tpu.memory_space<hbm>>)
      tpu.yield
    }) : () -> ()
    return
  }
}

#map = affine_map<(d0, d1) -> (0, 0)>
module attributes {stable_mosaic.version = 14 : i64} {
  func.func @agg_kernel(%arg0: i32, %arg1: i32, %arg2: memref<10240x128xf32, #tpu.memory_space<hbm>>, %arg3: memref<2560x128xi32, #tpu.memory_space<hbm>>, %arg4: memref<2560x128xi32, #tpu.memory_space<hbm>>, %arg5: memref<20480x128xf32, #tpu.memory_space<hbm>>, %arg6: memref<16x128xi32, #tpu.memory_space<vmem>>, %arg7: memref<16x128xi32, #tpu.memory_space<vmem>>, %arg8: memref<128x128xf32, #tpu.memory_space<vmem>>, %arg9: memref<!tpu.dma_semaphore, #tpu.memory_space<semaphore_mem>>, %arg10: memref<10240x128xf32, #tpu.memory_space<vmem_shared>>) attributes {dimension_semantics = [#tpu.dimension_semantics<core_parallel>, #tpu.dimension_semantics<subcore_parallel>], iteration_bounds = array<i64: 2, 16>, scalar_prefetch = 0 : i64, scratch_operands = 5 : i64, tpu.core_type = #tpu.core_type<sc_vector_subcore>, window_params = [{transform_indices = #map}, {transform_indices = #map}, {transform_indices = #map}, {transform_indices = #map}]} {
    %mul3A = arith.constant 640 : i32
    %mul3A_0 = arith.muli %arg1, %mul3A : i32
    %mul3A_1 = arith.constant 0 : i32
    %mul3A_2 = arith.muli %arg0, %mul3A_1 : i32
    %add3A = arith.addi %mul3A_2, %mul3A_0 : i32
    %add3A_3 = arith.constant 0 : i32
    %add3A_4 = arith.addi %add3A, %add3A_3 : i32
    "tpu.region"() ({
      %run_scoped3A = tpu.sem_alloc : memref<!tpu.dma_semaphore, #tpu.memory_space<semaphore_mem>>
      %dma_start3A = arith.constant 0 : i32
      %dma_start3A_84 = tpu.memref_slice %arg2[%add3A_4, %dma_start3A] : memref<10240x128xf32, #tpu.memory_space<hbm>> -> memref<128x128xf32, #tpu.memory_space<hbm>>
      %dma_start3A_85 = arith.constant 0 : i32
      %dma_start3A_86 = tpu.memref_slice %arg2[%add3A_4, %dma_start3A_85] : memref<10240x128xf32, #tpu.memory_space<hbm>> -> memref<128x128xf32, #tpu.memory_space<hbm>>
      tpu.enqueue_dma source(%dma_start3A_86 : memref<128x128xf32, #tpu.memory_space<hbm>>) target(%arg8 : memref<128x128xf32, #tpu.memory_space<vmem>>) target_semaphore(%run_scoped3A : memref<!tpu.dma_semaphore, #tpu.memory_space<semaphore_mem>>)
      %dma_wait3A = arith.constant 0 : i32
      %dma_wait3A_87 = tpu.memref_slice %arg2[%add3A_4, %dma_wait3A] : memref<10240x128xf32, #tpu.memory_space<hbm>> -> memref<128x128xf32, #tpu.memory_space<hbm>>
      %dma_wait3A_88 = arith.constant 0 : i32
      %dma_wait3A_89 = tpu.memref_slice %arg2[%add3A_4, %dma_wait3A_88] : memref<10240x128xf32, #tpu.memory_space<hbm>> -> memref<128x128xf32, #tpu.memory_space<hbm>>
      tpu.wait_dma2 semaphore(%run_scoped3A : memref<!tpu.dma_semaphore, #tpu.memory_space<semaphore_mem>>) src(%dma_wait3A_89 : memref<128x128xf32, #tpu.memory_space<hbm>>) dst(%arg8 : memref<128x128xf32, #tpu.memory_space<vmem>>)
      tpu.yield
    }) : () -> ()
    %add3A_5 = arith.constant 0 : i32
    %add3A_6 = arith.addi %mul3A_0, %add3A_5 : i32
    "tpu.region"() ({
      %run_scoped3A = tpu.sem_alloc : memref<!tpu.dma_semaphore, #tpu.memory_space<semaphore_mem>>
      %dma_start3A = arith.constant 0 : i32
      %dma_start3A_84 = tpu.memref_slice %arg10[%add3A_6, %dma_start3A] : memref<10240x128xf32, #tpu.memory_space<vmem_shared>> -> memref<128x128xf32, #tpu.memory_space<vmem_shared>>
      %dma_start3A_85 = arith.constant 0 : i32
      %dma_start3A_86 = tpu.memref_slice %arg10[%add3A_6, %dma_start3A_85] : memref<10240x128xf32, #tpu.memory_space<vmem_shared>> -> memref<128x128xf32, #tpu.memory_space<vmem_shared>>
      tpu.enqueue_dma source(%arg8 : memref<128x128xf32, #tpu.memory_space<vmem>>) target(%dma_start3A_86 : memref<128x128xf32, #tpu.memory_space<vmem_shared>>) target_semaphore(%run_scoped3A : memref<!tpu.dma_semaphore, #tpu.memory_space<semaphore_mem>>)
      %dma_wait3A = arith.constant 0 : i32
      %dma_wait3A_87 = tpu.memref_slice %arg10[%add3A_6, %dma_wait3A] : memref<10240x128xf32, #tpu.memory_space<vmem_shared>> -> memref<128x128xf32, #tpu.memory_space<vmem_shared>>
      %dma_wait3A_88 = arith.constant 0 : i32
      %dma_wait3A_89 = tpu.memref_slice %arg10[%add3A_6, %dma_wait3A_88] : memref<10240x128xf32, #tpu.memory_space<vmem_shared>> -> memref<128x128xf32, #tpu.memory_space<vmem_shared>>
      tpu.wait_dma2 semaphore(%run_scoped3A : memref<!tpu.dma_semaphore, #tpu.memory_space<semaphore_mem>>) src(%arg8 : memref<128x128xf32, #tpu.memory_space<vmem>>) dst(%dma_wait3A_89 : memref<128x128xf32, #tpu.memory_space<vmem_shared>>)
      tpu.yield
    }) : () -> ()
    %mul3A_7 = arith.constant 0 : i32
    %mul3A_8 = arith.muli %arg0, %mul3A_7 : i32
    %add3A_9 = arith.addi %mul3A_8, %mul3A_0 : i32
    %add3A_10 = arith.constant 128 : i32
    %add3A_11 = arith.addi %add3A_9, %add3A_10 : i32
    "tpu.region"() ({
      %run_scoped3A = tpu.sem_alloc : memref<!tpu.dma_semaphore, #tpu.memory_space<semaphore_mem>>
      %dma_start3A = arith.constant 0 : i32
      %dma_start3A_84 = tpu.memref_slice %arg2[%add3A_11, %dma_start3A] : memref<10240x128xf32, #tpu.memory_space<hbm>> -> memref<128x128xf32, #tpu.memory_space<hbm>>
      %dma_start3A_85 = arith.constant 0 : i32
      %dma_start3A_86 = tpu.memref_slice %arg2[%add3A_11, %dma_start3A_85] : memref<10240x128xf32, #tpu.memory_space<hbm>> -> memref<128x128xf32, #tpu.memory_space<hbm>>
      tpu.enqueue_dma source(%dma_start3A_86 : memref<128x128xf32, #tpu.memory_space<hbm>>) target(%arg8 : memref<128x128xf32, #tpu.memory_space<vmem>>) target_semaphore(%run_scoped3A : memref<!tpu.dma_semaphore, #tpu.memory_space<semaphore_mem>>)
      %dma_wait3A = arith.constant 0 : i32
      %dma_wait3A_87 = tpu.memref_slice %arg2[%add3A_11, %dma_wait3A] : memref<10240x128xf32, #tpu.memory_space<hbm>> -> memref<128x128xf32, #tpu.memory_space<hbm>>
      %dma_wait3A_88 = arith.constant 0 : i32
      %dma_wait3A_89 = tpu.memref_slice %arg2[%add3A_11, %dma_wait3A_88] : memref<10240x128xf32, #tpu.memory_space<hbm>> -> memref<128x128xf32, #tpu.memory_space<hbm>>
      tpu.wait_dma2 semaphore(%run_scoped3A : memref<!tpu.dma_semaphore, #tpu.memory_space<semaphore_mem>>) src(%dma_wait3A_89 : memref<128x128xf32, #tpu.memory_space<hbm>>) dst(%arg8 : memref<128x128xf32, #tpu.memory_space<vmem>>)
      tpu.yield
    }) : () -> ()
    %add3A_12 = arith.constant 128 : i32
    %add3A_13 = arith.addi %mul3A_0, %add3A_12 : i32
    "tpu.region"() ({
      %run_scoped3A = tpu.sem_alloc : memref<!tpu.dma_semaphore, #tpu.memory_space<semaphore_mem>>
      %dma_start3A = arith.constant 0 : i32
      %dma_start3A_84 = tpu.memref_slice %arg10[%add3A_13, %dma_start3A] : memref<10240x128xf32, #tpu.memory_space<vmem_shared>> -> memref<128x128xf32, #tpu.memory_space<vmem_shared>>
      %dma_start3A_85 = arith.constant 0 : i32
      %dma_start3A_86 = tpu.memref_slice %arg10[%add3A_13, %dma_start3A_85] : memref<10240x128xf32, #tpu.memory_space<vmem_shared>> -> memref<128x128xf32, #tpu.memory_space<vmem_shared>>
      tpu.enqueue_dma source(%arg8 : memref<128x128xf32, #tpu.memory_space<vmem>>) target(%dma_start3A_86 : memref<128x128xf32, #tpu.memory_space<vmem_shared>>) target_semaphore(%run_scoped3A : memref<!tpu.dma_semaphore, #tpu.memory_space<semaphore_mem>>)
      %dma_wait3A = arith.constant 0 : i32
      %dma_wait3A_87 = tpu.memref_slice %arg10[%add3A_13, %dma_wait3A] : memref<10240x128xf32, #tpu.memory_space<vmem_shared>> -> memref<128x128xf32, #tpu.memory_space<vmem_shared>>
      %dma_wait3A_88 = arith.constant 0 : i32
      %dma_wait3A_89 = tpu.memref_slice %arg10[%add3A_13, %dma_wait3A_88] : memref<10240x128xf32, #tpu.memory_space<vmem_shared>> -> memref<128x128xf32, #tpu.memory_space<vmem_shared>>
      tpu.wait_dma2 semaphore(%run_scoped3A : memref<!tpu.dma_semaphore, #tpu.memory_space<semaphore_mem>>) src(%arg8 : memref<128x128xf32, #tpu.memory_space<vmem>>) dst(%dma_wait3A_89 : memref<128x128xf32, #tpu.memory_space<vmem_shared>>)
      tpu.yield
    }) : () -> ()
    %mul3A_14 = arith.constant 0 : i32
    %mul3A_15 = arith.muli %arg0, %mul3A_14 : i32
    %add3A_16 = arith.addi %mul3A_15, %mul3A_0 : i32
    %add3A_17 = arith.constant 256 : i32
    %add3A_18 = arith.addi %add3A_16, %add3A_17 : i32
    "tpu.region"() ({
      %run_scoped3A = tpu.sem_alloc : memref<!tpu.dma_semaphore, #tpu.memory_space<semaphore_mem>>
      %dma_start3A = arith.constant 0 : i32
      %dma_start3A_84 = tpu.memref_slice %arg2[%add3A_18, %dma_start3A] : memref<10240x128xf32, #tpu.memory_space<hbm>> -> memref<128x128xf32, #tpu.memory_space<hbm>>
      %dma_start3A_85 = arith.constant 0 : i32
      %dma_start3A_86 = tpu.memref_slice %arg2[%add3A_18, %dma_start3A_85] : memref<10240x128xf32, #tpu.memory_space<hbm>> -> memref<128x128xf32, #tpu.memory_space<hbm>>
      tpu.enqueue_dma source(%dma_start3A_86 : memref<128x128xf32, #tpu.memory_space<hbm>>) target(%arg8 : memref<128x128xf32, #tpu.memory_space<vmem>>) target_semaphore(%run_scoped3A : memref<!tpu.dma_semaphore, #tpu.memory_space<semaphore_mem>>)
      %dma_wait3A = arith.constant 0 : i32
      %dma_wait3A_87 = tpu.memref_slice %arg2[%add3A_18, %dma_wait3A] : memref<10240x128xf32, #tpu.memory_space<hbm>> -> memref<128x128xf32, #tpu.memory_space<hbm>>
      %dma_wait3A_88 = arith.constant 0 : i32
      %dma_wait3A_89 = tpu.memref_slice %arg2[%add3A_18, %dma_wait3A_88] : memref<10240x128xf32, #tpu.memory_space<hbm>> -> memref<128x128xf32, #tpu.memory_space<hbm>>
      tpu.wait_dma2 semaphore(%run_scoped3A : memref<!tpu.dma_semaphore, #tpu.memory_space<semaphore_mem>>) src(%dma_wait3A_89 : memref<128x128xf32, #tpu.memory_space<hbm>>) dst(%arg8 : memref<128x128xf32, #tpu.memory_space<vmem>>)
      tpu.yield
    }) : () -> ()
    %add3A_19 = arith.constant 256 : i32
    %add3A_20 = arith.addi %mul3A_0, %add3A_19 : i32
    "tpu.region"() ({
      %run_scoped3A = tpu.sem_alloc : memref<!tpu.dma_semaphore, #tpu.memory_space<semaphore_mem>>
      %dma_start3A = arith.constant 0 : i32
      %dma_start3A_84 = tpu.memref_slice %arg10[%add3A_20, %dma_start3A] : memref<10240x128xf32, #tpu.memory_space<vmem_shared>> -> memref<128x128xf32, #tpu.memory_space<vmem_shared>>
      %dma_start3A_85 = arith.constant 0 : i32
      %dma_start3A_86 = tpu.memref_slice %arg10[%add3A_20, %dma_start3A_85] : memref<10240x128xf32, #tpu.memory_space<vmem_shared>> -> memref<128x128xf32, #tpu.memory_space<vmem_shared>>
      tpu.enqueue_dma source(%arg8 : memref<128x128xf32, #tpu.memory_space<vmem>>) target(%dma_start3A_86 : memref<128x128xf32, #tpu.memory_space<vmem_shared>>) target_semaphore(%run_scoped3A : memref<!tpu.dma_semaphore, #tpu.memory_space<semaphore_mem>>)
      %dma_wait3A = arith.constant 0 : i32
      %dma_wait3A_87 = tpu.memref_slice %arg10[%add3A_20, %dma_wait3A] : memref<10240x128xf32, #tpu.memory_space<vmem_shared>> -> memref<128x128xf32, #tpu.memory_space<vmem_shared>>
      %dma_wait3A_88 = arith.constant 0 : i32
      %dma_wait3A_89 = tpu.memref_slice %arg10[%add3A_20, %dma_wait3A_88] : memref<10240x128xf32, #tpu.memory_space<vmem_shared>> -> memref<128x128xf32, #tpu.memory_space<vmem_shared>>
      tpu.wait_dma2 semaphore(%run_scoped3A : memref<!tpu.dma_semaphore, #tpu.memory_space<semaphore_mem>>) src(%arg8 : memref<128x128xf32, #tpu.memory_space<vmem>>) dst(%dma_wait3A_89 : memref<128x128xf32, #tpu.memory_space<vmem_shared>>)
      tpu.yield
    }) : () -> ()
    %mul3A_21 = arith.constant 0 : i32
    %mul3A_22 = arith.muli %arg0, %mul3A_21 : i32
    %add3A_23 = arith.addi %mul3A_22, %mul3A_0 : i32
    %add3A_24 = arith.constant 384 : i32
    %add3A_25 = arith.addi %add3A_23, %add3A_24 : i32
    "tpu.region"() ({
      %run_scoped3A = tpu.sem_alloc : memref<!tpu.dma_semaphore, #tpu.memory_space<semaphore_mem>>
      %dma_start3A = arith.constant 0 : i32
      %dma_start3A_84 = tpu.memref_slice %arg2[%add3A_25, %dma_start3A] : memref<10240x128xf32, #tpu.memory_space<hbm>> -> memref<128x128xf32, #tpu.memory_space<hbm>>
      %dma_start3A_85 = arith.constant 0 : i32
      %dma_start3A_86 = tpu.memref_slice %arg2[%add3A_25, %dma_start3A_85] : memref<10240x128xf32, #tpu.memory_space<hbm>> -> memref<128x128xf32, #tpu.memory_space<hbm>>
      tpu.enqueue_dma source(%dma_start3A_86 : memref<128x128xf32, #tpu.memory_space<hbm>>) target(%arg8 : memref<128x128xf32, #tpu.memory_space<vmem>>) target_semaphore(%run_scoped3A : memref<!tpu.dma_semaphore, #tpu.memory_space<semaphore_mem>>)
      %dma_wait3A = arith.constant 0 : i32
      %dma_wait3A_87 = tpu.memref_slice %arg2[%add3A_25, %dma_wait3A] : memref<10240x128xf32, #tpu.memory_space<hbm>> -> memref<128x128xf32, #tpu.memory_space<hbm>>
      %dma_wait3A_88 = arith.constant 0 : i32
      %dma_wait3A_89 = tpu.memref_slice %arg2[%add3A_25, %dma_wait3A_88] : memref<10240x128xf32, #tpu.memory_space<hbm>> -> memref<128x128xf32, #tpu.memory_space<hbm>>
      tpu.wait_dma2 semaphore(%run_scoped3A : memref<!tpu.dma_semaphore, #tpu.memory_space<semaphore_mem>>) src(%dma_wait3A_89 : memref<128x128xf32, #tpu.memory_space<hbm>>) dst(%arg8 : memref<128x128xf32, #tpu.memory_space<vmem>>)
      tpu.yield
    }) : () -> ()
    %add3A_26 = arith.constant 384 : i32
    %add3A_27 = arith.addi %mul3A_0, %add3A_26 : i32
    "tpu.region"() ({
      %run_scoped3A = tpu.sem_alloc : memref<!tpu.dma_semaphore, #tpu.memory_space<semaphore_mem>>
      %dma_start3A = arith.constant 0 : i32
      %dma_start3A_84 = tpu.memref_slice %arg10[%add3A_27, %dma_start3A] : memref<10240x128xf32, #tpu.memory_space<vmem_shared>> -> memref<128x128xf32, #tpu.memory_space<vmem_shared>>
      %dma_start3A_85 = arith.constant 0 : i32
      %dma_start3A_86 = tpu.memref_slice %arg10[%add3A_27, %dma_start3A_85] : memref<10240x128xf32, #tpu.memory_space<vmem_shared>> -> memref<128x128xf32, #tpu.memory_space<vmem_shared>>
      tpu.enqueue_dma source(%arg8 : memref<128x128xf32, #tpu.memory_space<vmem>>) target(%dma_start3A_86 : memref<128x128xf32, #tpu.memory_space<vmem_shared>>) target_semaphore(%run_scoped3A : memref<!tpu.dma_semaphore, #tpu.memory_space<semaphore_mem>>)
      %dma_wait3A = arith.constant 0 : i32
      %dma_wait3A_87 = tpu.memref_slice %arg10[%add3A_27, %dma_wait3A] : memref<10240x128xf32, #tpu.memory_space<vmem_shared>> -> memref<128x128xf32, #tpu.memory_space<vmem_shared>>
      %dma_wait3A_88 = arith.constant 0 : i32
      %dma_wait3A_89 = tpu.memref_slice %arg10[%add3A_27, %dma_wait3A_88] : memref<10240x128xf32, #tpu.memory_space<vmem_shared>> -> memref<128x128xf32, #tpu.memory_space<vmem_shared>>
      tpu.wait_dma2 semaphore(%run_scoped3A : memref<!tpu.dma_semaphore, #tpu.memory_space<semaphore_mem>>) src(%arg8 : memref<128x128xf32, #tpu.memory_space<vmem>>) dst(%dma_wait3A_89 : memref<128x128xf32, #tpu.memory_space<vmem_shared>>)
      tpu.yield
    }) : () -> ()
    %mul3A_28 = arith.constant 0 : i32
    %mul3A_29 = arith.muli %arg0, %mul3A_28 : i32
    %add3A_30 = arith.addi %mul3A_29, %mul3A_0 : i32
    %add3A_31 = arith.constant 512 : i32
    %add3A_32 = arith.addi %add3A_30, %add3A_31 : i32
    "tpu.region"() ({
      %run_scoped3A = tpu.sem_alloc : memref<!tpu.dma_semaphore, #tpu.memory_space<semaphore_mem>>
      %dma_start3A = arith.constant 0 : i32
      %dma_start3A_84 = tpu.memref_slice %arg2[%add3A_32, %dma_start3A] : memref<10240x128xf32, #tpu.memory_space<hbm>> -> memref<128x128xf32, #tpu.memory_space<hbm>>
      %dma_start3A_85 = arith.constant 0 : i32
      %dma_start3A_86 = tpu.memref_slice %arg2[%add3A_32, %dma_start3A_85] : memref<10240x128xf32, #tpu.memory_space<hbm>> -> memref<128x128xf32, #tpu.memory_space<hbm>>
      tpu.enqueue_dma source(%dma_start3A_86 : memref<128x128xf32, #tpu.memory_space<hbm>>) target(%arg8 : memref<128x128xf32, #tpu.memory_space<vmem>>) target_semaphore(%run_scoped3A : memref<!tpu.dma_semaphore, #tpu.memory_space<semaphore_mem>>)
      %dma_wait3A = arith.constant 0 : i32
      %dma_wait3A_87 = tpu.memref_slice %arg2[%add3A_32, %dma_wait3A] : memref<10240x128xf32, #tpu.memory_space<hbm>> -> memref<128x128xf32, #tpu.memory_space<hbm>>
      %dma_wait3A_88 = arith.constant 0 : i32
      %dma_wait3A_89 = tpu.memref_slice %arg2[%add3A_32, %dma_wait3A_88] : memref<10240x128xf32, #tpu.memory_space<hbm>> -> memref<128x128xf32, #tpu.memory_space<hbm>>
      tpu.wait_dma2 semaphore(%run_scoped3A : memref<!tpu.dma_semaphore, #tpu.memory_space<semaphore_mem>>) src(%dma_wait3A_89 : memref<128x128xf32, #tpu.memory_space<hbm>>) dst(%arg8 : memref<128x128xf32, #tpu.memory_space<vmem>>)
      tpu.yield
    }) : () -> ()
    %add3A_33 = arith.constant 512 : i32
    %add3A_34 = arith.addi %mul3A_0, %add3A_33 : i32
    "tpu.region"() ({
      %run_scoped3A = tpu.sem_alloc : memref<!tpu.dma_semaphore, #tpu.memory_space<semaphore_mem>>
      %dma_start3A = arith.constant 0 : i32
      %dma_start3A_84 = tpu.memref_slice %arg10[%add3A_34, %dma_start3A] : memref<10240x128xf32, #tpu.memory_space<vmem_shared>> -> memref<128x128xf32, #tpu.memory_space<vmem_shared>>
      %dma_start3A_85 = arith.constant 0 : i32
      %dma_start3A_86 = tpu.memref_slice %arg10[%add3A_34, %dma_start3A_85] : memref<10240x128xf32, #tpu.memory_space<vmem_shared>> -> memref<128x128xf32, #tpu.memory_space<vmem_shared>>
      tpu.enqueue_dma source(%arg8 : memref<128x128xf32, #tpu.memory_space<vmem>>) target(%dma_start3A_86 : memref<128x128xf32, #tpu.memory_space<vmem_shared>>) target_semaphore(%run_scoped3A : memref<!tpu.dma_semaphore, #tpu.memory_space<semaphore_mem>>)
      %dma_wait3A = arith.constant 0 : i32
      %dma_wait3A_87 = tpu.memref_slice %arg10[%add3A_34, %dma_wait3A] : memref<10240x128xf32, #tpu.memory_space<vmem_shared>> -> memref<128x128xf32, #tpu.memory_space<vmem_shared>>
      %dma_wait3A_88 = arith.constant 0 : i32
      %dma_wait3A_89 = tpu.memref_slice %arg10[%add3A_34, %dma_wait3A_88] : memref<10240x128xf32, #tpu.memory_space<vmem_shared>> -> memref<128x128xf32, #tpu.memory_space<vmem_shared>>
      tpu.wait_dma2 semaphore(%run_scoped3A : memref<!tpu.dma_semaphore, #tpu.memory_space<semaphore_mem>>) src(%arg8 : memref<128x128xf32, #tpu.memory_space<vmem>>) dst(%dma_wait3A_89 : memref<128x128xf32, #tpu.memory_space<vmem_shared>>)
      tpu.yield
    }) : () -> ()
    %barrier3A = arith.constant 0 : index
    tpu.barrier barrier_id(%barrier3A)
    "tpu.region"() ({
      %run_scoped3A = tpu.sem_alloc : memref<!tpu.dma_semaphore, #tpu.memory_space<semaphore_mem>>
      %dma_start3A = arith.constant 0 : i32
      %dma_start3A_84 = arith.constant 0 : i32
      %dma_start3A_85 = tpu.memref_slice %arg2[%dma_start3A, %dma_start3A_84] : memref<10240x128xf32, #tpu.memory_space<hbm>> -> memref<128x128xf32, #tpu.memory_space<hbm>>
      %dma_start3A_86 = arith.constant 0 : i32
      %dma_start3A_87 = arith.constant 0 : i32
      %dma_start3A_88 = tpu.memref_slice %arg2[%dma_start3A_86, %dma_start3A_87] : memref<10240x128xf32, #tpu.memory_space<hbm>> -> memref<128x128xf32, #tpu.memory_space<hbm>>
      tpu.enqueue_dma source(%dma_start3A_88 : memref<128x128xf32, #tpu.memory_space<hbm>>) target(%arg8 : memref<128x128xf32, #tpu.memory_space<vmem>>) target_semaphore(%run_scoped3A : memref<!tpu.dma_semaphore, #tpu.memory_space<semaphore_mem>>)
      %dma_wait3A = arith.constant 0 : i32
      %dma_wait3A_89 = arith.constant 0 : i32
      %dma_wait3A_90 = tpu.memref_slice %arg2[%dma_wait3A, %dma_wait3A_89] : memref<10240x128xf32, #tpu.memory_space<hbm>> -> memref<128x128xf32, #tpu.memory_space<hbm>>
      %dma_wait3A_91 = arith.constant 0 : i32
      %dma_wait3A_92 = arith.constant 0 : i32
      %dma_wait3A_93 = tpu.memref_slice %arg2[%dma_wait3A_91, %dma_wait3A_92] : memref<10240x128xf32, #tpu.memory_space<hbm>> -> memref<128x128xf32, #tpu.memory_space<hbm>>
      tpu.wait_dma2 semaphore(%run_scoped3A : memref<!tpu.dma_semaphore, #tpu.memory_space<semaphore_mem>>) src(%dma_wait3A_93 : memref<128x128xf32, #tpu.memory_space<hbm>>) dst(%arg8 : memref<128x128xf32, #tpu.memory_space<vmem>>)
      tpu.yield
    }) : () -> ()
    %mul3A_35 = arith.constant 16 : i32
    %mul3A_36 = arith.muli %arg0, %mul3A_35 : i32
    %add3A_37 = arith.addi %mul3A_36, %arg1 : i32
    %mul3A_38 = arith.constant 80 : i32
    %mul3A_39 = arith.muli %add3A_37, %mul3A_38 : i32
    %mul3A_40 = arith.constant 0 : i32
    %mul3A_41 = arith.muli %arg0, %mul3A_40 : i32
    %broadcast_in_dim3A = vector.broadcast %mul3A_41 : i32 to vector<16xi32>
    %scan3A = arith.constant 0 : i32
    %scan3A_42 = arith.constant 0 : i32
    %scan3A_43 = arith.constant 5 : i32
    %scan3A_44 = arith.addi %scan3A_42, %scan3A_43 : i32
    %scan3A_45 = arith.constant 1 : i32
    %scan3A_46 = scf.for %scan3A_84 = %scan3A_42 to %scan3A_44 step %scan3A_45 iter_args(%scan3A_85 = %scan3A) -> (i32)  : i32 {
      %mul3A_86 = arith.constant 16 : i32
      %mul3A_87 = arith.muli %scan3A_84, %mul3A_86 : i32
      %add3A_88 = arith.addi %mul3A_39, %mul3A_87 : i32
      "tpu.region"() ({
        %run_scoped3A_105 = tpu.sem_alloc : memref<!tpu.dma_semaphore, #tpu.memory_space<semaphore_mem>>
        %dma_start3A = arith.constant 0 : i32
        %dma_start3A_106 = tpu.memref_slice %arg4[%add3A_88, %dma_start3A] : memref<2560x128xi32, #tpu.memory_space<hbm>> -> memref<16x128xi32, #tpu.memory_space<hbm>>
        %dma_start3A_107 = arith.constant 0 : i32
        %dma_start3A_108 = tpu.memref_slice %arg4[%add3A_88, %dma_start3A_107] : memref<2560x128xi32, #tpu.memory_space<hbm>> -> memref<16x128xi32, #tpu.memory_space<hbm>>
        tpu.enqueue_dma source(%dma_start3A_108 : memref<16x128xi32, #tpu.memory_space<hbm>>) target(%arg7 : memref<16x128xi32, #tpu.memory_space<vmem>>) target_semaphore(%run_scoped3A_105 : memref<!tpu.dma_semaphore, #tpu.memory_space<semaphore_mem>>)
        %dma_wait3A = arith.constant 0 : i32
        %dma_wait3A_109 = tpu.memref_slice %arg4[%add3A_88, %dma_wait3A] : memref<2560x128xi32, #tpu.memory_space<hbm>> -> memref<16x128xi32, #tpu.memory_space<hbm>>
        %dma_wait3A_110 = arith.constant 0 : i32
        %dma_wait3A_111 = tpu.memref_slice %arg4[%add3A_88, %dma_wait3A_110] : memref<2560x128xi32, #tpu.memory_space<hbm>> -> memref<16x128xi32, #tpu.memory_space<hbm>>
        tpu.wait_dma2 semaphore(%run_scoped3A_105 : memref<!tpu.dma_semaphore, #tpu.memory_space<semaphore_mem>>) src(%dma_wait3A_111 : memref<16x128xi32, #tpu.memory_space<hbm>>) dst(%arg7 : memref<16x128xi32, #tpu.memory_space<vmem>>)
        tpu.yield
      }) : () -> ()
      %run_scoped3A = arith.constant 0 : i32
      "tpu.region"() ({
        %run_scoped3A_105 = tpu.sem_alloc : memref<!tpu.dma_semaphore, #tpu.memory_space<semaphore_mem>>
        %dma_start3A = arith.constant 0 : i32
        %dma_start3A_106 = tpu.memref_slice %arg7[%run_scoped3A, %dma_start3A] : memref<16x128xi32, #tpu.memory_space<vmem>> -> memref<1x128xi32, #tpu.memory_space<vmem>>
        %dma_start3A_107 = tpu.memref_squeeze %dma_start3A_106 : memref<1x128xi32, #tpu.memory_space<vmem>> -> memref<128xi32, #tpu.memory_space<vmem>>
        %dma_start3A_108 = arith.constant 0 : i32
        %dma_start3A_109 = arith.constant 0 : i32
        %dma_start3A_110 = tpu.memref_slice %arg10[%dma_start3A_108, %dma_start3A_109] : memref<10240x128xf32, #tpu.memory_space<vmem_shared>> -> memref<10240x128xf32, #tpu.memory_space<vmem_shared>>
        tpu.enqueue_indirect_dma source(%arg8 : memref<128x128xf32, #tpu.memory_space<vmem>>) target(%dma_start3A_110 : memref<10240x128xf32, #tpu.memory_space<vmem_shared>>) offsets(%dma_start3A_107 : memref<128xi32, #tpu.memory_space<vmem>>) semaphore(%run_scoped3A_105 : memref<!tpu.dma_semaphore, #tpu.memory_space<semaphore_mem>>) {add = true}
        %dma_wait3A = arith.constant 0 : i32
        %dma_wait3A_111 = tpu.memref_slice %arg7[%run_scoped3A, %dma_wait3A] : memref<16x128xi32, #tpu.memory_space<vmem>> -> memref<1x128xi32, #tpu.memory_space<vmem>>
        %dma_wait3A_112 = tpu.memref_squeeze %dma_wait3A_111 : memref<1x128xi32, #tpu.memory_space<vmem>> -> memref<128xi32, #tpu.memory_space<vmem>>
        %dma_wait3A_113 = arith.constant 0 : i32
        %dma_wait3A_114 = arith.constant 0 : i32
        %dma_wait3A_115 = tpu.memref_slice %arg10[%dma_wait3A_113, %dma_wait3A_114] : memref<10240x128xf32, #tpu.memory_space<vmem_shared>> -> memref<10240x128xf32, #tpu.memory_space<vmem_shared>>
        tpu.wait_indirect_dma semaphore(%run_scoped3A_105 : memref<!tpu.dma_semaphore, #tpu.memory_space<semaphore_mem>>) src(%arg8 : memref<128x128xf32, #tpu.memory_space<vmem>>) dst(%dma_wait3A_115 : memref<10240x128xf32, #tpu.memory_space<vmem_shared>>)
        tpu.yield
      }) : () -> ()
      %run_scoped3A_89 = arith.constant 1 : i32
      "tpu.region"() ({
        %run_scoped3A_105 = tpu.sem_alloc : memref<!tpu.dma_semaphore, #tpu.memory_space<semaphore_mem>>
        %dma_start3A = arith.constant 0 : i32
        %dma_start3A_106 = tpu.memref_slice %arg7[%run_scoped3A_89, %dma_start3A] : memref<16x128xi32, #tpu.memory_space<vmem>> -> memref<1x128xi32, #tpu.memory_space<vmem>>
        %dma_start3A_107 = tpu.memref_squeeze %dma_start3A_106 : memref<1x128xi32, #tpu.memory_space<vmem>> -> memref<128xi32, #tpu.memory_space<vmem>>
        %dma_start3A_108 = arith.constant 0 : i32
        %dma_start3A_109 = arith.constant 0 : i32
        %dma_start3A_110 = tpu.memref_slice %arg10[%dma_start3A_108, %dma_start3A_109] : memref<10240x128xf32, #tpu.memory_space<vmem_shared>> -> memref<10240x128xf32, #tpu.memory_space<vmem_shared>>
        tpu.enqueue_indirect_dma source(%arg8 : memref<128x128xf32, #tpu.memory_space<vmem>>) target(%dma_start3A_110 : memref<10240x128xf32, #tpu.memory_space<vmem_shared>>) offsets(%dma_start3A_107 : memref<128xi32, #tpu.memory_space<vmem>>) semaphore(%run_scoped3A_105 : memref<!tpu.dma_semaphore, #tpu.memory_space<semaphore_mem>>) {add = true}
        %dma_wait3A = arith.constant 0 : i32
        %dma_wait3A_111 = tpu.memref_slice %arg7[%run_scoped3A_89, %dma_wait3A] : memref<16x128xi32, #tpu.memory_space<vmem>> -> memref<1x128xi32, #tpu.memory_space<vmem>>
        %dma_wait3A_112 = tpu.memref_squeeze %dma_wait3A_111 : memref<1x128xi32, #tpu.memory_space<vmem>> -> memref<128xi32, #tpu.memory_space<vmem>>
        %dma_wait3A_113 = arith.constant 0 : i32
        %dma_wait3A_114 = arith.constant 0 : i32
        %dma_wait3A_115 = tpu.memref_slice %arg10[%dma_wait3A_113, %dma_wait3A_114] : memref<10240x128xf32, #tpu.memory_space<vmem_shared>> -> memref<10240x128xf32, #tpu.memory_space<vmem_shared>>
        tpu.wait_indirect_dma semaphore(%run_scoped3A_105 : memref<!tpu.dma_semaphore, #tpu.memory_space<semaphore_mem>>) src(%arg8 : memref<128x128xf32, #tpu.memory_space<vmem>>) dst(%dma_wait3A_115 : memref<10240x128xf32, #tpu.memory_space<vmem_shared>>)
        tpu.yield
      }) : () -> ()
      %run_scoped3A_90 = arith.constant 2 : i32
      "tpu.region"() ({
        %run_scoped3A_105 = tpu.sem_alloc : memref<!tpu.dma_semaphore, #tpu.memory_space<semaphore_mem>>
        %dma_start3A = arith.constant 0 : i32
        %dma_start3A_106 = tpu.memref_slice %arg7[%run_scoped3A_90, %dma_start3A] : memref<16x128xi32, #tpu.memory_space<vmem>> -> memref<1x128xi32, #tpu.memory_space<vmem>>
        %dma_start3A_107 = tpu.memref_squeeze %dma_start3A_106 : memref<1x128xi32, #tpu.memory_space<vmem>> -> memref<128xi32, #tpu.memory_space<vmem>>
        %dma_start3A_108 = arith.constant 0 : i32
        %dma_start3A_109 = arith.constant 0 : i32
        %dma_start3A_110 = tpu.memref_slice %arg10[%dma_start3A_108, %dma_start3A_109] : memref<10240x128xf32, #tpu.memory_space<vmem_shared>> -> memref<10240x128xf32, #tpu.memory_space<vmem_shared>>
        tpu.enqueue_indirect_dma source(%arg8 : memref<128x128xf32, #tpu.memory_space<vmem>>) target(%dma_start3A_110 : memref<10240x128xf32, #tpu.memory_space<vmem_shared>>) offsets(%dma_start3A_107 : memref<128xi32, #tpu.memory_space<vmem>>) semaphore(%run_scoped3A_105 : memref<!tpu.dma_semaphore, #tpu.memory_space<semaphore_mem>>) {add = true}
        %dma_wait3A = arith.constant 0 : i32
        %dma_wait3A_111 = tpu.memref_slice %arg7[%run_scoped3A_90, %dma_wait3A] : memref<16x128xi32, #tpu.memory_space<vmem>> -> memref<1x128xi32, #tpu.memory_space<vmem>>
        %dma_wait3A_112 = tpu.memref_squeeze %dma_wait3A_111 : memref<1x128xi32, #tpu.memory_space<vmem>> -> memref<128xi32, #tpu.memory_space<vmem>>
        %dma_wait3A_113 = arith.constant 0 : i32
        %dma_wait3A_114 = arith.constant 0 : i32
        %dma_wait3A_115 = tpu.memref_slice %arg10[%dma_wait3A_113, %dma_wait3A_114] : memref<10240x128xf32, #tpu.memory_space<vmem_shared>> -> memref<10240x128xf32, #tpu.memory_space<vmem_shared>>
        tpu.wait_indirect_dma semaphore(%run_scoped3A_105 : memref<!tpu.dma_semaphore, #tpu.memory_space<semaphore_mem>>) src(%arg8 : memref<128x128xf32, #tpu.memory_space<vmem>>) dst(%dma_wait3A_115 : memref<10240x128xf32, #tpu.memory_space<vmem_shared>>)
        tpu.yield
      }) : () -> ()
      %run_scoped3A_91 = arith.constant 3 : i32
      "tpu.region"() ({
        %run_scoped3A_105 = tpu.sem_alloc : memref<!tpu.dma_semaphore, #tpu.memory_space<semaphore_mem>>
        %dma_start3A = arith.constant 0 : i32
        %dma_start3A_106 = tpu.memref_slice %arg7[%run_scoped3A_91, %dma_start3A] : memref<16x128xi32, #tpu.memory_space<vmem>> -> memref<1x128xi32, #tpu.memory_space<vmem>>
        %dma_start3A_107 = tpu.memref_squeeze %dma_start3A_106 : memref<1x128xi32, #tpu.memory_space<vmem>> -> memref<128xi32, #tpu.memory_space<vmem>>
        %dma_start3A_108 = arith.constant 0 : i32
        %dma_start3A_109 = arith.constant 0 : i32
        %dma_start3A_110 = tpu.memref_slice %arg10[%dma_start3A_108, %dma_start3A_109] : memref<10240x128xf32, #tpu.memory_space<vmem_shared>> -> memref<10240x128xf32, #tpu.memory_space<vmem_shared>>
        tpu.enqueue_indirect_dma source(%arg8 : memref<128x128xf32, #tpu.memory_space<vmem>>) target(%dma_start3A_110 : memref<10240x128xf32, #tpu.memory_space<vmem_shared>>) offsets(%dma_start3A_107 : memref<128xi32, #tpu.memory_space<vmem>>) semaphore(%run_scoped3A_105 : memref<!tpu.dma_semaphore, #tpu.memory_space<semaphore_mem>>) {add = true}
        %dma_wait3A = arith.constant 0 : i32
        %dma_wait3A_111 = tpu.memref_slice %arg7[%run_scoped3A_91, %dma_wait3A] : memref<16x128xi32, #tpu.memory_space<vmem>> -> memref<1x128xi32, #tpu.memory_space<vmem>>
        %dma_wait3A_112 = tpu.memref_squeeze %dma_wait3A_111 : memref<1x128xi32, #tpu.memory_space<vmem>> -> memref<128xi32, #tpu.memory_space<vmem>>
        %dma_wait3A_113 = arith.constant 0 : i32
        %dma_wait3A_114 = arith.constant 0 : i32
        %dma_wait3A_115 = tpu.memref_slice %arg10[%dma_wait3A_113, %dma_wait3A_114] : memref<10240x128xf32, #tpu.memory_space<vmem_shared>> -> memref<10240x128xf32, #tpu.memory_space<vmem_shared>>
        tpu.wait_indirect_dma semaphore(%run_scoped3A_105 : memref<!tpu.dma_semaphore, #tpu.memory_space<semaphore_mem>>) src(%arg8 : memref<128x128xf32, #tpu.memory_space<vmem>>) dst(%dma_wait3A_115 : memref<10240x128xf32, #tpu.memory_space<vmem_shared>>)
        tpu.yield
      }) : () -> ()
      %run_scoped3A_92 = arith.constant 4 : i32
      "tpu.region"() ({
        %run_scoped3A_105 = tpu.sem_alloc : memref<!tpu.dma_semaphore, #tpu.memory_space<semaphore_mem>>
        %dma_start3A = arith.constant 0 : i32
        %dma_start3A_106 = tpu.memref_slice %arg7[%run_scoped3A_92, %dma_start3A] : memref<16x128xi32, #tpu.memory_space<vmem>> -> memref<1x128xi32, #tpu.memory_space<vmem>>
        %dma_start3A_107 = tpu.memref_squeeze %dma_start3A_106 : memref<1x128xi32, #tpu.memory_space<vmem>> -> memref<128xi32, #tpu.memory_space<vmem>>
        %dma_start3A_108 = arith.constant 0 : i32
        %dma_start3A_109 = arith.constant 0 : i32
        %dma_start3A_110 = tpu.memref_slice %arg10[%dma_start3A_108, %dma_start3A_109] : memref<10240x128xf32, #tpu.memory_space<vmem_shared>> -> memref<10240x128xf32, #tpu.memory_space<vmem_shared>>
        tpu.enqueue_indirect_dma source(%arg8 : memref<128x128xf32, #tpu.memory_space<vmem>>) target(%dma_start3A_110 : memref<10240x128xf32, #tpu.memory_space<vmem_shared>>) offsets(%dma_start3A_107 : memref<128xi32, #tpu.memory_space<vmem>>) semaphore(%run_scoped3A_105 : memref<!tpu.dma_semaphore, #tpu.memory_space<semaphore_mem>>) {add = true}
        %dma_wait3A = arith.constant 0 : i32
        %dma_wait3A_111 = tpu.memref_slice %arg7[%run_scoped3A_92, %dma_wait3A] : memref<16x128xi32, #tpu.memory_space<vmem>> -> memref<1x128xi32, #tpu.memory_space<vmem>>
        %dma_wait3A_112 = tpu.memref_squeeze %dma_wait3A_111 : memref<1x128xi32, #tpu.memory_space<vmem>> -> memref<128xi32, #tpu.memory_space<vmem>>
        %dma_wait3A_113 = arith.constant 0 : i32
        %dma_wait3A_114 = arith.constant 0 : i32
        %dma_wait3A_115 = tpu.memref_slice %arg10[%dma_wait3A_113, %dma_wait3A_114] : memref<10240x128xf32, #tpu.memory_space<vmem_shared>> -> memref<10240x128xf32, #tpu.memory_space<vmem_shared>>
        tpu.wait_indirect_dma semaphore(%run_scoped3A_105 : memref<!tpu.dma_semaphore, #tpu.memory_space<semaphore_mem>>) src(%arg8 : memref<128x128xf32, #tpu.memory_space<vmem>>) dst(%dma_wait3A_115 : memref<10240x128xf32, #tpu.memory_space<vmem_shared>>)
        tpu.yield
      }) : () -> ()
      %run_scoped3A_93 = arith.constant 5 : i32
      "tpu.region"() ({
        %run_scoped3A_105 = tpu.sem_alloc : memref<!tpu.dma_semaphore, #tpu.memory_space<semaphore_mem>>
        %dma_start3A = arith.constant 0 : i32
        %dma_start3A_106 = tpu.memref_slice %arg7[%run_scoped3A_93, %dma_start3A] : memref<16x128xi32, #tpu.memory_space<vmem>> -> memref<1x128xi32, #tpu.memory_space<vmem>>
        %dma_start3A_107 = tpu.memref_squeeze %dma_start3A_106 : memref<1x128xi32, #tpu.memory_space<vmem>> -> memref<128xi32, #tpu.memory_space<vmem>>
        %dma_start3A_108 = arith.constant 0 : i32
        %dma_start3A_109 = arith.constant 0 : i32
        %dma_start3A_110 = tpu.memref_slice %arg10[%dma_start3A_108, %dma_start3A_109] : memref<10240x128xf32, #tpu.memory_space<vmem_shared>> -> memref<10240x128xf32, #tpu.memory_space<vmem_shared>>
        tpu.enqueue_indirect_dma source(%arg8 : memref<128x128xf32, #tpu.memory_space<vmem>>) target(%dma_start3A_110 : memref<10240x128xf32, #tpu.memory_space<vmem_shared>>) offsets(%dma_start3A_107 : memref<128xi32, #tpu.memory_space<vmem>>) semaphore(%run_scoped3A_105 : memref<!tpu.dma_semaphore, #tpu.memory_space<semaphore_mem>>) {add = true}
        %dma_wait3A = arith.constant 0 : i32
        %dma_wait3A_111 = tpu.memref_slice %arg7[%run_scoped3A_93, %dma_wait3A] : memref<16x128xi32, #tpu.memory_space<vmem>> -> memref<1x128xi32, #tpu.memory_space<vmem>>
        %dma_wait3A_112 = tpu.memref_squeeze %dma_wait3A_111 : memref<1x128xi32, #tpu.memory_space<vmem>> -> memref<128xi32, #tpu.memory_space<vmem>>
        %dma_wait3A_113 = arith.constant 0 : i32
        %dma_wait3A_114 = arith.constant 0 : i32
        %dma_wait3A_115 = tpu.memref_slice %arg10[%dma_wait3A_113, %dma_wait3A_114] : memref<10240x128xf32, #tpu.memory_space<vmem_shared>> -> memref<10240x128xf32, #tpu.memory_space<vmem_shared>>
        tpu.wait_indirect_dma semaphore(%run_scoped3A_105 : memref<!tpu.dma_semaphore, #tpu.memory_space<semaphore_mem>>) src(%arg8 : memref<128x128xf32, #tpu.memory_space<vmem>>) dst(%dma_wait3A_115 : memref<10240x128xf32, #tpu.memory_space<vmem_shared>>)
        tpu.yield
      }) : () -> ()
      %run_scoped3A_94 = arith.constant 6 : i32
      "tpu.region"() ({
        %run_scoped3A_105 = tpu.sem_alloc : memref<!tpu.dma_semaphore, #tpu.memory_space<semaphore_mem>>
        %dma_start3A = arith.constant 0 : i32
        %dma_start3A_106 = tpu.memref_slice %arg7[%run_scoped3A_94, %dma_start3A] : memref<16x128xi32, #tpu.memory_space<vmem>> -> memref<1x128xi32, #tpu.memory_space<vmem>>
        %dma_start3A_107 = tpu.memref_squeeze %dma_start3A_106 : memref<1x128xi32, #tpu.memory_space<vmem>> -> memref<128xi32, #tpu.memory_space<vmem>>
        %dma_start3A_108 = arith.constant 0 : i32
        %dma_start3A_109 = arith.constant 0 : i32
        %dma_start3A_110 = tpu.memref_slice %arg10[%dma_start3A_108, %dma_start3A_109] : memref<10240x128xf32, #tpu.memory_space<vmem_shared>> -> memref<10240x128xf32, #tpu.memory_space<vmem_shared>>
        tpu.enqueue_indirect_dma source(%arg8 : memref<128x128xf32, #tpu.memory_space<vmem>>) target(%dma_start3A_110 : memref<10240x128xf32, #tpu.memory_space<vmem_shared>>) offsets(%dma_start3A_107 : memref<128xi32, #tpu.memory_space<vmem>>) semaphore(%run_scoped3A_105 : memref<!tpu.dma_semaphore, #tpu.memory_space<semaphore_mem>>) {add = true}
        %dma_wait3A = arith.constant 0 : i32
        %dma_wait3A_111 = tpu.memref_slice %arg7[%run_scoped3A_94, %dma_wait3A] : memref<16x128xi32, #tpu.memory_space<vmem>> -> memref<1x128xi32, #tpu.memory_space<vmem>>
        %dma_wait3A_112 = tpu.memref_squeeze %dma_wait3A_111 : memref<1x128xi32, #tpu.memory_space<vmem>> -> memref<128xi32, #tpu.memory_space<vmem>>
        %dma_wait3A_113 = arith.constant 0 : i32
        %dma_wait3A_114 = arith.constant 0 : i32
        %dma_wait3A_115 = tpu.memref_slice %arg10[%dma_wait3A_113, %dma_wait3A_114] : memref<10240x128xf32, #tpu.memory_space<vmem_shared>> -> memref<10240x128xf32, #tpu.memory_space<vmem_shared>>
        tpu.wait_indirect_dma semaphore(%run_scoped3A_105 : memref<!tpu.dma_semaphore, #tpu.memory_space<semaphore_mem>>) src(%arg8 : memref<128x128xf32, #tpu.memory_space<vmem>>) dst(%dma_wait3A_115 : memref<10240x128xf32, #tpu.memory_space<vmem_shared>>)
        tpu.yield
      }) : () -> ()
      %run_scoped3A_95 = arith.constant 7 : i32
      "tpu.region"() ({
        %run_scoped3A_105 = tpu.sem_alloc : memref<!tpu.dma_semaphore, #tpu.memory_space<semaphore_mem>>
        %dma_start3A = arith.constant 0 : i32
        %dma_start3A_106 = tpu.memref_slice %arg7[%run_scoped3A_95, %dma_start3A] : memref<16x128xi32, #tpu.memory_space<vmem>> -> memref<1x128xi32, #tpu.memory_space<vmem>>
        %dma_start3A_107 = tpu.memref_squeeze %dma_start3A_106 : memref<1x128xi32, #tpu.memory_space<vmem>> -> memref<128xi32, #tpu.memory_space<vmem>>
        %dma_start3A_108 = arith.constant 0 : i32
        %dma_start3A_109 = arith.constant 0 : i32
        %dma_start3A_110 = tpu.memref_slice %arg10[%dma_start3A_108, %dma_start3A_109] : memref<10240x128xf32, #tpu.memory_space<vmem_shared>> -> memref<10240x128xf32, #tpu.memory_space<vmem_shared>>
        tpu.enqueue_indirect_dma source(%arg8 : memref<128x128xf32, #tpu.memory_space<vmem>>) target(%dma_start3A_110 : memref<10240x128xf32, #tpu.memory_space<vmem_shared>>) offsets(%dma_start3A_107 : memref<128xi32, #tpu.memory_space<vmem>>) semaphore(%run_scoped3A_105 : memref<!tpu.dma_semaphore, #tpu.memory_space<semaphore_mem>>) {add = true}
        %dma_wait3A = arith.constant 0 : i32
        %dma_wait3A_111 = tpu.memref_slice %arg7[%run_scoped3A_95, %dma_wait3A] : memref<16x128xi32, #tpu.memory_space<vmem>> -> memref<1x128xi32, #tpu.memory_space<vmem>>
        %dma_wait3A_112 = tpu.memref_squeeze %dma_wait3A_111 : memref<1x128xi32, #tpu.memory_space<vmem>> -> memref<128xi32, #tpu.memory_space<vmem>>
        %dma_wait3A_113 = arith.constant 0 : i32
        %dma_wait3A_114 = arith.constant 0 : i32
        %dma_wait3A_115 = tpu.memref_slice %arg10[%dma_wait3A_113, %dma_wait3A_114] : memref<10240x128xf32, #tpu.memory_space<vmem_shared>> -> memref<10240x128xf32, #tpu.memory_space<vmem_shared>>
        tpu.wait_indirect_dma semaphore(%run_scoped3A_105 : memref<!tpu.dma_semaphore, #tpu.memory_space<semaphore_mem>>) src(%arg8 : memref<128x128xf32, #tpu.memory_space<vmem>>) dst(%dma_wait3A_115 : memref<10240x128xf32, #tpu.memory_space<vmem_shared>>)
        tpu.yield
      }) : () -> ()
      %run_scoped3A_96 = arith.constant 8 : i32
      "tpu.region"() ({
        %run_scoped3A_105 = tpu.sem_alloc : memref<!tpu.dma_semaphore, #tpu.memory_space<semaphore_mem>>
        %dma_start3A = arith.constant 0 : i32
        %dma_start3A_106 = tpu.memref_slice %arg7[%run_scoped3A_96, %dma_start3A] : memref<16x128xi32, #tpu.memory_space<vmem>> -> memref<1x128xi32, #tpu.memory_space<vmem>>
        %dma_start3A_107 = tpu.memref_squeeze %dma_start3A_106 : memref<1x128xi32, #tpu.memory_space<vmem>> -> memref<128xi32, #tpu.memory_space<vmem>>
        %dma_start3A_108 = arith.constant 0 : i32
        %dma_start3A_109 = arith.constant 0 : i32
        %dma_start3A_110 = tpu.memref_slice %arg10[%dma_start3A_108, %dma_start3A_109] : memref<10240x128xf32, #tpu.memory_space<vmem_shared>> -> memref<10240x128xf32, #tpu.memory_space<vmem_shared>>
        tpu.enqueue_indirect_dma source(%arg8 : memref<128x128xf32, #tpu.memory_space<vmem>>) target(%dma_start3A_110 : memref<10240x128xf32, #tpu.memory_space<vmem_shared>>) offsets(%dma_start3A_107 : memref<128xi32, #tpu.memory_space<vmem>>) semaphore(%run_scoped3A_105 : memref<!tpu.dma_semaphore, #tpu.memory_space<semaphore_mem>>) {add = true}
        %dma_wait3A = arith.constant 0 : i32
        %dma_wait3A_111 = tpu.memref_slice %arg7[%run_scoped3A_96, %dma_wait3A] : memref<16x128xi32, #tpu.memory_space<vmem>> -> memref<1x128xi32, #tpu.memory_space<vmem>>
        %dma_wait3A_112 = tpu.memref_squeeze %dma_wait3A_111 : memref<1x128xi32, #tpu.memory_space<vmem>> -> memref<128xi32, #tpu.memory_space<vmem>>
        %dma_wait3A_113 = arith.constant 0 : i32
        %dma_wait3A_114 = arith.constant 0 : i32
        %dma_wait3A_115 = tpu.memref_slice %arg10[%dma_wait3A_113, %dma_wait3A_114] : memref<10240x128xf32, #tpu.memory_space<vmem_shared>> -> memref<10240x128xf32, #tpu.memory_space<vmem_shared>>
        tpu.wait_indirect_dma semaphore(%run_scoped3A_105 : memref<!tpu.dma_semaphore, #tpu.memory_space<semaphore_mem>>) src(%arg8 : memref<128x128xf32, #tpu.memory_space<vmem>>) dst(%dma_wait3A_115 : memref<10240x128xf32, #tpu.memory_space<vmem_shared>>)
        tpu.yield
      }) : () -> ()
      %run_scoped3A_97 = arith.constant 9 : i32
      "tpu.region"() ({
        %run_scoped3A_105 = tpu.sem_alloc : memref<!tpu.dma_semaphore, #tpu.memory_space<semaphore_mem>>
        %dma_start3A = arith.constant 0 : i32
        %dma_start3A_106 = tpu.memref_slice %arg7[%run_scoped3A_97, %dma_start3A] : memref<16x128xi32, #tpu.memory_space<vmem>> -> memref<1x128xi32, #tpu.memory_space<vmem>>
        %dma_start3A_107 = tpu.memref_squeeze %dma_start3A_106 : memref<1x128xi32, #tpu.memory_space<vmem>> -> memref<128xi32, #tpu.memory_space<vmem>>
        %dma_start3A_108 = arith.constant 0 : i32
        %dma_start3A_109 = arith.constant 0 : i32
        %dma_start3A_110 = tpu.memref_slice %arg10[%dma_start3A_108, %dma_start3A_109] : memref<10240x128xf32, #tpu.memory_space<vmem_shared>> -> memref<10240x128xf32, #tpu.memory_space<vmem_shared>>
        tpu.enqueue_indirect_dma source(%arg8 : memref<128x128xf32, #tpu.memory_space<vmem>>) target(%dma_start3A_110 : memref<10240x128xf32, #tpu.memory_space<vmem_shared>>) offsets(%dma_start3A_107 : memref<128xi32, #tpu.memory_space<vmem>>) semaphore(%run_scoped3A_105 : memref<!tpu.dma_semaphore, #tpu.memory_space<semaphore_mem>>) {add = true}
        %dma_wait3A = arith.constant 0 : i32
        %dma_wait3A_111 = tpu.memref_slice %arg7[%run_scoped3A_97, %dma_wait3A] : memref<16x128xi32, #tpu.memory_space<vmem>> -> memref<1x128xi32, #tpu.memory_space<vmem>>
        %dma_wait3A_112 = tpu.memref_squeeze %dma_wait3A_111 : memref<1x128xi32, #tpu.memory_space<vmem>> -> memref<128xi32, #tpu.memory_space<vmem>>
        %dma_wait3A_113 = arith.constant 0 : i32
        %dma_wait3A_114 = arith.constant 0 : i32
        %dma_wait3A_115 = tpu.memref_slice %arg10[%dma_wait3A_113, %dma_wait3A_114] : memref<10240x128xf32, #tpu.memory_space<vmem_shared>> -> memref<10240x128xf32, #tpu.memory_space<vmem_shared>>
        tpu.wait_indirect_dma semaphore(%run_scoped3A_105 : memref<!tpu.dma_semaphore, #tpu.memory_space<semaphore_mem>>) src(%arg8 : memref<128x128xf32, #tpu.memory_space<vmem>>) dst(%dma_wait3A_115 : memref<10240x128xf32, #tpu.memory_space<vmem_shared>>)
        tpu.yield
      }) : () -> ()
      %run_scoped3A_98 = arith.constant 10 : i32
      "tpu.region"() ({
        %run_scoped3A_105 = tpu.sem_alloc : memref<!tpu.dma_semaphore, #tpu.memory_space<semaphore_mem>>
        %dma_start3A = arith.constant 0 : i32
        %dma_start3A_106 = tpu.memref_slice %arg7[%run_scoped3A_98, %dma_start3A] : memref<16x128xi32, #tpu.memory_space<vmem>> -> memref<1x128xi32, #tpu.memory_space<vmem>>
        %dma_start3A_107 = tpu.memref_squeeze %dma_start3A_106 : memref<1x128xi32, #tpu.memory_space<vmem>> -> memref<128xi32, #tpu.memory_space<vmem>>
        %dma_start3A_108 = arith.constant 0 : i32
        %dma_start3A_109 = arith.constant 0 : i32
        %dma_start3A_110 = tpu.memref_slice %arg10[%dma_start3A_108, %dma_start3A_109] : memref<10240x128xf32, #tpu.memory_space<vmem_shared>> -> memref<10240x128xf32, #tpu.memory_space<vmem_shared>>
        tpu.enqueue_indirect_dma source(%arg8 : memref<128x128xf32, #tpu.memory_space<vmem>>) target(%dma_start3A_110 : memref<10240x128xf32, #tpu.memory_space<vmem_shared>>) offsets(%dma_start3A_107 : memref<128xi32, #tpu.memory_space<vmem>>) semaphore(%run_scoped3A_105 : memref<!tpu.dma_semaphore, #tpu.memory_space<semaphore_mem>>) {add = true}
        %dma_wait3A = arith.constant 0 : i32
        %dma_wait3A_111 = tpu.memref_slice %arg7[%run_scoped3A_98, %dma_wait3A] : memref<16x128xi32, #tpu.memory_space<vmem>> -> memref<1x128xi32, #tpu.memory_space<vmem>>
        %dma_wait3A_112 = tpu.memref_squeeze %dma_wait3A_111 : memref<1x128xi32, #tpu.memory_space<vmem>> -> memref<128xi32, #tpu.memory_space<vmem>>
        %dma_wait3A_113 = arith.constant 0 : i32
        %dma_wait3A_114 = arith.constant 0 : i32
        %dma_wait3A_115 = tpu.memref_slice %arg10[%dma_wait3A_113, %dma_wait3A_114] : memref<10240x128xf32, #tpu.memory_space<vmem_shared>> -> memref<10240x128xf32, #tpu.memory_space<vmem_shared>>
        tpu.wait_indirect_dma semaphore(%run_scoped3A_105 : memref<!tpu.dma_semaphore, #tpu.memory_space<semaphore_mem>>) src(%arg8 : memref<128x128xf32, #tpu.memory_space<vmem>>) dst(%dma_wait3A_115 : memref<10240x128xf32, #tpu.memory_space<vmem_shared>>)
        tpu.yield
      }) : () -> ()
      %run_scoped3A_99 = arith.constant 11 : i32
      "tpu.region"() ({
        %run_scoped3A_105 = tpu.sem_alloc : memref<!tpu.dma_semaphore, #tpu.memory_space<semaphore_mem>>
        %dma_start3A = arith.constant 0 : i32
        %dma_start3A_106 = tpu.memref_slice %arg7[%run_scoped3A_99, %dma_start3A] : memref<16x128xi32, #tpu.memory_space<vmem>> -> memref<1x128xi32, #tpu.memory_space<vmem>>
        %dma_start3A_107 = tpu.memref_squeeze %dma_start3A_106 : memref<1x128xi32, #tpu.memory_space<vmem>> -> memref<128xi32, #tpu.memory_space<vmem>>
        %dma_start3A_108 = arith.constant 0 : i32
        %dma_start3A_109 = arith.constant 0 : i32
        %dma_start3A_110 = tpu.memref_slice %arg10[%dma_start3A_108, %dma_start3A_109] : memref<10240x128xf32, #tpu.memory_space<vmem_shared>> -> memref<10240x128xf32, #tpu.memory_space<vmem_shared>>
        tpu.enqueue_indirect_dma source(%arg8 : memref<128x128xf32, #tpu.memory_space<vmem>>) target(%dma_start3A_110 : memref<10240x128xf32, #tpu.memory_space<vmem_shared>>) offsets(%dma_start3A_107 : memref<128xi32, #tpu.memory_space<vmem>>) semaphore(%run_scoped3A_105 : memref<!tpu.dma_semaphore, #tpu.memory_space<semaphore_mem>>) {add = true}
        %dma_wait3A = arith.constant 0 : i32
        %dma_wait3A_111 = tpu.memref_slice %arg7[%run_scoped3A_99, %dma_wait3A] : memref<16x128xi32, #tpu.memory_space<vmem>> -> memref<1x128xi32, #tpu.memory_space<vmem>>
        %dma_wait3A_112 = tpu.memref_squeeze %dma_wait3A_111 : memref<1x128xi32, #tpu.memory_space<vmem>> -> memref<128xi32, #tpu.memory_space<vmem>>
        %dma_wait3A_113 = arith.constant 0 : i32
        %dma_wait3A_114 = arith.constant 0 : i32
        %dma_wait3A_115 = tpu.memref_slice %arg10[%dma_wait3A_113, %dma_wait3A_114] : memref<10240x128xf32, #tpu.memory_space<vmem_shared>> -> memref<10240x128xf32, #tpu.memory_space<vmem_shared>>
        tpu.wait_indirect_dma semaphore(%run_scoped3A_105 : memref<!tpu.dma_semaphore, #tpu.memory_space<semaphore_mem>>) src(%arg8 : memref<128x128xf32, #tpu.memory_space<vmem>>) dst(%dma_wait3A_115 : memref<10240x128xf32, #tpu.memory_space<vmem_shared>>)
        tpu.yield
      }) : () -> ()
      %run_scoped3A_100 = arith.constant 12 : i32
      "tpu.region"() ({
        %run_scoped3A_105 = tpu.sem_alloc : memref<!tpu.dma_semaphore, #tpu.memory_space<semaphore_mem>>
        %dma_start3A = arith.constant 0 : i32
        %dma_start3A_106 = tpu.memref_slice %arg7[%run_scoped3A_100, %dma_start3A] : memref<16x128xi32, #tpu.memory_space<vmem>> -> memref<1x128xi32, #tpu.memory_space<vmem>>
        %dma_start3A_107 = tpu.memref_squeeze %dma_start3A_106 : memref<1x128xi32, #tpu.memory_space<vmem>> -> memref<128xi32, #tpu.memory_space<vmem>>
        %dma_start3A_108 = arith.constant 0 : i32
        %dma_start3A_109 = arith.constant 0 : i32
        %dma_start3A_110 = tpu.memref_slice %arg10[%dma_start3A_108, %dma_start3A_109] : memref<10240x128xf32, #tpu.memory_space<vmem_shared>> -> memref<10240x128xf32, #tpu.memory_space<vmem_shared>>
        tpu.enqueue_indirect_dma source(%arg8 : memref<128x128xf32, #tpu.memory_space<vmem>>) target(%dma_start3A_110 : memref<10240x128xf32, #tpu.memory_space<vmem_shared>>) offsets(%dma_start3A_107 : memref<128xi32, #tpu.memory_space<vmem>>) semaphore(%run_scoped3A_105 : memref<!tpu.dma_semaphore, #tpu.memory_space<semaphore_mem>>) {add = true}
        %dma_wait3A = arith.constant 0 : i32
        %dma_wait3A_111 = tpu.memref_slice %arg7[%run_scoped3A_100, %dma_wait3A] : memref<16x128xi32, #tpu.memory_space<vmem>> -> memref<1x128xi32, #tpu.memory_space<vmem>>
        %dma_wait3A_112 = tpu.memref_squeeze %dma_wait3A_111 : memref<1x128xi32, #tpu.memory_space<vmem>> -> memref<128xi32, #tpu.memory_space<vmem>>
        %dma_wait3A_113 = arith.constant 0 : i32
        %dma_wait3A_114 = arith.constant 0 : i32
        %dma_wait3A_115 = tpu.memref_slice %arg10[%dma_wait3A_113, %dma_wait3A_114] : memref<10240x128xf32, #tpu.memory_space<vmem_shared>> -> memref<10240x128xf32, #tpu.memory_space<vmem_shared>>
        tpu.wait_indirect_dma semaphore(%run_scoped3A_105 : memref<!tpu.dma_semaphore, #tpu.memory_space<semaphore_mem>>) src(%arg8 : memref<128x128xf32, #tpu.memory_space<vmem>>) dst(%dma_wait3A_115 : memref<10240x128xf32, #tpu.memory_space<vmem_shared>>)
        tpu.yield
      }) : () -> ()
      %run_scoped3A_101 = arith.constant 13 : i32
      "tpu.region"() ({
        %run_scoped3A_105 = tpu.sem_alloc : memref<!tpu.dma_semaphore, #tpu.memory_space<semaphore_mem>>
        %dma_start3A = arith.constant 0 : i32
        %dma_start3A_106 = tpu.memref_slice %arg7[%run_scoped3A_101, %dma_start3A] : memref<16x128xi32, #tpu.memory_space<vmem>> -> memref<1x128xi32, #tpu.memory_space<vmem>>
        %dma_start3A_107 = tpu.memref_squeeze %dma_start3A_106 : memref<1x128xi32, #tpu.memory_space<vmem>> -> memref<128xi32, #tpu.memory_space<vmem>>
        %dma_start3A_108 = arith.constant 0 : i32
        %dma_start3A_109 = arith.constant 0 : i32
        %dma_start3A_110 = tpu.memref_slice %arg10[%dma_start3A_108, %dma_start3A_109] : memref<10240x128xf32, #tpu.memory_space<vmem_shared>> -> memref<10240x128xf32, #tpu.memory_space<vmem_shared>>
        tpu.enqueue_indirect_dma source(%arg8 : memref<128x128xf32, #tpu.memory_space<vmem>>) target(%dma_start3A_110 : memref<10240x128xf32, #tpu.memory_space<vmem_shared>>) offsets(%dma_start3A_107 : memref<128xi32, #tpu.memory_space<vmem>>) semaphore(%run_scoped3A_105 : memref<!tpu.dma_semaphore, #tpu.memory_space<semaphore_mem>>) {add = true}
        %dma_wait3A = arith.constant 0 : i32
        %dma_wait3A_111 = tpu.memref_slice %arg7[%run_scoped3A_101, %dma_wait3A] : memref<16x128xi32, #tpu.memory_space<vmem>> -> memref<1x128xi32, #tpu.memory_space<vmem>>
        %dma_wait3A_112 = tpu.memref_squeeze %dma_wait3A_111 : memref<1x128xi32, #tpu.memory_space<vmem>> -> memref<128xi32, #tpu.memory_space<vmem>>
        %dma_wait3A_113 = arith.constant 0 : i32
        %dma_wait3A_114 = arith.constant 0 : i32
        %dma_wait3A_115 = tpu.memref_slice %arg10[%dma_wait3A_113, %dma_wait3A_114] : memref<10240x128xf32, #tpu.memory_space<vmem_shared>> -> memref<10240x128xf32, #tpu.memory_space<vmem_shared>>
        tpu.wait_indirect_dma semaphore(%run_scoped3A_105 : memref<!tpu.dma_semaphore, #tpu.memory_space<semaphore_mem>>) src(%arg8 : memref<128x128xf32, #tpu.memory_space<vmem>>) dst(%dma_wait3A_115 : memref<10240x128xf32, #tpu.memory_space<vmem_shared>>)
        tpu.yield
      }) : () -> ()
      %run_scoped3A_102 = arith.constant 14 : i32
      "tpu.region"() ({
        %run_scoped3A_105 = tpu.sem_alloc : memref<!tpu.dma_semaphore, #tpu.memory_space<semaphore_mem>>
        %dma_start3A = arith.constant 0 : i32
        %dma_start3A_106 = tpu.memref_slice %arg7[%run_scoped3A_102, %dma_start3A] : memref<16x128xi32, #tpu.memory_space<vmem>> -> memref<1x128xi32, #tpu.memory_space<vmem>>
        %dma_start3A_107 = tpu.memref_squeeze %dma_start3A_106 : memref<1x128xi32, #tpu.memory_space<vmem>> -> memref<128xi32, #tpu.memory_space<vmem>>
        %dma_start3A_108 = arith.constant 0 : i32
        %dma_start3A_109 = arith.constant 0 : i32
        %dma_start3A_110 = tpu.memref_slice %arg10[%dma_start3A_108, %dma_start3A_109] : memref<10240x128xf32, #tpu.memory_space<vmem_shared>> -> memref<10240x128xf32, #tpu.memory_space<vmem_shared>>
        tpu.enqueue_indirect_dma source(%arg8 : memref<128x128xf32, #tpu.memory_space<vmem>>) target(%dma_start3A_110 : memref<10240x128xf32, #tpu.memory_space<vmem_shared>>) offsets(%dma_start3A_107 : memref<128xi32, #tpu.memory_space<vmem>>) semaphore(%run_scoped3A_105 : memref<!tpu.dma_semaphore, #tpu.memory_space<semaphore_mem>>) {add = true}
        %dma_wait3A = arith.constant 0 : i32
        %dma_wait3A_111 = tpu.memref_slice %arg7[%run_scoped3A_102, %dma_wait3A] : memref<16x128xi32, #tpu.memory_space<vmem>> -> memref<1x128xi32, #tpu.memory_space<vmem>>
        %dma_wait3A_112 = tpu.memref_squeeze %dma_wait3A_111 : memref<1x128xi32, #tpu.memory_space<vmem>> -> memref<128xi32, #tpu.memory_space<vmem>>
        %dma_wait3A_113 = arith.constant 0 : i32
        %dma_wait3A_114 = arith.constant 0 : i32
        %dma_wait3A_115 = tpu.memref_slice %arg10[%dma_wait3A_113, %dma_wait3A_114] : memref<10240x128xf32, #tpu.memory_space<vmem_shared>> -> memref<10240x128xf32, #tpu.memory_space<vmem_shared>>
        tpu.wait_indirect_dma semaphore(%run_scoped3A_105 : memref<!tpu.dma_semaphore, #tpu.memory_space<semaphore_mem>>) src(%arg8 : memref<128x128xf32, #tpu.memory_space<vmem>>) dst(%dma_wait3A_115 : memref<10240x128xf32, #tpu.memory_space<vmem_shared>>)
        tpu.yield
      }) : () -> ()
      %run_scoped3A_103 = arith.constant 15 : i32
      "tpu.region"() ({
        %run_scoped3A_105 = tpu.sem_alloc : memref<!tpu.dma_semaphore, #tpu.memory_space<semaphore_mem>>
        %dma_start3A = arith.constant 0 : i32
        %dma_start3A_106 = tpu.memref_slice %arg7[%run_scoped3A_103, %dma_start3A] : memref<16x128xi32, #tpu.memory_space<vmem>> -> memref<1x128xi32, #tpu.memory_space<vmem>>
        %dma_start3A_107 = tpu.memref_squeeze %dma_start3A_106 : memref<1x128xi32, #tpu.memory_space<vmem>> -> memref<128xi32, #tpu.memory_space<vmem>>
        %dma_start3A_108 = arith.constant 0 : i32
        %dma_start3A_109 = arith.constant 0 : i32
        %dma_start3A_110 = tpu.memref_slice %arg10[%dma_start3A_108, %dma_start3A_109] : memref<10240x128xf32, #tpu.memory_space<vmem_shared>> -> memref<10240x128xf32, #tpu.memory_space<vmem_shared>>
        tpu.enqueue_indirect_dma source(%arg8 : memref<128x128xf32, #tpu.memory_space<vmem>>) target(%dma_start3A_110 : memref<10240x128xf32, #tpu.memory_space<vmem_shared>>) offsets(%dma_start3A_107 : memref<128xi32, #tpu.memory_space<vmem>>) semaphore(%run_scoped3A_105 : memref<!tpu.dma_semaphore, #tpu.memory_space<semaphore_mem>>) {add = true}
        %dma_wait3A = arith.constant 0 : i32
        %dma_wait3A_111 = tpu.memref_slice %arg7[%run_scoped3A_103, %dma_wait3A] : memref<16x128xi32, #tpu.memory_space<vmem>> -> memref<1x128xi32, #tpu.memory_space<vmem>>
        %dma_wait3A_112 = tpu.memref_squeeze %dma_wait3A_111 : memref<1x128xi32, #tpu.memory_space<vmem>> -> memref<128xi32, #tpu.memory_space<vmem>>
        %dma_wait3A_113 = arith.constant 0 : i32
        %dma_wait3A_114 = arith.constant 0 : i32
        %dma_wait3A_115 = tpu.memref_slice %arg10[%dma_wait3A_113, %dma_wait3A_114] : memref<10240x128xf32, #tpu.memory_space<vmem_shared>> -> memref<10240x128xf32, #tpu.memory_space<vmem_shared>>
        tpu.wait_indirect_dma semaphore(%run_scoped3A_105 : memref<!tpu.dma_semaphore, #tpu.memory_space<semaphore_mem>>) src(%arg8 : memref<128x128xf32, #tpu.memory_space<vmem>>) dst(%dma_wait3A_115 : memref<10240x128xf32, #tpu.memory_space<vmem_shared>>)
        tpu.yield
      }) : () -> ()
      %scan3A_104 = arith.constant 0 : i32
      scf.yield %scan3A_104 : i32
    }
    %scan3A_47 = arith.constant 5 : i32
    %barrier3A_48 = arith.constant 0 : index
    tpu.barrier barrier_id(%barrier3A_48)
    %add3A_49 = arith.constant 0 : i32
    %add3A_50 = arith.addi %mul3A_0, %add3A_49 : i32
    "tpu.region"() ({
      %run_scoped3A = tpu.sem_alloc : memref<!tpu.dma_semaphore, #tpu.memory_space<semaphore_mem>>
      %dma_start3A = arith.constant 0 : i32
      %dma_start3A_84 = tpu.memref_slice %arg10[%add3A_50, %dma_start3A] : memref<10240x128xf32, #tpu.memory_space<vmem_shared>> -> memref<128x128xf32, #tpu.memory_space<vmem_shared>>
      %dma_start3A_85 = arith.constant 0 : i32
      %dma_start3A_86 = tpu.memref_slice %arg10[%add3A_50, %dma_start3A_85] : memref<10240x128xf32, #tpu.memory_space<vmem_shared>> -> memref<128x128xf32, #tpu.memory_space<vmem_shared>>
      tpu.enqueue_dma source(%dma_start3A_86 : memref<128x128xf32, #tpu.memory_space<vmem_shared>>) target(%arg8 : memref<128x128xf32, #tpu.memory_space<vmem>>) target_semaphore(%run_scoped3A : memref<!tpu.dma_semaphore, #tpu.memory_space<semaphore_mem>>)
      %dma_wait3A = arith.constant 0 : i32
      %dma_wait3A_87 = tpu.memref_slice %arg10[%add3A_50, %dma_wait3A] : memref<10240x128xf32, #tpu.memory_space<vmem_shared>> -> memref<128x128xf32, #tpu.memory_space<vmem_shared>>
      %dma_wait3A_88 = arith.constant 0 : i32
      %dma_wait3A_89 = tpu.memref_slice %arg10[%add3A_50, %dma_wait3A_88] : memref<10240x128xf32, #tpu.memory_space<vmem_shared>> -> memref<128x128xf32, #tpu.memory_space<vmem_shared>>
      tpu.wait_dma2 semaphore(%run_scoped3A : memref<!tpu.dma_semaphore, #tpu.memory_space<semaphore_mem>>) src(%dma_wait3A_89 : memref<128x128xf32, #tpu.memory_space<vmem_shared>>) dst(%arg8 : memref<128x128xf32, #tpu.memory_space<vmem>>)
      tpu.yield
    }) : () -> ()
    %mul3A_51 = arith.constant 10240 : i32
    %mul3A_52 = arith.muli %arg0, %mul3A_51 : i32
    %add3A_53 = arith.addi %mul3A_52, %mul3A_0 : i32
    %add3A_54 = arith.constant 0 : i32
    %add3A_55 = arith.addi %add3A_53, %add3A_54 : i32
    "tpu.region"() ({
      %run_scoped3A = tpu.sem_alloc : memref<!tpu.dma_semaphore, #tpu.memory_space<semaphore_mem>>
      %dma_start3A = arith.constant 0 : i32
      %dma_start3A_84 = tpu.memref_slice %arg5[%add3A_55, %dma_start3A] : memref<20480x128xf32, #tpu.memory_space<hbm>> -> memref<128x128xf32, #tpu.memory_space<hbm>>
      %dma_start3A_85 = arith.constant 0 : i32
      %dma_start3A_86 = tpu.memref_slice %arg5[%add3A_55, %dma_start3A_85] : memref<20480x128xf32, #tpu.memory_space<hbm>> -> memref<128x128xf32, #tpu.memory_space<hbm>>
      tpu.enqueue_dma source(%arg8 : memref<128x128xf32, #tpu.memory_space<vmem>>) target(%dma_start3A_86 : memref<128x128xf32, #tpu.memory_space<hbm>>) target_semaphore(%run_scoped3A : memref<!tpu.dma_semaphore, #tpu.memory_space<semaphore_mem>>)
      %dma_wait3A = arith.constant 0 : i32
      %dma_wait3A_87 = tpu.memref_slice %arg5[%add3A_55, %dma_wait3A] : memref<20480x128xf32, #tpu.memory_space<hbm>> -> memref<128x128xf32, #tpu.memory_space<hbm>>
      %dma_wait3A_88 = arith.constant 0 : i32
      %dma_wait3A_89 = tpu.memref_slice %arg5[%add3A_55, %dma_wait3A_88] : memref<20480x128xf32, #tpu.memory_space<hbm>> -> memref<128x128xf32, #tpu.memory_space<hbm>>
      tpu.wait_dma2 semaphore(%run_scoped3A : memref<!tpu.dma_semaphore, #tpu.memory_space<semaphore_mem>>) src(%arg8 : memref<128x128xf32, #tpu.memory_space<vmem>>) dst(%dma_wait3A_89 : memref<128x128xf32, #tpu.memory_space<hbm>>)
      tpu.yield
    }) : () -> ()
    %add3A_56 = arith.constant 128 : i32
    %add3A_57 = arith.addi %mul3A_0, %add3A_56 : i32
    "tpu.region"() ({
      %run_scoped3A = tpu.sem_alloc : memref<!tpu.dma_semaphore, #tpu.memory_space<semaphore_mem>>
      %dma_start3A = arith.constant 0 : i32
      %dma_start3A_84 = tpu.memref_slice %arg10[%add3A_57, %dma_start3A] : memref<10240x128xf32, #tpu.memory_space<vmem_shared>> -> memref<128x128xf32, #tpu.memory_space<vmem_shared>>
      %dma_start3A_85 = arith.constant 0 : i32
      %dma_start3A_86 = tpu.memref_slice %arg10[%add3A_57, %dma_start3A_85] : memref<10240x128xf32, #tpu.memory_space<vmem_shared>> -> memref<128x128xf32, #tpu.memory_space<vmem_shared>>
      tpu.enqueue_dma source(%dma_start3A_86 : memref<128x128xf32, #tpu.memory_space<vmem_shared>>) target(%arg8 : memref<128x128xf32, #tpu.memory_space<vmem>>) target_semaphore(%run_scoped3A : memref<!tpu.dma_semaphore, #tpu.memory_space<semaphore_mem>>)
      %dma_wait3A = arith.constant 0 : i32
      %dma_wait3A_87 = tpu.memref_slice %arg10[%add3A_57, %dma_wait3A] : memref<10240x128xf32, #tpu.memory_space<vmem_shared>> -> memref<128x128xf32, #tpu.memory_space<vmem_shared>>
      %dma_wait3A_88 = arith.constant 0 : i32
      %dma_wait3A_89 = tpu.memref_slice %arg10[%add3A_57, %dma_wait3A_88] : memref<10240x128xf32, #tpu.memory_space<vmem_shared>> -> memref<128x128xf32, #tpu.memory_space<vmem_shared>>
      tpu.wait_dma2 semaphore(%run_scoped3A : memref<!tpu.dma_semaphore, #tpu.memory_space<semaphore_mem>>) src(%dma_wait3A_89 : memref<128x128xf32, #tpu.memory_space<vmem_shared>>) dst(%arg8 : memref<128x128xf32, #tpu.memory_space<vmem>>)
      tpu.yield
    }) : () -> ()
    %mul3A_58 = arith.constant 10240 : i32
    %mul3A_59 = arith.muli %arg0, %mul3A_58 : i32
    %add3A_60 = arith.addi %mul3A_59, %mul3A_0 : i32
    %add3A_61 = arith.constant 128 : i32
    %add3A_62 = arith.addi %add3A_60, %add3A_61 : i32
    "tpu.region"() ({
      %run_scoped3A = tpu.sem_alloc : memref<!tpu.dma_semaphore, #tpu.memory_space<semaphore_mem>>
      %dma_start3A = arith.constant 0 : i32
      %dma_start3A_84 = tpu.memref_slice %arg5[%add3A_62, %dma_start3A] : memref<20480x128xf32, #tpu.memory_space<hbm>> -> memref<128x128xf32, #tpu.memory_space<hbm>>
      %dma_start3A_85 = arith.constant 0 : i32
      %dma_start3A_86 = tpu.memref_slice %arg5[%add3A_62, %dma_start3A_85] : memref<20480x128xf32, #tpu.memory_space<hbm>> -> memref<128x128xf32, #tpu.memory_space<hbm>>
      tpu.enqueue_dma source(%arg8 : memref<128x128xf32, #tpu.memory_space<vmem>>) target(%dma_start3A_86 : memref<128x128xf32, #tpu.memory_space<hbm>>) target_semaphore(%run_scoped3A : memref<!tpu.dma_semaphore, #tpu.memory_space<semaphore_mem>>)
      %dma_wait3A = arith.constant 0 : i32
      %dma_wait3A_87 = tpu.memref_slice %arg5[%add3A_62, %dma_wait3A] : memref<20480x128xf32, #tpu.memory_space<hbm>> -> memref<128x128xf32, #tpu.memory_space<hbm>>
      %dma_wait3A_88 = arith.constant 0 : i32
      %dma_wait3A_89 = tpu.memref_slice %arg5[%add3A_62, %dma_wait3A_88] : memref<20480x128xf32, #tpu.memory_space<hbm>> -> memref<128x128xf32, #tpu.memory_space<hbm>>
      tpu.wait_dma2 semaphore(%run_scoped3A : memref<!tpu.dma_semaphore, #tpu.memory_space<semaphore_mem>>) src(%arg8 : memref<128x128xf32, #tpu.memory_space<vmem>>) dst(%dma_wait3A_89 : memref<128x128xf32, #tpu.memory_space<hbm>>)
      tpu.yield
    }) : () -> ()
    %add3A_63 = arith.constant 256 : i32
    %add3A_64 = arith.addi %mul3A_0, %add3A_63 : i32
    "tpu.region"() ({
      %run_scoped3A = tpu.sem_alloc : memref<!tpu.dma_semaphore, #tpu.memory_space<semaphore_mem>>
      %dma_start3A = arith.constant 0 : i32
      %dma_start3A_84 = tpu.memref_slice %arg10[%add3A_64, %dma_start3A] : memref<10240x128xf32, #tpu.memory_space<vmem_shared>> -> memref<128x128xf32, #tpu.memory_space<vmem_shared>>
      %dma_start3A_85 = arith.constant 0 : i32
      %dma_start3A_86 = tpu.memref_slice %arg10[%add3A_64, %dma_start3A_85] : memref<10240x128xf32, #tpu.memory_space<vmem_shared>> -> memref<128x128xf32, #tpu.memory_space<vmem_shared>>
      tpu.enqueue_dma source(%dma_start3A_86 : memref<128x128xf32, #tpu.memory_space<vmem_shared>>) target(%arg8 : memref<128x128xf32, #tpu.memory_space<vmem>>) target_semaphore(%run_scoped3A : memref<!tpu.dma_semaphore, #tpu.memory_space<semaphore_mem>>)
      %dma_wait3A = arith.constant 0 : i32
      %dma_wait3A_87 = tpu.memref_slice %arg10[%add3A_64, %dma_wait3A] : memref<10240x128xf32, #tpu.memory_space<vmem_shared>> -> memref<128x128xf32, #tpu.memory_space<vmem_shared>>
      %dma_wait3A_88 = arith.constant 0 : i32
      %dma_wait3A_89 = tpu.memref_slice %arg10[%add3A_64, %dma_wait3A_88] : memref<10240x128xf32, #tpu.memory_space<vmem_shared>> -> memref<128x128xf32, #tpu.memory_space<vmem_shared>>
      tpu.wait_dma2 semaphore(%run_scoped3A : memref<!tpu.dma_semaphore, #tpu.memory_space<semaphore_mem>>) src(%dma_wait3A_89 : memref<128x128xf32, #tpu.memory_space<vmem_shared>>) dst(%arg8 : memref<128x128xf32, #tpu.memory_space<vmem>>)
      tpu.yield
    }) : () -> ()
    %mul3A_65 = arith.constant 10240 : i32
    %mul3A_66 = arith.muli %arg0, %mul3A_65 : i32
    %add3A_67 = arith.addi %mul3A_66, %mul3A_0 : i32
    %add3A_68 = arith.constant 256 : i32
    %add3A_69 = arith.addi %add3A_67, %add3A_68 : i32
    "tpu.region"() ({
      %run_scoped3A = tpu.sem_alloc : memref<!tpu.dma_semaphore, #tpu.memory_space<semaphore_mem>>
      %dma_start3A = arith.constant 0 : i32
      %dma_start3A_84 = tpu.memref_slice %arg5[%add3A_69, %dma_start3A] : memref<20480x128xf32, #tpu.memory_space<hbm>> -> memref<128x128xf32, #tpu.memory_space<hbm>>
      %dma_start3A_85 = arith.constant 0 : i32
      %dma_start3A_86 = tpu.memref_slice %arg5[%add3A_69, %dma_start3A_85] : memref<20480x128xf32, #tpu.memory_space<hbm>> -> memref<128x128xf32, #tpu.memory_space<hbm>>
      tpu.enqueue_dma source(%arg8 : memref<128x128xf32, #tpu.memory_space<vmem>>) target(%dma_start3A_86 : memref<128x128xf32, #tpu.memory_space<hbm>>) target_semaphore(%run_scoped3A : memref<!tpu.dma_semaphore, #tpu.memory_space<semaphore_mem>>)
      %dma_wait3A = arith.constant 0 : i32
      %dma_wait3A_87 = tpu.memref_slice %arg5[%add3A_69, %dma_wait3A] : memref<20480x128xf32, #tpu.memory_space<hbm>> -> memref<128x128xf32, #tpu.memory_space<hbm>>
      %dma_wait3A_88 = arith.constant 0 : i32
      %dma_wait3A_89 = tpu.memref_slice %arg5[%add3A_69, %dma_wait3A_88] : memref<20480x128xf32, #tpu.memory_space<hbm>> -> memref<128x128xf32, #tpu.memory_space<hbm>>
      tpu.wait_dma2 semaphore(%run_scoped3A : memref<!tpu.dma_semaphore, #tpu.memory_space<semaphore_mem>>) src(%arg8 : memref<128x128xf32, #tpu.memory_space<vmem>>) dst(%dma_wait3A_89 : memref<128x128xf32, #tpu.memory_space<hbm>>)
      tpu.yield
    }) : () -> ()
    %add3A_70 = arith.constant 384 : i32
    %add3A_71 = arith.addi %mul3A_0, %add3A_70 : i32
    "tpu.region"() ({
      %run_scoped3A = tpu.sem_alloc : memref<!tpu.dma_semaphore, #tpu.memory_space<semaphore_mem>>
      %dma_start3A = arith.constant 0 : i32
      %dma_start3A_84 = tpu.memref_slice %arg10[%add3A_71, %dma_start3A] : memref<10240x128xf32, #tpu.memory_space<vmem_shared>> -> memref<128x128xf32, #tpu.memory_space<vmem_shared>>
      %dma_start3A_85 = arith.constant 0 : i32
      %dma_start3A_86 = tpu.memref_slice %arg10[%add3A_71, %dma_start3A_85] : memref<10240x128xf32, #tpu.memory_space<vmem_shared>> -> memref<128x128xf32, #tpu.memory_space<vmem_shared>>
      tpu.enqueue_dma source(%dma_start3A_86 : memref<128x128xf32, #tpu.memory_space<vmem_shared>>) target(%arg8 : memref<128x128xf32, #tpu.memory_space<vmem>>) target_semaphore(%run_scoped3A : memref<!tpu.dma_semaphore, #tpu.memory_space<semaphore_mem>>)
      %dma_wait3A = arith.constant 0 : i32
      %dma_wait3A_87 = tpu.memref_slice %arg10[%add3A_71, %dma_wait3A] : memref<10240x128xf32, #tpu.memory_space<vmem_shared>> -> memref<128x128xf32, #tpu.memory_space<vmem_shared>>
      %dma_wait3A_88 = arith.constant 0 : i32
      %dma_wait3A_89 = tpu.memref_slice %arg10[%add3A_71, %dma_wait3A_88] : memref<10240x128xf32, #tpu.memory_space<vmem_shared>> -> memref<128x128xf32, #tpu.memory_space<vmem_shared>>
      tpu.wait_dma2 semaphore(%run_scoped3A : memref<!tpu.dma_semaphore, #tpu.memory_space<semaphore_mem>>) src(%dma_wait3A_89 : memref<128x128xf32, #tpu.memory_space<vmem_shared>>) dst(%arg8 : memref<128x128xf32, #tpu.memory_space<vmem>>)
      tpu.yield
    }) : () -> ()
    %mul3A_72 = arith.constant 10240 : i32
    %mul3A_73 = arith.muli %arg0, %mul3A_72 : i32
    %add3A_74 = arith.addi %mul3A_73, %mul3A_0 : i32
    %add3A_75 = arith.constant 384 : i32
    %add3A_76 = arith.addi %add3A_74, %add3A_75 : i32
    "tpu.region"() ({
      %run_scoped3A = tpu.sem_alloc : memref<!tpu.dma_semaphore, #tpu.memory_space<semaphore_mem>>
      %dma_start3A = arith.constant 0 : i32
      %dma_start3A_84 = tpu.memref_slice %arg5[%add3A_76, %dma_start3A] : memref<20480x128xf32, #tpu.memory_space<hbm>> -> memref<128x128xf32, #tpu.memory_space<hbm>>
      %dma_start3A_85 = arith.constant 0 : i32
      %dma_start3A_86 = tpu.memref_slice %arg5[%add3A_76, %dma_start3A_85] : memref<20480x128xf32, #tpu.memory_space<hbm>> -> memref<128x128xf32, #tpu.memory_space<hbm>>
      tpu.enqueue_dma source(%arg8 : memref<128x128xf32, #tpu.memory_space<vmem>>) target(%dma_start3A_86 : memref<128x128xf32, #tpu.memory_space<hbm>>) target_semaphore(%run_scoped3A : memref<!tpu.dma_semaphore, #tpu.memory_space<semaphore_mem>>)
      %dma_wait3A = arith.constant 0 : i32
      %dma_wait3A_87 = tpu.memref_slice %arg5[%add3A_76, %dma_wait3A] : memref<20480x128xf32, #tpu.memory_space<hbm>> -> memref<128x128xf32, #tpu.memory_space<hbm>>
      %dma_wait3A_88 = arith.constant 0 : i32
      %dma_wait3A_89 = tpu.memref_slice %arg5[%add3A_76, %dma_wait3A_88] : memref<20480x128xf32, #tpu.memory_space<hbm>> -> memref<128x128xf32, #tpu.memory_space<hbm>>
      tpu.wait_dma2 semaphore(%run_scoped3A : memref<!tpu.dma_semaphore, #tpu.memory_space<semaphore_mem>>) src(%arg8 : memref<128x128xf32, #tpu.memory_space<vmem>>) dst(%dma_wait3A_89 : memref<128x128xf32, #tpu.memory_space<hbm>>)
      tpu.yield
    }) : () -> ()
    %add3A_77 = arith.constant 512 : i32
    %add3A_78 = arith.addi %mul3A_0, %add3A_77 : i32
    "tpu.region"() ({
      %run_scoped3A = tpu.sem_alloc : memref<!tpu.dma_semaphore, #tpu.memory_space<semaphore_mem>>
      %dma_start3A = arith.constant 0 : i32
      %dma_start3A_84 = tpu.memref_slice %arg10[%add3A_78, %dma_start3A] : memref<10240x128xf32, #tpu.memory_space<vmem_shared>> -> memref<128x128xf32, #tpu.memory_space<vmem_shared>>
      %dma_start3A_85 = arith.constant 0 : i32
      %dma_start3A_86 = tpu.memref_slice %arg10[%add3A_78, %dma_start3A_85] : memref<10240x128xf32, #tpu.memory_space<vmem_shared>> -> memref<128x128xf32, #tpu.memory_space<vmem_shared>>
      tpu.enqueue_dma source(%dma_start3A_86 : memref<128x128xf32, #tpu.memory_space<vmem_shared>>) target(%arg8 : memref<128x128xf32, #tpu.memory_space<vmem>>) target_semaphore(%run_scoped3A : memref<!tpu.dma_semaphore, #tpu.memory_space<semaphore_mem>>)
      %dma_wait3A = arith.constant 0 : i32
      %dma_wait3A_87 = tpu.memref_slice %arg10[%add3A_78, %dma_wait3A] : memref<10240x128xf32, #tpu.memory_space<vmem_shared>> -> memref<128x128xf32, #tpu.memory_space<vmem_shared>>
      %dma_wait3A_88 = arith.constant 0 : i32
      %dma_wait3A_89 = tpu.memref_slice %arg10[%add3A_78, %dma_wait3A_88] : memref<10240x128xf32, #tpu.memory_space<vmem_shared>> -> memref<128x128xf32, #tpu.memory_space<vmem_shared>>
      tpu.wait_dma2 semaphore(%run_scoped3A : memref<!tpu.dma_semaphore, #tpu.memory_space<semaphore_mem>>) src(%dma_wait3A_89 : memref<128x128xf32, #tpu.memory_space<vmem_shared>>) dst(%arg8 : memref<128x128xf32, #tpu.memory_space<vmem>>)
      tpu.yield
    }) : () -> ()
    %mul3A_79 = arith.constant 10240 : i32
    %mul3A_80 = arith.muli %arg0, %mul3A_79 : i32
    %add3A_81 = arith.addi %mul3A_80, %mul3A_0 : i32
    %add3A_82 = arith.constant 512 : i32
    %add3A_83 = arith.addi %add3A_81, %add3A_82 : i32
    "tpu.region"() ({
      %run_scoped3A = tpu.sem_alloc : memref<!tpu.dma_semaphore, #tpu.memory_space<semaphore_mem>>
      %dma_start3A = arith.constant 0 : i32
      %dma_start3A_84 = tpu.memref_slice %arg5[%add3A_83, %dma_start3A] : memref<20480x128xf32, #tpu.memory_space<hbm>> -> memref<128x128xf32, #tpu.memory_space<hbm>>
      %dma_start3A_85 = arith.constant 0 : i32
      %dma_start3A_86 = tpu.memref_slice %arg5[%add3A_83, %dma_start3A_85] : memref<20480x128xf32, #tpu.memory_space<hbm>> -> memref<128x128xf32, #tpu.memory_space<hbm>>
      tpu.enqueue_dma source(%arg8 : memref<128x128xf32, #tpu.memory_space<vmem>>) target(%dma_start3A_86 : memref<128x128xf32, #tpu.memory_space<hbm>>) target_semaphore(%run_scoped3A : memref<!tpu.dma_semaphore, #tpu.memory_space<semaphore_mem>>)
      %dma_wait3A = arith.constant 0 : i32
      %dma_wait3A_87 = tpu.memref_slice %arg5[%add3A_83, %dma_wait3A] : memref<20480x128xf32, #tpu.memory_space<hbm>> -> memref<128x128xf32, #tpu.memory_space<hbm>>
      %dma_wait3A_88 = arith.constant 0 : i32
      %dma_wait3A_89 = tpu.memref_slice %arg5[%add3A_83, %dma_wait3A_88] : memref<20480x128xf32, #tpu.memory_space<hbm>> -> memref<128x128xf32, #tpu.memory_space<hbm>>
      tpu.wait_dma2 semaphore(%run_scoped3A : memref<!tpu.dma_semaphore, #tpu.memory_space<semaphore_mem>>) src(%arg8 : memref<128x128xf32, #tpu.memory_space<vmem>>) dst(%dma_wait3A_89 : memref<128x128xf32, #tpu.memory_space<hbm>>)
      tpu.yield
    }) : () -> ()
    return
  }
}

#map = affine_map<(d0, d1) -> (0, 0)>
module attributes {stable_mosaic.version = 14 : i64} {
  func.func @agg_kernel(%arg0: i32, %arg1: i32, %arg2: memref<10240x128xf32, #tpu.memory_space<hbm>>, %arg3: memref<2560x128xi32, #tpu.memory_space<hbm>>, %arg4: memref<2560x128xi32, #tpu.memory_space<hbm>>, %arg5: memref<20480x128xf32, #tpu.memory_space<hbm>>, %arg6: memref<16x128xi32, #tpu.memory_space<vmem>>, %arg7: memref<16x128xi32, #tpu.memory_space<vmem>>, %arg8: memref<128x128xf32, #tpu.memory_space<vmem>>, %arg9: memref<!tpu.dma_semaphore, #tpu.memory_space<semaphore_mem>>, %arg10: memref<10240x128xf32, #tpu.memory_space<vmem_shared>>) attributes {dimension_semantics = [#tpu.dimension_semantics<core_parallel>, #tpu.dimension_semantics<subcore_parallel>], iteration_bounds = array<i64: 2, 16>, scalar_prefetch = 0 : i64, scratch_operands = 5 : i64, tpu.core_type = #tpu.core_type<sc_vector_subcore>, window_params = [{transform_indices = #map}, {transform_indices = #map}, {transform_indices = #map}, {transform_indices = #map}]} {
    %mul3A = arith.constant 640 : i32
    %mul3A_0 = arith.muli %arg1, %mul3A : i32
    %mul3A_1 = arith.constant 0 : i32
    %mul3A_2 = arith.muli %arg0, %mul3A_1 : i32
    %add3A = arith.addi %mul3A_2, %mul3A_0 : i32
    %add3A_3 = arith.constant 0 : i32
    %add3A_4 = arith.addi %add3A, %add3A_3 : i32
    "tpu.region"() ({
      %run_scoped3A = tpu.sem_alloc : memref<!tpu.dma_semaphore, #tpu.memory_space<semaphore_mem>>
      %dma_start3A = arith.constant 0 : i32
      %dma_start3A_84 = tpu.memref_slice %arg2[%add3A_4, %dma_start3A] : memref<10240x128xf32, #tpu.memory_space<hbm>> -> memref<128x128xf32, #tpu.memory_space<hbm>>
      %dma_start3A_85 = arith.constant 0 : i32
      %dma_start3A_86 = tpu.memref_slice %arg2[%add3A_4, %dma_start3A_85] : memref<10240x128xf32, #tpu.memory_space<hbm>> -> memref<128x128xf32, #tpu.memory_space<hbm>>
      tpu.enqueue_dma source(%dma_start3A_86 : memref<128x128xf32, #tpu.memory_space<hbm>>) target(%arg8 : memref<128x128xf32, #tpu.memory_space<vmem>>) target_semaphore(%run_scoped3A : memref<!tpu.dma_semaphore, #tpu.memory_space<semaphore_mem>>)
      %dma_wait3A = arith.constant 0 : i32
      %dma_wait3A_87 = tpu.memref_slice %arg2[%add3A_4, %dma_wait3A] : memref<10240x128xf32, #tpu.memory_space<hbm>> -> memref<128x128xf32, #tpu.memory_space<hbm>>
      %dma_wait3A_88 = arith.constant 0 : i32
      %dma_wait3A_89 = tpu.memref_slice %arg2[%add3A_4, %dma_wait3A_88] : memref<10240x128xf32, #tpu.memory_space<hbm>> -> memref<128x128xf32, #tpu.memory_space<hbm>>
      tpu.wait_dma2 semaphore(%run_scoped3A : memref<!tpu.dma_semaphore, #tpu.memory_space<semaphore_mem>>) src(%dma_wait3A_89 : memref<128x128xf32, #tpu.memory_space<hbm>>) dst(%arg8 : memref<128x128xf32, #tpu.memory_space<vmem>>)
      tpu.yield
    }) : () -> ()
    %add3A_5 = arith.constant 0 : i32
    %add3A_6 = arith.addi %mul3A_0, %add3A_5 : i32
    "tpu.region"() ({
      %run_scoped3A = tpu.sem_alloc : memref<!tpu.dma_semaphore, #tpu.memory_space<semaphore_mem>>
      %dma_start3A = arith.constant 0 : i32
      %dma_start3A_84 = tpu.memref_slice %arg10[%add3A_6, %dma_start3A] : memref<10240x128xf32, #tpu.memory_space<vmem_shared>> -> memref<128x128xf32, #tpu.memory_space<vmem_shared>>
      %dma_start3A_85 = arith.constant 0 : i32
      %dma_start3A_86 = tpu.memref_slice %arg10[%add3A_6, %dma_start3A_85] : memref<10240x128xf32, #tpu.memory_space<vmem_shared>> -> memref<128x128xf32, #tpu.memory_space<vmem_shared>>
      tpu.enqueue_dma source(%arg8 : memref<128x128xf32, #tpu.memory_space<vmem>>) target(%dma_start3A_86 : memref<128x128xf32, #tpu.memory_space<vmem_shared>>) target_semaphore(%run_scoped3A : memref<!tpu.dma_semaphore, #tpu.memory_space<semaphore_mem>>)
      %dma_wait3A = arith.constant 0 : i32
      %dma_wait3A_87 = tpu.memref_slice %arg10[%add3A_6, %dma_wait3A] : memref<10240x128xf32, #tpu.memory_space<vmem_shared>> -> memref<128x128xf32, #tpu.memory_space<vmem_shared>>
      %dma_wait3A_88 = arith.constant 0 : i32
      %dma_wait3A_89 = tpu.memref_slice %arg10[%add3A_6, %dma_wait3A_88] : memref<10240x128xf32, #tpu.memory_space<vmem_shared>> -> memref<128x128xf32, #tpu.memory_space<vmem_shared>>
      tpu.wait_dma2 semaphore(%run_scoped3A : memref<!tpu.dma_semaphore, #tpu.memory_space<semaphore_mem>>) src(%arg8 : memref<128x128xf32, #tpu.memory_space<vmem>>) dst(%dma_wait3A_89 : memref<128x128xf32, #tpu.memory_space<vmem_shared>>)
      tpu.yield
    }) : () -> ()
    %mul3A_7 = arith.constant 0 : i32
    %mul3A_8 = arith.muli %arg0, %mul3A_7 : i32
    %add3A_9 = arith.addi %mul3A_8, %mul3A_0 : i32
    %add3A_10 = arith.constant 128 : i32
    %add3A_11 = arith.addi %add3A_9, %add3A_10 : i32
    "tpu.region"() ({
      %run_scoped3A = tpu.sem_alloc : memref<!tpu.dma_semaphore, #tpu.memory_space<semaphore_mem>>
      %dma_start3A = arith.constant 0 : i32
      %dma_start3A_84 = tpu.memref_slice %arg2[%add3A_11, %dma_start3A] : memref<10240x128xf32, #tpu.memory_space<hbm>> -> memref<128x128xf32, #tpu.memory_space<hbm>>
      %dma_start3A_85 = arith.constant 0 : i32
      %dma_start3A_86 = tpu.memref_slice %arg2[%add3A_11, %dma_start3A_85] : memref<10240x128xf32, #tpu.memory_space<hbm>> -> memref<128x128xf32, #tpu.memory_space<hbm>>
      tpu.enqueue_dma source(%dma_start3A_86 : memref<128x128xf32, #tpu.memory_space<hbm>>) target(%arg8 : memref<128x128xf32, #tpu.memory_space<vmem>>) target_semaphore(%run_scoped3A : memref<!tpu.dma_semaphore, #tpu.memory_space<semaphore_mem>>)
      %dma_wait3A = arith.constant 0 : i32
      %dma_wait3A_87 = tpu.memref_slice %arg2[%add3A_11, %dma_wait3A] : memref<10240x128xf32, #tpu.memory_space<hbm>> -> memref<128x128xf32, #tpu.memory_space<hbm>>
      %dma_wait3A_88 = arith.constant 0 : i32
      %dma_wait3A_89 = tpu.memref_slice %arg2[%add3A_11, %dma_wait3A_88] : memref<10240x128xf32, #tpu.memory_space<hbm>> -> memref<128x128xf32, #tpu.memory_space<hbm>>
      tpu.wait_dma2 semaphore(%run_scoped3A : memref<!tpu.dma_semaphore, #tpu.memory_space<semaphore_mem>>) src(%dma_wait3A_89 : memref<128x128xf32, #tpu.memory_space<hbm>>) dst(%arg8 : memref<128x128xf32, #tpu.memory_space<vmem>>)
      tpu.yield
    }) : () -> ()
    %add3A_12 = arith.constant 128 : i32
    %add3A_13 = arith.addi %mul3A_0, %add3A_12 : i32
    "tpu.region"() ({
      %run_scoped3A = tpu.sem_alloc : memref<!tpu.dma_semaphore, #tpu.memory_space<semaphore_mem>>
      %dma_start3A = arith.constant 0 : i32
      %dma_start3A_84 = tpu.memref_slice %arg10[%add3A_13, %dma_start3A] : memref<10240x128xf32, #tpu.memory_space<vmem_shared>> -> memref<128x128xf32, #tpu.memory_space<vmem_shared>>
      %dma_start3A_85 = arith.constant 0 : i32
      %dma_start3A_86 = tpu.memref_slice %arg10[%add3A_13, %dma_start3A_85] : memref<10240x128xf32, #tpu.memory_space<vmem_shared>> -> memref<128x128xf32, #tpu.memory_space<vmem_shared>>
      tpu.enqueue_dma source(%arg8 : memref<128x128xf32, #tpu.memory_space<vmem>>) target(%dma_start3A_86 : memref<128x128xf32, #tpu.memory_space<vmem_shared>>) target_semaphore(%run_scoped3A : memref<!tpu.dma_semaphore, #tpu.memory_space<semaphore_mem>>)
      %dma_wait3A = arith.constant 0 : i32
      %dma_wait3A_87 = tpu.memref_slice %arg10[%add3A_13, %dma_wait3A] : memref<10240x128xf32, #tpu.memory_space<vmem_shared>> -> memref<128x128xf32, #tpu.memory_space<vmem_shared>>
      %dma_wait3A_88 = arith.constant 0 : i32
      %dma_wait3A_89 = tpu.memref_slice %arg10[%add3A_13, %dma_wait3A_88] : memref<10240x128xf32, #tpu.memory_space<vmem_shared>> -> memref<128x128xf32, #tpu.memory_space<vmem_shared>>
      tpu.wait_dma2 semaphore(%run_scoped3A : memref<!tpu.dma_semaphore, #tpu.memory_space<semaphore_mem>>) src(%arg8 : memref<128x128xf32, #tpu.memory_space<vmem>>) dst(%dma_wait3A_89 : memref<128x128xf32, #tpu.memory_space<vmem_shared>>)
      tpu.yield
    }) : () -> ()
    %mul3A_14 = arith.constant 0 : i32
    %mul3A_15 = arith.muli %arg0, %mul3A_14 : i32
    %add3A_16 = arith.addi %mul3A_15, %mul3A_0 : i32
    %add3A_17 = arith.constant 256 : i32
    %add3A_18 = arith.addi %add3A_16, %add3A_17 : i32
    "tpu.region"() ({
      %run_scoped3A = tpu.sem_alloc : memref<!tpu.dma_semaphore, #tpu.memory_space<semaphore_mem>>
      %dma_start3A = arith.constant 0 : i32
      %dma_start3A_84 = tpu.memref_slice %arg2[%add3A_18, %dma_start3A] : memref<10240x128xf32, #tpu.memory_space<hbm>> -> memref<128x128xf32, #tpu.memory_space<hbm>>
      %dma_start3A_85 = arith.constant 0 : i32
      %dma_start3A_86 = tpu.memref_slice %arg2[%add3A_18, %dma_start3A_85] : memref<10240x128xf32, #tpu.memory_space<hbm>> -> memref<128x128xf32, #tpu.memory_space<hbm>>
      tpu.enqueue_dma source(%dma_start3A_86 : memref<128x128xf32, #tpu.memory_space<hbm>>) target(%arg8 : memref<128x128xf32, #tpu.memory_space<vmem>>) target_semaphore(%run_scoped3A : memref<!tpu.dma_semaphore, #tpu.memory_space<semaphore_mem>>)
      %dma_wait3A = arith.constant 0 : i32
      %dma_wait3A_87 = tpu.memref_slice %arg2[%add3A_18, %dma_wait3A] : memref<10240x128xf32, #tpu.memory_space<hbm>> -> memref<128x128xf32, #tpu.memory_space<hbm>>
      %dma_wait3A_88 = arith.constant 0 : i32
      %dma_wait3A_89 = tpu.memref_slice %arg2[%add3A_18, %dma_wait3A_88] : memref<10240x128xf32, #tpu.memory_space<hbm>> -> memref<128x128xf32, #tpu.memory_space<hbm>>
      tpu.wait_dma2 semaphore(%run_scoped3A : memref<!tpu.dma_semaphore, #tpu.memory_space<semaphore_mem>>) src(%dma_wait3A_89 : memref<128x128xf32, #tpu.memory_space<hbm>>) dst(%arg8 : memref<128x128xf32, #tpu.memory_space<vmem>>)
      tpu.yield
    }) : () -> ()
    %add3A_19 = arith.constant 256 : i32
    %add3A_20 = arith.addi %mul3A_0, %add3A_19 : i32
    "tpu.region"() ({
      %run_scoped3A = tpu.sem_alloc : memref<!tpu.dma_semaphore, #tpu.memory_space<semaphore_mem>>
      %dma_start3A = arith.constant 0 : i32
      %dma_start3A_84 = tpu.memref_slice %arg10[%add3A_20, %dma_start3A] : memref<10240x128xf32, #tpu.memory_space<vmem_shared>> -> memref<128x128xf32, #tpu.memory_space<vmem_shared>>
      %dma_start3A_85 = arith.constant 0 : i32
      %dma_start3A_86 = tpu.memref_slice %arg10[%add3A_20, %dma_start3A_85] : memref<10240x128xf32, #tpu.memory_space<vmem_shared>> -> memref<128x128xf32, #tpu.memory_space<vmem_shared>>
      tpu.enqueue_dma source(%arg8 : memref<128x128xf32, #tpu.memory_space<vmem>>) target(%dma_start3A_86 : memref<128x128xf32, #tpu.memory_space<vmem_shared>>) target_semaphore(%run_scoped3A : memref<!tpu.dma_semaphore, #tpu.memory_space<semaphore_mem>>)
      %dma_wait3A = arith.constant 0 : i32
      %dma_wait3A_87 = tpu.memref_slice %arg10[%add3A_20, %dma_wait3A] : memref<10240x128xf32, #tpu.memory_space<vmem_shared>> -> memref<128x128xf32, #tpu.memory_space<vmem_shared>>
      %dma_wait3A_88 = arith.constant 0 : i32
      %dma_wait3A_89 = tpu.memref_slice %arg10[%add3A_20, %dma_wait3A_88] : memref<10240x128xf32, #tpu.memory_space<vmem_shared>> -> memref<128x128xf32, #tpu.memory_space<vmem_shared>>
      tpu.wait_dma2 semaphore(%run_scoped3A : memref<!tpu.dma_semaphore, #tpu.memory_space<semaphore_mem>>) src(%arg8 : memref<128x128xf32, #tpu.memory_space<vmem>>) dst(%dma_wait3A_89 : memref<128x128xf32, #tpu.memory_space<vmem_shared>>)
      tpu.yield
    }) : () -> ()
    %mul3A_21 = arith.constant 0 : i32
    %mul3A_22 = arith.muli %arg0, %mul3A_21 : i32
    %add3A_23 = arith.addi %mul3A_22, %mul3A_0 : i32
    %add3A_24 = arith.constant 384 : i32
    %add3A_25 = arith.addi %add3A_23, %add3A_24 : i32
    "tpu.region"() ({
      %run_scoped3A = tpu.sem_alloc : memref<!tpu.dma_semaphore, #tpu.memory_space<semaphore_mem>>
      %dma_start3A = arith.constant 0 : i32
      %dma_start3A_84 = tpu.memref_slice %arg2[%add3A_25, %dma_start3A] : memref<10240x128xf32, #tpu.memory_space<hbm>> -> memref<128x128xf32, #tpu.memory_space<hbm>>
      %dma_start3A_85 = arith.constant 0 : i32
      %dma_start3A_86 = tpu.memref_slice %arg2[%add3A_25, %dma_start3A_85] : memref<10240x128xf32, #tpu.memory_space<hbm>> -> memref<128x128xf32, #tpu.memory_space<hbm>>
      tpu.enqueue_dma source(%dma_start3A_86 : memref<128x128xf32, #tpu.memory_space<hbm>>) target(%arg8 : memref<128x128xf32, #tpu.memory_space<vmem>>) target_semaphore(%run_scoped3A : memref<!tpu.dma_semaphore, #tpu.memory_space<semaphore_mem>>)
      %dma_wait3A = arith.constant 0 : i32
      %dma_wait3A_87 = tpu.memref_slice %arg2[%add3A_25, %dma_wait3A] : memref<10240x128xf32, #tpu.memory_space<hbm>> -> memref<128x128xf32, #tpu.memory_space<hbm>>
      %dma_wait3A_88 = arith.constant 0 : i32
      %dma_wait3A_89 = tpu.memref_slice %arg2[%add3A_25, %dma_wait3A_88] : memref<10240x128xf32, #tpu.memory_space<hbm>> -> memref<128x128xf32, #tpu.memory_space<hbm>>
      tpu.wait_dma2 semaphore(%run_scoped3A : memref<!tpu.dma_semaphore, #tpu.memory_space<semaphore_mem>>) src(%dma_wait3A_89 : memref<128x128xf32, #tpu.memory_space<hbm>>) dst(%arg8 : memref<128x128xf32, #tpu.memory_space<vmem>>)
      tpu.yield
    }) : () -> ()
    %add3A_26 = arith.constant 384 : i32
    %add3A_27 = arith.addi %mul3A_0, %add3A_26 : i32
    "tpu.region"() ({
      %run_scoped3A = tpu.sem_alloc : memref<!tpu.dma_semaphore, #tpu.memory_space<semaphore_mem>>
      %dma_start3A = arith.constant 0 : i32
      %dma_start3A_84 = tpu.memref_slice %arg10[%add3A_27, %dma_start3A] : memref<10240x128xf32, #tpu.memory_space<vmem_shared>> -> memref<128x128xf32, #tpu.memory_space<vmem_shared>>
      %dma_start3A_85 = arith.constant 0 : i32
      %dma_start3A_86 = tpu.memref_slice %arg10[%add3A_27, %dma_start3A_85] : memref<10240x128xf32, #tpu.memory_space<vmem_shared>> -> memref<128x128xf32, #tpu.memory_space<vmem_shared>>
      tpu.enqueue_dma source(%arg8 : memref<128x128xf32, #tpu.memory_space<vmem>>) target(%dma_start3A_86 : memref<128x128xf32, #tpu.memory_space<vmem_shared>>) target_semaphore(%run_scoped3A : memref<!tpu.dma_semaphore, #tpu.memory_space<semaphore_mem>>)
      %dma_wait3A = arith.constant 0 : i32
      %dma_wait3A_87 = tpu.memref_slice %arg10[%add3A_27, %dma_wait3A] : memref<10240x128xf32, #tpu.memory_space<vmem_shared>> -> memref<128x128xf32, #tpu.memory_space<vmem_shared>>
      %dma_wait3A_88 = arith.constant 0 : i32
      %dma_wait3A_89 = tpu.memref_slice %arg10[%add3A_27, %dma_wait3A_88] : memref<10240x128xf32, #tpu.memory_space<vmem_shared>> -> memref<128x128xf32, #tpu.memory_space<vmem_shared>>
      tpu.wait_dma2 semaphore(%run_scoped3A : memref<!tpu.dma_semaphore, #tpu.memory_space<semaphore_mem>>) src(%arg8 : memref<128x128xf32, #tpu.memory_space<vmem>>) dst(%dma_wait3A_89 : memref<128x128xf32, #tpu.memory_space<vmem_shared>>)
      tpu.yield
    }) : () -> ()
    %mul3A_28 = arith.constant 0 : i32
    %mul3A_29 = arith.muli %arg0, %mul3A_28 : i32
    %add3A_30 = arith.addi %mul3A_29, %mul3A_0 : i32
    %add3A_31 = arith.constant 512 : i32
    %add3A_32 = arith.addi %add3A_30, %add3A_31 : i32
    "tpu.region"() ({
      %run_scoped3A = tpu.sem_alloc : memref<!tpu.dma_semaphore, #tpu.memory_space<semaphore_mem>>
      %dma_start3A = arith.constant 0 : i32
      %dma_start3A_84 = tpu.memref_slice %arg2[%add3A_32, %dma_start3A] : memref<10240x128xf32, #tpu.memory_space<hbm>> -> memref<128x128xf32, #tpu.memory_space<hbm>>
      %dma_start3A_85 = arith.constant 0 : i32
      %dma_start3A_86 = tpu.memref_slice %arg2[%add3A_32, %dma_start3A_85] : memref<10240x128xf32, #tpu.memory_space<hbm>> -> memref<128x128xf32, #tpu.memory_space<hbm>>
      tpu.enqueue_dma source(%dma_start3A_86 : memref<128x128xf32, #tpu.memory_space<hbm>>) target(%arg8 : memref<128x128xf32, #tpu.memory_space<vmem>>) target_semaphore(%run_scoped3A : memref<!tpu.dma_semaphore, #tpu.memory_space<semaphore_mem>>)
      %dma_wait3A = arith.constant 0 : i32
      %dma_wait3A_87 = tpu.memref_slice %arg2[%add3A_32, %dma_wait3A] : memref<10240x128xf32, #tpu.memory_space<hbm>> -> memref<128x128xf32, #tpu.memory_space<hbm>>
      %dma_wait3A_88 = arith.constant 0 : i32
      %dma_wait3A_89 = tpu.memref_slice %arg2[%add3A_32, %dma_wait3A_88] : memref<10240x128xf32, #tpu.memory_space<hbm>> -> memref<128x128xf32, #tpu.memory_space<hbm>>
      tpu.wait_dma2 semaphore(%run_scoped3A : memref<!tpu.dma_semaphore, #tpu.memory_space<semaphore_mem>>) src(%dma_wait3A_89 : memref<128x128xf32, #tpu.memory_space<hbm>>) dst(%arg8 : memref<128x128xf32, #tpu.memory_space<vmem>>)
      tpu.yield
    }) : () -> ()
    %add3A_33 = arith.constant 512 : i32
    %add3A_34 = arith.addi %mul3A_0, %add3A_33 : i32
    "tpu.region"() ({
      %run_scoped3A = tpu.sem_alloc : memref<!tpu.dma_semaphore, #tpu.memory_space<semaphore_mem>>
      %dma_start3A = arith.constant 0 : i32
      %dma_start3A_84 = tpu.memref_slice %arg10[%add3A_34, %dma_start3A] : memref<10240x128xf32, #tpu.memory_space<vmem_shared>> -> memref<128x128xf32, #tpu.memory_space<vmem_shared>>
      %dma_start3A_85 = arith.constant 0 : i32
      %dma_start3A_86 = tpu.memref_slice %arg10[%add3A_34, %dma_start3A_85] : memref<10240x128xf32, #tpu.memory_space<vmem_shared>> -> memref<128x128xf32, #tpu.memory_space<vmem_shared>>
      tpu.enqueue_dma source(%arg8 : memref<128x128xf32, #tpu.memory_space<vmem>>) target(%dma_start3A_86 : memref<128x128xf32, #tpu.memory_space<vmem_shared>>) target_semaphore(%run_scoped3A : memref<!tpu.dma_semaphore, #tpu.memory_space<semaphore_mem>>)
      %dma_wait3A = arith.constant 0 : i32
      %dma_wait3A_87 = tpu.memref_slice %arg10[%add3A_34, %dma_wait3A] : memref<10240x128xf32, #tpu.memory_space<vmem_shared>> -> memref<128x128xf32, #tpu.memory_space<vmem_shared>>
      %dma_wait3A_88 = arith.constant 0 : i32
      %dma_wait3A_89 = tpu.memref_slice %arg10[%add3A_34, %dma_wait3A_88] : memref<10240x128xf32, #tpu.memory_space<vmem_shared>> -> memref<128x128xf32, #tpu.memory_space<vmem_shared>>
      tpu.wait_dma2 semaphore(%run_scoped3A : memref<!tpu.dma_semaphore, #tpu.memory_space<semaphore_mem>>) src(%arg8 : memref<128x128xf32, #tpu.memory_space<vmem>>) dst(%dma_wait3A_89 : memref<128x128xf32, #tpu.memory_space<vmem_shared>>)
      tpu.yield
    }) : () -> ()
    %barrier3A = arith.constant 0 : index
    tpu.barrier barrier_id(%barrier3A)
    %mul3A_35 = arith.constant 16 : i32
    %mul3A_36 = arith.muli %arg0, %mul3A_35 : i32
    %add3A_37 = arith.addi %mul3A_36, %arg1 : i32
    %mul3A_38 = arith.constant 80 : i32
    %mul3A_39 = arith.muli %add3A_37, %mul3A_38 : i32
    %mul3A_40 = arith.constant 0 : i32
    %mul3A_41 = arith.muli %arg0, %mul3A_40 : i32
    %broadcast_in_dim3A = vector.broadcast %mul3A_41 : i32 to vector<16xi32>
    %scan3A = arith.constant 0 : i32
    %scan3A_42 = arith.constant 0 : i32
    %scan3A_43 = arith.constant 5 : i32
    %scan3A_44 = arith.addi %scan3A_42, %scan3A_43 : i32
    %scan3A_45 = arith.constant 1 : i32
    %scan3A_46 = scf.for %scan3A_84 = %scan3A_42 to %scan3A_44 step %scan3A_45 iter_args(%scan3A_85 = %scan3A) -> (i32)  : i32 {
      %mul3A_86 = arith.constant 16 : i32
      %mul3A_87 = arith.muli %scan3A_84, %mul3A_86 : i32
      %add3A_88 = arith.addi %mul3A_39, %mul3A_87 : i32
      "tpu.region"() ({
        %run_scoped3A_327 = tpu.sem_alloc : memref<!tpu.dma_semaphore, #tpu.memory_space<semaphore_mem>>
        %dma_start3A_328 = arith.constant 0 : i32
        %dma_start3A_329 = tpu.memref_slice %arg3[%add3A_88, %dma_start3A_328] : memref<2560x128xi32, #tpu.memory_space<hbm>> -> memref<16x128xi32, #tpu.memory_space<hbm>>
        %dma_start3A_330 = arith.constant 0 : i32
        %dma_start3A_331 = tpu.memref_slice %arg3[%add3A_88, %dma_start3A_330] : memref<2560x128xi32, #tpu.memory_space<hbm>> -> memref<16x128xi32, #tpu.memory_space<hbm>>
        tpu.enqueue_dma source(%dma_start3A_331 : memref<16x128xi32, #tpu.memory_space<hbm>>) target(%arg6 : memref<16x128xi32, #tpu.memory_space<vmem>>) target_semaphore(%run_scoped3A_327 : memref<!tpu.dma_semaphore, #tpu.memory_space<semaphore_mem>>)
        %dma_wait3A_332 = arith.constant 0 : i32
        %dma_wait3A_333 = tpu.memref_slice %arg3[%add3A_88, %dma_wait3A_332] : memref<2560x128xi32, #tpu.memory_space<hbm>> -> memref<16x128xi32, #tpu.memory_space<hbm>>
        %dma_wait3A_334 = arith.constant 0 : i32
        %dma_wait3A_335 = tpu.memref_slice %arg3[%add3A_88, %dma_wait3A_334] : memref<2560x128xi32, #tpu.memory_space<hbm>> -> memref<16x128xi32, #tpu.memory_space<hbm>>
        tpu.wait_dma2 semaphore(%run_scoped3A_327 : memref<!tpu.dma_semaphore, #tpu.memory_space<semaphore_mem>>) src(%dma_wait3A_335 : memref<16x128xi32, #tpu.memory_space<hbm>>) dst(%arg6 : memref<16x128xi32, #tpu.memory_space<vmem>>)
        tpu.yield
      }) : () -> ()
      "tpu.region"() ({
        %run_scoped3A_327 = tpu.sem_alloc : memref<!tpu.dma_semaphore, #tpu.memory_space<semaphore_mem>>
        %dma_start3A_328 = arith.constant 0 : i32
        %dma_start3A_329 = tpu.memref_slice %arg4[%add3A_88, %dma_start3A_328] : memref<2560x128xi32, #tpu.memory_space<hbm>> -> memref<16x128xi32, #tpu.memory_space<hbm>>
        %dma_start3A_330 = arith.constant 0 : i32
        %dma_start3A_331 = tpu.memref_slice %arg4[%add3A_88, %dma_start3A_330] : memref<2560x128xi32, #tpu.memory_space<hbm>> -> memref<16x128xi32, #tpu.memory_space<hbm>>
        tpu.enqueue_dma source(%dma_start3A_331 : memref<16x128xi32, #tpu.memory_space<hbm>>) target(%arg7 : memref<16x128xi32, #tpu.memory_space<vmem>>) target_semaphore(%run_scoped3A_327 : memref<!tpu.dma_semaphore, #tpu.memory_space<semaphore_mem>>)
        %dma_wait3A_332 = arith.constant 0 : i32
        %dma_wait3A_333 = tpu.memref_slice %arg4[%add3A_88, %dma_wait3A_332] : memref<2560x128xi32, #tpu.memory_space<hbm>> -> memref<16x128xi32, #tpu.memory_space<hbm>>
        %dma_wait3A_334 = arith.constant 0 : i32
        %dma_wait3A_335 = tpu.memref_slice %arg4[%add3A_88, %dma_wait3A_334] : memref<2560x128xi32, #tpu.memory_space<hbm>> -> memref<16x128xi32, #tpu.memory_space<hbm>>
        tpu.wait_dma2 semaphore(%run_scoped3A_327 : memref<!tpu.dma_semaphore, #tpu.memory_space<semaphore_mem>>) src(%dma_wait3A_335 : memref<16x128xi32, #tpu.memory_space<hbm>>) dst(%arg7 : memref<16x128xi32, #tpu.memory_space<vmem>>)
        tpu.yield
      }) : () -> ()
      %dma_start3A = arith.constant 0 : i32
      %dma_start3A_89 = arith.constant 0 : i32
      %dma_start3A_90 = tpu.memref_slice %arg6[%dma_start3A, %dma_start3A_89] : memref<16x128xi32, #tpu.memory_space<vmem>> -> memref<1x128xi32, #tpu.memory_space<vmem>>
      %dma_start3A_91 = tpu.memref_squeeze %dma_start3A_90 : memref<1x128xi32, #tpu.memory_space<vmem>> -> memref<128xi32, #tpu.memory_space<vmem>>
      %dma_start3A_92 = arith.constant 0 : i32
      %dma_start3A_93 = arith.constant 0 : i32
      %dma_start3A_94 = tpu.memref_slice %arg2[%dma_start3A_92, %dma_start3A_93] : memref<10240x128xf32, #tpu.memory_space<hbm>> -> memref<10240x128xf32, #tpu.memory_space<hbm>>
      tpu.enqueue_indirect_dma source(%dma_start3A_94 : memref<10240x128xf32, #tpu.memory_space<hbm>>) target(%arg8 : memref<128x128xf32, #tpu.memory_space<vmem>>) offsets(%dma_start3A_91 : memref<128xi32, #tpu.memory_space<vmem>>) semaphore(%arg9 : memref<!tpu.dma_semaphore, #tpu.memory_space<semaphore_mem>>)
      %dma_wait3A = arith.constant 0 : i32
      %dma_wait3A_95 = arith.constant 0 : i32
      %dma_wait3A_96 = tpu.memref_slice %arg6[%dma_wait3A, %dma_wait3A_95] : memref<16x128xi32, #tpu.memory_space<vmem>> -> memref<1x128xi32, #tpu.memory_space<vmem>>
      %dma_wait3A_97 = tpu.memref_squeeze %dma_wait3A_96 : memref<1x128xi32, #tpu.memory_space<vmem>> -> memref<128xi32, #tpu.memory_space<vmem>>
      %dma_wait3A_98 = arith.constant 0 : i32
      %dma_wait3A_99 = arith.constant 0 : i32
      %dma_wait3A_100 = tpu.memref_slice %arg2[%dma_wait3A_98, %dma_wait3A_99] : memref<10240x128xf32, #tpu.memory_space<hbm>> -> memref<10240x128xf32, #tpu.memory_space<hbm>>
      tpu.wait_indirect_dma semaphore(%arg9 : memref<!tpu.dma_semaphore, #tpu.memory_space<semaphore_mem>>) src(%dma_wait3A_100 : memref<10240x128xf32, #tpu.memory_space<hbm>>) dst(%arg8 : memref<128x128xf32, #tpu.memory_space<vmem>>)
      %run_scoped3A = arith.constant 0 : i32
      "tpu.region"() ({
        %run_scoped3A_327 = tpu.sem_alloc : memref<!tpu.dma_semaphore, #tpu.memory_space<semaphore_mem>>
        %dma_start3A_328 = arith.constant 0 : i32
        %dma_start3A_329 = tpu.memref_slice %arg7[%run_scoped3A, %dma_start3A_328] : memref<16x128xi32, #tpu.memory_space<vmem>> -> memref<1x128xi32, #tpu.memory_space<vmem>>
        %dma_start3A_330 = tpu.memref_squeeze %dma_start3A_329 : memref<1x128xi32, #tpu.memory_space<vmem>> -> memref<128xi32, #tpu.memory_space<vmem>>
        %dma_start3A_331 = arith.constant 0 : i32
        %dma_start3A_332 = arith.constant 0 : i32
        %dma_start3A_333 = tpu.memref_slice %arg10[%dma_start3A_331, %dma_start3A_332] : memref<10240x128xf32, #tpu.memory_space<vmem_shared>> -> memref<10240x128xf32, #tpu.memory_space<vmem_shared>>
        tpu.enqueue_indirect_dma source(%arg8 : memref<128x128xf32, #tpu.memory_space<vmem>>) target(%dma_start3A_333 : memref<10240x128xf32, #tpu.memory_space<vmem_shared>>) offsets(%dma_start3A_330 : memref<128xi32, #tpu.memory_space<vmem>>) semaphore(%run_scoped3A_327 : memref<!tpu.dma_semaphore, #tpu.memory_space<semaphore_mem>>) {add = true}
        %dma_wait3A_334 = arith.constant 0 : i32
        %dma_wait3A_335 = tpu.memref_slice %arg7[%run_scoped3A, %dma_wait3A_334] : memref<16x128xi32, #tpu.memory_space<vmem>> -> memref<1x128xi32, #tpu.memory_space<vmem>>
        %dma_wait3A_336 = tpu.memref_squeeze %dma_wait3A_335 : memref<1x128xi32, #tpu.memory_space<vmem>> -> memref<128xi32, #tpu.memory_space<vmem>>
        %dma_wait3A_337 = arith.constant 0 : i32
        %dma_wait3A_338 = arith.constant 0 : i32
        %dma_wait3A_339 = tpu.memref_slice %arg10[%dma_wait3A_337, %dma_wait3A_338] : memref<10240x128xf32, #tpu.memory_space<vmem_shared>> -> memref<10240x128xf32, #tpu.memory_space<vmem_shared>>
        tpu.wait_indirect_dma semaphore(%run_scoped3A_327 : memref<!tpu.dma_semaphore, #tpu.memory_space<semaphore_mem>>) src(%arg8 : memref<128x128xf32, #tpu.memory_space<vmem>>) dst(%dma_wait3A_339 : memref<10240x128xf32, #tpu.memory_space<vmem_shared>>)
        tpu.yield
      }) : () -> ()
      %dma_start3A_101 = arith.constant 1 : i32
      %dma_start3A_102 = arith.constant 0 : i32
      %dma_start3A_103 = tpu.memref_slice %arg6[%dma_start3A_101, %dma_start3A_102] : memref<16x128xi32, #tpu.memory_space<vmem>> -> memref<1x128xi32, #tpu.memory_space<vmem>>
      %dma_start3A_104 = tpu.memref_squeeze %dma_start3A_103 : memref<1x128xi32, #tpu.memory_space<vmem>> -> memref<128xi32, #tpu.memory_space<vmem>>
      %dma_start3A_105 = arith.constant 0 : i32
      %dma_start3A_106 = arith.constant 0 : i32
      %dma_start3A_107 = tpu.memref_slice %arg2[%dma_start3A_105, %dma_start3A_106] : memref<10240x128xf32, #tpu.memory_space<hbm>> -> memref<10240x128xf32, #tpu.memory_space<hbm>>
      tpu.enqueue_indirect_dma source(%dma_start3A_107 : memref<10240x128xf32, #tpu.memory_space<hbm>>) target(%arg8 : memref<128x128xf32, #tpu.memory_space<vmem>>) offsets(%dma_start3A_104 : memref<128xi32, #tpu.memory_space<vmem>>) semaphore(%arg9 : memref<!tpu.dma_semaphore, #tpu.memory_space<semaphore_mem>>)
      %dma_wait3A_108 = arith.constant 1 : i32
      %dma_wait3A_109 = arith.constant 0 : i32
      %dma_wait3A_110 = tpu.memref_slice %arg6[%dma_wait3A_108, %dma_wait3A_109] : memref<16x128xi32, #tpu.memory_space<vmem>> -> memref<1x128xi32, #tpu.memory_space<vmem>>
      %dma_wait3A_111 = tpu.memref_squeeze %dma_wait3A_110 : memref<1x128xi32, #tpu.memory_space<vmem>> -> memref<128xi32, #tpu.memory_space<vmem>>
      %dma_wait3A_112 = arith.constant 0 : i32
      %dma_wait3A_113 = arith.constant 0 : i32
      %dma_wait3A_114 = tpu.memref_slice %arg2[%dma_wait3A_112, %dma_wait3A_113] : memref<10240x128xf32, #tpu.memory_space<hbm>> -> memref<10240x128xf32, #tpu.memory_space<hbm>>
      tpu.wait_indirect_dma semaphore(%arg9 : memref<!tpu.dma_semaphore, #tpu.memory_space<semaphore_mem>>) src(%dma_wait3A_114 : memref<10240x128xf32, #tpu.memory_space<hbm>>) dst(%arg8 : memref<128x128xf32, #tpu.memory_space<vmem>>)
      %run_scoped3A_115 = arith.constant 1 : i32
      "tpu.region"() ({
        %run_scoped3A_327 = tpu.sem_alloc : memref<!tpu.dma_semaphore, #tpu.memory_space<semaphore_mem>>
        %dma_start3A_328 = arith.constant 0 : i32
        %dma_start3A_329 = tpu.memref_slice %arg7[%run_scoped3A_115, %dma_start3A_328] : memref<16x128xi32, #tpu.memory_space<vmem>> -> memref<1x128xi32, #tpu.memory_space<vmem>>
        %dma_start3A_330 = tpu.memref_squeeze %dma_start3A_329 : memref<1x128xi32, #tpu.memory_space<vmem>> -> memref<128xi32, #tpu.memory_space<vmem>>
        %dma_start3A_331 = arith.constant 0 : i32
        %dma_start3A_332 = arith.constant 0 : i32
        %dma_start3A_333 = tpu.memref_slice %arg10[%dma_start3A_331, %dma_start3A_332] : memref<10240x128xf32, #tpu.memory_space<vmem_shared>> -> memref<10240x128xf32, #tpu.memory_space<vmem_shared>>
        tpu.enqueue_indirect_dma source(%arg8 : memref<128x128xf32, #tpu.memory_space<vmem>>) target(%dma_start3A_333 : memref<10240x128xf32, #tpu.memory_space<vmem_shared>>) offsets(%dma_start3A_330 : memref<128xi32, #tpu.memory_space<vmem>>) semaphore(%run_scoped3A_327 : memref<!tpu.dma_semaphore, #tpu.memory_space<semaphore_mem>>) {add = true}
        %dma_wait3A_334 = arith.constant 0 : i32
        %dma_wait3A_335 = tpu.memref_slice %arg7[%run_scoped3A_115, %dma_wait3A_334] : memref<16x128xi32, #tpu.memory_space<vmem>> -> memref<1x128xi32, #tpu.memory_space<vmem>>
        %dma_wait3A_336 = tpu.memref_squeeze %dma_wait3A_335 : memref<1x128xi32, #tpu.memory_space<vmem>> -> memref<128xi32, #tpu.memory_space<vmem>>
        %dma_wait3A_337 = arith.constant 0 : i32
        %dma_wait3A_338 = arith.constant 0 : i32
        %dma_wait3A_339 = tpu.memref_slice %arg10[%dma_wait3A_337, %dma_wait3A_338] : memref<10240x128xf32, #tpu.memory_space<vmem_shared>> -> memref<10240x128xf32, #tpu.memory_space<vmem_shared>>
        tpu.wait_indirect_dma semaphore(%run_scoped3A_327 : memref<!tpu.dma_semaphore, #tpu.memory_space<semaphore_mem>>) src(%arg8 : memref<128x128xf32, #tpu.memory_space<vmem>>) dst(%dma_wait3A_339 : memref<10240x128xf32, #tpu.memory_space<vmem_shared>>)
        tpu.yield
      }) : () -> ()
      %dma_start3A_116 = arith.constant 2 : i32
      %dma_start3A_117 = arith.constant 0 : i32
      %dma_start3A_118 = tpu.memref_slice %arg6[%dma_start3A_116, %dma_start3A_117] : memref<16x128xi32, #tpu.memory_space<vmem>> -> memref<1x128xi32, #tpu.memory_space<vmem>>
      %dma_start3A_119 = tpu.memref_squeeze %dma_start3A_118 : memref<1x128xi32, #tpu.memory_space<vmem>> -> memref<128xi32, #tpu.memory_space<vmem>>
      %dma_start3A_120 = arith.constant 0 : i32
      %dma_start3A_121 = arith.constant 0 : i32
      %dma_start3A_122 = tpu.memref_slice %arg2[%dma_start3A_120, %dma_start3A_121] : memref<10240x128xf32, #tpu.memory_space<hbm>> -> memref<10240x128xf32, #tpu.memory_space<hbm>>
      tpu.enqueue_indirect_dma source(%dma_start3A_122 : memref<10240x128xf32, #tpu.memory_space<hbm>>) target(%arg8 : memref<128x128xf32, #tpu.memory_space<vmem>>) offsets(%dma_start3A_119 : memref<128xi32, #tpu.memory_space<vmem>>) semaphore(%arg9 : memref<!tpu.dma_semaphore, #tpu.memory_space<semaphore_mem>>)
      %dma_wait3A_123 = arith.constant 2 : i32
      %dma_wait3A_124 = arith.constant 0 : i32
      %dma_wait3A_125 = tpu.memref_slice %arg6[%dma_wait3A_123, %dma_wait3A_124] : memref<16x128xi32, #tpu.memory_space<vmem>> -> memref<1x128xi32, #tpu.memory_space<vmem>>
      %dma_wait3A_126 = tpu.memref_squeeze %dma_wait3A_125 : memref<1x128xi32, #tpu.memory_space<vmem>> -> memref<128xi32, #tpu.memory_space<vmem>>
      %dma_wait3A_127 = arith.constant 0 : i32
      %dma_wait3A_128 = arith.constant 0 : i32
      %dma_wait3A_129 = tpu.memref_slice %arg2[%dma_wait3A_127, %dma_wait3A_128] : memref<10240x128xf32, #tpu.memory_space<hbm>> -> memref<10240x128xf32, #tpu.memory_space<hbm>>
      tpu.wait_indirect_dma semaphore(%arg9 : memref<!tpu.dma_semaphore, #tpu.memory_space<semaphore_mem>>) src(%dma_wait3A_129 : memref<10240x128xf32, #tpu.memory_space<hbm>>) dst(%arg8 : memref<128x128xf32, #tpu.memory_space<vmem>>)
      %run_scoped3A_130 = arith.constant 2 : i32
      "tpu.region"() ({
        %run_scoped3A_327 = tpu.sem_alloc : memref<!tpu.dma_semaphore, #tpu.memory_space<semaphore_mem>>
        %dma_start3A_328 = arith.constant 0 : i32
        %dma_start3A_329 = tpu.memref_slice %arg7[%run_scoped3A_130, %dma_start3A_328] : memref<16x128xi32, #tpu.memory_space<vmem>> -> memref<1x128xi32, #tpu.memory_space<vmem>>
        %dma_start3A_330 = tpu.memref_squeeze %dma_start3A_329 : memref<1x128xi32, #tpu.memory_space<vmem>> -> memref<128xi32, #tpu.memory_space<vmem>>
        %dma_start3A_331 = arith.constant 0 : i32
        %dma_start3A_332 = arith.constant 0 : i32
        %dma_start3A_333 = tpu.memref_slice %arg10[%dma_start3A_331, %dma_start3A_332] : memref<10240x128xf32, #tpu.memory_space<vmem_shared>> -> memref<10240x128xf32, #tpu.memory_space<vmem_shared>>
        tpu.enqueue_indirect_dma source(%arg8 : memref<128x128xf32, #tpu.memory_space<vmem>>) target(%dma_start3A_333 : memref<10240x128xf32, #tpu.memory_space<vmem_shared>>) offsets(%dma_start3A_330 : memref<128xi32, #tpu.memory_space<vmem>>) semaphore(%run_scoped3A_327 : memref<!tpu.dma_semaphore, #tpu.memory_space<semaphore_mem>>) {add = true}
        %dma_wait3A_334 = arith.constant 0 : i32
        %dma_wait3A_335 = tpu.memref_slice %arg7[%run_scoped3A_130, %dma_wait3A_334] : memref<16x128xi32, #tpu.memory_space<vmem>> -> memref<1x128xi32, #tpu.memory_space<vmem>>
        %dma_wait3A_336 = tpu.memref_squeeze %dma_wait3A_335 : memref<1x128xi32, #tpu.memory_space<vmem>> -> memref<128xi32, #tpu.memory_space<vmem>>
        %dma_wait3A_337 = arith.constant 0 : i32
        %dma_wait3A_338 = arith.constant 0 : i32
        %dma_wait3A_339 = tpu.memref_slice %arg10[%dma_wait3A_337, %dma_wait3A_338] : memref<10240x128xf32, #tpu.memory_space<vmem_shared>> -> memref<10240x128xf32, #tpu.memory_space<vmem_shared>>
        tpu.wait_indirect_dma semaphore(%run_scoped3A_327 : memref<!tpu.dma_semaphore, #tpu.memory_space<semaphore_mem>>) src(%arg8 : memref<128x128xf32, #tpu.memory_space<vmem>>) dst(%dma_wait3A_339 : memref<10240x128xf32, #tpu.memory_space<vmem_shared>>)
        tpu.yield
      }) : () -> ()
      %dma_start3A_131 = arith.constant 3 : i32
      %dma_start3A_132 = arith.constant 0 : i32
      %dma_start3A_133 = tpu.memref_slice %arg6[%dma_start3A_131, %dma_start3A_132] : memref<16x128xi32, #tpu.memory_space<vmem>> -> memref<1x128xi32, #tpu.memory_space<vmem>>
      %dma_start3A_134 = tpu.memref_squeeze %dma_start3A_133 : memref<1x128xi32, #tpu.memory_space<vmem>> -> memref<128xi32, #tpu.memory_space<vmem>>
      %dma_start3A_135 = arith.constant 0 : i32
      %dma_start3A_136 = arith.constant 0 : i32
      %dma_start3A_137 = tpu.memref_slice %arg2[%dma_start3A_135, %dma_start3A_136] : memref<10240x128xf32, #tpu.memory_space<hbm>> -> memref<10240x128xf32, #tpu.memory_space<hbm>>
      tpu.enqueue_indirect_dma source(%dma_start3A_137 : memref<10240x128xf32, #tpu.memory_space<hbm>>) target(%arg8 : memref<128x128xf32, #tpu.memory_space<vmem>>) offsets(%dma_start3A_134 : memref<128xi32, #tpu.memory_space<vmem>>) semaphore(%arg9 : memref<!tpu.dma_semaphore, #tpu.memory_space<semaphore_mem>>)
      %dma_wait3A_138 = arith.constant 3 : i32
      %dma_wait3A_139 = arith.constant 0 : i32
      %dma_wait3A_140 = tpu.memref_slice %arg6[%dma_wait3A_138, %dma_wait3A_139] : memref<16x128xi32, #tpu.memory_space<vmem>> -> memref<1x128xi32, #tpu.memory_space<vmem>>
      %dma_wait3A_141 = tpu.memref_squeeze %dma_wait3A_140 : memref<1x128xi32, #tpu.memory_space<vmem>> -> memref<128xi32, #tpu.memory_space<vmem>>
      %dma_wait3A_142 = arith.constant 0 : i32
      %dma_wait3A_143 = arith.constant 0 : i32
      %dma_wait3A_144 = tpu.memref_slice %arg2[%dma_wait3A_142, %dma_wait3A_143] : memref<10240x128xf32, #tpu.memory_space<hbm>> -> memref<10240x128xf32, #tpu.memory_space<hbm>>
      tpu.wait_indirect_dma semaphore(%arg9 : memref<!tpu.dma_semaphore, #tpu.memory_space<semaphore_mem>>) src(%dma_wait3A_144 : memref<10240x128xf32, #tpu.memory_space<hbm>>) dst(%arg8 : memref<128x128xf32, #tpu.memory_space<vmem>>)
      %run_scoped3A_145 = arith.constant 3 : i32
      "tpu.region"() ({
        %run_scoped3A_327 = tpu.sem_alloc : memref<!tpu.dma_semaphore, #tpu.memory_space<semaphore_mem>>
        %dma_start3A_328 = arith.constant 0 : i32
        %dma_start3A_329 = tpu.memref_slice %arg7[%run_scoped3A_145, %dma_start3A_328] : memref<16x128xi32, #tpu.memory_space<vmem>> -> memref<1x128xi32, #tpu.memory_space<vmem>>
        %dma_start3A_330 = tpu.memref_squeeze %dma_start3A_329 : memref<1x128xi32, #tpu.memory_space<vmem>> -> memref<128xi32, #tpu.memory_space<vmem>>
        %dma_start3A_331 = arith.constant 0 : i32
        %dma_start3A_332 = arith.constant 0 : i32
        %dma_start3A_333 = tpu.memref_slice %arg10[%dma_start3A_331, %dma_start3A_332] : memref<10240x128xf32, #tpu.memory_space<vmem_shared>> -> memref<10240x128xf32, #tpu.memory_space<vmem_shared>>
        tpu.enqueue_indirect_dma source(%arg8 : memref<128x128xf32, #tpu.memory_space<vmem>>) target(%dma_start3A_333 : memref<10240x128xf32, #tpu.memory_space<vmem_shared>>) offsets(%dma_start3A_330 : memref<128xi32, #tpu.memory_space<vmem>>) semaphore(%run_scoped3A_327 : memref<!tpu.dma_semaphore, #tpu.memory_space<semaphore_mem>>) {add = true}
        %dma_wait3A_334 = arith.constant 0 : i32
        %dma_wait3A_335 = tpu.memref_slice %arg7[%run_scoped3A_145, %dma_wait3A_334] : memref<16x128xi32, #tpu.memory_space<vmem>> -> memref<1x128xi32, #tpu.memory_space<vmem>>
        %dma_wait3A_336 = tpu.memref_squeeze %dma_wait3A_335 : memref<1x128xi32, #tpu.memory_space<vmem>> -> memref<128xi32, #tpu.memory_space<vmem>>
        %dma_wait3A_337 = arith.constant 0 : i32
        %dma_wait3A_338 = arith.constant 0 : i32
        %dma_wait3A_339 = tpu.memref_slice %arg10[%dma_wait3A_337, %dma_wait3A_338] : memref<10240x128xf32, #tpu.memory_space<vmem_shared>> -> memref<10240x128xf32, #tpu.memory_space<vmem_shared>>
        tpu.wait_indirect_dma semaphore(%run_scoped3A_327 : memref<!tpu.dma_semaphore, #tpu.memory_space<semaphore_mem>>) src(%arg8 : memref<128x128xf32, #tpu.memory_space<vmem>>) dst(%dma_wait3A_339 : memref<10240x128xf32, #tpu.memory_space<vmem_shared>>)
        tpu.yield
      }) : () -> ()
      %dma_start3A_146 = arith.constant 4 : i32
      %dma_start3A_147 = arith.constant 0 : i32
      %dma_start3A_148 = tpu.memref_slice %arg6[%dma_start3A_146, %dma_start3A_147] : memref<16x128xi32, #tpu.memory_space<vmem>> -> memref<1x128xi32, #tpu.memory_space<vmem>>
      %dma_start3A_149 = tpu.memref_squeeze %dma_start3A_148 : memref<1x128xi32, #tpu.memory_space<vmem>> -> memref<128xi32, #tpu.memory_space<vmem>>
      %dma_start3A_150 = arith.constant 0 : i32
      %dma_start3A_151 = arith.constant 0 : i32
      %dma_start3A_152 = tpu.memref_slice %arg2[%dma_start3A_150, %dma_start3A_151] : memref<10240x128xf32, #tpu.memory_space<hbm>> -> memref<10240x128xf32, #tpu.memory_space<hbm>>
      tpu.enqueue_indirect_dma source(%dma_start3A_152 : memref<10240x128xf32, #tpu.memory_space<hbm>>) target(%arg8 : memref<128x128xf32, #tpu.memory_space<vmem>>) offsets(%dma_start3A_149 : memref<128xi32, #tpu.memory_space<vmem>>) semaphore(%arg9 : memref<!tpu.dma_semaphore, #tpu.memory_space<semaphore_mem>>)
      %dma_wait3A_153 = arith.constant 4 : i32
      %dma_wait3A_154 = arith.constant 0 : i32
      %dma_wait3A_155 = tpu.memref_slice %arg6[%dma_wait3A_153, %dma_wait3A_154] : memref<16x128xi32, #tpu.memory_space<vmem>> -> memref<1x128xi32, #tpu.memory_space<vmem>>
      %dma_wait3A_156 = tpu.memref_squeeze %dma_wait3A_155 : memref<1x128xi32, #tpu.memory_space<vmem>> -> memref<128xi32, #tpu.memory_space<vmem>>
      %dma_wait3A_157 = arith.constant 0 : i32
      %dma_wait3A_158 = arith.constant 0 : i32
      %dma_wait3A_159 = tpu.memref_slice %arg2[%dma_wait3A_157, %dma_wait3A_158] : memref<10240x128xf32, #tpu.memory_space<hbm>> -> memref<10240x128xf32, #tpu.memory_space<hbm>>
      tpu.wait_indirect_dma semaphore(%arg9 : memref<!tpu.dma_semaphore, #tpu.memory_space<semaphore_mem>>) src(%dma_wait3A_159 : memref<10240x128xf32, #tpu.memory_space<hbm>>) dst(%arg8 : memref<128x128xf32, #tpu.memory_space<vmem>>)
      %run_scoped3A_160 = arith.constant 4 : i32
      "tpu.region"() ({
        %run_scoped3A_327 = tpu.sem_alloc : memref<!tpu.dma_semaphore, #tpu.memory_space<semaphore_mem>>
        %dma_start3A_328 = arith.constant 0 : i32
        %dma_start3A_329 = tpu.memref_slice %arg7[%run_scoped3A_160, %dma_start3A_328] : memref<16x128xi32, #tpu.memory_space<vmem>> -> memref<1x128xi32, #tpu.memory_space<vmem>>
        %dma_start3A_330 = tpu.memref_squeeze %dma_start3A_329 : memref<1x128xi32, #tpu.memory_space<vmem>> -> memref<128xi32, #tpu.memory_space<vmem>>
        %dma_start3A_331 = arith.constant 0 : i32
        %dma_start3A_332 = arith.constant 0 : i32
        %dma_start3A_333 = tpu.memref_slice %arg10[%dma_start3A_331, %dma_start3A_332] : memref<10240x128xf32, #tpu.memory_space<vmem_shared>> -> memref<10240x128xf32, #tpu.memory_space<vmem_shared>>
        tpu.enqueue_indirect_dma source(%arg8 : memref<128x128xf32, #tpu.memory_space<vmem>>) target(%dma_start3A_333 : memref<10240x128xf32, #tpu.memory_space<vmem_shared>>) offsets(%dma_start3A_330 : memref<128xi32, #tpu.memory_space<vmem>>) semaphore(%run_scoped3A_327 : memref<!tpu.dma_semaphore, #tpu.memory_space<semaphore_mem>>) {add = true}
        %dma_wait3A_334 = arith.constant 0 : i32
        %dma_wait3A_335 = tpu.memref_slice %arg7[%run_scoped3A_160, %dma_wait3A_334] : memref<16x128xi32, #tpu.memory_space<vmem>> -> memref<1x128xi32, #tpu.memory_space<vmem>>
        %dma_wait3A_336 = tpu.memref_squeeze %dma_wait3A_335 : memref<1x128xi32, #tpu.memory_space<vmem>> -> memref<128xi32, #tpu.memory_space<vmem>>
        %dma_wait3A_337 = arith.constant 0 : i32
        %dma_wait3A_338 = arith.constant 0 : i32
        %dma_wait3A_339 = tpu.memref_slice %arg10[%dma_wait3A_337, %dma_wait3A_338] : memref<10240x128xf32, #tpu.memory_space<vmem_shared>> -> memref<10240x128xf32, #tpu.memory_space<vmem_shared>>
        tpu.wait_indirect_dma semaphore(%run_scoped3A_327 : memref<!tpu.dma_semaphore, #tpu.memory_space<semaphore_mem>>) src(%arg8 : memref<128x128xf32, #tpu.memory_space<vmem>>) dst(%dma_wait3A_339 : memref<10240x128xf32, #tpu.memory_space<vmem_shared>>)
        tpu.yield
      }) : () -> ()
      %dma_start3A_161 = arith.constant 5 : i32
      %dma_start3A_162 = arith.constant 0 : i32
      %dma_start3A_163 = tpu.memref_slice %arg6[%dma_start3A_161, %dma_start3A_162] : memref<16x128xi32, #tpu.memory_space<vmem>> -> memref<1x128xi32, #tpu.memory_space<vmem>>
      %dma_start3A_164 = tpu.memref_squeeze %dma_start3A_163 : memref<1x128xi32, #tpu.memory_space<vmem>> -> memref<128xi32, #tpu.memory_space<vmem>>
      %dma_start3A_165 = arith.constant 0 : i32
      %dma_start3A_166 = arith.constant 0 : i32
      %dma_start3A_167 = tpu.memref_slice %arg2[%dma_start3A_165, %dma_start3A_166] : memref<10240x128xf32, #tpu.memory_space<hbm>> -> memref<10240x128xf32, #tpu.memory_space<hbm>>
      tpu.enqueue_indirect_dma source(%dma_start3A_167 : memref<10240x128xf32, #tpu.memory_space<hbm>>) target(%arg8 : memref<128x128xf32, #tpu.memory_space<vmem>>) offsets(%dma_start3A_164 : memref<128xi32, #tpu.memory_space<vmem>>) semaphore(%arg9 : memref<!tpu.dma_semaphore, #tpu.memory_space<semaphore_mem>>)
      %dma_wait3A_168 = arith.constant 5 : i32
      %dma_wait3A_169 = arith.constant 0 : i32
      %dma_wait3A_170 = tpu.memref_slice %arg6[%dma_wait3A_168, %dma_wait3A_169] : memref<16x128xi32, #tpu.memory_space<vmem>> -> memref<1x128xi32, #tpu.memory_space<vmem>>
      %dma_wait3A_171 = tpu.memref_squeeze %dma_wait3A_170 : memref<1x128xi32, #tpu.memory_space<vmem>> -> memref<128xi32, #tpu.memory_space<vmem>>
      %dma_wait3A_172 = arith.constant 0 : i32
      %dma_wait3A_173 = arith.constant 0 : i32
      %dma_wait3A_174 = tpu.memref_slice %arg2[%dma_wait3A_172, %dma_wait3A_173] : memref<10240x128xf32, #tpu.memory_space<hbm>> -> memref<10240x128xf32, #tpu.memory_space<hbm>>
      tpu.wait_indirect_dma semaphore(%arg9 : memref<!tpu.dma_semaphore, #tpu.memory_space<semaphore_mem>>) src(%dma_wait3A_174 : memref<10240x128xf32, #tpu.memory_space<hbm>>) dst(%arg8 : memref<128x128xf32, #tpu.memory_space<vmem>>)
      %run_scoped3A_175 = arith.constant 5 : i32
      "tpu.region"() ({
        %run_scoped3A_327 = tpu.sem_alloc : memref<!tpu.dma_semaphore, #tpu.memory_space<semaphore_mem>>
        %dma_start3A_328 = arith.constant 0 : i32
        %dma_start3A_329 = tpu.memref_slice %arg7[%run_scoped3A_175, %dma_start3A_328] : memref<16x128xi32, #tpu.memory_space<vmem>> -> memref<1x128xi32, #tpu.memory_space<vmem>>
        %dma_start3A_330 = tpu.memref_squeeze %dma_start3A_329 : memref<1x128xi32, #tpu.memory_space<vmem>> -> memref<128xi32, #tpu.memory_space<vmem>>
        %dma_start3A_331 = arith.constant 0 : i32
        %dma_start3A_332 = arith.constant 0 : i32
        %dma_start3A_333 = tpu.memref_slice %arg10[%dma_start3A_331, %dma_start3A_332] : memref<10240x128xf32, #tpu.memory_space<vmem_shared>> -> memref<10240x128xf32, #tpu.memory_space<vmem_shared>>
        tpu.enqueue_indirect_dma source(%arg8 : memref<128x128xf32, #tpu.memory_space<vmem>>) target(%dma_start3A_333 : memref<10240x128xf32, #tpu.memory_space<vmem_shared>>) offsets(%dma_start3A_330 : memref<128xi32, #tpu.memory_space<vmem>>) semaphore(%run_scoped3A_327 : memref<!tpu.dma_semaphore, #tpu.memory_space<semaphore_mem>>) {add = true}
        %dma_wait3A_334 = arith.constant 0 : i32
        %dma_wait3A_335 = tpu.memref_slice %arg7[%run_scoped3A_175, %dma_wait3A_334] : memref<16x128xi32, #tpu.memory_space<vmem>> -> memref<1x128xi32, #tpu.memory_space<vmem>>
        %dma_wait3A_336 = tpu.memref_squeeze %dma_wait3A_335 : memref<1x128xi32, #tpu.memory_space<vmem>> -> memref<128xi32, #tpu.memory_space<vmem>>
        %dma_wait3A_337 = arith.constant 0 : i32
        %dma_wait3A_338 = arith.constant 0 : i32
        %dma_wait3A_339 = tpu.memref_slice %arg10[%dma_wait3A_337, %dma_wait3A_338] : memref<10240x128xf32, #tpu.memory_space<vmem_shared>> -> memref<10240x128xf32, #tpu.memory_space<vmem_shared>>
        tpu.wait_indirect_dma semaphore(%run_scoped3A_327 : memref<!tpu.dma_semaphore, #tpu.memory_space<semaphore_mem>>) src(%arg8 : memref<128x128xf32, #tpu.memory_space<vmem>>) dst(%dma_wait3A_339 : memref<10240x128xf32, #tpu.memory_space<vmem_shared>>)
        tpu.yield
      }) : () -> ()
      %dma_start3A_176 = arith.constant 6 : i32
      %dma_start3A_177 = arith.constant 0 : i32
      %dma_start3A_178 = tpu.memref_slice %arg6[%dma_start3A_176, %dma_start3A_177] : memref<16x128xi32, #tpu.memory_space<vmem>> -> memref<1x128xi32, #tpu.memory_space<vmem>>
      %dma_start3A_179 = tpu.memref_squeeze %dma_start3A_178 : memref<1x128xi32, #tpu.memory_space<vmem>> -> memref<128xi32, #tpu.memory_space<vmem>>
      %dma_start3A_180 = arith.constant 0 : i32
      %dma_start3A_181 = arith.constant 0 : i32
      %dma_start3A_182 = tpu.memref_slice %arg2[%dma_start3A_180, %dma_start3A_181] : memref<10240x128xf32, #tpu.memory_space<hbm>> -> memref<10240x128xf32, #tpu.memory_space<hbm>>
      tpu.enqueue_indirect_dma source(%dma_start3A_182 : memref<10240x128xf32, #tpu.memory_space<hbm>>) target(%arg8 : memref<128x128xf32, #tpu.memory_space<vmem>>) offsets(%dma_start3A_179 : memref<128xi32, #tpu.memory_space<vmem>>) semaphore(%arg9 : memref<!tpu.dma_semaphore, #tpu.memory_space<semaphore_mem>>)
      %dma_wait3A_183 = arith.constant 6 : i32
      %dma_wait3A_184 = arith.constant 0 : i32
      %dma_wait3A_185 = tpu.memref_slice %arg6[%dma_wait3A_183, %dma_wait3A_184] : memref<16x128xi32, #tpu.memory_space<vmem>> -> memref<1x128xi32, #tpu.memory_space<vmem>>
      %dma_wait3A_186 = tpu.memref_squeeze %dma_wait3A_185 : memref<1x128xi32, #tpu.memory_space<vmem>> -> memref<128xi32, #tpu.memory_space<vmem>>
      %dma_wait3A_187 = arith.constant 0 : i32
      %dma_wait3A_188 = arith.constant 0 : i32
      %dma_wait3A_189 = tpu.memref_slice %arg2[%dma_wait3A_187, %dma_wait3A_188] : memref<10240x128xf32, #tpu.memory_space<hbm>> -> memref<10240x128xf32, #tpu.memory_space<hbm>>
      tpu.wait_indirect_dma semaphore(%arg9 : memref<!tpu.dma_semaphore, #tpu.memory_space<semaphore_mem>>) src(%dma_wait3A_189 : memref<10240x128xf32, #tpu.memory_space<hbm>>) dst(%arg8 : memref<128x128xf32, #tpu.memory_space<vmem>>)
      %run_scoped3A_190 = arith.constant 6 : i32
      "tpu.region"() ({
        %run_scoped3A_327 = tpu.sem_alloc : memref<!tpu.dma_semaphore, #tpu.memory_space<semaphore_mem>>
        %dma_start3A_328 = arith.constant 0 : i32
        %dma_start3A_329 = tpu.memref_slice %arg7[%run_scoped3A_190, %dma_start3A_328] : memref<16x128xi32, #tpu.memory_space<vmem>> -> memref<1x128xi32, #tpu.memory_space<vmem>>
        %dma_start3A_330 = tpu.memref_squeeze %dma_start3A_329 : memref<1x128xi32, #tpu.memory_space<vmem>> -> memref<128xi32, #tpu.memory_space<vmem>>
        %dma_start3A_331 = arith.constant 0 : i32
        %dma_start3A_332 = arith.constant 0 : i32
        %dma_start3A_333 = tpu.memref_slice %arg10[%dma_start3A_331, %dma_start3A_332] : memref<10240x128xf32, #tpu.memory_space<vmem_shared>> -> memref<10240x128xf32, #tpu.memory_space<vmem_shared>>
        tpu.enqueue_indirect_dma source(%arg8 : memref<128x128xf32, #tpu.memory_space<vmem>>) target(%dma_start3A_333 : memref<10240x128xf32, #tpu.memory_space<vmem_shared>>) offsets(%dma_start3A_330 : memref<128xi32, #tpu.memory_space<vmem>>) semaphore(%run_scoped3A_327 : memref<!tpu.dma_semaphore, #tpu.memory_space<semaphore_mem>>) {add = true}
        %dma_wait3A_334 = arith.constant 0 : i32
        %dma_wait3A_335 = tpu.memref_slice %arg7[%run_scoped3A_190, %dma_wait3A_334] : memref<16x128xi32, #tpu.memory_space<vmem>> -> memref<1x128xi32, #tpu.memory_space<vmem>>
        %dma_wait3A_336 = tpu.memref_squeeze %dma_wait3A_335 : memref<1x128xi32, #tpu.memory_space<vmem>> -> memref<128xi32, #tpu.memory_space<vmem>>
        %dma_wait3A_337 = arith.constant 0 : i32
        %dma_wait3A_338 = arith.constant 0 : i32
        %dma_wait3A_339 = tpu.memref_slice %arg10[%dma_wait3A_337, %dma_wait3A_338] : memref<10240x128xf32, #tpu.memory_space<vmem_shared>> -> memref<10240x128xf32, #tpu.memory_space<vmem_shared>>
        tpu.wait_indirect_dma semaphore(%run_scoped3A_327 : memref<!tpu.dma_semaphore, #tpu.memory_space<semaphore_mem>>) src(%arg8 : memref<128x128xf32, #tpu.memory_space<vmem>>) dst(%dma_wait3A_339 : memref<10240x128xf32, #tpu.memory_space<vmem_shared>>)
        tpu.yield
      }) : () -> ()
      %dma_start3A_191 = arith.constant 7 : i32
      %dma_start3A_192 = arith.constant 0 : i32
      %dma_start3A_193 = tpu.memref_slice %arg6[%dma_start3A_191, %dma_start3A_192] : memref<16x128xi32, #tpu.memory_space<vmem>> -> memref<1x128xi32, #tpu.memory_space<vmem>>
      %dma_start3A_194 = tpu.memref_squeeze %dma_start3A_193 : memref<1x128xi32, #tpu.memory_space<vmem>> -> memref<128xi32, #tpu.memory_space<vmem>>
      %dma_start3A_195 = arith.constant 0 : i32
      %dma_start3A_196 = arith.constant 0 : i32
      %dma_start3A_197 = tpu.memref_slice %arg2[%dma_start3A_195, %dma_start3A_196] : memref<10240x128xf32, #tpu.memory_space<hbm>> -> memref<10240x128xf32, #tpu.memory_space<hbm>>
      tpu.enqueue_indirect_dma source(%dma_start3A_197 : memref<10240x128xf32, #tpu.memory_space<hbm>>) target(%arg8 : memref<128x128xf32, #tpu.memory_space<vmem>>) offsets(%dma_start3A_194 : memref<128xi32, #tpu.memory_space<vmem>>) semaphore(%arg9 : memref<!tpu.dma_semaphore, #tpu.memory_space<semaphore_mem>>)
      %dma_wait3A_198 = arith.constant 7 : i32
      %dma_wait3A_199 = arith.constant 0 : i32
      %dma_wait3A_200 = tpu.memref_slice %arg6[%dma_wait3A_198, %dma_wait3A_199] : memref<16x128xi32, #tpu.memory_space<vmem>> -> memref<1x128xi32, #tpu.memory_space<vmem>>
      %dma_wait3A_201 = tpu.memref_squeeze %dma_wait3A_200 : memref<1x128xi32, #tpu.memory_space<vmem>> -> memref<128xi32, #tpu.memory_space<vmem>>
      %dma_wait3A_202 = arith.constant 0 : i32
      %dma_wait3A_203 = arith.constant 0 : i32
      %dma_wait3A_204 = tpu.memref_slice %arg2[%dma_wait3A_202, %dma_wait3A_203] : memref<10240x128xf32, #tpu.memory_space<hbm>> -> memref<10240x128xf32, #tpu.memory_space<hbm>>
      tpu.wait_indirect_dma semaphore(%arg9 : memref<!tpu.dma_semaphore, #tpu.memory_space<semaphore_mem>>) src(%dma_wait3A_204 : memref<10240x128xf32, #tpu.memory_space<hbm>>) dst(%arg8 : memref<128x128xf32, #tpu.memory_space<vmem>>)
      %run_scoped3A_205 = arith.constant 7 : i32
      "tpu.region"() ({
        %run_scoped3A_327 = tpu.sem_alloc : memref<!tpu.dma_semaphore, #tpu.memory_space<semaphore_mem>>
        %dma_start3A_328 = arith.constant 0 : i32
        %dma_start3A_329 = tpu.memref_slice %arg7[%run_scoped3A_205, %dma_start3A_328] : memref<16x128xi32, #tpu.memory_space<vmem>> -> memref<1x128xi32, #tpu.memory_space<vmem>>
        %dma_start3A_330 = tpu.memref_squeeze %dma_start3A_329 : memref<1x128xi32, #tpu.memory_space<vmem>> -> memref<128xi32, #tpu.memory_space<vmem>>
        %dma_start3A_331 = arith.constant 0 : i32
        %dma_start3A_332 = arith.constant 0 : i32
        %dma_start3A_333 = tpu.memref_slice %arg10[%dma_start3A_331, %dma_start3A_332] : memref<10240x128xf32, #tpu.memory_space<vmem_shared>> -> memref<10240x128xf32, #tpu.memory_space<vmem_shared>>
        tpu.enqueue_indirect_dma source(%arg8 : memref<128x128xf32, #tpu.memory_space<vmem>>) target(%dma_start3A_333 : memref<10240x128xf32, #tpu.memory_space<vmem_shared>>) offsets(%dma_start3A_330 : memref<128xi32, #tpu.memory_space<vmem>>) semaphore(%run_scoped3A_327 : memref<!tpu.dma_semaphore, #tpu.memory_space<semaphore_mem>>) {add = true}
        %dma_wait3A_334 = arith.constant 0 : i32
        %dma_wait3A_335 = tpu.memref_slice %arg7[%run_scoped3A_205, %dma_wait3A_334] : memref<16x128xi32, #tpu.memory_space<vmem>> -> memref<1x128xi32, #tpu.memory_space<vmem>>
        %dma_wait3A_336 = tpu.memref_squeeze %dma_wait3A_335 : memref<1x128xi32, #tpu.memory_space<vmem>> -> memref<128xi32, #tpu.memory_space<vmem>>
        %dma_wait3A_337 = arith.constant 0 : i32
        %dma_wait3A_338 = arith.constant 0 : i32
        %dma_wait3A_339 = tpu.memref_slice %arg10[%dma_wait3A_337, %dma_wait3A_338] : memref<10240x128xf32, #tpu.memory_space<vmem_shared>> -> memref<10240x128xf32, #tpu.memory_space<vmem_shared>>
        tpu.wait_indirect_dma semaphore(%run_scoped3A_327 : memref<!tpu.dma_semaphore, #tpu.memory_space<semaphore_mem>>) src(%arg8 : memref<128x128xf32, #tpu.memory_space<vmem>>) dst(%dma_wait3A_339 : memref<10240x128xf32, #tpu.memory_space<vmem_shared>>)
        tpu.yield
      }) : () -> ()
      %dma_start3A_206 = arith.constant 8 : i32
      %dma_start3A_207 = arith.constant 0 : i32
      %dma_start3A_208 = tpu.memref_slice %arg6[%dma_start3A_206, %dma_start3A_207] : memref<16x128xi32, #tpu.memory_space<vmem>> -> memref<1x128xi32, #tpu.memory_space<vmem>>
      %dma_start3A_209 = tpu.memref_squeeze %dma_start3A_208 : memref<1x128xi32, #tpu.memory_space<vmem>> -> memref<128xi32, #tpu.memory_space<vmem>>
      %dma_start3A_210 = arith.constant 0 : i32
      %dma_start3A_211 = arith.constant 0 : i32
      %dma_start3A_212 = tpu.memref_slice %arg2[%dma_start3A_210, %dma_start3A_211] : memref<10240x128xf32, #tpu.memory_space<hbm>> -> memref<10240x128xf32, #tpu.memory_space<hbm>>
      tpu.enqueue_indirect_dma source(%dma_start3A_212 : memref<10240x128xf32, #tpu.memory_space<hbm>>) target(%arg8 : memref<128x128xf32, #tpu.memory_space<vmem>>) offsets(%dma_start3A_209 : memref<128xi32, #tpu.memory_space<vmem>>) semaphore(%arg9 : memref<!tpu.dma_semaphore, #tpu.memory_space<semaphore_mem>>)
      %dma_wait3A_213 = arith.constant 8 : i32
      %dma_wait3A_214 = arith.constant 0 : i32
      %dma_wait3A_215 = tpu.memref_slice %arg6[%dma_wait3A_213, %dma_wait3A_214] : memref<16x128xi32, #tpu.memory_space<vmem>> -> memref<1x128xi32, #tpu.memory_space<vmem>>
      %dma_wait3A_216 = tpu.memref_squeeze %dma_wait3A_215 : memref<1x128xi32, #tpu.memory_space<vmem>> -> memref<128xi32, #tpu.memory_space<vmem>>
      %dma_wait3A_217 = arith.constant 0 : i32
      %dma_wait3A_218 = arith.constant 0 : i32
      %dma_wait3A_219 = tpu.memref_slice %arg2[%dma_wait3A_217, %dma_wait3A_218] : memref<10240x128xf32, #tpu.memory_space<hbm>> -> memref<10240x128xf32, #tpu.memory_space<hbm>>
      tpu.wait_indirect_dma semaphore(%arg9 : memref<!tpu.dma_semaphore, #tpu.memory_space<semaphore_mem>>) src(%dma_wait3A_219 : memref<10240x128xf32, #tpu.memory_space<hbm>>) dst(%arg8 : memref<128x128xf32, #tpu.memory_space<vmem>>)
      %run_scoped3A_220 = arith.constant 8 : i32
      "tpu.region"() ({
        %run_scoped3A_327 = tpu.sem_alloc : memref<!tpu.dma_semaphore, #tpu.memory_space<semaphore_mem>>
        %dma_start3A_328 = arith.constant 0 : i32
        %dma_start3A_329 = tpu.memref_slice %arg7[%run_scoped3A_220, %dma_start3A_328] : memref<16x128xi32, #tpu.memory_space<vmem>> -> memref<1x128xi32, #tpu.memory_space<vmem>>
        %dma_start3A_330 = tpu.memref_squeeze %dma_start3A_329 : memref<1x128xi32, #tpu.memory_space<vmem>> -> memref<128xi32, #tpu.memory_space<vmem>>
        %dma_start3A_331 = arith.constant 0 : i32
        %dma_start3A_332 = arith.constant 0 : i32
        %dma_start3A_333 = tpu.memref_slice %arg10[%dma_start3A_331, %dma_start3A_332] : memref<10240x128xf32, #tpu.memory_space<vmem_shared>> -> memref<10240x128xf32, #tpu.memory_space<vmem_shared>>
        tpu.enqueue_indirect_dma source(%arg8 : memref<128x128xf32, #tpu.memory_space<vmem>>) target(%dma_start3A_333 : memref<10240x128xf32, #tpu.memory_space<vmem_shared>>) offsets(%dma_start3A_330 : memref<128xi32, #tpu.memory_space<vmem>>) semaphore(%run_scoped3A_327 : memref<!tpu.dma_semaphore, #tpu.memory_space<semaphore_mem>>) {add = true}
        %dma_wait3A_334 = arith.constant 0 : i32
        %dma_wait3A_335 = tpu.memref_slice %arg7[%run_scoped3A_220, %dma_wait3A_334] : memref<16x128xi32, #tpu.memory_space<vmem>> -> memref<1x128xi32, #tpu.memory_space<vmem>>
        %dma_wait3A_336 = tpu.memref_squeeze %dma_wait3A_335 : memref<1x128xi32, #tpu.memory_space<vmem>> -> memref<128xi32, #tpu.memory_space<vmem>>
        %dma_wait3A_337 = arith.constant 0 : i32
        %dma_wait3A_338 = arith.constant 0 : i32
        %dma_wait3A_339 = tpu.memref_slice %arg10[%dma_wait3A_337, %dma_wait3A_338] : memref<10240x128xf32, #tpu.memory_space<vmem_shared>> -> memref<10240x128xf32, #tpu.memory_space<vmem_shared>>
        tpu.wait_indirect_dma semaphore(%run_scoped3A_327 : memref<!tpu.dma_semaphore, #tpu.memory_space<semaphore_mem>>) src(%arg8 : memref<128x128xf32, #tpu.memory_space<vmem>>) dst(%dma_wait3A_339 : memref<10240x128xf32, #tpu.memory_space<vmem_shared>>)
        tpu.yield
      }) : () -> ()
      %dma_start3A_221 = arith.constant 9 : i32
      %dma_start3A_222 = arith.constant 0 : i32
      %dma_start3A_223 = tpu.memref_slice %arg6[%dma_start3A_221, %dma_start3A_222] : memref<16x128xi32, #tpu.memory_space<vmem>> -> memref<1x128xi32, #tpu.memory_space<vmem>>
      %dma_start3A_224 = tpu.memref_squeeze %dma_start3A_223 : memref<1x128xi32, #tpu.memory_space<vmem>> -> memref<128xi32, #tpu.memory_space<vmem>>
      %dma_start3A_225 = arith.constant 0 : i32
      %dma_start3A_226 = arith.constant 0 : i32
      %dma_start3A_227 = tpu.memref_slice %arg2[%dma_start3A_225, %dma_start3A_226] : memref<10240x128xf32, #tpu.memory_space<hbm>> -> memref<10240x128xf32, #tpu.memory_space<hbm>>
      tpu.enqueue_indirect_dma source(%dma_start3A_227 : memref<10240x128xf32, #tpu.memory_space<hbm>>) target(%arg8 : memref<128x128xf32, #tpu.memory_space<vmem>>) offsets(%dma_start3A_224 : memref<128xi32, #tpu.memory_space<vmem>>) semaphore(%arg9 : memref<!tpu.dma_semaphore, #tpu.memory_space<semaphore_mem>>)
      %dma_wait3A_228 = arith.constant 9 : i32
      %dma_wait3A_229 = arith.constant 0 : i32
      %dma_wait3A_230 = tpu.memref_slice %arg6[%dma_wait3A_228, %dma_wait3A_229] : memref<16x128xi32, #tpu.memory_space<vmem>> -> memref<1x128xi32, #tpu.memory_space<vmem>>
      %dma_wait3A_231 = tpu.memref_squeeze %dma_wait3A_230 : memref<1x128xi32, #tpu.memory_space<vmem>> -> memref<128xi32, #tpu.memory_space<vmem>>
      %dma_wait3A_232 = arith.constant 0 : i32
      %dma_wait3A_233 = arith.constant 0 : i32
      %dma_wait3A_234 = tpu.memref_slice %arg2[%dma_wait3A_232, %dma_wait3A_233] : memref<10240x128xf32, #tpu.memory_space<hbm>> -> memref<10240x128xf32, #tpu.memory_space<hbm>>
      tpu.wait_indirect_dma semaphore(%arg9 : memref<!tpu.dma_semaphore, #tpu.memory_space<semaphore_mem>>) src(%dma_wait3A_234 : memref<10240x128xf32, #tpu.memory_space<hbm>>) dst(%arg8 : memref<128x128xf32, #tpu.memory_space<vmem>>)
      %run_scoped3A_235 = arith.constant 9 : i32
      "tpu.region"() ({
        %run_scoped3A_327 = tpu.sem_alloc : memref<!tpu.dma_semaphore, #tpu.memory_space<semaphore_mem>>
        %dma_start3A_328 = arith.constant 0 : i32
        %dma_start3A_329 = tpu.memref_slice %arg7[%run_scoped3A_235, %dma_start3A_328] : memref<16x128xi32, #tpu.memory_space<vmem>> -> memref<1x128xi32, #tpu.memory_space<vmem>>
        %dma_start3A_330 = tpu.memref_squeeze %dma_start3A_329 : memref<1x128xi32, #tpu.memory_space<vmem>> -> memref<128xi32, #tpu.memory_space<vmem>>
        %dma_start3A_331 = arith.constant 0 : i32
        %dma_start3A_332 = arith.constant 0 : i32
        %dma_start3A_333 = tpu.memref_slice %arg10[%dma_start3A_331, %dma_start3A_332] : memref<10240x128xf32, #tpu.memory_space<vmem_shared>> -> memref<10240x128xf32, #tpu.memory_space<vmem_shared>>
        tpu.enqueue_indirect_dma source(%arg8 : memref<128x128xf32, #tpu.memory_space<vmem>>) target(%dma_start3A_333 : memref<10240x128xf32, #tpu.memory_space<vmem_shared>>) offsets(%dma_start3A_330 : memref<128xi32, #tpu.memory_space<vmem>>) semaphore(%run_scoped3A_327 : memref<!tpu.dma_semaphore, #tpu.memory_space<semaphore_mem>>) {add = true}
        %dma_wait3A_334 = arith.constant 0 : i32
        %dma_wait3A_335 = tpu.memref_slice %arg7[%run_scoped3A_235, %dma_wait3A_334] : memref<16x128xi32, #tpu.memory_space<vmem>> -> memref<1x128xi32, #tpu.memory_space<vmem>>
        %dma_wait3A_336 = tpu.memref_squeeze %dma_wait3A_335 : memref<1x128xi32, #tpu.memory_space<vmem>> -> memref<128xi32, #tpu.memory_space<vmem>>
        %dma_wait3A_337 = arith.constant 0 : i32
        %dma_wait3A_338 = arith.constant 0 : i32
        %dma_wait3A_339 = tpu.memref_slice %arg10[%dma_wait3A_337, %dma_wait3A_338] : memref<10240x128xf32, #tpu.memory_space<vmem_shared>> -> memref<10240x128xf32, #tpu.memory_space<vmem_shared>>
        tpu.wait_indirect_dma semaphore(%run_scoped3A_327 : memref<!tpu.dma_semaphore, #tpu.memory_space<semaphore_mem>>) src(%arg8 : memref<128x128xf32, #tpu.memory_space<vmem>>) dst(%dma_wait3A_339 : memref<10240x128xf32, #tpu.memory_space<vmem_shared>>)
        tpu.yield
      }) : () -> ()
      %dma_start3A_236 = arith.constant 10 : i32
      %dma_start3A_237 = arith.constant 0 : i32
      %dma_start3A_238 = tpu.memref_slice %arg6[%dma_start3A_236, %dma_start3A_237] : memref<16x128xi32, #tpu.memory_space<vmem>> -> memref<1x128xi32, #tpu.memory_space<vmem>>
      %dma_start3A_239 = tpu.memref_squeeze %dma_start3A_238 : memref<1x128xi32, #tpu.memory_space<vmem>> -> memref<128xi32, #tpu.memory_space<vmem>>
      %dma_start3A_240 = arith.constant 0 : i32
      %dma_start3A_241 = arith.constant 0 : i32
      %dma_start3A_242 = tpu.memref_slice %arg2[%dma_start3A_240, %dma_start3A_241] : memref<10240x128xf32, #tpu.memory_space<hbm>> -> memref<10240x128xf32, #tpu.memory_space<hbm>>
      tpu.enqueue_indirect_dma source(%dma_start3A_242 : memref<10240x128xf32, #tpu.memory_space<hbm>>) target(%arg8 : memref<128x128xf32, #tpu.memory_space<vmem>>) offsets(%dma_start3A_239 : memref<128xi32, #tpu.memory_space<vmem>>) semaphore(%arg9 : memref<!tpu.dma_semaphore, #tpu.memory_space<semaphore_mem>>)
      %dma_wait3A_243 = arith.constant 10 : i32
      %dma_wait3A_244 = arith.constant 0 : i32
      %dma_wait3A_245 = tpu.memref_slice %arg6[%dma_wait3A_243, %dma_wait3A_244] : memref<16x128xi32, #tpu.memory_space<vmem>> -> memref<1x128xi32, #tpu.memory_space<vmem>>
      %dma_wait3A_246 = tpu.memref_squeeze %dma_wait3A_245 : memref<1x128xi32, #tpu.memory_space<vmem>> -> memref<128xi32, #tpu.memory_space<vmem>>
      %dma_wait3A_247 = arith.constant 0 : i32
      %dma_wait3A_248 = arith.constant 0 : i32
      %dma_wait3A_249 = tpu.memref_slice %arg2[%dma_wait3A_247, %dma_wait3A_248] : memref<10240x128xf32, #tpu.memory_space<hbm>> -> memref<10240x128xf32, #tpu.memory_space<hbm>>
      tpu.wait_indirect_dma semaphore(%arg9 : memref<!tpu.dma_semaphore, #tpu.memory_space<semaphore_mem>>) src(%dma_wait3A_249 : memref<10240x128xf32, #tpu.memory_space<hbm>>) dst(%arg8 : memref<128x128xf32, #tpu.memory_space<vmem>>)
      %run_scoped3A_250 = arith.constant 10 : i32
      "tpu.region"() ({
        %run_scoped3A_327 = tpu.sem_alloc : memref<!tpu.dma_semaphore, #tpu.memory_space<semaphore_mem>>
        %dma_start3A_328 = arith.constant 0 : i32
        %dma_start3A_329 = tpu.memref_slice %arg7[%run_scoped3A_250, %dma_start3A_328] : memref<16x128xi32, #tpu.memory_space<vmem>> -> memref<1x128xi32, #tpu.memory_space<vmem>>
        %dma_start3A_330 = tpu.memref_squeeze %dma_start3A_329 : memref<1x128xi32, #tpu.memory_space<vmem>> -> memref<128xi32, #tpu.memory_space<vmem>>
        %dma_start3A_331 = arith.constant 0 : i32
        %dma_start3A_332 = arith.constant 0 : i32
        %dma_start3A_333 = tpu.memref_slice %arg10[%dma_start3A_331, %dma_start3A_332] : memref<10240x128xf32, #tpu.memory_space<vmem_shared>> -> memref<10240x128xf32, #tpu.memory_space<vmem_shared>>
        tpu.enqueue_indirect_dma source(%arg8 : memref<128x128xf32, #tpu.memory_space<vmem>>) target(%dma_start3A_333 : memref<10240x128xf32, #tpu.memory_space<vmem_shared>>) offsets(%dma_start3A_330 : memref<128xi32, #tpu.memory_space<vmem>>) semaphore(%run_scoped3A_327 : memref<!tpu.dma_semaphore, #tpu.memory_space<semaphore_mem>>) {add = true}
        %dma_wait3A_334 = arith.constant 0 : i32
        %dma_wait3A_335 = tpu.memref_slice %arg7[%run_scoped3A_250, %dma_wait3A_334] : memref<16x128xi32, #tpu.memory_space<vmem>> -> memref<1x128xi32, #tpu.memory_space<vmem>>
        %dma_wait3A_336 = tpu.memref_squeeze %dma_wait3A_335 : memref<1x128xi32, #tpu.memory_space<vmem>> -> memref<128xi32, #tpu.memory_space<vmem>>
        %dma_wait3A_337 = arith.constant 0 : i32
        %dma_wait3A_338 = arith.constant 0 : i32
        %dma_wait3A_339 = tpu.memref_slice %arg10[%dma_wait3A_337, %dma_wait3A_338] : memref<10240x128xf32, #tpu.memory_space<vmem_shared>> -> memref<10240x128xf32, #tpu.memory_space<vmem_shared>>
        tpu.wait_indirect_dma semaphore(%run_scoped3A_327 : memref<!tpu.dma_semaphore, #tpu.memory_space<semaphore_mem>>) src(%arg8 : memref<128x128xf32, #tpu.memory_space<vmem>>) dst(%dma_wait3A_339 : memref<10240x128xf32, #tpu.memory_space<vmem_shared>>)
        tpu.yield
      }) : () -> ()
      %dma_start3A_251 = arith.constant 11 : i32
      %dma_start3A_252 = arith.constant 0 : i32
      %dma_start3A_253 = tpu.memref_slice %arg6[%dma_start3A_251, %dma_start3A_252] : memref<16x128xi32, #tpu.memory_space<vmem>> -> memref<1x128xi32, #tpu.memory_space<vmem>>
      %dma_start3A_254 = tpu.memref_squeeze %dma_start3A_253 : memref<1x128xi32, #tpu.memory_space<vmem>> -> memref<128xi32, #tpu.memory_space<vmem>>
      %dma_start3A_255 = arith.constant 0 : i32
      %dma_start3A_256 = arith.constant 0 : i32
      %dma_start3A_257 = tpu.memref_slice %arg2[%dma_start3A_255, %dma_start3A_256] : memref<10240x128xf32, #tpu.memory_space<hbm>> -> memref<10240x128xf32, #tpu.memory_space<hbm>>
      tpu.enqueue_indirect_dma source(%dma_start3A_257 : memref<10240x128xf32, #tpu.memory_space<hbm>>) target(%arg8 : memref<128x128xf32, #tpu.memory_space<vmem>>) offsets(%dma_start3A_254 : memref<128xi32, #tpu.memory_space<vmem>>) semaphore(%arg9 : memref<!tpu.dma_semaphore, #tpu.memory_space<semaphore_mem>>)
      %dma_wait3A_258 = arith.constant 11 : i32
      %dma_wait3A_259 = arith.constant 0 : i32
      %dma_wait3A_260 = tpu.memref_slice %arg6[%dma_wait3A_258, %dma_wait3A_259] : memref<16x128xi32, #tpu.memory_space<vmem>> -> memref<1x128xi32, #tpu.memory_space<vmem>>
      %dma_wait3A_261 = tpu.memref_squeeze %dma_wait3A_260 : memref<1x128xi32, #tpu.memory_space<vmem>> -> memref<128xi32, #tpu.memory_space<vmem>>
      %dma_wait3A_262 = arith.constant 0 : i32
      %dma_wait3A_263 = arith.constant 0 : i32
      %dma_wait3A_264 = tpu.memref_slice %arg2[%dma_wait3A_262, %dma_wait3A_263] : memref<10240x128xf32, #tpu.memory_space<hbm>> -> memref<10240x128xf32, #tpu.memory_space<hbm>>
      tpu.wait_indirect_dma semaphore(%arg9 : memref<!tpu.dma_semaphore, #tpu.memory_space<semaphore_mem>>) src(%dma_wait3A_264 : memref<10240x128xf32, #tpu.memory_space<hbm>>) dst(%arg8 : memref<128x128xf32, #tpu.memory_space<vmem>>)
      %run_scoped3A_265 = arith.constant 11 : i32
      "tpu.region"() ({
        %run_scoped3A_327 = tpu.sem_alloc : memref<!tpu.dma_semaphore, #tpu.memory_space<semaphore_mem>>
        %dma_start3A_328 = arith.constant 0 : i32
        %dma_start3A_329 = tpu.memref_slice %arg7[%run_scoped3A_265, %dma_start3A_328] : memref<16x128xi32, #tpu.memory_space<vmem>> -> memref<1x128xi32, #tpu.memory_space<vmem>>
        %dma_start3A_330 = tpu.memref_squeeze %dma_start3A_329 : memref<1x128xi32, #tpu.memory_space<vmem>> -> memref<128xi32, #tpu.memory_space<vmem>>
        %dma_start3A_331 = arith.constant 0 : i32
        %dma_start3A_332 = arith.constant 0 : i32
        %dma_start3A_333 = tpu.memref_slice %arg10[%dma_start3A_331, %dma_start3A_332] : memref<10240x128xf32, #tpu.memory_space<vmem_shared>> -> memref<10240x128xf32, #tpu.memory_space<vmem_shared>>
        tpu.enqueue_indirect_dma source(%arg8 : memref<128x128xf32, #tpu.memory_space<vmem>>) target(%dma_start3A_333 : memref<10240x128xf32, #tpu.memory_space<vmem_shared>>) offsets(%dma_start3A_330 : memref<128xi32, #tpu.memory_space<vmem>>) semaphore(%run_scoped3A_327 : memref<!tpu.dma_semaphore, #tpu.memory_space<semaphore_mem>>) {add = true}
        %dma_wait3A_334 = arith.constant 0 : i32
        %dma_wait3A_335 = tpu.memref_slice %arg7[%run_scoped3A_265, %dma_wait3A_334] : memref<16x128xi32, #tpu.memory_space<vmem>> -> memref<1x128xi32, #tpu.memory_space<vmem>>
        %dma_wait3A_336 = tpu.memref_squeeze %dma_wait3A_335 : memref<1x128xi32, #tpu.memory_space<vmem>> -> memref<128xi32, #tpu.memory_space<vmem>>
        %dma_wait3A_337 = arith.constant 0 : i32
        %dma_wait3A_338 = arith.constant 0 : i32
        %dma_wait3A_339 = tpu.memref_slice %arg10[%dma_wait3A_337, %dma_wait3A_338] : memref<10240x128xf32, #tpu.memory_space<vmem_shared>> -> memref<10240x128xf32, #tpu.memory_space<vmem_shared>>
        tpu.wait_indirect_dma semaphore(%run_scoped3A_327 : memref<!tpu.dma_semaphore, #tpu.memory_space<semaphore_mem>>) src(%arg8 : memref<128x128xf32, #tpu.memory_space<vmem>>) dst(%dma_wait3A_339 : memref<10240x128xf32, #tpu.memory_space<vmem_shared>>)
        tpu.yield
      }) : () -> ()
      %dma_start3A_266 = arith.constant 12 : i32
      %dma_start3A_267 = arith.constant 0 : i32
      %dma_start3A_268 = tpu.memref_slice %arg6[%dma_start3A_266, %dma_start3A_267] : memref<16x128xi32, #tpu.memory_space<vmem>> -> memref<1x128xi32, #tpu.memory_space<vmem>>
      %dma_start3A_269 = tpu.memref_squeeze %dma_start3A_268 : memref<1x128xi32, #tpu.memory_space<vmem>> -> memref<128xi32, #tpu.memory_space<vmem>>
      %dma_start3A_270 = arith.constant 0 : i32
      %dma_start3A_271 = arith.constant 0 : i32
      %dma_start3A_272 = tpu.memref_slice %arg2[%dma_start3A_270, %dma_start3A_271] : memref<10240x128xf32, #tpu.memory_space<hbm>> -> memref<10240x128xf32, #tpu.memory_space<hbm>>
      tpu.enqueue_indirect_dma source(%dma_start3A_272 : memref<10240x128xf32, #tpu.memory_space<hbm>>) target(%arg8 : memref<128x128xf32, #tpu.memory_space<vmem>>) offsets(%dma_start3A_269 : memref<128xi32, #tpu.memory_space<vmem>>) semaphore(%arg9 : memref<!tpu.dma_semaphore, #tpu.memory_space<semaphore_mem>>)
      %dma_wait3A_273 = arith.constant 12 : i32
      %dma_wait3A_274 = arith.constant 0 : i32
      %dma_wait3A_275 = tpu.memref_slice %arg6[%dma_wait3A_273, %dma_wait3A_274] : memref<16x128xi32, #tpu.memory_space<vmem>> -> memref<1x128xi32, #tpu.memory_space<vmem>>
      %dma_wait3A_276 = tpu.memref_squeeze %dma_wait3A_275 : memref<1x128xi32, #tpu.memory_space<vmem>> -> memref<128xi32, #tpu.memory_space<vmem>>
      %dma_wait3A_277 = arith.constant 0 : i32
      %dma_wait3A_278 = arith.constant 0 : i32
      %dma_wait3A_279 = tpu.memref_slice %arg2[%dma_wait3A_277, %dma_wait3A_278] : memref<10240x128xf32, #tpu.memory_space<hbm>> -> memref<10240x128xf32, #tpu.memory_space<hbm>>
      tpu.wait_indirect_dma semaphore(%arg9 : memref<!tpu.dma_semaphore, #tpu.memory_space<semaphore_mem>>) src(%dma_wait3A_279 : memref<10240x128xf32, #tpu.memory_space<hbm>>) dst(%arg8 : memref<128x128xf32, #tpu.memory_space<vmem>>)
      %run_scoped3A_280 = arith.constant 12 : i32
      "tpu.region"() ({
        %run_scoped3A_327 = tpu.sem_alloc : memref<!tpu.dma_semaphore, #tpu.memory_space<semaphore_mem>>
        %dma_start3A_328 = arith.constant 0 : i32
        %dma_start3A_329 = tpu.memref_slice %arg7[%run_scoped3A_280, %dma_start3A_328] : memref<16x128xi32, #tpu.memory_space<vmem>> -> memref<1x128xi32, #tpu.memory_space<vmem>>
        %dma_start3A_330 = tpu.memref_squeeze %dma_start3A_329 : memref<1x128xi32, #tpu.memory_space<vmem>> -> memref<128xi32, #tpu.memory_space<vmem>>
        %dma_start3A_331 = arith.constant 0 : i32
        %dma_start3A_332 = arith.constant 0 : i32
        %dma_start3A_333 = tpu.memref_slice %arg10[%dma_start3A_331, %dma_start3A_332] : memref<10240x128xf32, #tpu.memory_space<vmem_shared>> -> memref<10240x128xf32, #tpu.memory_space<vmem_shared>>
        tpu.enqueue_indirect_dma source(%arg8 : memref<128x128xf32, #tpu.memory_space<vmem>>) target(%dma_start3A_333 : memref<10240x128xf32, #tpu.memory_space<vmem_shared>>) offsets(%dma_start3A_330 : memref<128xi32, #tpu.memory_space<vmem>>) semaphore(%run_scoped3A_327 : memref<!tpu.dma_semaphore, #tpu.memory_space<semaphore_mem>>) {add = true}
        %dma_wait3A_334 = arith.constant 0 : i32
        %dma_wait3A_335 = tpu.memref_slice %arg7[%run_scoped3A_280, %dma_wait3A_334] : memref<16x128xi32, #tpu.memory_space<vmem>> -> memref<1x128xi32, #tpu.memory_space<vmem>>
        %dma_wait3A_336 = tpu.memref_squeeze %dma_wait3A_335 : memref<1x128xi32, #tpu.memory_space<vmem>> -> memref<128xi32, #tpu.memory_space<vmem>>
        %dma_wait3A_337 = arith.constant 0 : i32
        %dma_wait3A_338 = arith.constant 0 : i32
        %dma_wait3A_339 = tpu.memref_slice %arg10[%dma_wait3A_337, %dma_wait3A_338] : memref<10240x128xf32, #tpu.memory_space<vmem_shared>> -> memref<10240x128xf32, #tpu.memory_space<vmem_shared>>
        tpu.wait_indirect_dma semaphore(%run_scoped3A_327 : memref<!tpu.dma_semaphore, #tpu.memory_space<semaphore_mem>>) src(%arg8 : memref<128x128xf32, #tpu.memory_space<vmem>>) dst(%dma_wait3A_339 : memref<10240x128xf32, #tpu.memory_space<vmem_shared>>)
        tpu.yield
      }) : () -> ()
      %dma_start3A_281 = arith.constant 13 : i32
      %dma_start3A_282 = arith.constant 0 : i32
      %dma_start3A_283 = tpu.memref_slice %arg6[%dma_start3A_281, %dma_start3A_282] : memref<16x128xi32, #tpu.memory_space<vmem>> -> memref<1x128xi32, #tpu.memory_space<vmem>>
      %dma_start3A_284 = tpu.memref_squeeze %dma_start3A_283 : memref<1x128xi32, #tpu.memory_space<vmem>> -> memref<128xi32, #tpu.memory_space<vmem>>
      %dma_start3A_285 = arith.constant 0 : i32
      %dma_start3A_286 = arith.constant 0 : i32
      %dma_start3A_287 = tpu.memref_slice %arg2[%dma_start3A_285, %dma_start3A_286] : memref<10240x128xf32, #tpu.memory_space<hbm>> -> memref<10240x128xf32, #tpu.memory_space<hbm>>
      tpu.enqueue_indirect_dma source(%dma_start3A_287 : memref<10240x128xf32, #tpu.memory_space<hbm>>) target(%arg8 : memref<128x128xf32, #tpu.memory_space<vmem>>) offsets(%dma_start3A_284 : memref<128xi32, #tpu.memory_space<vmem>>) semaphore(%arg9 : memref<!tpu.dma_semaphore, #tpu.memory_space<semaphore_mem>>)
      %dma_wait3A_288 = arith.constant 13 : i32
      %dma_wait3A_289 = arith.constant 0 : i32
      %dma_wait3A_290 = tpu.memref_slice %arg6[%dma_wait3A_288, %dma_wait3A_289] : memref<16x128xi32, #tpu.memory_space<vmem>> -> memref<1x128xi32, #tpu.memory_space<vmem>>
      %dma_wait3A_291 = tpu.memref_squeeze %dma_wait3A_290 : memref<1x128xi32, #tpu.memory_space<vmem>> -> memref<128xi32, #tpu.memory_space<vmem>>
      %dma_wait3A_292 = arith.constant 0 : i32
      %dma_wait3A_293 = arith.constant 0 : i32
      %dma_wait3A_294 = tpu.memref_slice %arg2[%dma_wait3A_292, %dma_wait3A_293] : memref<10240x128xf32, #tpu.memory_space<hbm>> -> memref<10240x128xf32, #tpu.memory_space<hbm>>
      tpu.wait_indirect_dma semaphore(%arg9 : memref<!tpu.dma_semaphore, #tpu.memory_space<semaphore_mem>>) src(%dma_wait3A_294 : memref<10240x128xf32, #tpu.memory_space<hbm>>) dst(%arg8 : memref<128x128xf32, #tpu.memory_space<vmem>>)
      %run_scoped3A_295 = arith.constant 13 : i32
      "tpu.region"() ({
        %run_scoped3A_327 = tpu.sem_alloc : memref<!tpu.dma_semaphore, #tpu.memory_space<semaphore_mem>>
        %dma_start3A_328 = arith.constant 0 : i32
        %dma_start3A_329 = tpu.memref_slice %arg7[%run_scoped3A_295, %dma_start3A_328] : memref<16x128xi32, #tpu.memory_space<vmem>> -> memref<1x128xi32, #tpu.memory_space<vmem>>
        %dma_start3A_330 = tpu.memref_squeeze %dma_start3A_329 : memref<1x128xi32, #tpu.memory_space<vmem>> -> memref<128xi32, #tpu.memory_space<vmem>>
        %dma_start3A_331 = arith.constant 0 : i32
        %dma_start3A_332 = arith.constant 0 : i32
        %dma_start3A_333 = tpu.memref_slice %arg10[%dma_start3A_331, %dma_start3A_332] : memref<10240x128xf32, #tpu.memory_space<vmem_shared>> -> memref<10240x128xf32, #tpu.memory_space<vmem_shared>>
        tpu.enqueue_indirect_dma source(%arg8 : memref<128x128xf32, #tpu.memory_space<vmem>>) target(%dma_start3A_333 : memref<10240x128xf32, #tpu.memory_space<vmem_shared>>) offsets(%dma_start3A_330 : memref<128xi32, #tpu.memory_space<vmem>>) semaphore(%run_scoped3A_327 : memref<!tpu.dma_semaphore, #tpu.memory_space<semaphore_mem>>) {add = true}
        %dma_wait3A_334 = arith.constant 0 : i32
        %dma_wait3A_335 = tpu.memref_slice %arg7[%run_scoped3A_295, %dma_wait3A_334] : memref<16x128xi32, #tpu.memory_space<vmem>> -> memref<1x128xi32, #tpu.memory_space<vmem>>
        %dma_wait3A_336 = tpu.memref_squeeze %dma_wait3A_335 : memref<1x128xi32, #tpu.memory_space<vmem>> -> memref<128xi32, #tpu.memory_space<vmem>>
        %dma_wait3A_337 = arith.constant 0 : i32
        %dma_wait3A_338 = arith.constant 0 : i32
        %dma_wait3A_339 = tpu.memref_slice %arg10[%dma_wait3A_337, %dma_wait3A_338] : memref<10240x128xf32, #tpu.memory_space<vmem_shared>> -> memref<10240x128xf32, #tpu.memory_space<vmem_shared>>
        tpu.wait_indirect_dma semaphore(%run_scoped3A_327 : memref<!tpu.dma_semaphore, #tpu.memory_space<semaphore_mem>>) src(%arg8 : memref<128x128xf32, #tpu.memory_space<vmem>>) dst(%dma_wait3A_339 : memref<10240x128xf32, #tpu.memory_space<vmem_shared>>)
        tpu.yield
      }) : () -> ()
      %dma_start3A_296 = arith.constant 14 : i32
      %dma_start3A_297 = arith.constant 0 : i32
      %dma_start3A_298 = tpu.memref_slice %arg6[%dma_start3A_296, %dma_start3A_297] : memref<16x128xi32, #tpu.memory_space<vmem>> -> memref<1x128xi32, #tpu.memory_space<vmem>>
      %dma_start3A_299 = tpu.memref_squeeze %dma_start3A_298 : memref<1x128xi32, #tpu.memory_space<vmem>> -> memref<128xi32, #tpu.memory_space<vmem>>
      %dma_start3A_300 = arith.constant 0 : i32
      %dma_start3A_301 = arith.constant 0 : i32
      %dma_start3A_302 = tpu.memref_slice %arg2[%dma_start3A_300, %dma_start3A_301] : memref<10240x128xf32, #tpu.memory_space<hbm>> -> memref<10240x128xf32, #tpu.memory_space<hbm>>
      tpu.enqueue_indirect_dma source(%dma_start3A_302 : memref<10240x128xf32, #tpu.memory_space<hbm>>) target(%arg8 : memref<128x128xf32, #tpu.memory_space<vmem>>) offsets(%dma_start3A_299 : memref<128xi32, #tpu.memory_space<vmem>>) semaphore(%arg9 : memref<!tpu.dma_semaphore, #tpu.memory_space<semaphore_mem>>)
      %dma_wait3A_303 = arith.constant 14 : i32
      %dma_wait3A_304 = arith.constant 0 : i32
      %dma_wait3A_305 = tpu.memref_slice %arg6[%dma_wait3A_303, %dma_wait3A_304] : memref<16x128xi32, #tpu.memory_space<vmem>> -> memref<1x128xi32, #tpu.memory_space<vmem>>
      %dma_wait3A_306 = tpu.memref_squeeze %dma_wait3A_305 : memref<1x128xi32, #tpu.memory_space<vmem>> -> memref<128xi32, #tpu.memory_space<vmem>>
      %dma_wait3A_307 = arith.constant 0 : i32
      %dma_wait3A_308 = arith.constant 0 : i32
      %dma_wait3A_309 = tpu.memref_slice %arg2[%dma_wait3A_307, %dma_wait3A_308] : memref<10240x128xf32, #tpu.memory_space<hbm>> -> memref<10240x128xf32, #tpu.memory_space<hbm>>
      tpu.wait_indirect_dma semaphore(%arg9 : memref<!tpu.dma_semaphore, #tpu.memory_space<semaphore_mem>>) src(%dma_wait3A_309 : memref<10240x128xf32, #tpu.memory_space<hbm>>) dst(%arg8 : memref<128x128xf32, #tpu.memory_space<vmem>>)
      %run_scoped3A_310 = arith.constant 14 : i32
      "tpu.region"() ({
        %run_scoped3A_327 = tpu.sem_alloc : memref<!tpu.dma_semaphore, #tpu.memory_space<semaphore_mem>>
        %dma_start3A_328 = arith.constant 0 : i32
        %dma_start3A_329 = tpu.memref_slice %arg7[%run_scoped3A_310, %dma_start3A_328] : memref<16x128xi32, #tpu.memory_space<vmem>> -> memref<1x128xi32, #tpu.memory_space<vmem>>
        %dma_start3A_330 = tpu.memref_squeeze %dma_start3A_329 : memref<1x128xi32, #tpu.memory_space<vmem>> -> memref<128xi32, #tpu.memory_space<vmem>>
        %dma_start3A_331 = arith.constant 0 : i32
        %dma_start3A_332 = arith.constant 0 : i32
        %dma_start3A_333 = tpu.memref_slice %arg10[%dma_start3A_331, %dma_start3A_332] : memref<10240x128xf32, #tpu.memory_space<vmem_shared>> -> memref<10240x128xf32, #tpu.memory_space<vmem_shared>>
        tpu.enqueue_indirect_dma source(%arg8 : memref<128x128xf32, #tpu.memory_space<vmem>>) target(%dma_start3A_333 : memref<10240x128xf32, #tpu.memory_space<vmem_shared>>) offsets(%dma_start3A_330 : memref<128xi32, #tpu.memory_space<vmem>>) semaphore(%run_scoped3A_327 : memref<!tpu.dma_semaphore, #tpu.memory_space<semaphore_mem>>) {add = true}
        %dma_wait3A_334 = arith.constant 0 : i32
        %dma_wait3A_335 = tpu.memref_slice %arg7[%run_scoped3A_310, %dma_wait3A_334] : memref<16x128xi32, #tpu.memory_space<vmem>> -> memref<1x128xi32, #tpu.memory_space<vmem>>
        %dma_wait3A_336 = tpu.memref_squeeze %dma_wait3A_335 : memref<1x128xi32, #tpu.memory_space<vmem>> -> memref<128xi32, #tpu.memory_space<vmem>>
        %dma_wait3A_337 = arith.constant 0 : i32
        %dma_wait3A_338 = arith.constant 0 : i32
        %dma_wait3A_339 = tpu.memref_slice %arg10[%dma_wait3A_337, %dma_wait3A_338] : memref<10240x128xf32, #tpu.memory_space<vmem_shared>> -> memref<10240x128xf32, #tpu.memory_space<vmem_shared>>
        tpu.wait_indirect_dma semaphore(%run_scoped3A_327 : memref<!tpu.dma_semaphore, #tpu.memory_space<semaphore_mem>>) src(%arg8 : memref<128x128xf32, #tpu.memory_space<vmem>>) dst(%dma_wait3A_339 : memref<10240x128xf32, #tpu.memory_space<vmem_shared>>)
        tpu.yield
      }) : () -> ()
      %dma_start3A_311 = arith.constant 15 : i32
      %dma_start3A_312 = arith.constant 0 : i32
      %dma_start3A_313 = tpu.memref_slice %arg6[%dma_start3A_311, %dma_start3A_312] : memref<16x128xi32, #tpu.memory_space<vmem>> -> memref<1x128xi32, #tpu.memory_space<vmem>>
      %dma_start3A_314 = tpu.memref_squeeze %dma_start3A_313 : memref<1x128xi32, #tpu.memory_space<vmem>> -> memref<128xi32, #tpu.memory_space<vmem>>
      %dma_start3A_315 = arith.constant 0 : i32
      %dma_start3A_316 = arith.constant 0 : i32
      %dma_start3A_317 = tpu.memref_slice %arg2[%dma_start3A_315, %dma_start3A_316] : memref<10240x128xf32, #tpu.memory_space<hbm>> -> memref<10240x128xf32, #tpu.memory_space<hbm>>
      tpu.enqueue_indirect_dma source(%dma_start3A_317 : memref<10240x128xf32, #tpu.memory_space<hbm>>) target(%arg8 : memref<128x128xf32, #tpu.memory_space<vmem>>) offsets(%dma_start3A_314 : memref<128xi32, #tpu.memory_space<vmem>>) semaphore(%arg9 : memref<!tpu.dma_semaphore, #tpu.memory_space<semaphore_mem>>)
      %dma_wait3A_318 = arith.constant 15 : i32
      %dma_wait3A_319 = arith.constant 0 : i32
      %dma_wait3A_320 = tpu.memref_slice %arg6[%dma_wait3A_318, %dma_wait3A_319] : memref<16x128xi32, #tpu.memory_space<vmem>> -> memref<1x128xi32, #tpu.memory_space<vmem>>
      %dma_wait3A_321 = tpu.memref_squeeze %dma_wait3A_320 : memref<1x128xi32, #tpu.memory_space<vmem>> -> memref<128xi32, #tpu.memory_space<vmem>>
      %dma_wait3A_322 = arith.constant 0 : i32
      %dma_wait3A_323 = arith.constant 0 : i32
      %dma_wait3A_324 = tpu.memref_slice %arg2[%dma_wait3A_322, %dma_wait3A_323] : memref<10240x128xf32, #tpu.memory_space<hbm>> -> memref<10240x128xf32, #tpu.memory_space<hbm>>
      tpu.wait_indirect_dma semaphore(%arg9 : memref<!tpu.dma_semaphore, #tpu.memory_space<semaphore_mem>>) src(%dma_wait3A_324 : memref<10240x128xf32, #tpu.memory_space<hbm>>) dst(%arg8 : memref<128x128xf32, #tpu.memory_space<vmem>>)
      %run_scoped3A_325 = arith.constant 15 : i32
      "tpu.region"() ({
        %run_scoped3A_327 = tpu.sem_alloc : memref<!tpu.dma_semaphore, #tpu.memory_space<semaphore_mem>>
        %dma_start3A_328 = arith.constant 0 : i32
        %dma_start3A_329 = tpu.memref_slice %arg7[%run_scoped3A_325, %dma_start3A_328] : memref<16x128xi32, #tpu.memory_space<vmem>> -> memref<1x128xi32, #tpu.memory_space<vmem>>
        %dma_start3A_330 = tpu.memref_squeeze %dma_start3A_329 : memref<1x128xi32, #tpu.memory_space<vmem>> -> memref<128xi32, #tpu.memory_space<vmem>>
        %dma_start3A_331 = arith.constant 0 : i32
        %dma_start3A_332 = arith.constant 0 : i32
        %dma_start3A_333 = tpu.memref_slice %arg10[%dma_start3A_331, %dma_start3A_332] : memref<10240x128xf32, #tpu.memory_space<vmem_shared>> -> memref<10240x128xf32, #tpu.memory_space<vmem_shared>>
        tpu.enqueue_indirect_dma source(%arg8 : memref<128x128xf32, #tpu.memory_space<vmem>>) target(%dma_start3A_333 : memref<10240x128xf32, #tpu.memory_space<vmem_shared>>) offsets(%dma_start3A_330 : memref<128xi32, #tpu.memory_space<vmem>>) semaphore(%run_scoped3A_327 : memref<!tpu.dma_semaphore, #tpu.memory_space<semaphore_mem>>) {add = true}
        %dma_wait3A_334 = arith.constant 0 : i32
        %dma_wait3A_335 = tpu.memref_slice %arg7[%run_scoped3A_325, %dma_wait3A_334] : memref<16x128xi32, #tpu.memory_space<vmem>> -> memref<1x128xi32, #tpu.memory_space<vmem>>
        %dma_wait3A_336 = tpu.memref_squeeze %dma_wait3A_335 : memref<1x128xi32, #tpu.memory_space<vmem>> -> memref<128xi32, #tpu.memory_space<vmem>>
        %dma_wait3A_337 = arith.constant 0 : i32
        %dma_wait3A_338 = arith.constant 0 : i32
        %dma_wait3A_339 = tpu.memref_slice %arg10[%dma_wait3A_337, %dma_wait3A_338] : memref<10240x128xf32, #tpu.memory_space<vmem_shared>> -> memref<10240x128xf32, #tpu.memory_space<vmem_shared>>
        tpu.wait_indirect_dma semaphore(%run_scoped3A_327 : memref<!tpu.dma_semaphore, #tpu.memory_space<semaphore_mem>>) src(%arg8 : memref<128x128xf32, #tpu.memory_space<vmem>>) dst(%dma_wait3A_339 : memref<10240x128xf32, #tpu.memory_space<vmem_shared>>)
        tpu.yield
      }) : () -> ()
      %scan3A_326 = arith.constant 0 : i32
      scf.yield %scan3A_326 : i32
    }
    %scan3A_47 = arith.constant 5 : i32
    %barrier3A_48 = arith.constant 0 : index
    tpu.barrier barrier_id(%barrier3A_48)
    %add3A_49 = arith.constant 0 : i32
    %add3A_50 = arith.addi %mul3A_0, %add3A_49 : i32
    "tpu.region"() ({
      %run_scoped3A = tpu.sem_alloc : memref<!tpu.dma_semaphore, #tpu.memory_space<semaphore_mem>>
      %dma_start3A = arith.constant 0 : i32
      %dma_start3A_84 = tpu.memref_slice %arg10[%add3A_50, %dma_start3A] : memref<10240x128xf32, #tpu.memory_space<vmem_shared>> -> memref<128x128xf32, #tpu.memory_space<vmem_shared>>
      %dma_start3A_85 = arith.constant 0 : i32
      %dma_start3A_86 = tpu.memref_slice %arg10[%add3A_50, %dma_start3A_85] : memref<10240x128xf32, #tpu.memory_space<vmem_shared>> -> memref<128x128xf32, #tpu.memory_space<vmem_shared>>
      tpu.enqueue_dma source(%dma_start3A_86 : memref<128x128xf32, #tpu.memory_space<vmem_shared>>) target(%arg8 : memref<128x128xf32, #tpu.memory_space<vmem>>) target_semaphore(%run_scoped3A : memref<!tpu.dma_semaphore, #tpu.memory_space<semaphore_mem>>)
      %dma_wait3A = arith.constant 0 : i32
      %dma_wait3A_87 = tpu.memref_slice %arg10[%add3A_50, %dma_wait3A] : memref<10240x128xf32, #tpu.memory_space<vmem_shared>> -> memref<128x128xf32, #tpu.memory_space<vmem_shared>>
      %dma_wait3A_88 = arith.constant 0 : i32
      %dma_wait3A_89 = tpu.memref_slice %arg10[%add3A_50, %dma_wait3A_88] : memref<10240x128xf32, #tpu.memory_space<vmem_shared>> -> memref<128x128xf32, #tpu.memory_space<vmem_shared>>
      tpu.wait_dma2 semaphore(%run_scoped3A : memref<!tpu.dma_semaphore, #tpu.memory_space<semaphore_mem>>) src(%dma_wait3A_89 : memref<128x128xf32, #tpu.memory_space<vmem_shared>>) dst(%arg8 : memref<128x128xf32, #tpu.memory_space<vmem>>)
      tpu.yield
    }) : () -> ()
    %mul3A_51 = arith.constant 10240 : i32
    %mul3A_52 = arith.muli %arg0, %mul3A_51 : i32
    %add3A_53 = arith.addi %mul3A_52, %mul3A_0 : i32
    %add3A_54 = arith.constant 0 : i32
    %add3A_55 = arith.addi %add3A_53, %add3A_54 : i32
    "tpu.region"() ({
      %run_scoped3A = tpu.sem_alloc : memref<!tpu.dma_semaphore, #tpu.memory_space<semaphore_mem>>
      %dma_start3A = arith.constant 0 : i32
      %dma_start3A_84 = tpu.memref_slice %arg5[%add3A_55, %dma_start3A] : memref<20480x128xf32, #tpu.memory_space<hbm>> -> memref<128x128xf32, #tpu.memory_space<hbm>>
      %dma_start3A_85 = arith.constant 0 : i32
      %dma_start3A_86 = tpu.memref_slice %arg5[%add3A_55, %dma_start3A_85] : memref<20480x128xf32, #tpu.memory_space<hbm>> -> memref<128x128xf32, #tpu.memory_space<hbm>>
      tpu.enqueue_dma source(%arg8 : memref<128x128xf32, #tpu.memory_space<vmem>>) target(%dma_start3A_86 : memref<128x128xf32, #tpu.memory_space<hbm>>) target_semaphore(%run_scoped3A : memref<!tpu.dma_semaphore, #tpu.memory_space<semaphore_mem>>)
      %dma_wait3A = arith.constant 0 : i32
      %dma_wait3A_87 = tpu.memref_slice %arg5[%add3A_55, %dma_wait3A] : memref<20480x128xf32, #tpu.memory_space<hbm>> -> memref<128x128xf32, #tpu.memory_space<hbm>>
      %dma_wait3A_88 = arith.constant 0 : i32
      %dma_wait3A_89 = tpu.memref_slice %arg5[%add3A_55, %dma_wait3A_88] : memref<20480x128xf32, #tpu.memory_space<hbm>> -> memref<128x128xf32, #tpu.memory_space<hbm>>
      tpu.wait_dma2 semaphore(%run_scoped3A : memref<!tpu.dma_semaphore, #tpu.memory_space<semaphore_mem>>) src(%arg8 : memref<128x128xf32, #tpu.memory_space<vmem>>) dst(%dma_wait3A_89 : memref<128x128xf32, #tpu.memory_space<hbm>>)
      tpu.yield
    }) : () -> ()
    %add3A_56 = arith.constant 128 : i32
    %add3A_57 = arith.addi %mul3A_0, %add3A_56 : i32
    "tpu.region"() ({
      %run_scoped3A = tpu.sem_alloc : memref<!tpu.dma_semaphore, #tpu.memory_space<semaphore_mem>>
      %dma_start3A = arith.constant 0 : i32
      %dma_start3A_84 = tpu.memref_slice %arg10[%add3A_57, %dma_start3A] : memref<10240x128xf32, #tpu.memory_space<vmem_shared>> -> memref<128x128xf32, #tpu.memory_space<vmem_shared>>
      %dma_start3A_85 = arith.constant 0 : i32
      %dma_start3A_86 = tpu.memref_slice %arg10[%add3A_57, %dma_start3A_85] : memref<10240x128xf32, #tpu.memory_space<vmem_shared>> -> memref<128x128xf32, #tpu.memory_space<vmem_shared>>
      tpu.enqueue_dma source(%dma_start3A_86 : memref<128x128xf32, #tpu.memory_space<vmem_shared>>) target(%arg8 : memref<128x128xf32, #tpu.memory_space<vmem>>) target_semaphore(%run_scoped3A : memref<!tpu.dma_semaphore, #tpu.memory_space<semaphore_mem>>)
      %dma_wait3A = arith.constant 0 : i32
      %dma_wait3A_87 = tpu.memref_slice %arg10[%add3A_57, %dma_wait3A] : memref<10240x128xf32, #tpu.memory_space<vmem_shared>> -> memref<128x128xf32, #tpu.memory_space<vmem_shared>>
      %dma_wait3A_88 = arith.constant 0 : i32
      %dma_wait3A_89 = tpu.memref_slice %arg10[%add3A_57, %dma_wait3A_88] : memref<10240x128xf32, #tpu.memory_space<vmem_shared>> -> memref<128x128xf32, #tpu.memory_space<vmem_shared>>
      tpu.wait_dma2 semaphore(%run_scoped3A : memref<!tpu.dma_semaphore, #tpu.memory_space<semaphore_mem>>) src(%dma_wait3A_89 : memref<128x128xf32, #tpu.memory_space<vmem_shared>>) dst(%arg8 : memref<128x128xf32, #tpu.memory_space<vmem>>)
      tpu.yield
    }) : () -> ()
    %mul3A_58 = arith.constant 10240 : i32
    %mul3A_59 = arith.muli %arg0, %mul3A_58 : i32
    %add3A_60 = arith.addi %mul3A_59, %mul3A_0 : i32
    %add3A_61 = arith.constant 128 : i32
    %add3A_62 = arith.addi %add3A_60, %add3A_61 : i32
    "tpu.region"() ({
      %run_scoped3A = tpu.sem_alloc : memref<!tpu.dma_semaphore, #tpu.memory_space<semaphore_mem>>
      %dma_start3A = arith.constant 0 : i32
      %dma_start3A_84 = tpu.memref_slice %arg5[%add3A_62, %dma_start3A] : memref<20480x128xf32, #tpu.memory_space<hbm>> -> memref<128x128xf32, #tpu.memory_space<hbm>>
      %dma_start3A_85 = arith.constant 0 : i32
      %dma_start3A_86 = tpu.memref_slice %arg5[%add3A_62, %dma_start3A_85] : memref<20480x128xf32, #tpu.memory_space<hbm>> -> memref<128x128xf32, #tpu.memory_space<hbm>>
      tpu.enqueue_dma source(%arg8 : memref<128x128xf32, #tpu.memory_space<vmem>>) target(%dma_start3A_86 : memref<128x128xf32, #tpu.memory_space<hbm>>) target_semaphore(%run_scoped3A : memref<!tpu.dma_semaphore, #tpu.memory_space<semaphore_mem>>)
      %dma_wait3A = arith.constant 0 : i32
      %dma_wait3A_87 = tpu.memref_slice %arg5[%add3A_62, %dma_wait3A] : memref<20480x128xf32, #tpu.memory_space<hbm>> -> memref<128x128xf32, #tpu.memory_space<hbm>>
      %dma_wait3A_88 = arith.constant 0 : i32
      %dma_wait3A_89 = tpu.memref_slice %arg5[%add3A_62, %dma_wait3A_88] : memref<20480x128xf32, #tpu.memory_space<hbm>> -> memref<128x128xf32, #tpu.memory_space<hbm>>
      tpu.wait_dma2 semaphore(%run_scoped3A : memref<!tpu.dma_semaphore, #tpu.memory_space<semaphore_mem>>) src(%arg8 : memref<128x128xf32, #tpu.memory_space<vmem>>) dst(%dma_wait3A_89 : memref<128x128xf32, #tpu.memory_space<hbm>>)
      tpu.yield
    }) : () -> ()
    %add3A_63 = arith.constant 256 : i32
    %add3A_64 = arith.addi %mul3A_0, %add3A_63 : i32
    "tpu.region"() ({
      %run_scoped3A = tpu.sem_alloc : memref<!tpu.dma_semaphore, #tpu.memory_space<semaphore_mem>>
      %dma_start3A = arith.constant 0 : i32
      %dma_start3A_84 = tpu.memref_slice %arg10[%add3A_64, %dma_start3A] : memref<10240x128xf32, #tpu.memory_space<vmem_shared>> -> memref<128x128xf32, #tpu.memory_space<vmem_shared>>
      %dma_start3A_85 = arith.constant 0 : i32
      %dma_start3A_86 = tpu.memref_slice %arg10[%add3A_64, %dma_start3A_85] : memref<10240x128xf32, #tpu.memory_space<vmem_shared>> -> memref<128x128xf32, #tpu.memory_space<vmem_shared>>
      tpu.enqueue_dma source(%dma_start3A_86 : memref<128x128xf32, #tpu.memory_space<vmem_shared>>) target(%arg8 : memref<128x128xf32, #tpu.memory_space<vmem>>) target_semaphore(%run_scoped3A : memref<!tpu.dma_semaphore, #tpu.memory_space<semaphore_mem>>)
      %dma_wait3A = arith.constant 0 : i32
      %dma_wait3A_87 = tpu.memref_slice %arg10[%add3A_64, %dma_wait3A] : memref<10240x128xf32, #tpu.memory_space<vmem_shared>> -> memref<128x128xf32, #tpu.memory_space<vmem_shared>>
      %dma_wait3A_88 = arith.constant 0 : i32
      %dma_wait3A_89 = tpu.memref_slice %arg10[%add3A_64, %dma_wait3A_88] : memref<10240x128xf32, #tpu.memory_space<vmem_shared>> -> memref<128x128xf32, #tpu.memory_space<vmem_shared>>
      tpu.wait_dma2 semaphore(%run_scoped3A : memref<!tpu.dma_semaphore, #tpu.memory_space<semaphore_mem>>) src(%dma_wait3A_89 : memref<128x128xf32, #tpu.memory_space<vmem_shared>>) dst(%arg8 : memref<128x128xf32, #tpu.memory_space<vmem>>)
      tpu.yield
    }) : () -> ()
    %mul3A_65 = arith.constant 10240 : i32
    %mul3A_66 = arith.muli %arg0, %mul3A_65 : i32
    %add3A_67 = arith.addi %mul3A_66, %mul3A_0 : i32
    %add3A_68 = arith.constant 256 : i32
    %add3A_69 = arith.addi %add3A_67, %add3A_68 : i32
    "tpu.region"() ({
      %run_scoped3A = tpu.sem_alloc : memref<!tpu.dma_semaphore, #tpu.memory_space<semaphore_mem>>
      %dma_start3A = arith.constant 0 : i32
      %dma_start3A_84 = tpu.memref_slice %arg5[%add3A_69, %dma_start3A] : memref<20480x128xf32, #tpu.memory_space<hbm>> -> memref<128x128xf32, #tpu.memory_space<hbm>>
      %dma_start3A_85 = arith.constant 0 : i32
      %dma_start3A_86 = tpu.memref_slice %arg5[%add3A_69, %dma_start3A_85] : memref<20480x128xf32, #tpu.memory_space<hbm>> -> memref<128x128xf32, #tpu.memory_space<hbm>>
      tpu.enqueue_dma source(%arg8 : memref<128x128xf32, #tpu.memory_space<vmem>>) target(%dma_start3A_86 : memref<128x128xf32, #tpu.memory_space<hbm>>) target_semaphore(%run_scoped3A : memref<!tpu.dma_semaphore, #tpu.memory_space<semaphore_mem>>)
      %dma_wait3A = arith.constant 0 : i32
      %dma_wait3A_87 = tpu.memref_slice %arg5[%add3A_69, %dma_wait3A] : memref<20480x128xf32, #tpu.memory_space<hbm>> -> memref<128x128xf32, #tpu.memory_space<hbm>>
      %dma_wait3A_88 = arith.constant 0 : i32
      %dma_wait3A_89 = tpu.memref_slice %arg5[%add3A_69, %dma_wait3A_88] : memref<20480x128xf32, #tpu.memory_space<hbm>> -> memref<128x128xf32, #tpu.memory_space<hbm>>
      tpu.wait_dma2 semaphore(%run_scoped3A : memref<!tpu.dma_semaphore, #tpu.memory_space<semaphore_mem>>) src(%arg8 : memref<128x128xf32, #tpu.memory_space<vmem>>) dst(%dma_wait3A_89 : memref<128x128xf32, #tpu.memory_space<hbm>>)
      tpu.yield
    }) : () -> ()
    %add3A_70 = arith.constant 384 : i32
    %add3A_71 = arith.addi %mul3A_0, %add3A_70 : i32
    "tpu.region"() ({
      %run_scoped3A = tpu.sem_alloc : memref<!tpu.dma_semaphore, #tpu.memory_space<semaphore_mem>>
      %dma_start3A = arith.constant 0 : i32
      %dma_start3A_84 = tpu.memref_slice %arg10[%add3A_71, %dma_start3A] : memref<10240x128xf32, #tpu.memory_space<vmem_shared>> -> memref<128x128xf32, #tpu.memory_space<vmem_shared>>
      %dma_start3A_85 = arith.constant 0 : i32
      %dma_start3A_86 = tpu.memref_slice %arg10[%add3A_71, %dma_start3A_85] : memref<10240x128xf32, #tpu.memory_space<vmem_shared>> -> memref<128x128xf32, #tpu.memory_space<vmem_shared>>
      tpu.enqueue_dma source(%dma_start3A_86 : memref<128x128xf32, #tpu.memory_space<vmem_shared>>) target(%arg8 : memref<128x128xf32, #tpu.memory_space<vmem>>) target_semaphore(%run_scoped3A : memref<!tpu.dma_semaphore, #tpu.memory_space<semaphore_mem>>)
      %dma_wait3A = arith.constant 0 : i32
      %dma_wait3A_87 = tpu.memref_slice %arg10[%add3A_71, %dma_wait3A] : memref<10240x128xf32, #tpu.memory_space<vmem_shared>> -> memref<128x128xf32, #tpu.memory_space<vmem_shared>>
      %dma_wait3A_88 = arith.constant 0 : i32
      %dma_wait3A_89 = tpu.memref_slice %arg10[%add3A_71, %dma_wait3A_88] : memref<10240x128xf32, #tpu.memory_space<vmem_shared>> -> memref<128x128xf32, #tpu.memory_space<vmem_shared>>
      tpu.wait_dma2 semaphore(%run_scoped3A : memref<!tpu.dma_semaphore, #tpu.memory_space<semaphore_mem>>) src(%dma_wait3A_89 : memref<128x128xf32, #tpu.memory_space<vmem_shared>>) dst(%arg8 : memref<128x128xf32, #tpu.memory_space<vmem>>)
      tpu.yield
    }) : () -> ()
    %mul3A_72 = arith.constant 10240 : i32
    %mul3A_73 = arith.muli %arg0, %mul3A_72 : i32
    %add3A_74 = arith.addi %mul3A_73, %mul3A_0 : i32
    %add3A_75 = arith.constant 384 : i32
    %add3A_76 = arith.addi %add3A_74, %add3A_75 : i32
    "tpu.region"() ({
      %run_scoped3A = tpu.sem_alloc : memref<!tpu.dma_semaphore, #tpu.memory_space<semaphore_mem>>
      %dma_start3A = arith.constant 0 : i32
      %dma_start3A_84 = tpu.memref_slice %arg5[%add3A_76, %dma_start3A] : memref<20480x128xf32, #tpu.memory_space<hbm>> -> memref<128x128xf32, #tpu.memory_space<hbm>>
      %dma_start3A_85 = arith.constant 0 : i32
      %dma_start3A_86 = tpu.memref_slice %arg5[%add3A_76, %dma_start3A_85] : memref<20480x128xf32, #tpu.memory_space<hbm>> -> memref<128x128xf32, #tpu.memory_space<hbm>>
      tpu.enqueue_dma source(%arg8 : memref<128x128xf32, #tpu.memory_space<vmem>>) target(%dma_start3A_86 : memref<128x128xf32, #tpu.memory_space<hbm>>) target_semaphore(%run_scoped3A : memref<!tpu.dma_semaphore, #tpu.memory_space<semaphore_mem>>)
      %dma_wait3A = arith.constant 0 : i32
      %dma_wait3A_87 = tpu.memref_slice %arg5[%add3A_76, %dma_wait3A] : memref<20480x128xf32, #tpu.memory_space<hbm>> -> memref<128x128xf32, #tpu.memory_space<hbm>>
      %dma_wait3A_88 = arith.constant 0 : i32
      %dma_wait3A_89 = tpu.memref_slice %arg5[%add3A_76, %dma_wait3A_88] : memref<20480x128xf32, #tpu.memory_space<hbm>> -> memref<128x128xf32, #tpu.memory_space<hbm>>
      tpu.wait_dma2 semaphore(%run_scoped3A : memref<!tpu.dma_semaphore, #tpu.memory_space<semaphore_mem>>) src(%arg8 : memref<128x128xf32, #tpu.memory_space<vmem>>) dst(%dma_wait3A_89 : memref<128x128xf32, #tpu.memory_space<hbm>>)
      tpu.yield
    }) : () -> ()
    %add3A_77 = arith.constant 512 : i32
    %add3A_78 = arith.addi %mul3A_0, %add3A_77 : i32
    "tpu.region"() ({
      %run_scoped3A = tpu.sem_alloc : memref<!tpu.dma_semaphore, #tpu.memory_space<semaphore_mem>>
      %dma_start3A = arith.constant 0 : i32
      %dma_start3A_84 = tpu.memref_slice %arg10[%add3A_78, %dma_start3A] : memref<10240x128xf32, #tpu.memory_space<vmem_shared>> -> memref<128x128xf32, #tpu.memory_space<vmem_shared>>
      %dma_start3A_85 = arith.constant 0 : i32
      %dma_start3A_86 = tpu.memref_slice %arg10[%add3A_78, %dma_start3A_85] : memref<10240x128xf32, #tpu.memory_space<vmem_shared>> -> memref<128x128xf32, #tpu.memory_space<vmem_shared>>
      tpu.enqueue_dma source(%dma_start3A_86 : memref<128x128xf32, #tpu.memory_space<vmem_shared>>) target(%arg8 : memref<128x128xf32, #tpu.memory_space<vmem>>) target_semaphore(%run_scoped3A : memref<!tpu.dma_semaphore, #tpu.memory_space<semaphore_mem>>)
      %dma_wait3A = arith.constant 0 : i32
      %dma_wait3A_87 = tpu.memref_slice %arg10[%add3A_78, %dma_wait3A] : memref<10240x128xf32, #tpu.memory_space<vmem_shared>> -> memref<128x128xf32, #tpu.memory_space<vmem_shared>>
      %dma_wait3A_88 = arith.constant 0 : i32
      %dma_wait3A_89 = tpu.memref_slice %arg10[%add3A_78, %dma_wait3A_88] : memref<10240x128xf32, #tpu.memory_space<vmem_shared>> -> memref<128x128xf32, #tpu.memory_space<vmem_shared>>
      tpu.wait_dma2 semaphore(%run_scoped3A : memref<!tpu.dma_semaphore, #tpu.memory_space<semaphore_mem>>) src(%dma_wait3A_89 : memref<128x128xf32, #tpu.memory_space<vmem_shared>>) dst(%arg8 : memref<128x128xf32, #tpu.memory_space<vmem>>)
      tpu.yield
    }) : () -> ()
    %mul3A_79 = arith.constant 10240 : i32
    %mul3A_80 = arith.muli %arg0, %mul3A_79 : i32
    %add3A_81 = arith.addi %mul3A_80, %mul3A_0 : i32
    %add3A_82 = arith.constant 512 : i32
    %add3A_83 = arith.addi %add3A_81, %add3A_82 : i32
    "tpu.region"() ({
      %run_scoped3A = tpu.sem_alloc : memref<!tpu.dma_semaphore, #tpu.memory_space<semaphore_mem>>
      %dma_start3A = arith.constant 0 : i32
      %dma_start3A_84 = tpu.memref_slice %arg5[%add3A_83, %dma_start3A] : memref<20480x128xf32, #tpu.memory_space<hbm>> -> memref<128x128xf32, #tpu.memory_space<hbm>>
      %dma_start3A_85 = arith.constant 0 : i32
      %dma_start3A_86 = tpu.memref_slice %arg5[%add3A_83, %dma_start3A_85] : memref<20480x128xf32, #tpu.memory_space<hbm>> -> memref<128x128xf32, #tpu.memory_space<hbm>>
      tpu.enqueue_dma source(%arg8 : memref<128x128xf32, #tpu.memory_space<vmem>>) target(%dma_start3A_86 : memref<128x128xf32, #tpu.memory_space<hbm>>) target_semaphore(%run_scoped3A : memref<!tpu.dma_semaphore, #tpu.memory_space<semaphore_mem>>)
      %dma_wait3A = arith.constant 0 : i32
      %dma_wait3A_87 = tpu.memref_slice %arg5[%add3A_83, %dma_wait3A] : memref<20480x128xf32, #tpu.memory_space<hbm>> -> memref<128x128xf32, #tpu.memory_space<hbm>>
      %dma_wait3A_88 = arith.constant 0 : i32
      %dma_wait3A_89 = tpu.memref_slice %arg5[%add3A_83, %dma_wait3A_88] : memref<20480x128xf32, #tpu.memory_space<hbm>> -> memref<128x128xf32, #tpu.memory_space<hbm>>
      tpu.wait_dma2 semaphore(%run_scoped3A : memref<!tpu.dma_semaphore, #tpu.memory_space<semaphore_mem>>) src(%arg8 : memref<128x128xf32, #tpu.memory_space<vmem>>) dst(%dma_wait3A_89 : memref<128x128xf32, #tpu.memory_space<hbm>>)
      tpu.yield
    }) : () -> ()
    return
  }
}

module attributes {stable_mosaic.version = 14 : i64} {
  func.func @body(%arg0: i32, %arg1: i32, %arg2: memref<1024x128xf32, #tpu.memory_space<vmem>>, %arg3: memref<128x128xf32, #tpu.memory_space<vmem>>, %arg4: memref<1024x128xf32, #tpu.memory_space<vmem>>, %arg5: memref<1024x128xf32, #tpu.memory_space<vmem>>, %arg6: memref<1024x128xf32, #tpu.memory_space<vmem>>) attributes {dimension_semantics = [#tpu.dimension_semantics<arbitrary>, #tpu.dimension_semantics<arbitrary>], iteration_bounds = array<i64: 2, 10>, scalar_prefetch = 0 : i64, scratch_operands = 0 : i64, tpu.core_type = #tpu.core_type<tc>, window_params = [{transform_indices = @transform_0, window_bounds = array<i64: 1024, 128>}, {transform_indices = @transform_1, window_bounds = array<i64: 128, 128>}, {transform_indices = @transform_2, window_bounds = array<i64: 1024, 128>}, {transform_indices = @transform_3, window_bounds = array<i64: 1024, 128>}, {transform_indices = @transform_4, window_bounds = array<i64: 1024, 128>}]} {
    %get3A = arith.constant 0 : index
    %get3A_0 = arith.constant 0 : index
    %get3A_1 = vector.load %arg4[%get3A, %get3A_0] : memref<1024x128xf32, #tpu.memory_space<vmem>>, vector<1024x1xf32>
    %get3A_2 = arith.constant 0 : index
    %get3A_3 = arith.constant 0 : index
    %get3A_4 = vector.load %arg5[%get3A_2, %get3A_3] : memref<1024x128xf32, #tpu.memory_space<vmem>>, vector<1024x1xf32>
    %add3A = arith.addf %get3A_1, %get3A_4 : vector<1024x1xf32>
    %sub3A = arith.constant 1.000000e+00 : f32
    %sub3A_5 = vector.broadcast %sub3A : f32 to vector<1024x1xf32>
    %sub3A_6 = arith.subf %add3A, %sub3A_5 : vector<1024x1xf32>
    %rsqrt3A = math.rsqrt %sub3A_6 : vector<1024x1xf32>
    %get3A_7 = arith.constant 0 : index
    %get3A_8 = arith.constant 0 : index
    %get3A_9 = vector.load %arg2[%get3A_7, %get3A_8] : memref<1024x128xf32, #tpu.memory_space<vmem>>, vector<1024x128xf32>
    %get3A_10 = arith.constant 0 : index
    %get3A_11 = arith.constant 0 : index
    %get3A_12 = vector.load %arg3[%get3A_10, %get3A_11] : memref<128x128xf32, #tpu.memory_space<vmem>>, vector<128x128xf32>
    %dot_general3A = arith.constant dense<0.000000e+00> : vector<1024x128xf32>
    %dot_general3A_13 = tpu.matmul %get3A_9, %get3A_12, %dot_general3A {dimension_numbers = #tpu.dot_dimension_numbers<[1], [0], [0], [1], [0, 0, 1, 1], [], []>, transpose_lhs_hint = false} : vector<1024x128xf32>, vector<128x128xf32>, vector<1024x128xf32> -> vector<1024x128xf32>
    %mul3A = vector.broadcast %rsqrt3A : vector<1024x1xf32> to vector<1024x128xf32>
    %mul3A_14 = arith.mulf %mul3A, %dot_general3A_13 : vector<1024x128xf32>
    %swap3A = arith.constant 0 : index
    %swap3A_15 = arith.constant 0 : index
    %swap3A_16 = vector.load %arg6[%swap3A, %swap3A_15] : memref<1024x128xf32, #tpu.memory_space<vmem>>, vector<1024x128xf32>
    tpu.vector_store %arg6[%swap3A, %swap3A_15], %mul3A_14 {strides = array<i32>} : memref<1024x128xf32, #tpu.memory_space<vmem>>, vector<1024x128xf32>,
    return
  }
  func.func @transform_0(%arg0: i32, %arg1: i32) -> (i32, i32) {
    %c0_i32 = arith.constant 0 : i32
    %c0_i32_0 = arith.constant 0 : i32
    return %arg1, %c0_i32 : i32, i32
  }
  func.func @transform_1(%arg0: i32, %arg1: i32) -> (i32, i32) {
    %c0_i32 = arith.constant 0 : i32
    %c0_i32_0 = arith.constant 0 : i32
    return %c0_i32, %arg0 : i32, i32
  }
  func.func @transform_2(%arg0: i32, %arg1: i32) -> (i32, i32) {
    %c0_i32 = arith.constant 0 : i32
    %c0_i32_0 = arith.constant 0 : i32
    return %arg1, %c0_i32 : i32, i32
  }
  func.func @transform_3(%arg0: i32, %arg1: i32) -> (i32, i32) {
    %add3A = arith.constant 10 : i32
    %add3A_0 = arith.addi %add3A, %arg1 : i32
    %c0_i32 = arith.constant 0 : i32
    %c0_i32_1 = arith.constant 0 : i32
    return %add3A_0, %c0_i32 : i32, i32
  }
  func.func @transform_4(%arg0: i32, %arg1: i32) -> (i32, i32) {
    %mul3A = arith.constant 10 : i32
    %mul3A_0 = arith.muli %arg0, %mul3A : i32
    %add3A = arith.addi %mul3A_0, %arg1 : i32
    %c0_i32 = arith.constant 0 : i32
    %c0_i32_1 = arith.constant 0 : i32
    return %add3A, %c0_i32 : i32, i32
  }
}

module attributes {stable_mosaic.version = 14 : i64} {
  func.func @body(%arg0: i32, %arg1: memref<1024x128xf32, #tpu.memory_space<vmem>>, %arg2: memref<1024x128xf32, #tpu.memory_space<vmem>>, %arg3: memref<1024x128xf32, #tpu.memory_space<vmem>>, %arg4: memref<1024x128xf32, #tpu.memory_space<vmem>>, %arg5: memref<1x256xf32, #tpu.memory_space<vmem>>, %arg6: memref<256x128xf32, #tpu.memory_space<vmem>>, %arg7: memref<1024x128xf32, #tpu.memory_space<vmem>>) attributes {dimension_semantics = [#tpu.dimension_semantics<arbitrary>], iteration_bounds = array<i64: 10>, scalar_prefetch = 0 : i64, scratch_operands = 0 : i64, tpu.core_type = #tpu.core_type<tc>, window_params = [{transform_indices = @transform_0, window_bounds = array<i64: 1024, 128>}, {transform_indices = @transform_1, window_bounds = array<i64: 1024, 128>}, {transform_indices = @transform_2, window_bounds = array<i64: 1024, 128>}, {transform_indices = @transform_3, window_bounds = array<i64: 1024, 128>}, {pipeline_mode = #tpu.pipeline_mode<synchronous>, transform_indices = @transform_4, window_bounds = array<i64: 1, 256>}, {pipeline_mode = #tpu.pipeline_mode<synchronous>, transform_indices = @transform_5, window_bounds = array<i64: 256, 128>}, {transform_indices = @transform_6, window_bounds = array<i64: 1024, 128>}]} {
    %get3A = arith.constant 0 : index
    %get3A_0 = arith.constant 0 : index
    %get3A_1 = vector.load %arg3[%get3A, %get3A_0] : memref<1024x128xf32, #tpu.memory_space<vmem>>, vector<1024x1xf32>
    %get3A_2 = arith.constant 0 : index
    %get3A_3 = arith.constant 0 : index
    %get3A_4 = vector.load %arg4[%get3A_2, %get3A_3] : memref<1024x128xf32, #tpu.memory_space<vmem>>, vector<1024x1xf32>
    %add3A = arith.addf %get3A_1, %get3A_4 : vector<1024x1xf32>
    %sub3A = arith.constant 1.000000e+00 : f32
    %sub3A_5 = vector.broadcast %sub3A : f32 to vector<1024x1xf32>
    %sub3A_6 = arith.subf %add3A, %sub3A_5 : vector<1024x1xf32>
    %rsqrt3A = math.rsqrt %sub3A_6 : vector<1024x1xf32>
    %get3A_7 = arith.constant 0 : index
    %get3A_8 = arith.constant 0 : index
    %get3A_9 = vector.load %arg1[%get3A_7, %get3A_8] : memref<1024x128xf32, #tpu.memory_space<vmem>>, vector<1024x128xf32>
    %mul3A = vector.broadcast %rsqrt3A : vector<1024x1xf32> to vector<1024x128xf32>
    %mul3A_10 = arith.mulf %mul3A, %get3A_9 : vector<1024x128xf32>
    %get3A_11 = arith.constant 0 : index
    %get3A_12 = arith.constant 0 : index
    %get3A_13 = vector.load %arg5[%get3A_11, %get3A_12] : memref<1x256xf32, #tpu.memory_space<vmem>>, vector<1x128xf32>
    %add3A_14 = vector.broadcast %get3A_13 : vector<1x128xf32> to vector<1024x128xf32>
    %add3A_15 = arith.addf %mul3A_10, %add3A_14 : vector<1024x128xf32>
    %get3A_16 = arith.constant 0 : index
    %get3A_17 = arith.constant 0 : index
    %get3A_18 = vector.load %arg2[%get3A_16, %get3A_17] : memref<1024x128xf32, #tpu.memory_space<vmem>>, vector<1024x128xf32>
    %mul3A_19 = vector.broadcast %rsqrt3A : vector<1024x1xf32> to vector<1024x128xf32>
    %mul3A_20 = arith.mulf %mul3A_19, %get3A_18 : vector<1024x128xf32>
    %get3A_21 = arith.constant 0 : index
    %get3A_22 = arith.constant 128 : index
    %get3A_23 = vector.load %arg5[%get3A_21, %get3A_22] : memref<1x256xf32, #tpu.memory_space<vmem>>, vector<1x128xf32>
    %add3A_24 = vector.broadcast %get3A_23 : vector<1x128xf32> to vector<1024x128xf32>
    %add3A_25 = arith.addf %mul3A_20, %add3A_24 : vector<1024x128xf32>
    %max3A = arith.constant 0.000000e+00 : f32
    %max3A_26 = vector.broadcast %max3A : f32 to vector<1024x128xf32>
    %max3A_27 = arith.maximumf %add3A_15, %max3A_26 : vector<1024x128xf32>
    %max3A_28 = arith.constant 0.000000e+00 : f32
    %max3A_29 = vector.broadcast %max3A_28 : f32 to vector<1024x128xf32>
    %max3A_30 = arith.maximumf %add3A_25, %max3A_29 : vector<1024x128xf32>
    %concatenate3A = tpu.concatenate %max3A_27, %max3A_30 in 1 : vector<1024x128xf32>, vector<1024x128xf32> -> vector<1024x256xf32>
    %get3A_31 = arith.constant 0 : index
    %get3A_32 = arith.constant 0 : index
    %get3A_33 = vector.load %arg6[%get3A_31, %get3A_32] : memref<256x128xf32, #tpu.memory_space<vmem>>, vector<256x128xf32>
    %dot_general3A = arith.constant dense<0.000000e+00> : vector<1024x128xf32>
    %dot_general3A_34 = tpu.matmul %concatenate3A, %get3A_33, %dot_general3A {dimension_numbers = #tpu.dot_dimension_numbers<[1], [0], [0], [1], [0, 0, 1, 1], [], []>, transpose_lhs_hint = false} : vector<1024x256xf32>, vector<256x128xf32>, vector<1024x128xf32> -> vector<1024x128xf32>
    %mul3A_35 = vector.broadcast %rsqrt3A : vector<1024x1xf32> to vector<1024x128xf32>
    %mul3A_36 = arith.mulf %mul3A_35, %dot_general3A_34 : vector<1024x128xf32>
    %swap3A = arith.constant 0 : index
    %swap3A_37 = arith.constant 0 : index
    %swap3A_38 = vector.load %arg7[%swap3A, %swap3A_37] : memref<1024x128xf32, #tpu.memory_space<vmem>>, vector<1024x128xf32>
    tpu.vector_store %arg7[%swap3A, %swap3A_37], %mul3A_36 {strides = array<i32>} : memref<1024x128xf32, #tpu.memory_space<vmem>>, vector<1024x128xf32>,
    return
  }
  func.func @transform_0(%arg0: i32) -> (i32, i32) {
    %c0_i32 = arith.constant 0 : i32
    %c0_i32_0 = arith.constant 0 : i32
    return %arg0, %c0_i32 : i32, i32
  }
  func.func @transform_1(%arg0: i32) -> (i32, i32) {
    %add3A = arith.constant 10 : i32
    %add3A_0 = arith.addi %add3A, %arg0 : i32
    %c0_i32 = arith.constant 0 : i32
    %c0_i32_1 = arith.constant 0 : i32
    return %add3A_0, %c0_i32 : i32, i32
  }
  func.func @transform_2(%arg0: i32) -> (i32, i32) {
    %c0_i32 = arith.constant 0 : i32
    %c0_i32_0 = arith.constant 0 : i32
    return %arg0, %c0_i32 : i32, i32
  }
  func.func @transform_3(%arg0: i32) -> (i32, i32) {
    %add3A = arith.constant 10 : i32
    %add3A_0 = arith.addi %add3A, %arg0 : i32
    %c0_i32 = arith.constant 0 : i32
    %c0_i32_1 = arith.constant 0 : i32
    return %add3A_0, %c0_i32 : i32, i32
  }
  func.func @transform_4(%arg0: i32) -> (i32, i32) {
    %c0_i32 = arith.constant 0 : i32
    %c0_i32_0 = arith.constant 0 : i32
    %c0_i32_1 = arith.constant 0 : i32
    return %c0_i32, %c0_i32_0 : i32, i32
  }
  func.func @transform_5(%arg0: i32) -> (i32, i32) {
    %c0_i32 = arith.constant 0 : i32
    %c0_i32_0 = arith.constant 0 : i32
    %c0_i32_1 = arith.constant 0 : i32
    return %c0_i32, %c0_i32_0 : i32, i32
  }
  func.func @transform_6(%arg0: i32) -> (i32, i32) {
    %c0_i32 = arith.constant 0 : i32
    %c0_i32_0 = arith.constant 0 : i32
    return %arg0, %c0_i32 : i32, i32
  }
}

module attributes {stable_mosaic.version = 14 : i64} {
  func.func @body(%arg0: i32, %arg1: memref<1024x128xf32, #tpu.memory_space<vmem>>, %arg2: memref<1024x128xf32, #tpu.memory_space<vmem>>, %arg3: memref<1024x128xf32, #tpu.memory_space<vmem>>, %arg4: memref<1024x128xf32, #tpu.memory_space<vmem>>, %arg5: memref<1024x128xf32, #tpu.memory_space<vmem>>, %arg6: memref<1x128xf32, #tpu.memory_space<vmem>>, %arg7: memref<1024x128xf32, #tpu.memory_space<vmem>>) attributes {dimension_semantics = [#tpu.dimension_semantics<arbitrary>], iteration_bounds = array<i64: 10>, scalar_prefetch = 0 : i64, scratch_operands = 0 : i64, tpu.core_type = #tpu.core_type<tc>, window_params = [{transform_indices = @transform_0, window_bounds = array<i64: 1024, 128>}, {transform_indices = @transform_1, window_bounds = array<i64: 1024, 128>}, {transform_indices = @transform_2, window_bounds = array<i64: 1024, 128>}, {transform_indices = @transform_3, window_bounds = array<i64: 1024, 128>}, {transform_indices = @transform_4, window_bounds = array<i64: 1024, 128>}, {pipeline_mode = #tpu.pipeline_mode<synchronous>, transform_indices = @transform_5, window_bounds = array<i64: 1, 128>}, {transform_indices = @transform_6, window_bounds = array<i64: 1024, 128>}]} {
    %get3A = arith.constant 0 : index
    %get3A_0 = arith.constant 0 : index
    %get3A_1 = vector.load %arg4[%get3A, %get3A_0] : memref<1024x128xf32, #tpu.memory_space<vmem>>, vector<1024x1xf32>
    %get3A_2 = arith.constant 0 : index
    %get3A_3 = arith.constant 0 : index
    %get3A_4 = vector.load %arg5[%get3A_2, %get3A_3] : memref<1024x128xf32, #tpu.memory_space<vmem>>, vector<1024x1xf32>
    %add3A = arith.addf %get3A_1, %get3A_4 : vector<1024x1xf32>
    %sub3A = arith.constant 1.000000e+00 : f32
    %sub3A_5 = vector.broadcast %sub3A : f32 to vector<1024x1xf32>
    %sub3A_6 = arith.subf %add3A, %sub3A_5 : vector<1024x1xf32>
    %rsqrt3A = math.rsqrt %sub3A_6 : vector<1024x1xf32>
    %get3A_7 = arith.constant 0 : index
    %get3A_8 = arith.constant 0 : index
    %get3A_9 = vector.load %arg1[%get3A_7, %get3A_8] : memref<1024x128xf32, #tpu.memory_space<vmem>>, vector<1024x128xf32>
    %get3A_10 = arith.constant 0 : index
    %get3A_11 = arith.constant 0 : index
    %get3A_12 = vector.load %arg2[%get3A_10, %get3A_11] : memref<1024x128xf32, #tpu.memory_space<vmem>>, vector<1024x128xf32>
    %add3A_13 = arith.addf %get3A_9, %get3A_12 : vector<1024x128xf32>
    %get3A_14 = arith.constant 0 : index
    %get3A_15 = arith.constant 0 : index
    %get3A_16 = vector.load %arg3[%get3A_14, %get3A_15] : memref<1024x128xf32, #tpu.memory_space<vmem>>, vector<1024x128xf32>
    %sub3A_17 = arith.subf %add3A_13, %get3A_16 : vector<1024x128xf32>
    %mul3A = vector.broadcast %rsqrt3A : vector<1024x1xf32> to vector<1024x128xf32>
    %mul3A_18 = arith.mulf %mul3A, %sub3A_17 : vector<1024x128xf32>
    %get3A_19 = arith.constant 0 : index
    %get3A_20 = arith.constant 0 : index
    %get3A_21 = vector.load %arg6[%get3A_19, %get3A_20] : memref<1x128xf32, #tpu.memory_space<vmem>>, vector<1x128xf32>
    %add3A_22 = vector.broadcast %get3A_21 : vector<1x128xf32> to vector<1024x128xf32>
    %add3A_23 = arith.addf %mul3A_18, %add3A_22 : vector<1024x128xf32>
    %mul3A_24 = arith.mulf %add3A_23, %add3A_23 : vector<1024x128xf32>
    %reduce_sum3A = arith.constant dense<0.000000e+00> : vector<1024xf32>
    %reduce_sum3A_25 = vector.multi_reduction <add>, %mul3A_24, %reduce_sum3A [1] : vector<1024x128xf32> to vector<1024xf32>
    %broadcast_in_dim3A = vector.shape_cast %reduce_sum3A_25 : vector<1024xf32> to vector<1024x1xf32>
    %sqrt3A = math.sqrt %broadcast_in_dim3A : vector<1024x1xf32>
    %max3A = arith.constant 9.99999996E-13 : f32
    %max3A_26 = vector.broadcast %max3A : f32 to vector<1024x1xf32>
    %max3A_27 = arith.maximumf %sqrt3A, %max3A_26 : vector<1024x1xf32>
    %div3A = vector.broadcast %max3A_27 : vector<1024x1xf32> to vector<1024x128xf32>
    %div3A_28 = arith.divf %add3A_23, %div3A : vector<1024x128xf32>
    %swap3A = arith.constant 0 : index
    %swap3A_29 = arith.constant 0 : index
    %swap3A_30 = vector.load %arg7[%swap3A, %swap3A_29] : memref<1024x128xf32, #tpu.memory_space<vmem>>, vector<1024x128xf32>
    tpu.vector_store %arg7[%swap3A, %swap3A_29], %div3A_28 {strides = array<i32>} : memref<1024x128xf32, #tpu.memory_space<vmem>>, vector<1024x128xf32>,
    return
  }
  func.func @transform_0(%arg0: i32) -> (i32, i32) {
    %c0_i32 = arith.constant 0 : i32
    %c0_i32_0 = arith.constant 0 : i32
    return %arg0, %c0_i32 : i32, i32
  }
  func.func @transform_1(%arg0: i32) -> (i32, i32) {
    %add3A = arith.constant 10 : i32
    %add3A_0 = arith.addi %add3A, %arg0 : i32
    %c0_i32 = arith.constant 0 : i32
    %c0_i32_1 = arith.constant 0 : i32
    return %add3A_0, %c0_i32 : i32, i32
  }
  func.func @transform_2(%arg0: i32) -> (i32, i32) {
    %c0_i32 = arith.constant 0 : i32
    %c0_i32_0 = arith.constant 0 : i32
    return %arg0, %c0_i32 : i32, i32
  }
  func.func @transform_3(%arg0: i32) -> (i32, i32) {
    %c0_i32 = arith.constant 0 : i32
    %c0_i32_0 = arith.constant 0 : i32
    return %arg0, %c0_i32 : i32, i32
  }
  func.func @transform_4(%arg0: i32) -> (i32, i32) {
    %add3A = arith.constant 10 : i32
    %add3A_0 = arith.addi %add3A, %arg0 : i32
    %c0_i32 = arith.constant 0 : i32
    %c0_i32_1 = arith.constant 0 : i32
    return %add3A_0, %c0_i32 : i32, i32
  }
  func.func @transform_5(%arg0: i32) -> (i32, i32) {
    %c0_i32 = arith.constant 0 : i32
    %c0_i32_0 = arith.constant 0 : i32
    %c0_i32_1 = arith.constant 0 : i32
    return %c0_i32, %c0_i32_0 : i32, i32
  }
  func.func @transform_6(%arg0: i32) -> (i32, i32) {
    %c0_i32 = arith.constant 0 : i32
    %c0_i32_0 = arith.constant 0 : i32
    return %arg0, %c0_i32 : i32, i32
  }
}

</mosaic_0001>

<sc_bundles>
// kernel: kernel.11.cloned.1.call-start
scs
__scs_entry_jumppad:
0x0: {  	(pc) =	sbr.rel $0x88, $3  }
0x1: {  	(tag) =	ssettag $0x0;
	lr =	simm.s32 $0x1  }
0x2: {  	[smem:$0x3F9B] =	sst lr;
	_ =	strace $0xD0000000  }
0x3: {  	_ = 	snop  }
0x4: {  	_ = 	snop  }
0x5: {  	_ = 	snop  }
0x6: {  	_ = 	snop  }
0x7: {  	_ = 	snop  }
__scs_overlays_trampoline_lowered:
0x8: {  	[smem:$0x3FAA] =	sst s0  }
0x9: {  	[smem:$0x3FAB] =	sst s1  }
0xa: {  	[smem:$0x3FAC] =	sst s2  }
0xb: {  	[smem:$0x3FAD] =	sst s3  }
0xc: {  	[smem:$0x3FAE] =	sst s4  }
0xd: {  	[smem:$0x3FAF] =	sst s5  }
0xe: {  	[smem:$0x3FB0] =	sst s6  }
0xf: {  	[smem:$0x3FB1] =	sst s7  }
0x10: {  	[smem:$0x3FB2] =	sst s8  }
0x11: {  	[smem:$0x3FB3] =	sst s9;
	s0 =	simm.s32 @!p0 $0x0  }
0x12: {  	s1 =	sld [smem:$0x3F99];
	s0 =	simm.s32 @p0 $0x1  }
0x13: {  	[smem:$0x3FB4] =	sst s0;
	s0 =	simm.s32 @!p1 $0x0  }
0x14: {  	s2 =	sld [smem:$0x3F98];
	s0 =	simm.s32 @p1 $0x1  }
0x15: {  	[smem:$0x3FB5] =	sst s0;
	s0 =	simm.s32 @!p2 $0x0  }
0x16: {  	s3 =	sld [smem:$0x3FDB];
	s0 =	simm.s32 @p2 $0x1  }
0x17: {  	s4 =	simm.s32 $0x1BF5;
	[smem:$0x3FB7] =	sst s0  }
0x18: {  	s0 =	sld [smem:$0x3F9A];
	_ =	swait.ge [sflag:s4], $0x0  }
0x19: {  	s7 =	sld [smem:$0x3F9B]  }
0x1a: {  	s8 =	sadd.s32 $0xFFFFE003, lr  }
0x1b: {  	s9 =	sadd.s32 $0xFFFFFEF7, lr;
	s5 =	simm.s32 $0xFFFFFFFF;
	p2 =	slt.u32 s8, $0xFFFFF086  }
0x1c: {  	p1 =	slt.u32 s9, $0xF7A;
	s5 =	simm.s32 @!p2 $0x0  }
0x1d: {  	s5 =	simm.s32 @p1 $0x1;
	p0 =	seq.s32 s7, s2  }
0x1e: {  	s7 =	smul.u32 @!p0 $0xF7A, s2;
	p2 =	seq.s32 @!p0 s5, $0x0  }
0x1f: {  	s9 =	smul.u32 $0xF7A, s1;
	s8 =	simm.s32 @!p0 $0x1BF5;
	p2 =	por !p2, p0  }
0x20: {  	[sflag:s8] =	ssyncset.s32 @!p0 $0xFFFFF086;
	s6 =	sadd.s32 @!p0 s3, s7;
	s7 =	simm.s32 @!p0 $0x108  }
0x21: {  	s3 =	sadd.s32 s3, s9;
	s6 =	sadd.s32 @!p0 $0x88, s6;
	s7 =	simm.s32 @p2 $0x1082  }
0x22: {  	[simem:s7], [sflag:s8] =	dma.local @!p0 [hbm:s6], $0xF7A  }
0x23: {  	s9 =	sor.u32 $0xD0000000, s2;
	s6 =	simm.s32 $0x108;
	_ =	swait.ge @!p0 [sflag:s8], $0x0  }
0x24: {  	s3 =	sadd.s32 $0x88, s3;
	s6 =	simm.s32 @!p1 $0x1082;
	[sflag:s4] =	ssyncset.s32 $0xFFFFF086  }
0x25: {  	[simem:s6], [sflag:s4] =	dma.local [hbm:s3], $0xF7A  }
0x26: {  	[smem:$0x3F9B] =	sst s1;
	(tag) =	ssettag s2;
	_ =	strace s9  }
0x27: {  	s1 =	sld [smem:$0x3FAB]  }
0x28: {  	s2 =	sld [smem:$0x3FAC]  }
0x29: {  	s4 =	sld [smem:$0x3FAE]  }
0x2a: {  	p0 =	seq.s32 s5, $0x0;
	s5 =	sld [smem:$0x3FAF]  }
0x2b: {  	s6 =	sld [smem:$0x3FB0]  }
0x2c: {  	s7 =	sld [smem:$0x3FB1]  }
0x2d: {  	s3 =	simm.s32 $0x108;
	s8 =	sld [smem:$0x3FB2]  }
0x2e: {  	s3 =	simm.s32 @!p0 $0x1082;
	s9 =	sld [smem:$0x3FB3]  }
0x2f: {  	lr =	sadd.s32 s0, s3;
	s0 =	sld [smem:$0x3FAA]  }
0x30: {  	s3 =	sld [smem:$0x3FAD]  }
0x31: {  	[smem:$0x3FB6] =	sst s10  }
0x32: {  	s10 =	sld [smem:$0x3FB4];
	_ =	sdelay $0x3  }
0x33: {  	p0 =	seq.s32 s10, $0x1;
	s10 =	sld [smem:$0x3FB6];
	_ =	sdelay $0x3  }
0x34: {  	[smem:$0x3FB6] =	sst s10  }
0x35: {  	s10 =	sld [smem:$0x3FB5];
	_ =	sdelay $0x3  }
0x36: {  	p1 =	seq.s32 s10, $0x1;
	s10 =	sld [smem:$0x3FB6];
	_ =	sdelay $0x3  }
0x37: {  	[smem:$0x3FB6] =	sst s10  }
0x38: {  	s10 =	sld [smem:$0x3FB7]  }
0x39: {  	_ = 	snop;
	(pc) =	sbr.ind lr, $3  }
0x3a: {  	_ = 	snop  }
0x3b: {  	_ = 	snop  }
0x3c: {  	p2 =	seq.s32 s10, $0x1;
	s10 =	sld [smem:$0x3FB6]  }
0x3d: {  	_ =	shalt  }
0x3e: {  	_ =	shalt  }
0x3f: {  	_ =	shalt  }
0x40: {  	_ =	shalt  }
0x41: {  	_ =	shalt  }
0x42: {  	_ =	shalt  }
0x43: {  	_ =	shalt  }
0x44: {  	_ =	shalt  }
0x45: {  	_ =	shalt  }
0x46: {  	_ =	shalt  }
0x47: {  	_ =	shalt  }
0x48: {  	_ =	shalt  }
0x49: {  	_ =	shalt  }
0x4a: {  	_ =	shalt  }
0x4b: {  	_ =	shalt  }
0x4c: {  	_ =	shalt  }
0x4d: {  	_ =	shalt  }
0x4e: {  	_ =	shalt  }
0x4f: {  	_ =	shalt  }
0x50: {  	_ =	shalt  }
0x51: {  	_ =	shalt  }
0x52: {  	_ =	shalt  }
0x53: {  	_ =	shalt  }
0x54: {  	_ =	shalt  }
0x55: {  	_ =	shalt  }
0x56: {  	_ =	shalt  }
0x57: {  	_ =	shalt  }
0x58: {  	_ =	shalt  }
0x59: {  	_ =	shalt  }
0x5a: {  	_ =	shalt  }
0x5b: {  	_ =	shalt  }
0x5c: {  	_ =	shalt  }
0x5d: {  	_ =	shalt  }
0x5e: {  	_ =	shalt  }
0x5f: {  	_ =	shalt  }
0x60: {  	_ =	shalt  }
0x61: {  	_ =	shalt  }
0x62: {  	_ =	shalt  }
0x63: {  	_ =	shalt  }
0x64: {  	_ =	shalt  }
0x65: {  	_ =	shalt  }
0x66: {  	_ =	shalt  }
0x67: {  	_ =	shalt  }
0x68: {  	_ =	shalt  }
0x69: {  	_ =	shalt  }
0x6a: {  	_ =	shalt  }
0x6b: {  	_ =	shalt  }
0x6c: {  	_ =	shalt  }
0x6d: {  	_ =	shalt  }
0x6e: {  	_ =	shalt  }
0x6f: {  	_ =	shalt  }
0x70: {  	_ =	shalt  }
0x71: {  	_ =	shalt  }
0x72: {  	_ =	shalt  }
0x73: {  	_ =	shalt  }
0x74: {  	_ =	shalt  }
0x75: {  	_ =	shalt  }
0x76: {  	_ =	shalt  }
0x77: {  	_ =	shalt  }
0x78: {  	_ =	shalt  }
0x79: {  	_ =	shalt  }
0x7a: {  	_ =	shalt  }
0x7b: {  	_ =	shalt  }
0x7c: {  	_ =	shalt  }
0x7d: {  	_ =	shalt  }
0x7e: {  	_ =	shalt  }
0x7f: {  	_ =	shalt  }
0x80: {  	_ =	shalt  }
0x81: {  	_ =	shalt  }
0x82: {  	_ =	shalt  }
0x83: {  	_ =	shalt  }
0x84: {  	_ =	shalt  }
0x85: {  	_ =	shalt  }
0x86: {  	_ =	shalt  }
0x87: {  	_ =	shalt  }
.Lfunc_end0:
.L_simem_size_0:
called_computation.1_lowered:
.L_overlay_start_0:
0x88: {  	s2 =	sld [smem:$0x3FD9]  }
0x89: {  	s3 =	sld [smem:$0x3FFE];
	_ =	sdelay $0x1  }
0x8a: {  	s1 =	srdreg.scid  }
0x8b: {  	s0 =	sand.u32 $0x1, s1  }
0x8c: {  	s17 =	sshll.u32 s0, $0xA;
	s2 =	sadd.s32 s3, s2  }
0x8d: {  	s2 =	sadd.s32 s2, s17  }
0x8e: {  	[smem:$0x3FC2] =	sst s2  }
0x8f: {  	_ = 	snop  }
0x90: {  	s2 =	sld [smem:$0x3FD0];
	(tm) =	ssettm $0x1  }
0x91: {  	s18 =	sld [smem:$0x3FFB];
	_ =	sdelay $0x3  }
0x92: {  	_ =	strace s18  }
0x93: {  	s3 =	sld [smem:$0x3FFC];
	_ =	sdelay $0x3  }
0x94: {  	_ =	strace s3  }
0x95: {  	s3 =	sld [smem:$0x3FFD];
	_ =	sdelay $0x3  }
0x96: {  	_ =	strace s3  }
0x97: {  	_ =	strace $0x8FFFFFFF  }
0x98: {  	s19 =	sld [smem:$0x3FDB];
	_ =	sdelay $0x1  }
0x99: {  	s4 =	simm.s32 $_scs_section_size  }
0x9a: {  	s5 =	simm.s32 $_size__tile_overlayer_lowered;
	s6 =	simm.s32 $_tile_overlayer_lowered  }
0x9b: {  	s22 =	simm.s32 $0x1BFF;
	s21 =	sshll.u32 s6, $0x1;
	s3 =	sadd.s32 s4, s19  }
0x9c: {  	s7 =	simm.s32 $0x0;
	s20 =	sshll.u32 s5, $0x1;
	s5 =	sadd.s32 s21, s3  }
0x9d: {  	[timem:s7], [sflag:s22] =	dma.local [hbm:s5], s20  }
0x9e: {  	_ =	swait.ge [sflag:s22], s20  }
0x9f: {  	s4 =	ssub.s32 $0x0, s20;
	[sflag:s22] =	ssyncset.done $0x0  }
0xa0: {  	[sflag:s22] =	ssyncadd.s32 s4;
	_ =	sdelay $0x1  }
0xa1: {  	s23 =	simm.s32 $0x1B8B  }
0xa2: {  	_ =	swait.ge [sflag:s23], $0x1  }
0xa3: {  	[sflag:s23] =	ssyncset.done $0x0  }
0xa4: {  	s25 =	simm.s32 $0x1B8E;
	s24 =	sld [smem:$0x3FFE];
	[sflag:s23] =	ssyncadd.s32 $0xFFFFFFFF  }
0xa5: {  	s26 =	simm.s32 $execute0_lowered;
	[smem:$0x3FD2] =	sst s25  }
0xa6: {  	s5 =	sshll.u32 s26, $0x1;
	_ =	strace $0x80000049;
	[dreg:$0x1] =	wrdreg $0xFFFFFFFF  }
0xa7: {  	s28 =	simm.s32 $_size_execute0_lowered;
	s3 =	sadd.s32 s3, s5;
	[dreg:$0x0] =	wrdreg $0x0  }
0xa8: {  	s5 =	sshll.u32 s28, $0x1;
	[dreg:$0x2] =	wrdreg s3  }
0xa9: {  	[dreg:$0x3] =	wrdreg s5  }
0xaa: {  	[dreg:$0x4] =	wrdreg $0xC0  }
0xab: {  	_ =	task [dreg:s7], $0x5FFFF  }
0xac: {  	[dreg:$0x1] =	wrdreg $0xFFFFFFFF  }
0xad: {  	[dreg:$0x0] =	wrdreg $0x60  }
0xae: {  	[dreg:$0x2] =	wrdreg s24  }
0xaf: {  	[dreg:$0x3] =	wrdreg s2  }
0xb0: {  	[dreg:$0x4] =	wrdreg $0x50000  }
0xb1: {  	[dreg:$0x5] =	wrdreg $0x9  }
0xb2: {  	_ =	task.clear_ibuf [dreg:s7], $0x6FFFF;
	_ =	strace $0x90000049  }
0xb3: {  	s29 =	simm.s32 $0x9;
	_ =	strace $0x8000004B  }
0xb4: {  	_ =	swait.ge [sflag:s29], $0x1  }
0xb5: {  	[sflag:s29] =	ssyncadd.s32 $0xFFFFFFFF  }
0xb6: {  	_ =	strace $0x9000004B  }
0xb7: {  	_ =	sfence  }
0xb8: {  	s30 =	sld [smem:$0x0];
	_ =	sdelay $0x2  }
0xb9: {  	s31 =	sshll.u32 s1, $0xD;
	s1 =	sshrl.u32 s1, $0x2  }
0xba: {  	s3 =	sand.u32 $0x4000, s31;
	s1 =	sadd.s32 s1, s30  }
0xbb: {  	s0 =	sor.u32 s3, s0;
	s1 =	sshll.u32 s1, $0x11  }
0xbc: {  	s0 =	sor.u32 s1, s0  }
0xbd: {  	s0 =	sadd.s32 $0x8F2B, s0  }
0xbe: {  	[sflag:s0] =	ssyncadd.remote.s32 $0x1  }
0xbf: {  	_ =	sfence.sel $0xFFFF  }
0xc0: {  	[dreg:$0x0] =	wrdreg $0xFFFFFFFF;
	(pc) =	sbr.abs _section_cstart, $3  }
0xc1: {  	[dreg:$0x1] =	wrdreg $0xFFFFFFFF  }
0xc2: {  	_ =	task.clear_ibuf [dreg:s7], $0x2FFFF;
	_ =	strace $0x9FFFFFFF  }
0xc3: {  	(tm) =	ssettm $0x7FFFFFFF  }
tec
execute0_lowered:
.L_overlay_start_1:
0x0: {  	(tag) =	ssettag $0x1  }
0x1: {  	s0 =	rddreg [dreg:$0x0]  }
0x2: {  	s3 =	rddreg [dreg:$0x2]  }
0x3: {  	s4 =	simm.s32 $0x0;
	s1 =	srdreg.scid;
	s12 =	stileid.u32  }
0x4: {  	s28 =	simm.s32 $0x80;
	s29 =	simm.s32 $0x1;
	s30 =	simm.s32 $0x600  }
0x5: {  	s31 =	simm.s32 $0xE00;
	[smem:$0x7FF] =	sst s4;
	s2 =	smul.u32 $0x280, s12  }
0x6: {  	s1 =	sand.u32 $0x1, s1;
	s5 =	sadd.s32 $0x84000, s0;
	s8 =	smul.u32 $0x50000, s12  }
0x7: {  	s6 =	sadd.s32 $0x2000, s0;
	s0 =	sadd.s32 $0xD4000, s0;
	s17 =	smul.u32 $0x5000, s12  }
0x8: {  	s12 =	simm.s32 $0xC80;
	s11 =	smul.u32 $0x2800, s1;
	s1 =	ssub.s32 $0x2, s1  }
0x9: {  	_ =	strace $0x8000004A;
	s7 =	sshrl.u32 s1, $0x1;
	s25 =	sshrl.u32 s8, $0x2  }
0xa: {  	s8 =	simm.s32 $0x580;
	s2 =	sadd.s32 s2, s11;
	s18 =	sadd.s32 s25, s3  }
0xb: {  	s1 =	ssub.s32 s1, s7;
	s22 =	sadd.s32 $0x10000, s18;
	[dreg:$0x5] =	wrdreg s18  }
0xc: {  	s2 =	sshll.u32 s2, $0x4;
	s19 =	sadd.s32 $0x4000, s18;
	[dreg:$0xd] =	wrdreg s22  }
0xd: {  	s20 =	sadd.s32 $0x8000, s18;
	s15 =	sadd.s32 $0xC000, s18;
	[dreg:$0x7] =	wrdreg s19  }
0xe: {  	s24 =	sadd.s32 s5, s2;
	s26 =	sadd.s32 $0x800, s2;
	[dreg:$0x9] =	wrdreg s20  }
0xf: {  	s14 =	sadd.s32 $0x1000, s2;
	s16 =	sadd.s32 $0x1800, s2;
	[dreg:$0xb] =	wrdreg s15  }
0x10: {  	s21 =	sadd.s32 $0x2000, s2;
	s2 =	sadd.s32 s0, s2;
	[dreg:$0x4] =	wrdreg s24  }
0x11: {  	s7 =	simm.s32 $0x700;
	s13 =	sadd.s32 s5, s26;
	[dreg:$0xe] =	wrdreg s2  }
0x12: {  	v0 =	vmov s11;
	s11 =	simm.s32 $0x780;
	s9 =	sadd.s32 s5, s14;
	[dreg:$0x6] =	wrdreg s13  }
0x13: {  	s22 =	simm.s32 $0x400;
	s10 =	sadd.s32 s5, s16;
	[dreg:$0x8] =	wrdreg s9  }
0x14: {  	s23 =	sadd.s32 s0, s26;
	s24 =	sadd.s32 s0, s14;
	[dreg:$0xa] =	wrdreg s10  }
0x15: {  	s25 =	sadd.s32 s0, s16;
	s0 =	sadd.s32 s0, s21;
	[dreg:$0xf] =	wrdreg s23  }
0x16: {  	s26 =	smax.u32 s1, $0x1;
	s14 =	simm.s32 $0x500;
	[dreg:$0x10] =	wrdreg s24  }
0x17: {  	s16 =	simm.s32 $0xD00;
	s1 =	simm.s32 $0xD80;
	[dreg:$0x11] =	wrdreg s25  }
0x18: {  	s2 =	simm.s32 $0xE80;
	s13 =	sadd.s32 s5, s21;
	[dreg:$0x12] =	wrdreg s0  }
0x19: {  	[dreg:$0x13] =	wrdreg s26;
	s24 =	simm.s32 $0x1000;
	s25 =	simm.s32 $0x2  }
0x1a: {  	s26 =	simm.s32 $0x800;
	s23 =	simm.s32 $0xC00;
	s10 =	simm.s32 $0x480  }
0x1b: {  	s0 =	simm.s32 $0x680;
	s21 =	simm.s32 $0x0;
	[dreg:$0xc] =	wrdreg s13  }
0x1c: {  	s9 =	simm.s32 $0xF00;
	s13 =	simm.s32 $0xF80;
	[dreg:$0x14] =	wrdreg s21  }
.LBB2_1:
0x1d: {  	s21 =	smov.u32 s15;
	s15 =	rddreg [dreg:$0x4]  }
0x1e: {  	[tilespmem:s24], [sflag:$0x2] =	stream.linear.gather [hbm4b:s15+s4], $0x4000, $0x38;
	[tilespmem:$0x19000] =	vst v63  }
0x1f: {  	_ =	swait.ge [sflag:s25], $0x4000  }
0x20: {  	[sflag:s25] =	ssyncset.done $0x0  }
0x21: {  	[sflag:s25] =	ssyncadd.s32 $0xFFFFC000  }
0x22: {  	[spmem:s18] =	stream.linear.scatter [tilespmem:s24], [sflag:$0x2], $0x4000, $0x38;
	[tilespmem:$0x19000] =	vst v63  }
0x23: {  	_ =	swait.ge [sflag:s25], $0x4000  }
0x24: {  	[sflag:s25] =	ssyncset.done $0x0  }
0x25: {  	s18 =	rddreg [dreg:$0x6];
	[sflag:s25] =	ssyncadd.s32 $0xFFFFC000  }
0x26: {  	[tilespmem:s24], [sflag:$0x2] =	stream.linear.gather [hbm4b:s18+s4], $0x4000, $0x38;
	[tilespmem:$0x19000] =	vst v63  }
0x27: {  	_ =	swait.ge [sflag:s25], $0x4000  }
0x28: {  	[sflag:s25] =	ssyncset.done $0x0  }
0x29: {  	[sflag:s25] =	ssyncadd.s32 $0xFFFFC000  }
0x2a: {  	[spmem:s19] =	stream.linear.scatter [tilespmem:s24], [sflag:$0x2], $0x4000, $0x38;
	[tilespmem:$0x19000] =	vst v63  }
0x2b: {  	_ =	swait.ge [sflag:s25], $0x4000  }
0x2c: {  	[sflag:s25] =	ssyncset.done $0x0  }
0x2d: {  	s18 =	rddreg [dreg:$0x8];
	[sflag:s25] =	ssyncadd.s32 $0xFFFFC000  }
0x2e: {  	[tilespmem:s24], [sflag:$0x2] =	stream.linear.gather [hbm4b:s18+s4], $0x4000, $0x38;
	[tilespmem:$0x19000] =	vst v63  }
0x2f: {  	_ =	swait.ge [sflag:s25], $0x4000  }
0x30: {  	[sflag:s25] =	ssyncset.done $0x0  }
0x31: {  	[sflag:s25] =	ssyncadd.s32 $0xFFFFC000  }
0x32: {  	[spmem:s20] =	stream.linear.scatter [tilespmem:s24], [sflag:$0x2], $0x4000, $0x38;
	[tilespmem:$0x19000] =	vst v63  }
0x33: {  	_ =	swait.ge [sflag:s25], $0x4000  }
0x34: {  	[sflag:s25] =	ssyncset.done $0x0  }
0x35: {  	s19 =	rddreg [dreg:$0xa];
	[sflag:s25] =	ssyncadd.s32 $0xFFFFC000  }
0x36: {  	[tilespmem:s24], [sflag:$0x2] =	stream.linear.gather [hbm4b:s19+s4], $0x4000, $0x38;
	[tilespmem:$0x19000] =	vst v63  }
0x37: {  	_ =	swait.ge [sflag:s25], $0x4000  }
0x38: {  	[sflag:s25] =	ssyncset.done $0x0  }
0x39: {  	[sflag:s25] =	ssyncadd.s32 $0xFFFFC000  }
0x3a: {  	[spmem:s21] =	stream.linear.scatter [tilespmem:s24], [sflag:$0x2], $0x4000, $0x38;
	[tilespmem:$0x19000] =	vst v63  }
0x3b: {  	s20 =	rddreg [dreg:$0xd];
	_ =	swait.ge [sflag:s25], $0x4000  }
0x3c: {  	[sflag:s25] =	ssyncset.done $0x0  }
0x3d: {  	s21 =	rddreg [dreg:$0xc];
	[sflag:s25] =	ssyncadd.s32 $0xFFFFC000  }
0x3e: {  	[tilespmem:s24], [sflag:$0x2] =	stream.linear.gather [hbm4b:s21+s4], $0x4000, $0x38;
	[tilespmem:$0x19000] =	vst v63  }
0x3f: {  	_ =	swait.ge [sflag:s25], $0x4000  }
0x40: {  	[sflag:s25] =	ssyncset.done $0x0  }
0x41: {  	[sflag:s25] =	ssyncadd.s32 $0xFFFFC000  }
0x42: {  	[spmem:s20] =	stream.linear.scatter [tilespmem:s24], [sflag:$0x2], $0x4000, $0x38;
	[tilespmem:$0x19000] =	vst v63  }
0x43: {  	_ =	swait.ge [sflag:s25], $0x4000  }
0x44: {  	[sflag:s25] =	ssyncset.done $0x0  }
0x45: {  	[sflag:s25] =	ssyncadd.s32 $0xFFFFC000  }
0x46: {  	s15 =	simm.s32 $0x0;
	s21 =	simm.s32 $0x880;
	[bflag:$0x0] =	sbarrier.arrive $0xFFFF  }
.LBB2_2:
0x47: {  	s18 =	sshll.u32 s15, $0xB  }
0x48: {  	s18 =	sadd.s32 s17, s18  }
0x49: {  	s18 =	sshrl.u32 s18, $0x3  }
0x4a: {  	s20 =	simm.s32 $0x0;
	s19 =	sadd.s32 s6, s18  }
0x4b: {  	[tilespmem:s20], [sflag:$0x2] =	stream.linear.gather [hbm4b:s19+s20], $0x800, $0x38;
	[tilespmem:$0x19000] =	vst v63  }
0x4c: {  	_ =	swait.ge [sflag:s25], $0x800  }
0x4d: {  	[sflag:s25] =	ssyncset.done $0x0  }
0x4e: {  	[sflag:s25] =	ssyncadd.s32 $0xFFFFF800  }
0x4f: {  	s19 =	rddreg [dreg:$0x1]  }
0x50: {  	s18 =	sadd.s32 s19, s18  }
0x51: {  	[tilespmem:s26], [sflag:$0x2] =	stream.linear.gather [hbm4b:s18+s20], $0x800, $0x38;
	[tilespmem:$0x19000] =	vst v63  }
0x52: {  	_ =	swait.ge [sflag:s25], $0x800  }
0x53: {  	[sflag:s25] =	ssyncset.done $0x0  }
0x54: {  	s18 =	simm.s32 $0x0;
	[sflag:s25] =	ssyncadd.s32 $0xFFFFF800  }
0x55: {  	v3 =	vld [tilespmem:s18+$0x0]  }
0x56: {  	v5 =	vld [tilespmem:s18+$0x10]  }
0x57: {  	v4 =	vld [tilespmem:s18+$0x20]  }
0x58: {  	v2 =	vld [tilespmem:s18+$0x30]  }
0x59: {  	v1 =	vld [tilespmem:s18+$0x40]  }
0x5a: {  	v6 =	vadd.s32 v0, v3;
	v3 =	vld [tilespmem:s18+$0x50]  }
0x5b: {  	s19 =	simm.s32 $0x200;
	[tilespmem:s18+$0x0] =	vst v6;
	v6 =	vadd.s32 v0, v5;
	v5 =	vld [tilespmem:s18+$0x60]  }
.LBB2_3:
0x5c: {  	s20 =	sshra.s32 s19, $0x2;
	p0 =	sne.s32 s19, $0x1E00;
	[tilespmem:s18+$0x10] =	vst v6;
	v4 =	vadd.s32 v0, v4;
	v6 =	vld [tilespmem:s18+$0x70]  }
0x5d: {  	v7 =	vld [tilespmem:s20+$0x0];
	[tilespmem:s18+$0x20] =	vst v4;
	v2 =	vadd.s32 v0, v2  }
0x5e: {  	v8 =	vld [tilespmem:s20+$0x10];
	[tilespmem:s18+$0x30] =	vst v2;
	v1 =	vadd.s32 v0, v1  }
.Ltmp0:
0x5f: {  	v4 =	vld [tilespmem:s20+$0x20];
	[tilespmem:s18+$0x40] =	vst v1;
	v1 =	vadd.s32 v0, v3;
	(pc) =	sbr.rel @p0 .LBB2_3-.Ltmp0, $4  }
0x60: {  	v2 =	vld [tilespmem:s20+$0x30];
	[tilespmem:s18+$0x50] =	vst v1;
	v3 =	vadd.s32 v0, v5  }
0x61: {  	v1 =	vld [tilespmem:s20+$0x40];
	[tilespmem:s18+$0x60] =	vst v3;
	v5 =	vadd.s32 v0, v6  }
0x62: {  	v6 =	vadd.s32 v0, v7;
	v3 =	vld [tilespmem:s20+$0x50];
	[tilespmem:s18+$0x70] =	vst v5;
	s18 =	smov.u32 s20  }
0x63: {  	s19 =	sadd.s32 $0x200, s19;
	[tilespmem:s18+$0x0] =	vst v6;
	v6 =	vadd.s32 v0, v8;
	v5 =	vld [tilespmem:s18+$0x60]  }
0x64: {  	[tilespmem:s18+$0x10] =	vst v6;
	v4 =	vadd.s32 v0, v4;
	v63 =	vld [tilespmem:s18+$0x70]  }
0x65: {  	[tilespmem:s18+$0x20] =	vst v4;
	v2 =	vadd.s32 v0, v2  }
0x66: {  	[tilespmem:s18+$0x30] =	vst v2;
	v1 =	vadd.s32 v0, v1  }
0x67: {  	[tilespmem:s18+$0x40] =	vst v1;
	v1 =	vadd.s32 v0, v3  }
0x68: {  	[tilespmem:s18+$0x50] =	vst v1;
	v1 =	vadd.s32 v0, v5  }
0x69: {  	[tilespmem:s18+$0x60] =	vst v1;
	v1 =	vadd.s32 v0, v63  }
0x6a: {  	[tilespmem:s18+$0x70] =	vst v1  }
0x6b: {  	[tilespmem:s24], [sflag:$0x1] =	stream.indirect.gather [hbm4b:s5+s28], $0x80, s4, s28, $0xb8;
	[tilespmem:$0x19000] =	vst v63  }
0x6c: {  	_ =	swait.ge [sflag:s29], $0x4000  }
0x6d: {  	[sflag:s29] =	ssyncset.done $0x0  }
0x6e: {  	[sflag:s29] =	ssyncadd.s32 $0xFFFFC000  }
0x6f: {  	[spmem:s3] =	stream.indirect.scatter.add.f32 [tilespmem:s24], [sflag:$0x2], $0x80, s26, s28, $0xb8;
	[tilespmem:$0x19000] =	vst v63  }
0x70: {  	_ =	swait.ge [sflag:s25], $0x4000  }
0x71: {  	[sflag:s25] =	ssyncset.done $0x0  }
0x72: {  	[sflag:s25] =	ssyncadd.s32 $0xFFFFC000  }
0x73: {  	[tilespmem:s24], [sflag:$0x1] =	stream.indirect.gather [hbm4b:s5+s28], $0x80, s28, s28, $0xb8;
	[tilespmem:$0x19000] =	vst v63  }
0x74: {  	_ =	swait.ge [sflag:s29], $0x4000  }
0x75: {  	[sflag:s29] =	ssyncset.done $0x0  }
0x76: {  	[sflag:s29] =	ssyncadd.s32 $0xFFFFC000  }
0x77: {  	[spmem:s3] =	stream.indirect.scatter.add.f32 [tilespmem:s24], [sflag:$0x2], $0x80, s21, s28, $0xb8;
	[tilespmem:$0x19000] =	vst v63  }
0x78: {  	_ =	swait.ge [sflag:s25], $0x4000  }
0x79: {  	[sflag:s25] =	ssyncset.done $0x0  }
0x7a: {  	s19 =	simm.s32 $0x100;
	[sflag:s25] =	ssyncadd.s32 $0xFFFFC000  }
0x7b: {  	[tilespmem:s24], [sflag:$0x1] =	stream.indirect.gather [hbm4b:s5+s28], $0x80, s19, s28, $0xb8;
	[tilespmem:$0x19000] =	vst v63  }
0x7c: {  	_ =	swait.ge [sflag:s29], $0x4000  }
0x7d: {  	[sflag:s29] =	ssyncset.done $0x0  }
0x7e: {  	s20 =	simm.s32 $0x900;
	[sflag:s29] =	ssyncadd.s32 $0xFFFFC000  }
0x7f: {  	[spmem:s3] =	stream.indirect.scatter.add.f32 [tilespmem:s24], [sflag:$0x2], $0x80, s20, s28, $0xb8;
	[tilespmem:$0x19000] =	vst v63  }
0x80: {  	_ =	swait.ge [sflag:s25], $0x4000  }
0x81: {  	[sflag:s25] =	ssyncset.done $0x0  }
0x82: {  	s19 =	simm.s32 $0x180;
	[sflag:s25] =	ssyncadd.s32 $0xFFFFC000  }
0x83: {  	[tilespmem:s24], [sflag:$0x1] =	stream.indirect.gather [hbm4b:s5+s28], $0x80, s19, s28, $0xb8;
	[tilespmem:$0x19000] =	vst v63  }
0x84: {  	_ =	swait.ge [sflag:s29], $0x4000  }
0x85: {  	[sflag:s29] =	ssyncset.done $0x0  }
0x86: {  	s20 =	simm.s32 $0x980;
	[sflag:s29] =	ssyncadd.s32 $0xFFFFC000  }
0x87: {  	[spmem:s3] =	stream.indirect.scatter.add.f32 [tilespmem:s24], [sflag:$0x2], $0x80, s20, s28, $0xb8;
	[tilespmem:$0x19000] =	vst v63  }
0x88: {  	_ =	swait.ge [sflag:s25], $0x4000  }
0x89: {  	[sflag:s25] =	ssyncset.done $0x0  }
0x8a: {  	s19 =	simm.s32 $0x200;
	[sflag:s25] =	ssyncadd.s32 $0xFFFFC000  }
0x8b: {  	[tilespmem:s24], [sflag:$0x1] =	stream.indirect.gather [hbm4b:s5+s28], $0x80, s19, s28, $0xb8;
	[tilespmem:$0x19000] =	vst v63  }
0x8c: {  	_ =	swait.ge [sflag:s29], $0x4000  }
0x8d: {  	[sflag:s29] =	ssyncset.done $0x0  }
0x8e: {  	s20 =	simm.s32 $0xA00;
	[sflag:s29] =	ssyncadd.s32 $0xFFFFC000  }
0x8f: {  	[spmem:s3] =	stream.indirect.scatter.add.f32 [tilespmem:s24], [sflag:$0x2], $0x80, s20, s28, $0xb8;
	[tilespmem:$0x19000] =	vst v63  }
0x90: {  	_ =	swait.ge [sflag:s25], $0x4000  }
0x91: {  	[sflag:s25] =	ssyncset.done $0x0  }
0x92: {  	s19 =	simm.s32 $0x280;
	[sflag:s25] =	ssyncadd.s32 $0xFFFFC000  }
0x93: {  	[tilespmem:s24], [sflag:$0x1] =	stream.indirect.gather [hbm4b:s5+s28], $0x80, s19, s28, $0xb8;
	[tilespmem:$0x19000] =	vst v63  }
0x94: {  	_ =	swait.ge [sflag:s29], $0x4000  }
0x95: {  	[sflag:s29] =	ssyncset.done $0x0  }
0x96: {  	s20 =	simm.s32 $0xA80;
	[sflag:s29] =	ssyncadd.s32 $0xFFFFC000  }
0x97: {  	[spmem:s3] =	stream.indirect.scatter.add.f32 [tilespmem:s24], [sflag:$0x2], $0x80, s20, s28, $0xb8;
	[tilespmem:$0x19000] =	vst v63  }
0x98: {  	_ =	swait.ge [sflag:s25], $0x4000  }
0x99: {  	[sflag:s25] =	ssyncset.done $0x0  }
0x9a: {  	s19 =	simm.s32 $0x300;
	[sflag:s25] =	ssyncadd.s32 $0xFFFFC000  }
0x9b: {  	[tilespmem:s24], [sflag:$0x1] =	stream.indirect.gather [hbm4b:s5+s28], $0x80, s19, s28, $0xb8;
	[tilespmem:$0x19000] =	vst v63  }
0x9c: {  	_ =	swait.ge [sflag:s29], $0x4000  }
0x9d: {  	[sflag:s29] =	ssyncset.done $0x0  }
0x9e: {  	s20 =	simm.s32 $0xB00;
	[sflag:s29] =	ssyncadd.s32 $0xFFFFC000  }
0x9f: {  	[spmem:s3] =	stream.indirect.scatter.add.f32 [tilespmem:s24], [sflag:$0x2], $0x80, s20, s28, $0xb8;
	[tilespmem:$0x19000] =	vst v63  }
0xa0: {  	_ =	swait.ge [sflag:s25], $0x4000  }
0xa1: {  	[sflag:s25] =	ssyncset.done $0x0  }
0xa2: {  	s19 =	simm.s32 $0x380;
	[sflag:s25] =	ssyncadd.s32 $0xFFFFC000  }
0xa3: {  	[tilespmem:s24], [sflag:$0x1] =	stream.indirect.gather [hbm4b:s5+s28], $0x80, s19, s28, $0xb8;
	[tilespmem:$0x19000] =	vst v63  }
0xa4: {  	_ =	swait.ge [sflag:s29], $0x4000  }
0xa5: {  	[sflag:s29] =	ssyncset.done $0x0  }
0xa6: {  	s20 =	simm.s32 $0xB80;
	[sflag:s29] =	ssyncadd.s32 $0xFFFFC000  }
0xa7: {  	[spmem:s3] =	stream.indirect.scatter.add.f32 [tilespmem:s24], [sflag:$0x2], $0x80, s20, s28, $0xb8;
	[tilespmem:$0x19000] =	vst v63  }
0xa8: {  	_ =	swait.ge [sflag:s25], $0x4000  }
0xa9: {  	[sflag:s25] =	ssyncset.done $0x0  }
0xaa: {  	[sflag:s25] =	ssyncadd.s32 $0xFFFFC000  }
0xab: {  	[tilespmem:s24], [sflag:$0x1] =	stream.indirect.gather [hbm4b:s5+s28], $0x80, s22, s28, $0xb8;
	[tilespmem:$0x19000] =	vst v63  }
0xac: {  	_ =	swait.ge [sflag:s29], $0x4000  }
0xad: {  	[sflag:s29] =	ssyncset.done $0x0  }
0xae: {  	[sflag:s29] =	ssyncadd.s32 $0xFFFFC000  }
0xaf: {  	[spmem:s3] =	stream.indirect.scatter.add.f32 [tilespmem:s24], [sflag:$0x2], $0x80, s23, s28, $0xb8;
	[tilespmem:$0x19000] =	vst v63  }
0xb0: {  	_ =	swait.ge [sflag:s25], $0x4000  }
0xb1: {  	[sflag:s25] =	ssyncset.done $0x0  }
0xb2: {  	[sflag:s25] =	ssyncadd.s32 $0xFFFFC000  }
0xb3: {  	[tilespmem:s24], [sflag:$0x1] =	stream.indirect.gather [hbm4b:s5+s28], $0x80, s10, s28, $0xb8;
	[tilespmem:$0x19000] =	vst v63  }
0xb4: {  	_ =	swait.ge [sflag:s29], $0x4000  }
0xb5: {  	[sflag:s29] =	ssyncset.done $0x0  }
0xb6: {  	[sflag:s29] =	ssyncadd.s32 $0xFFFFC000  }
0xb7: {  	[spmem:s3] =	stream.indirect.scatter.add.f32 [tilespmem:s24], [sflag:$0x2], $0x80, s12, s28, $0xb8;
	[tilespmem:$0x19000] =	vst v63  }
0xb8: {  	_ =	swait.ge [sflag:s25], $0x4000  }
0xb9: {  	[sflag:s25] =	ssyncset.done $0x0  }
0xba: {  	[sflag:s25] =	ssyncadd.s32 $0xFFFFC000  }
0xbb: {  	[tilespmem:s24], [sflag:$0x1] =	stream.indirect.gather [hbm4b:s5+s28], $0x80, s14, s28, $0xb8;
	[tilespmem:$0x19000] =	vst v63  }
0xbc: {  	_ =	swait.ge [sflag:s29], $0x4000  }
0xbd: {  	[sflag:s29] =	ssyncset.done $0x0  }
0xbe: {  	[sflag:s29] =	ssyncadd.s32 $0xFFFFC000  }
0xbf: {  	[spmem:s3] =	stream.indirect.scatter.add.f32 [tilespmem:s24], [sflag:$0x2], $0x80, s16, s28, $0xb8;
	[tilespmem:$0x19000] =	vst v63  }
0xc0: {  	_ =	swait.ge [sflag:s25], $0x4000  }
0xc1: {  	[sflag:s25] =	ssyncset.done $0x0  }
0xc2: {  	[sflag:s25] =	ssyncadd.s32 $0xFFFFC000  }
0xc3: {  	[tilespmem:s24], [sflag:$0x1] =	stream.indirect.gather [hbm4b:s5+s28], $0x80, s8, s28, $0xb8;
	[tilespmem:$0x19000] =	vst v63  }
0xc4: {  	_ =	swait.ge [sflag:s29], $0x4000  }
0xc5: {  	[sflag:s29] =	ssyncset.done $0x0  }
0xc6: {  	[sflag:s29] =	ssyncadd.s32 $0xFFFFC000  }
0xc7: {  	[spmem:s3] =	stream.indirect.scatter.add.f32 [tilespmem:s24], [sflag:$0x2], $0x80, s1, s28, $0xb8;
	[tilespmem:$0x19000] =	vst v63  }
0xc8: {  	_ =	swait.ge [sflag:s25], $0x4000  }
0xc9: {  	[sflag:s25] =	ssyncset.done $0x0  }
0xca: {  	[sflag:s25] =	ssyncadd.s32 $0xFFFFC000  }
0xcb: {  	[tilespmem:s24], [sflag:$0x1] =	stream.indirect.gather [hbm4b:s5+s28], $0x80, s30, s28, $0xb8;
	[tilespmem:$0x19000] =	vst v63  }
0xcc: {  	_ =	swait.ge [sflag:s29], $0x4000  }
0xcd: {  	[sflag:s29] =	ssyncset.done $0x0  }
0xce: {  	[sflag:s29] =	ssyncadd.s32 $0xFFFFC000  }
0xcf: {  	[spmem:s3] =	stream.indirect.scatter.add.f32 [tilespmem:s24], [sflag:$0x2], $0x80, s31, s28, $0xb8;
	[tilespmem:$0x19000] =	vst v63  }
0xd0: {  	_ =	swait.ge [sflag:s25], $0x4000  }
0xd1: {  	[sflag:s25] =	ssyncset.done $0x0  }
0xd2: {  	[sflag:s25] =	ssyncadd.s32 $0xFFFFC000  }
0xd3: {  	[tilespmem:s24], [sflag:$0x1] =	stream.indirect.gather [hbm4b:s5+s28], $0x80, s0, s28, $0xb8;
	[tilespmem:$0x19000] =	vst v63  }
0xd4: {  	_ =	swait.ge [sflag:s29], $0x4000  }
0xd5: {  	[sflag:s29] =	ssyncset.done $0x0  }
0xd6: {  	[sflag:s29] =	ssyncadd.s32 $0xFFFFC000  }
0xd7: {  	[spmem:s3] =	stream.indirect.scatter.add.f32 [tilespmem:s24], [sflag:$0x2], $0x80, s2, s28, $0xb8;
	[tilespmem:$0x19000] =	vst v63  }
0xd8: {  	_ =	swait.ge [sflag:s25], $0x4000  }
0xd9: {  	[sflag:s25] =	ssyncset.done $0x0  }
0xda: {  	[sflag:s25] =	ssyncadd.s32 $0xFFFFC000  }
0xdb: {  	[tilespmem:s24], [sflag:$0x1] =	stream.indirect.gather [hbm4b:s5+s28], $0x80, s7, s28, $0xb8;
	[tilespmem:$0x19000] =	vst v63  }
0xdc: {  	_ =	swait.ge [sflag:s29], $0x4000  }
0xdd: {  	[sflag:s29] =	ssyncset.done $0x0  }
0xde: {  	[sflag:s29] =	ssyncadd.s32 $0xFFFFC000  }
0xdf: {  	[spmem:s3] =	stream.indirect.scatter.add.f32 [tilespmem:s24], [sflag:$0x2], $0x80, s9, s28, $0xb8;
	[tilespmem:$0x19000] =	vst v63  }
0xe0: {  	_ =	swait.ge [sflag:s25], $0x4000  }
0xe1: {  	[sflag:s25] =	ssyncset.done $0x0  }
0xe2: {  	[sflag:s25] =	ssyncadd.s32 $0xFFFFC000  }
0xe3: {  	[tilespmem:s24], [sflag:$0x1] =	stream.indirect.gather [hbm4b:s5+s28], $0x80, s11, s28, $0xb8;
	[tilespmem:$0x19000] =	vst v63  }
0xe4: {  	s15 =	sadd.s32 $0x1, s15;
	_ =	swait.ge [sflag:s29], $0x4000  }
0xe5: {  	p0 =	sne.s32 s15, $0xA;
	[sflag:s29] =	ssyncset.done $0x0  }
.Ltmp1:
0xe6: {  	[sflag:s29] =	ssyncadd.s32 $0xFFFFC000;
	(pc) =	sbr.rel @p0 .LBB2_2-.Ltmp1, $4  }
0xe7: {  	[spmem:s3] =	stream.indirect.scatter.add.f32 [tilespmem:s24], [sflag:$0x2], $0x80, s13, s28, $0xb8;
	[tilespmem:$0x19000] =	vst v63  }
0xe8: {  	_ =	swait.ge [sflag:s25], $0x4000  }
0xe9: {  	[sflag:s25] =	ssyncset.done $0x0  }
0xea: {  	[sflag:s25] =	ssyncadd.s32 $0xFFFFC000  }
0xeb: {  	[bflag:$0x0] =	sbarrier.arrive $0xFFFF  }
0xec: {  	s18 =	rddreg [dreg:$0x5]  }
0xed: {  	[tilespmem:s24], [sflag:$0x2] =	stream.linear.gather [spmem:s18], $0x4000, $0x38;
	[tilespmem:$0x19000] =	vst v63  }
0xee: {  	_ =	swait.ge [sflag:s25], $0x4000  }
0xef: {  	[sflag:s25] =	ssyncset.done $0x0  }
0xf0: {  	s15 =	rddreg [dreg:$0xe];
	[sflag:s25] =	ssyncadd.s32 $0xFFFFC000  }
0xf1: {  	[hbm4b:s15+s4] =	stream.linear.scatter [tilespmem:s24], [sflag:$0x2], $0x4000, $0x38;
	[tilespmem:$0x19000] =	vst v63  }
0xf2: {  	_ =	swait.ge [sflag:s25], $0x4000  }
0xf3: {  	[sflag:s25] =	ssyncset.done $0x0  }
0xf4: {  	s19 =	rddreg [dreg:$0x7];
	[sflag:s25] =	ssyncadd.s32 $0xFFFFC000  }
0xf5: {  	[tilespmem:s24], [sflag:$0x2] =	stream.linear.gather [spmem:s19], $0x4000, $0x38;
	[tilespmem:$0x19000] =	vst v63  }
0xf6: {  	_ =	swait.ge [sflag:s25], $0x4000  }
0xf7: {  	[sflag:s25] =	ssyncset.done $0x0  }
0xf8: {  	s20 =	rddreg [dreg:$0xf];
	[sflag:s25] =	ssyncadd.s32 $0xFFFFC000  }
0xf9: {  	[hbm4b:s20+s4] =	stream.linear.scatter [tilespmem:s24], [sflag:$0x2], $0x4000, $0x38;
	[tilespmem:$0x19000] =	vst v63  }
0xfa: {  	_ =	swait.ge [sflag:s25], $0x4000  }
0xfb: {  	[sflag:s25] =	ssyncset.done $0x0  }
0xfc: {  	s20 =	rddreg [dreg:$0x9];
	[sflag:s25] =	ssyncadd.s32 $0xFFFFC000  }
0xfd: {  	[tilespmem:s24], [sflag:$0x2] =	stream.linear.gather [spmem:s20], $0x4000, $0x38;
	[tilespmem:$0x19000] =	vst v63  }
0xfe: {  	_ =	swait.ge [sflag:s25], $0x4000  }
0xff: {  	[sflag:s25] =	ssyncset.done $0x0  }
0x100: {  	s21 =	rddreg [dreg:$0x10];
	[sflag:s25] =	ssyncadd.s32 $0xFFFFC000  }
0x101: {  	[hbm4b:s21+s4] =	stream.linear.scatter [tilespmem:s24], [sflag:$0x2], $0x4000, $0x38;
	[tilespmem:$0x19000] =	vst v63  }
0x102: {  	_ =	swait.ge [sflag:s25], $0x4000  }
0x103: {  	[sflag:s25] =	ssyncset.done $0x0  }
0x104: {  	s15 =	rddreg [dreg:$0xb];
	[sflag:s25] =	ssyncadd.s32 $0xFFFFC000  }
0x105: {  	[tilespmem:s24], [sflag:$0x2] =	stream.linear.gather [spmem:s15], $0x4000, $0x38;
	[tilespmem:$0x19000] =	vst v63  }
0x106: {  	_ =	swait.ge [sflag:s25], $0x4000  }
0x107: {  	[sflag:s25] =	ssyncset.done $0x0  }
0x108: {  	s21 =	rddreg [dreg:$0x11];
	[sflag:s25] =	ssyncadd.s32 $0xFFFFC000  }
0x109: {  	[hbm4b:s21+s4] =	stream.linear.scatter [tilespmem:s24], [sflag:$0x2], $0x4000, $0x38;
	[tilespmem:$0x19000] =	vst v63  }
0x10a: {  	_ =	swait.ge [sflag:s25], $0x4000  }
0x10b: {  	[sflag:s25] =	ssyncset.done $0x0  }
0x10c: {  	s22 =	rddreg [dreg:$0xd];
	[sflag:s25] =	ssyncadd.s32 $0xFFFFC000  }
0x10d: {  	[tilespmem:s24], [sflag:$0x2] =	stream.linear.gather [spmem:s22], $0x4000, $0x38;
	[tilespmem:$0x19000] =	vst v63  }
0x10e: {  	_ =	swait.ge [sflag:s25], $0x4000  }
0x10f: {  	[sflag:s25] =	ssyncset.done $0x0  }
0x110: {  	s22 =	rddreg [dreg:$0x12];
	[sflag:s25] =	ssyncadd.s32 $0xFFFFC000  }
0x111: {  	[hbm4b:s22+s4] =	stream.linear.scatter [tilespmem:s24], [sflag:$0x2], $0x4000, $0x38;
	[tilespmem:$0x19000] =	vst v63  }
0x112: {  	_ =	swait.ge [sflag:s25], $0x4000  }
0x113: {  	s22 =	rddreg [dreg:$0x14]  }
0x114: {  	s21 =	rddreg [dreg:$0x13];
	s22 =	sadd.s32 $0x1, s22  }
0x115: {  	p0 =	sne.s32 s22, s21  }
.Ltmp2:
0x116: {  	_ = 	snop;
	(pc) =	sbr.rel @p0 .LBB2_1-.Ltmp2, $3  }
0x117: {  	_ =	sdelay $0x1  }
0x118: {  	[sflag:s25] =	ssyncset.done $0x0  }
0x119: {  	[sflag:s25] =	ssyncadd.s32 $0xFFFFC000;
	[dreg:$0x14] =	wrdreg s22;
	s22 =	simm.s32 $0x400  }
0x11a: {  	_ =	sfence.sel $0x180000  }
0x11b: {  	[bflag:$0x0] =	sbarrier.arrive $0xFFFF  }
0x11c: {  	_ =	strace $0x9000004A  }
0x11d: {  	s0 =	stileid.u32;
	[bflag:$0x2] =	sbarrier.arrive $0xFFFF  }
0x11e: {  	p0 =	sne.s32 s0, $0x0;
	s0 =	rddreg [dreg:$0x3]  }
0x11f: {  	s0 =	sadd.s32 @!p0 $0x100000, s0  }
0x120: {  	[sflag:s0] =	ssyncadd.tile.s32 @!p0 $0x1;
	_ =	shalt  }
.Lfunc_end2:
_tile_overlayer_lowered:
.L_overlay_start_2:
0x121: {  	(tag) =	ssettag $0x2  }
0x122: {  	s0 =	rddreg [dreg:$0x0];
	s2 =	stileid.u32  }
0x123: {  	s1 =	rddreg [dreg:$0x1];
	p0 =	sne.s32 s2, $0x0  }
0x124: {  	s3 =	rddreg [dreg:$0x2];
	[bflag:$0x3] =	sbarrier.arrive $0xFFFF;
	s2 =	simm.s32 @!p0 $0x1C02  }
0x125: {  	[timem:s3], [sflag:s2] =	dma.local @!p0 [hbm:s0], s1  }
0x126: {  	s0 =	simm.s32 @!p0 $0x2  }
0x127: {  	_ =	swait.ge @!p0 [sflag:s0], s1  }
0x128: {  	s1 =	ssub.s32 @!p0 $0x0, s1;
	[sflag:s0] =	ssyncset.done @!p0 $0x0  }
0x129: {  	[sflag:s0] =	ssyncadd.s32 @!p0 s1  }
0x12a: {  	[bflag:$0x3] =	sbarrier.arrive $0xFFFF  }
0x12b: {  	_ =	shalt  }

// kernel: kernel.14.cloned.1.call-start
scs
__scs_entry_jumppad:
0x0: {  	(pc) =	sbr.rel $0x88, $3  }
0x1: {  	(tag) =	ssettag $0x0;
	lr =	simm.s32 $0x1  }
0x2: {  	[smem:$0x3F9B] =	sst lr;
	_ =	strace $0xD0000000  }
0x3: {  	_ = 	snop  }
0x4: {  	_ = 	snop  }
0x5: {  	_ = 	snop  }
0x6: {  	_ = 	snop  }
0x7: {  	_ = 	snop  }
__scs_overlays_trampoline_lowered:
0x8: {  	[smem:$0x3FAA] =	sst s0  }
0x9: {  	[smem:$0x3FAB] =	sst s1  }
0xa: {  	[smem:$0x3FAC] =	sst s2  }
0xb: {  	[smem:$0x3FAD] =	sst s3  }
0xc: {  	[smem:$0x3FAE] =	sst s4  }
0xd: {  	[smem:$0x3FAF] =	sst s5  }
0xe: {  	[smem:$0x3FB0] =	sst s6  }
0xf: {  	[smem:$0x3FB1] =	sst s7  }
0x10: {  	[smem:$0x3FB2] =	sst s8  }
0x11: {  	[smem:$0x3FB3] =	sst s9;
	s0 =	simm.s32 @!p0 $0x0  }
0x12: {  	s1 =	sld [smem:$0x3F99];
	s0 =	simm.s32 @p0 $0x1  }
0x13: {  	[smem:$0x3FB4] =	sst s0;
	s0 =	simm.s32 @!p1 $0x0  }
0x14: {  	s2 =	sld [smem:$0x3F98];
	s0 =	simm.s32 @p1 $0x1  }
0x15: {  	[smem:$0x3FB5] =	sst s0;
	s0 =	simm.s32 @!p2 $0x0  }
0x16: {  	s3 =	sld [smem:$0x3FDB];
	s0 =	simm.s32 @p2 $0x1  }
0x17: {  	s4 =	simm.s32 $0x1BF5;
	[smem:$0x3FB7] =	sst s0  }
0x18: {  	s0 =	sld [smem:$0x3F9A];
	_ =	swait.ge [sflag:s4], $0x0  }
0x19: {  	s7 =	sld [smem:$0x3F9B]  }
0x1a: {  	s8 =	sadd.s32 $0xFFFFE003, lr  }
0x1b: {  	s9 =	sadd.s32 $0xFFFFFEF7, lr;
	s5 =	simm.s32 $0xFFFFFFFF;
	p2 =	slt.u32 s8, $0xFFFFF086  }
0x1c: {  	p1 =	slt.u32 s9, $0xF7A;
	s5 =	simm.s32 @!p2 $0x0  }
0x1d: {  	s5 =	simm.s32 @p1 $0x1;
	p0 =	seq.s32 s7, s2  }
0x1e: {  	s7 =	smul.u32 @!p0 $0xF7A, s2;
	p2 =	seq.s32 @!p0 s5, $0x0  }
0x1f: {  	s9 =	smul.u32 $0xF7A, s1;
	s8 =	simm.s32 @!p0 $0x1BF5;
	p2 =	por !p2, p0  }
0x20: {  	[sflag:s8] =	ssyncset.s32 @!p0 $0xFFFFF086;
	s6 =	sadd.s32 @!p0 s3, s7;
	s7 =	simm.s32 @!p0 $0x108  }
0x21: {  	s3 =	sadd.s32 s3, s9;
	s6 =	sadd.s32 @!p0 $0x88, s6;
	s7 =	simm.s32 @p2 $0x1082  }
0x22: {  	[simem:s7], [sflag:s8] =	dma.local @!p0 [hbm:s6], $0xF7A  }
0x23: {  	s9 =	sor.u32 $0xD0000000, s2;
	s6 =	simm.s32 $0x108;
	_ =	swait.ge @!p0 [sflag:s8], $0x0  }
0x24: {  	s3 =	sadd.s32 $0x88, s3;
	s6 =	simm.s32 @!p1 $0x1082;
	[sflag:s4] =	ssyncset.s32 $0xFFFFF086  }
0x25: {  	[simem:s6], [sflag:s4] =	dma.local [hbm:s3], $0xF7A  }
0x26: {  	[smem:$0x3F9B] =	sst s1;
	(tag) =	ssettag s2;
	_ =	strace s9  }
0x27: {  	s1 =	sld [smem:$0x3FAB]  }
0x28: {  	s2 =	sld [smem:$0x3FAC]  }
0x29: {  	s4 =	sld [smem:$0x3FAE]  }
0x2a: {  	p0 =	seq.s32 s5, $0x0;
	s5 =	sld [smem:$0x3FAF]  }
0x2b: {  	s6 =	sld [smem:$0x3FB0]  }
0x2c: {  	s7 =	sld [smem:$0x3FB1]  }
0x2d: {  	s3 =	simm.s32 $0x108;
	s8 =	sld [smem:$0x3FB2]  }
0x2e: {  	s3 =	simm.s32 @!p0 $0x1082;
	s9 =	sld [smem:$0x3FB3]  }
0x2f: {  	lr =	sadd.s32 s0, s3;
	s0 =	sld [smem:$0x3FAA]  }
0x30: {  	s3 =	sld [smem:$0x3FAD]  }
0x31: {  	[smem:$0x3FB6] =	sst s10  }
0x32: {  	s10 =	sld [smem:$0x3FB4];
	_ =	sdelay $0x3  }
0x33: {  	p0 =	seq.s32 s10, $0x1;
	s10 =	sld [smem:$0x3FB6];
	_ =	sdelay $0x3  }
0x34: {  	[smem:$0x3FB6] =	sst s10  }
0x35: {  	s10 =	sld [smem:$0x3FB5];
	_ =	sdelay $0x3  }
0x36: {  	p1 =	seq.s32 s10, $0x1;
	s10 =	sld [smem:$0x3FB6];
	_ =	sdelay $0x3  }
0x37: {  	[smem:$0x3FB6] =	sst s10  }
0x38: {  	s10 =	sld [smem:$0x3FB7]  }
0x39: {  	_ = 	snop;
	(pc) =	sbr.ind lr, $3  }
0x3a: {  	_ = 	snop  }
0x3b: {  	_ = 	snop  }
0x3c: {  	p2 =	seq.s32 s10, $0x1;
	s10 =	sld [smem:$0x3FB6]  }
0x3d: {  	_ =	shalt  }
0x3e: {  	_ =	shalt  }
0x3f: {  	_ =	shalt  }
0x40: {  	_ =	shalt  }
0x41: {  	_ =	shalt  }
0x42: {  	_ =	shalt  }
0x43: {  	_ =	shalt  }
0x44: {  	_ =	shalt  }
0x45: {  	_ =	shalt  }
0x46: {  	_ =	shalt  }
0x47: {  	_ =	shalt  }
0x48: {  	_ =	shalt  }
0x49: {  	_ =	shalt  }
0x4a: {  	_ =	shalt  }
0x4b: {  	_ =	shalt  }
0x4c: {  	_ =	shalt  }
0x4d: {  	_ =	shalt  }
0x4e: {  	_ =	shalt  }
0x4f: {  	_ =	shalt  }
0x50: {  	_ =	shalt  }
0x51: {  	_ =	shalt  }
0x52: {  	_ =	shalt  }
0x53: {  	_ =	shalt  }
0x54: {  	_ =	shalt  }
0x55: {  	_ =	shalt  }
0x56: {  	_ =	shalt  }
0x57: {  	_ =	shalt  }
0x58: {  	_ =	shalt  }
0x59: {  	_ =	shalt  }
0x5a: {  	_ =	shalt  }
0x5b: {  	_ =	shalt  }
0x5c: {  	_ =	shalt  }
0x5d: {  	_ =	shalt  }
0x5e: {  	_ =	shalt  }
0x5f: {  	_ =	shalt  }
0x60: {  	_ =	shalt  }
0x61: {  	_ =	shalt  }
0x62: {  	_ =	shalt  }
0x63: {  	_ =	shalt  }
0x64: {  	_ =	shalt  }
0x65: {  	_ =	shalt  }
0x66: {  	_ =	shalt  }
0x67: {  	_ =	shalt  }
0x68: {  	_ =	shalt  }
0x69: {  	_ =	shalt  }
0x6a: {  	_ =	shalt  }
0x6b: {  	_ =	shalt  }
0x6c: {  	_ =	shalt  }
0x6d: {  	_ =	shalt  }
0x6e: {  	_ =	shalt  }
0x6f: {  	_ =	shalt  }
0x70: {  	_ =	shalt  }
0x71: {  	_ =	shalt  }
0x72: {  	_ =	shalt  }
0x73: {  	_ =	shalt  }
0x74: {  	_ =	shalt  }
0x75: {  	_ =	shalt  }
0x76: {  	_ =	shalt  }
0x77: {  	_ =	shalt  }
0x78: {  	_ =	shalt  }
0x79: {  	_ =	shalt  }
0x7a: {  	_ =	shalt  }
0x7b: {  	_ =	shalt  }
0x7c: {  	_ =	shalt  }
0x7d: {  	_ =	shalt  }
0x7e: {  	_ =	shalt  }
0x7f: {  	_ =	shalt  }
0x80: {  	_ =	shalt  }
0x81: {  	_ =	shalt  }
0x82: {  	_ =	shalt  }
0x83: {  	_ =	shalt  }
0x84: {  	_ =	shalt  }
0x85: {  	_ =	shalt  }
0x86: {  	_ =	shalt  }
0x87: {  	_ =	shalt  }
.Lfunc_end0:
.L_simem_size_0:
called_computation.2_lowered:
.L_overlay_start_0:
0x88: {  	s2 =	sld [smem:$0x3FD9]  }
0x89: {  	s3 =	sld [smem:$0x3FFE];
	_ =	sdelay $0x1  }
0x8a: {  	s1 =	srdreg.scid  }
0x8b: {  	s0 =	sand.u32 $0x1, s1  }
0x8c: {  	s17 =	sshll.u32 s0, $0xA;
	s2 =	sadd.s32 s3, s2  }
0x8d: {  	s2 =	sadd.s32 s2, s17  }
0x8e: {  	[smem:$0x3FC2] =	sst s2  }
0x8f: {  	_ = 	snop  }
0x90: {  	s2 =	sld [smem:$0x3FD0];
	(tm) =	ssettm $0x1  }
0x91: {  	s18 =	sld [smem:$0x3FFB];
	_ =	sdelay $0x3  }
0x92: {  	_ =	strace s18  }
0x93: {  	s3 =	sld [smem:$0x3FFC];
	_ =	sdelay $0x3  }
0x94: {  	_ =	strace s3  }
0x95: {  	s3 =	sld [smem:$0x3FFD];
	_ =	sdelay $0x3  }
0x96: {  	_ =	strace s3  }
0x97: {  	_ =	strace $0x8FFFFFFF  }
0x98: {  	s19 =	sld [smem:$0x3FDB];
	_ =	sdelay $0x1  }
0x99: {  	s4 =	simm.s32 $_scs_section_size  }
0x9a: {  	s5 =	simm.s32 $_size__tile_overlayer_lowered;
	s6 =	simm.s32 $_tile_overlayer_lowered  }
0x9b: {  	s22 =	simm.s32 $0x1BFF;
	s21 =	sshll.u32 s6, $0x1;
	s3 =	sadd.s32 s4, s19  }
0x9c: {  	s7 =	simm.s32 $0x0;
	s20 =	sshll.u32 s5, $0x1;
	s5 =	sadd.s32 s21, s3  }
0x9d: {  	[timem:s7], [sflag:s22] =	dma.local [hbm:s5], s20  }
0x9e: {  	_ =	swait.ge [sflag:s22], s20  }
0x9f: {  	s4 =	ssub.s32 $0x0, s20;
	[sflag:s22] =	ssyncset.done $0x0  }
0xa0: {  	[sflag:s22] =	ssyncadd.s32 s4;
	_ =	sdelay $0x1  }
0xa1: {  	s23 =	simm.s32 $0x1B8B  }
0xa2: {  	_ =	swait.ge [sflag:s23], $0x1  }
0xa3: {  	[sflag:s23] =	ssyncset.done $0x0  }
0xa4: {  	s25 =	simm.s32 $0x1B8E;
	s24 =	sld [smem:$0x3FFE];
	[sflag:s23] =	ssyncadd.s32 $0xFFFFFFFF  }
0xa5: {  	s26 =	simm.s32 $execute0_lowered;
	[smem:$0x3FD2] =	sst s25  }
0xa6: {  	s5 =	sshll.u32 s26, $0x1;
	_ =	strace $0x8000004C;
	[dreg:$0x1] =	wrdreg $0xFFFFFFFF  }
0xa7: {  	s28 =	simm.s32 $_size_execute0_lowered;
	s3 =	sadd.s32 s3, s5;
	[dreg:$0x0] =	wrdreg $0x0  }
0xa8: {  	s5 =	sshll.u32 s28, $0x1;
	[dreg:$0x2] =	wrdreg s3  }
0xa9: {  	[dreg:$0x3] =	wrdreg s5  }
0xaa: {  	[dreg:$0x4] =	wrdreg $0xC0  }
0xab: {  	_ =	task [dreg:s7], $0x5FFFF  }
0xac: {  	[dreg:$0x1] =	wrdreg $0xFFFFFFFF  }
0xad: {  	[dreg:$0x0] =	wrdreg $0x60  }
0xae: {  	[dreg:$0x2] =	wrdreg s24  }
0xaf: {  	[dreg:$0x3] =	wrdreg s2  }
0xb0: {  	[dreg:$0x4] =	wrdreg $0x50000  }
0xb1: {  	[dreg:$0x5] =	wrdreg $0x9  }
0xb2: {  	_ =	task.clear_ibuf [dreg:s7], $0x6FFFF;
	_ =	strace $0x9000004C  }
0xb3: {  	s29 =	simm.s32 $0x9;
	_ =	strace $0x8000004E  }
0xb4: {  	_ =	swait.ge [sflag:s29], $0x1  }
0xb5: {  	[sflag:s29] =	ssyncadd.s32 $0xFFFFFFFF  }
0xb6: {  	_ =	strace $0x9000004E  }
0xb7: {  	_ =	sfence  }
0xb8: {  	s30 =	sld [smem:$0x0];
	_ =	sdelay $0x2  }
0xb9: {  	s31 =	sshll.u32 s1, $0xD;
	s1 =	sshrl.u32 s1, $0x2  }
0xba: {  	s3 =	sand.u32 $0x4000, s31;
	s1 =	sadd.s32 s1, s30  }
0xbb: {  	s0 =	sor.u32 s3, s0;
	s1 =	sshll.u32 s1, $0x11  }
0xbc: {  	s0 =	sor.u32 s1, s0  }
0xbd: {  	s0 =	sadd.s32 $0x8F2B, s0  }
0xbe: {  	[sflag:s0] =	ssyncadd.remote.s32 $0x1  }
0xbf: {  	_ =	sfence.sel $0xFFFF  }
0xc0: {  	[dreg:$0x0] =	wrdreg $0xFFFFFFFF;
	(pc) =	sbr.abs _section_cstart, $3  }
0xc1: {  	[dreg:$0x1] =	wrdreg $0xFFFFFFFF  }
0xc2: {  	_ =	task.clear_ibuf [dreg:s7], $0x2FFFF;
	_ =	strace $0x9FFFFFFF  }
0xc3: {  	(tm) =	ssettm $0x7FFFFFFF  }
tec
execute0_lowered:
.L_overlay_start_1:
0x0: {  	(tag) =	ssettag $0x1  }
0x1: {  	s0 =	rddreg [dreg:$0x0]  }
0x2: {  	s1 =	srdreg.scid;
	s5 =	rddreg [dreg:$0x1]  }
0x3: {  	s11 =	stileid.u32;
	s2 =	rddreg [dreg:$0x2]  }
0x4: {  	s3 =	simm.s32 $0x0;
	s14 =	simm.s32 $0x100;
	s6 =	smul.u32 $0x2800, s11  }
0x5: {  	s28 =	simm.s32 $0x380;
	s29 =	simm.s32 $0xB80;
	s15 =	smul.u32 $0x280, s11  }
0x6: {  	s30 =	simm.s32 $0x400;
	s1 =	sand.u32 $0x1, s1;
	s11 =	smul.u32 $0x50000, s11  }
0x7: {  	s31 =	simm.s32 $0xC00;
	[smem:$0x7FF] =	sst s3;
	s7 =	smul.u32 $0x28000, s1  }
0x8: {  	s4 =	sadd.s32 $0xC000, s0;
	s9 =	smul.u32 $0x2800, s1;
	_ =	strace $0x8000004D  }
0x9: {  	s1 =	ssub.s32 $0x2, s1;
	[dreg:$0x7] =	wrdreg s14;
	s14 =	simm.s32 $0x0  }
0xa: {  	s10 =	sshrl.u32 s1, $0x1;
	s16 =	sshrl.u32 s11, $0x2;
	s17 =	sadd.s32 $0x80, s15  }
0xb: {  	s20 =	sadd.s32 $0x100, s15;
	s22 =	sadd.s32 $0x180, s15;
	s25 =	sadd.s32 $0x200, s15  }
0xc: {  	[smem:$0x7FD] =	sst s14;
	s7 =	sadd.s32 s6, s7;
	s9 =	sadd.s32 s15, s9  }
0xd: {  	s6 =	sadd.s32 s4, s6;
	s8 =	sadd.s32 s16, s2;
	s23 =	sshll.u32 s22, $0x4  }
0xe: {  	s24 =	sshll.u32 s22, $0x7;
	s16 =	simm.s32 $0x900;
	[dreg:$0x10] =	wrdreg s6  }
0xf: {  	s26 =	sshll.u32 s25, $0x4;
	s22 =	simm.s32 $0x200;
	[dreg:$0x8] =	wrdreg s16  }
0x10: {  	s12 =	sshll.u32 s25, $0x7;
	s25 =	simm.s32 $0xA80;
	[dreg:$0xb] =	wrdreg s22  }
0x11: {  	s1 =	ssub.s32 s1, s10;
	s18 =	sshll.u32 s17, $0x4;
	[dreg:$0xe] =	wrdreg s25  }
0x12: {  	s21 =	sshll.u32 s20, $0x4;
	s6 =	sadd.s32 s4, s18;
	[dreg:$0x11] =	wrdreg s8  }
0x13: {  	s7 =	sshrl.u32 s7, $0x3;
	s18 =	simm.s32 $0x180;
	[dreg:$0x12] =	wrdreg s6  }
0x14: {  	s9 =	sshll.u32 s9, $0x4;
	s1 =	smax.u32 s1, $0x1;
	[dreg:$0x9] =	wrdreg s18  }
0x15: {  	s10 =	sadd.s32 s24, s2;
	s24 =	simm.s32 $0x280;
	[dreg:$0x1f] =	wrdreg s1  }
0x16: {  	s12 =	sadd.s32 s12, s2;
	s22 =	simm.s32 $0x2;
	[dreg:$0xd] =	wrdreg s24  }
0x17: {  	s13 =	sadd.s32 s7, s0;
	s0 =	sadd.s32 s9, s0;
	[dreg:$0x17] =	wrdreg s10  }
0x18: {  	s9 =	sshll.u32 s17, $0x7;
	s5 =	sadd.s32 s7, s5;
	[dreg:$0x19] =	wrdreg s12  }
0x19: {  	s6 =	sshll.u32 s20, $0x7;
	s20 =	simm.s32 $0x980;
	[dreg:$0x4] =	wrdreg s5  }
0x1a: {  	s25 =	simm.s32 $0x1;
	s19 =	sadd.s32 s9, s2;
	[dreg:$0xa] =	wrdreg s20  }
0x1b: {  	s16 =	simm.s32 $0x680;
	s9 =	sadd.s32 s4, s21;
	[dreg:$0x13] =	wrdreg s19  }
0x1c: {  	s24 =	simm.s32 $0x80;
	s6 =	sadd.s32 s6, s2;
	[dreg:$0x14] =	wrdreg s9  }
0x1d: {  	s1 =	simm.s32 $0x480;
	s11 =	sadd.s32 $0x2000, s13;
	[dreg:$0x15] =	wrdreg s6  }
0x1e: {  	s7 =	simm.s32 $0xD00;
	s13 =	simm.s32 $0x880;
	[dreg:$0x5] =	wrdreg s11  }
0x1f: {  	s18 =	simm.s32 $0x700;
	s15 =	sadd.s32 $0x84000, s0;
	[dreg:$0x6] =	wrdreg s13  }
0x20: {  	s17 =	sadd.s32 $0x84800, s0;
	s21 =	sadd.s32 $0x85800, s0;
	[dreg:$0x1a] =	wrdreg s15  }
0x21: {  	s5 =	simm.s32 $0x500;
	s20 =	simm.s32 $0x780;
	[dreg:$0x1b] =	wrdreg s17  }
0x22: {  	s6 =	sadd.s32 s4, s23;
	s19 =	sadd.s32 $0x85000, s0;
	[dreg:$0x1d] =	wrdreg s21  }
0x23: {  	s0 =	sadd.s32 $0x86000, s0;
	s23 =	simm.s32 $0xA00;
	s21 =	simm.s32 $0x1000  }
0x24: {  	s9 =	simm.s32 $0x580;
	s11 =	simm.s32 $0xD80;
	[dreg:$0x16] =	wrdreg s6  }
0x25: {  	s13 =	simm.s32 $0x600;
	s15 =	simm.s32 $0xE00;
	[dreg:$0x1c] =	wrdreg s19  }
0x26: {  	s17 =	simm.s32 $0xE80;
	s6 =	sadd.s32 s4, s26;
	[dreg:$0x1e] =	wrdreg s0  }
0x27: {  	[dreg:$0xc] =	wrdreg s23;
	s26 =	simm.s32 $0x300;
	s23 =	simm.s32 $0x800  }
0x28: {  	s0 =	simm.s32 $0xC80;
	s19 =	simm.s32 $0xF00;
	[dreg:$0x18] =	wrdreg s6  }
0x29: {  	[dreg:$0xf] =	wrdreg s26;
	s26 =	simm.s32 $0xB00;
	s6 =	simm.s32 $0xF80  }
.LBB2_1:
0x2a: {  	s14 =	smov.u32 s12;
	s12 =	smov.u32 s10;
	s10 =	rddreg [dreg:$0x10]  }
0x2b: {  	[tilespmem:s21], [sflag:$0x2] =	stream.linear.gather [hbm4b:s10+s3], $0x4000, $0x38;
	[tilespmem:$0x19000] =	vst v63  }
0x2c: {  	_ =	swait.ge [sflag:s22], $0x4000  }
0x2d: {  	[sflag:s22] =	ssyncset.done $0x0  }
0x2e: {  	[sflag:s22] =	ssyncadd.s32 $0xFFFFC000  }
0x2f: {  	[spmem:s8] =	stream.linear.scatter [tilespmem:s21], [sflag:$0x2], $0x4000, $0x38;
	[tilespmem:$0x19000] =	vst v63  }
0x30: {  	_ =	swait.ge [sflag:s22], $0x4000  }
0x31: {  	[sflag:s22] =	ssyncset.done $0x0  }
0x32: {  	s8 =	rddreg [dreg:$0x12];
	[sflag:s22] =	ssyncadd.s32 $0xFFFFC000  }
0x33: {  	[tilespmem:s21], [sflag:$0x2] =	stream.linear.gather [hbm4b:s8+s3], $0x4000, $0x38;
	[tilespmem:$0x19000] =	vst v63  }
0x34: {  	_ =	swait.ge [sflag:s22], $0x4000  }
0x35: {  	[sflag:s22] =	ssyncset.done $0x0  }
0x36: {  	s10 =	rddreg [dreg:$0x13];
	[sflag:s22] =	ssyncadd.s32 $0xFFFFC000  }
0x37: {  	[spmem:s10] =	stream.linear.scatter [tilespmem:s21], [sflag:$0x2], $0x4000, $0x38;
	[tilespmem:$0x19000] =	vst v63  }
0x38: {  	_ =	swait.ge [sflag:s22], $0x4000  }
0x39: {  	[sflag:s22] =	ssyncset.done $0x0  }
0x3a: {  	s8 =	rddreg [dreg:$0x14];
	[sflag:s22] =	ssyncadd.s32 $0xFFFFC000  }
0x3b: {  	[tilespmem:s21], [sflag:$0x2] =	stream.linear.gather [hbm4b:s8+s3], $0x4000, $0x38;
	[tilespmem:$0x19000] =	vst v63  }
0x3c: {  	_ =	swait.ge [sflag:s22], $0x4000  }
0x3d: {  	[sflag:s22] =	ssyncset.done $0x0  }
0x3e: {  	s10 =	rddreg [dreg:$0x15];
	[sflag:s22] =	ssyncadd.s32 $0xFFFFC000  }
0x3f: {  	[spmem:s10] =	stream.linear.scatter [tilespmem:s21], [sflag:$0x2], $0x4000, $0x38;
	[tilespmem:$0x19000] =	vst v63  }
0x40: {  	_ =	swait.ge [sflag:s22], $0x4000  }
0x41: {  	[sflag:s22] =	ssyncset.done $0x0  }
0x42: {  	s10 =	rddreg [dreg:$0x16];
	[sflag:s22] =	ssyncadd.s32 $0xFFFFC000  }
0x43: {  	[tilespmem:s21], [sflag:$0x2] =	stream.linear.gather [hbm4b:s10+s3], $0x4000, $0x38;
	[tilespmem:$0x19000] =	vst v63  }
0x44: {  	_ =	swait.ge [sflag:s22], $0x4000  }
0x45: {  	[sflag:s22] =	ssyncset.done $0x0  }
0x46: {  	[sflag:s22] =	ssyncadd.s32 $0xFFFFC000  }
0x47: {  	[spmem:s12] =	stream.linear.scatter [tilespmem:s21], [sflag:$0x2], $0x4000, $0x38;
	[tilespmem:$0x19000] =	vst v63  }
0x48: {  	_ =	swait.ge [sflag:s22], $0x4000  }
0x49: {  	[sflag:s22] =	ssyncset.done $0x0  }
0x4a: {  	s12 =	rddreg [dreg:$0x18];
	[sflag:s22] =	ssyncadd.s32 $0xFFFFC000  }
0x4b: {  	[tilespmem:s21], [sflag:$0x2] =	stream.linear.gather [hbm4b:s12+s3], $0x4000, $0x38;
	[tilespmem:$0x19000] =	vst v63  }
0x4c: {  	_ =	swait.ge [sflag:s22], $0x4000  }
0x4d: {  	[sflag:s22] =	ssyncset.done $0x0  }
0x4e: {  	[sflag:s22] =	ssyncadd.s32 $0xFFFFC000  }
0x4f: {  	[spmem:s14] =	stream.linear.scatter [tilespmem:s21], [sflag:$0x2], $0x4000, $0x38;
	[tilespmem:$0x19000] =	vst v63  }
0x50: {  	_ =	swait.ge [sflag:s22], $0x4000  }
0x51: {  	[sflag:s22] =	ssyncset.done $0x0  }
0x52: {  	[sflag:s22] =	ssyncadd.s32 $0xFFFFC000  }
0x53: {  	[bflag:$0x0] =	sbarrier.arrive $0xFFFF  }
0x54: {  	s8 =	rddreg [dreg:$0x5]  }
0x55: {  	s10 =	sadd.s32 $0x0, s8  }
0x56: {  	[tilespmem:s3], [sflag:$0x2] =	stream.linear.gather [hbm4b:s10+s3], $0x800, $0x38;
	[tilespmem:$0x19000] =	vst v63  }
0x57: {  	_ =	swait.ge [sflag:s22], $0x800  }
0x58: {  	s12 =	rddreg [dreg:$0x4];
	[sflag:s22] =	ssyncset.done $0x0  }
0x59: {  	[sflag:s22] =	ssyncadd.s32 $0xFFFFF800;
	s10 =	sadd.s32 $0x0, s12  }
0x5a: {  	[tilespmem:s23], [sflag:$0x2] =	stream.linear.gather [hbm4b:s10+s3], $0x800, $0x38;
	[tilespmem:$0x19000] =	vst v63  }
0x5b: {  	_ =	swait.ge [sflag:s22], $0x800  }
0x5c: {  	[sflag:s22] =	ssyncset.done $0x0  }
0x5d: {  	[sflag:s22] =	ssyncadd.s32 $0xFFFFF800  }
0x5e: {  	[tilespmem:s21], [sflag:$0x1] =	stream.indirect.gather [hbm4b:s4+s24], $0x80, s3, s24, $0xb8;
	[tilespmem:$0x19000] =	vst v63  }
0x5f: {  	_ =	swait.ge [sflag:s25], $0x4000  }
0x60: {  	[sflag:s25] =	ssyncset.done $0x0  }
0x61: {  	[sflag:s25] =	ssyncadd.s32 $0xFFFFC000  }
0x62: {  	[spmem:s2] =	stream.indirect.scatter.add.f32 [tilespmem:s21], [sflag:$0x2], $0x80, s23, s24, $0xb8;
	[tilespmem:$0x19000] =	vst v63  }
0x63: {  	_ =	swait.ge [sflag:s22], $0x4000  }
0x64: {  	[sflag:s22] =	ssyncset.done $0x0  }
0x65: {  	[sflag:s22] =	ssyncadd.s32 $0xFFFFC000  }
0x66: {  	[tilespmem:s21], [sflag:$0x1] =	stream.indirect.gather [hbm4b:s4+s24], $0x80, s24, s24, $0xb8;
	[tilespmem:$0x19000] =	vst v63  }
0x67: {  	_ =	swait.ge [sflag:s25], $0x4000  }
0x68: {  	[sflag:s25] =	ssyncset.done $0x0  }
0x69: {  	s14 =	rddreg [dreg:$0x6];
	[sflag:s25] =	ssyncadd.s32 $0xFFFFC000  }
0x6a: {  	[spmem:s2] =	stream.indirect.scatter.add.f32 [tilespmem:s21], [sflag:$0x2], $0x80, s14, s24, $0xb8;
	[tilespmem:$0x19000] =	vst v63  }
0x6b: {  	_ =	swait.ge [sflag:s22], $0x4000  }
0x6c: {  	[sflag:s22] =	ssyncset.done $0x0  }
0x6d: {  	s8 =	rddreg [dreg:$0x7];
	[sflag:s22] =	ssyncadd.s32 $0xFFFFC000  }
0x6e: {  	[tilespmem:s21], [sflag:$0x1] =	stream.indirect.gather [hbm4b:s4+s24], $0x80, s8, s24, $0xb8;
	[tilespmem:$0x19000] =	vst v63  }
0x6f: {  	_ =	swait.ge [sflag:s25], $0x4000  }
0x70: {  	[sflag:s25] =	ssyncset.done $0x0  }
0x71: {  	s12 =	rddreg [dreg:$0x8];
	[sflag:s25] =	ssyncadd.s32 $0xFFFFC000  }
0x72: {  	[spmem:s2] =	stream.indirect.scatter.add.f32 [tilespmem:s21], [sflag:$0x2], $0x80, s12, s24, $0xb8;
	[tilespmem:$0x19000] =	vst v63  }
0x73: {  	_ =	swait.ge [sflag:s22], $0x4000  }
0x74: {  	[sflag:s22] =	ssyncset.done $0x0  }
0x75: {  	s14 =	rddreg [dreg:$0x9];
	[sflag:s22] =	ssyncadd.s32 $0xFFFFC000  }
0x76: {  	[tilespmem:s21], [sflag:$0x1] =	stream.indirect.gather [hbm4b:s4+s24], $0x80, s14, s24, $0xb8;
	[tilespmem:$0x19000] =	vst v63  }
0x77: {  	_ =	swait.ge [sflag:s25], $0x4000  }
0x78: {  	[sflag:s25] =	ssyncset.done $0x0  }
0x79: {  	s8 =	rddreg [dreg:$0xa];
	[sflag:s25] =	ssyncadd.s32 $0xFFFFC000  }
0x7a: {  	[spmem:s2] =	stream.indirect.scatter.add.f32 [tilespmem:s21], [sflag:$0x2], $0x80, s8, s24, $0xb8;
	[tilespmem:$0x19000] =	vst v63  }
0x7b: {  	_ =	swait.ge [sflag:s22], $0x4000  }
0x7c: {  	[sflag:s22] =	ssyncset.done $0x0  }
0x7d: {  	s12 =	rddreg [dreg:$0xb];
	[sflag:s22] =	ssyncadd.s32 $0xFFFFC000  }
0x7e: {  	[tilespmem:s21], [sflag:$0x1] =	stream.indirect.gather [hbm4b:s4+s24], $0x80, s12, s24, $0xb8;
	[tilespmem:$0x19000] =	vst v63  }
0x7f: {  	_ =	swait.ge [sflag:s25], $0x4000  }
0x80: {  	[sflag:s25] =	ssyncset.done $0x0  }
0x81: {  	s14 =	rddreg [dreg:$0xc];
	[sflag:s25] =	ssyncadd.s32 $0xFFFFC000  }
0x82: {  	[spmem:s2] =	stream.indirect.scatter.add.f32 [tilespmem:s21], [sflag:$0x2], $0x80, s14, s24, $0xb8;
	[tilespmem:$0x19000] =	vst v63  }
0x83: {  	_ =	swait.ge [sflag:s22], $0x4000  }
0x84: {  	[sflag:s22] =	ssyncset.done $0x0  }
0x85: {  	s8 =	rddreg [dreg:$0xd];
	[sflag:s22] =	ssyncadd.s32 $0xFFFFC000  }
0x86: {  	[tilespmem:s21], [sflag:$0x1] =	stream.indirect.gather [hbm4b:s4+s24], $0x80, s8, s24, $0xb8;
	[tilespmem:$0x19000] =	vst v63  }
0x87: {  	_ =	swait.ge [sflag:s25], $0x4000  }
0x88: {  	[sflag:s25] =	ssyncset.done $0x0  }
0x89: {  	s12 =	rddreg [dreg:$0xe];
	[sflag:s25] =	ssyncadd.s32 $0xFFFFC000  }
0x8a: {  	[spmem:s2] =	stream.indirect.scatter.add.f32 [tilespmem:s21], [sflag:$0x2], $0x80, s12, s24, $0xb8;
	[tilespmem:$0x19000] =	vst v63  }
0x8b: {  	_ =	swait.ge [sflag:s22], $0x4000  }
0x8c: {  	[sflag:s22] =	ssyncset.done $0x0  }
0x8d: {  	s14 =	rddreg [dreg:$0xf];
	[sflag:s22] =	ssyncadd.s32 $0xFFFFC000  }
0x8e: {  	[tilespmem:s21], [sflag:$0x1] =	stream.indirect.gather [hbm4b:s4+s24], $0x80, s14, s24, $0xb8;
	[tilespmem:$0x19000] =	vst v63  }
0x8f: {  	_ =	swait.ge [sflag:s25], $0x4000  }
0x90: {  	[sflag:s25] =	ssyncset.done $0x0  }
0x91: {  	[sflag:s25] =	ssyncadd.s32 $0xFFFFC000  }
0x92: {  	[spmem:s2] =	stream.indirect.scatter.add.f32 [tilespmem:s21], [sflag:$0x2], $0x80, s26, s24, $0xb8;
	[tilespmem:$0x19000] =	vst v63  }
0x93: {  	_ =	swait.ge [sflag:s22], $0x4000  }
0x94: {  	[sflag:s22] =	ssyncset.done $0x0  }
0x95: {  	[sflag:s22] =	ssyncadd.s32 $0xFFFFC000  }
0x96: {  	[tilespmem:s21], [sflag:$0x1] =	stream.indirect.gather [hbm4b:s4+s24], $0x80, s28, s24, $0xb8;
	[tilespmem:$0x19000] =	vst v63  }
0x97: {  	_ =	swait.ge [sflag:s25], $0x4000  }
0x98: {  	[sflag:s25] =	ssyncset.done $0x0  }
0x99: {  	[sflag:s25] =	ssyncadd.s32 $0xFFFFC000  }
0x9a: {  	[spmem:s2] =	stream.indirect.scatter.add.f32 [tilespmem:s21], [sflag:$0x2], $0x80, s29, s24, $0xb8;
	[tilespmem:$0x19000] =	vst v63  }
0x9b: {  	_ =	swait.ge [sflag:s22], $0x4000  }
0x9c: {  	[sflag:s22] =	ssyncset.done $0x0  }
0x9d: {  	[sflag:s22] =	ssyncadd.s32 $0xFFFFC000  }
0x9e: {  	[tilespmem:s21], [sflag:$0x1] =	stream.indirect.gather [hbm4b:s4+s24], $0x80, s30, s24, $0xb8;
	[tilespmem:$0x19000] =	vst v63  }
0x9f: {  	_ =	swait.ge [sflag:s25], $0x4000  }
0xa0: {  	[sflag:s25] =	ssyncset.done $0x0  }
0xa1: {  	[sflag:s25] =	ssyncadd.s32 $0xFFFFC000  }
0xa2: {  	[spmem:s2] =	stream.indirect.scatter.add.f32 [tilespmem:s21], [sflag:$0x2], $0x80, s31, s24, $0xb8;
	[tilespmem:$0x19000] =	vst v63  }
0xa3: {  	_ =	swait.ge [sflag:s22], $0x4000  }
0xa4: {  	[sflag:s22] =	ssyncset.done $0x0  }
0xa5: {  	[sflag:s22] =	ssyncadd.s32 $0xFFFFC000  }
0xa6: {  	[tilespmem:s21], [sflag:$0x1] =	stream.indirect.gather [hbm4b:s4+s24], $0x80, s1, s24, $0xb8;
	[tilespmem:$0x19000] =	vst v63  }
0xa7: {  	_ =	swait.ge [sflag:s25], $0x4000  }
0xa8: {  	[sflag:s25] =	ssyncset.done $0x0  }
0xa9: {  	[sflag:s25] =	ssyncadd.s32 $0xFFFFC000  }
0xaa: {  	[spmem:s2] =	stream.indirect.scatter.add.f32 [tilespmem:s21], [sflag:$0x2], $0x80, s0, s24, $0xb8;
	[tilespmem:$0x19000] =	vst v63  }
0xab: {  	_ =	swait.ge [sflag:s22], $0x4000  }
0xac: {  	[sflag:s22] =	ssyncset.done $0x0  }
0xad: {  	[sflag:s22] =	ssyncadd.s32 $0xFFFFC000  }
0xae: {  	[tilespmem:s21], [sflag:$0x1] =	stream.indirect.gather [hbm4b:s4+s24], $0x80, s5, s24, $0xb8;
	[tilespmem:$0x19000] =	vst v63  }
0xaf: {  	_ =	swait.ge [sflag:s25], $0x4000  }
0xb0: {  	[sflag:s25] =	ssyncset.done $0x0  }
0xb1: {  	[sflag:s25] =	ssyncadd.s32 $0xFFFFC000  }
0xb2: {  	[spmem:s2] =	stream.indirect.scatter.add.f32 [tilespmem:s21], [sflag:$0x2], $0x80, s7, s24, $0xb8;
	[tilespmem:$0x19000] =	vst v63  }
0xb3: {  	_ =	swait.ge [sflag:s22], $0x4000  }
0xb4: {  	[sflag:s22] =	ssyncset.done $0x0  }
0xb5: {  	[sflag:s22] =	ssyncadd.s32 $0xFFFFC000  }
0xb6: {  	[tilespmem:s21], [sflag:$0x1] =	stream.indirect.gather [hbm4b:s4+s24], $0x80, s9, s24, $0xb8;
	[tilespmem:$0x19000] =	vst v63  }
0xb7: {  	_ =	swait.ge [sflag:s25], $0x4000  }
0xb8: {  	[sflag:s25] =	ssyncset.done $0x0  }
0xb9: {  	[sflag:s25] =	ssyncadd.s32 $0xFFFFC000  }
0xba: {  	[spmem:s2] =	stream.indirect.scatter.add.f32 [tilespmem:s21], [sflag:$0x2], $0x80, s11, s24, $0xb8;
	[tilespmem:$0x19000] =	vst v63  }
0xbb: {  	_ =	swait.ge [sflag:s22], $0x4000  }
0xbc: {  	[sflag:s22] =	ssyncset.done $0x0  }
0xbd: {  	[sflag:s22] =	ssyncadd.s32 $0xFFFFC000  }
0xbe: {  	[tilespmem:s21], [sflag:$0x1] =	stream.indirect.gather [hbm4b:s4+s24], $0x80, s13, s24, $0xb8;
	[tilespmem:$0x19000] =	vst v63  }
0xbf: {  	_ =	swait.ge [sflag:s25], $0x4000  }
0xc0: {  	[sflag:s25] =	ssyncset.done $0x0  }
0xc1: {  	[sflag:s25] =	ssyncadd.s32 $0xFFFFC000  }
0xc2: {  	[spmem:s2] =	stream.indirect.scatter.add.f32 [tilespmem:s21], [sflag:$0x2], $0x80, s15, s24, $0xb8;
	[tilespmem:$0x19000] =	vst v63  }
0xc3: {  	_ =	swait.ge [sflag:s22], $0x4000  }
0xc4: {  	[sflag:s22] =	ssyncset.done $0x0  }
0xc5: {  	[sflag:s22] =	ssyncadd.s32 $0xFFFFC000  }
0xc6: {  	[tilespmem:s21], [sflag:$0x1] =	stream.indirect.gather [hbm4b:s4+s24], $0x80, s16, s24, $0xb8;
	[tilespmem:$0x19000] =	vst v63  }
0xc7: {  	_ =	swait.ge [sflag:s25], $0x4000  }
0xc8: {  	[sflag:s25] =	ssyncset.done $0x0  }
0xc9: {  	[sflag:s25] =	ssyncadd.s32 $0xFFFFC000  }
0xca: {  	[spmem:s2] =	stream.indirect.scatter.add.f32 [tilespmem:s21], [sflag:$0x2], $0x80, s17, s24, $0xb8;
	[tilespmem:$0x19000] =	vst v63  }
0xcb: {  	_ =	swait.ge [sflag:s22], $0x4000  }
0xcc: {  	[sflag:s22] =	ssyncset.done $0x0  }
0xcd: {  	[sflag:s22] =	ssyncadd.s32 $0xFFFFC000  }
0xce: {  	[tilespmem:s21], [sflag:$0x1] =	stream.indirect.gather [hbm4b:s4+s24], $0x80, s18, s24, $0xb8;
	[tilespmem:$0x19000] =	vst v63  }
0xcf: {  	_ =	swait.ge [sflag:s25], $0x4000  }
0xd0: {  	[sflag:s25] =	ssyncset.done $0x0  }
0xd1: {  	[sflag:s25] =	ssyncadd.s32 $0xFFFFC000  }
0xd2: {  	[spmem:s2] =	stream.indirect.scatter.add.f32 [tilespmem:s21], [sflag:$0x2], $0x80, s19, s24, $0xb8;
	[tilespmem:$0x19000] =	vst v63  }
0xd3: {  	_ =	swait.ge [sflag:s22], $0x4000  }
0xd4: {  	[sflag:s22] =	ssyncset.done $0x0  }
0xd5: {  	[sflag:s22] =	ssyncadd.s32 $0xFFFFC000  }
0xd6: {  	[tilespmem:s21], [sflag:$0x1] =	stream.indirect.gather [hbm4b:s4+s24], $0x80, s20, s24, $0xb8;
	[tilespmem:$0x19000] =	vst v63  }
0xd7: {  	_ =	swait.ge [sflag:s25], $0x4000  }
0xd8: {  	[sflag:s25] =	ssyncset.done $0x0  }
0xd9: {  	[sflag:s25] =	ssyncadd.s32 $0xFFFFC000  }
0xda: {  	[spmem:s2] =	stream.indirect.scatter.add.f32 [tilespmem:s21], [sflag:$0x2], $0x80, s6, s24, $0xb8;
	[tilespmem:$0x19000] =	vst v63  }
0xdb: {  	s10 =	simm.s32 $0x100;
	_ =	swait.ge [sflag:s22], $0x4000  }
.LBB2_2:
0xdc: {  	s12 =	rddreg [dreg:$0x5];
	s14 =	smov.u32 s10;
	[sflag:s22] =	ssyncset.done $0x0  }
0xdd: {  	s12 =	sadd.s32 s14, s12;
	[sflag:s22] =	ssyncadd.s32 $0xFFFFC000  }
0xde: {  	[tilespmem:s3], [sflag:$0x2] =	stream.linear.gather [hbm4b:s12+s3], $0x800, $0x38;
	[tilespmem:$0x19000] =	vst v63  }
0xdf: {  	_ =	swait.ge [sflag:s22], $0x800  }
0xe0: {  	s8 =	rddreg [dreg:$0x4];
	[sflag:s22] =	ssyncset.done $0x0  }
0xe1: {  	[sflag:s22] =	ssyncadd.s32 $0xFFFFF800;
	s12 =	sadd.s32 s14, s8  }
0xe2: {  	[tilespmem:s23], [sflag:$0x2] =	stream.linear.gather [hbm4b:s12+s3], $0x800, $0x38;
	[tilespmem:$0x19000] =	vst v63  }
0xe3: {  	_ =	swait.ge [sflag:s22], $0x800  }
0xe4: {  	[sflag:s22] =	ssyncset.done $0x0  }
0xe5: {  	[sflag:s22] =	ssyncadd.s32 $0xFFFFF800  }
0xe6: {  	[tilespmem:s21], [sflag:$0x1] =	stream.indirect.gather [hbm4b:s4+s24], $0x80, s3, s24, $0xb8;
	[tilespmem:$0x19000] =	vst v63  }
0xe7: {  	_ =	swait.ge [sflag:s25], $0x4000  }
0xe8: {  	[sflag:s25] =	ssyncset.done $0x0  }
0xe9: {  	[sflag:s25] =	ssyncadd.s32 $0xFFFFC000  }
0xea: {  	[spmem:s2] =	stream.indirect.scatter.add.f32 [tilespmem:s21], [sflag:$0x2], $0x80, s23, s24, $0xb8;
	[tilespmem:$0x19000] =	vst v63  }
0xeb: {  	_ =	swait.ge [sflag:s22], $0x4000  }
0xec: {  	[sflag:s22] =	ssyncset.done $0x0  }
0xed: {  	[sflag:s22] =	ssyncadd.s32 $0xFFFFC000  }
0xee: {  	[tilespmem:s21], [sflag:$0x1] =	stream.indirect.gather [hbm4b:s4+s24], $0x80, s24, s24, $0xb8;
	[tilespmem:$0x19000] =	vst v63  }
0xef: {  	_ =	swait.ge [sflag:s25], $0x4000  }
0xf0: {  	[sflag:s25] =	ssyncset.done $0x0  }
0xf1: {  	s8 =	rddreg [dreg:$0x6];
	[sflag:s25] =	ssyncadd.s32 $0xFFFFC000  }
0xf2: {  	[spmem:s2] =	stream.indirect.scatter.add.f32 [tilespmem:s21], [sflag:$0x2], $0x80, s8, s24, $0xb8;
	[tilespmem:$0x19000] =	vst v63  }
0xf3: {  	_ =	swait.ge [sflag:s22], $0x4000  }
0xf4: {  	[sflag:s22] =	ssyncset.done $0x0  }
0xf5: {  	s14 =	rddreg [dreg:$0x7];
	[sflag:s22] =	ssyncadd.s32 $0xFFFFC000  }
0xf6: {  	[tilespmem:s21], [sflag:$0x1] =	stream.indirect.gather [hbm4b:s4+s24], $0x80, s14, s24, $0xb8;
	[tilespmem:$0x19000] =	vst v63  }
0xf7: {  	_ =	swait.ge [sflag:s25], $0x4000  }
0xf8: {  	[sflag:s25] =	ssyncset.done $0x0  }
0xf9: {  	s8 =	rddreg [dreg:$0x8];
	[sflag:s25] =	ssyncadd.s32 $0xFFFFC000  }
0xfa: {  	[spmem:s2] =	stream.indirect.scatter.add.f32 [tilespmem:s21], [sflag:$0x2], $0x80, s8, s24, $0xb8;
	[tilespmem:$0x19000] =	vst v63  }
0xfb: {  	_ =	swait.ge [sflag:s22], $0x4000  }
0xfc: {  	[sflag:s22] =	ssyncset.done $0x0  }
0xfd: {  	s14 =	rddreg [dreg:$0x9];
	[sflag:s22] =	ssyncadd.s32 $0xFFFFC000  }
0xfe: {  	[tilespmem:s21], [sflag:$0x1] =	stream.indirect.gather [hbm4b:s4+s24], $0x80, s14, s24, $0xb8;
	[tilespmem:$0x19000] =	vst v63  }
0xff: {  	_ =	swait.ge [sflag:s25], $0x4000  }
0x100: {  	[sflag:s25] =	ssyncset.done $0x0  }
0x101: {  	s8 =	rddreg [dreg:$0xa];
	[sflag:s25] =	ssyncadd.s32 $0xFFFFC000  }
0x102: {  	[spmem:s2] =	stream.indirect.scatter.add.f32 [tilespmem:s21], [sflag:$0x2], $0x80, s8, s24, $0xb8;
	[tilespmem:$0x19000] =	vst v63  }
0x103: {  	_ =	swait.ge [sflag:s22], $0x4000  }
0x104: {  	[sflag:s22] =	ssyncset.done $0x0  }
0x105: {  	s14 =	rddreg [dreg:$0xb];
	[sflag:s22] =	ssyncadd.s32 $0xFFFFC000  }
0x106: {  	[tilespmem:s21], [sflag:$0x1] =	stream.indirect.gather [hbm4b:s4+s24], $0x80, s14, s24, $0xb8;
	[tilespmem:$0x19000] =	vst v63  }
0x107: {  	_ =	swait.ge [sflag:s25], $0x4000  }
0x108: {  	[sflag:s25] =	ssyncset.done $0x0  }
0x109: {  	s8 =	rddreg [dreg:$0xc];
	[sflag:s25] =	ssyncadd.s32 $0xFFFFC000  }
0x10a: {  	[spmem:s2] =	stream.indirect.scatter.add.f32 [tilespmem:s21], [sflag:$0x2], $0x80, s8, s24, $0xb8;
	[tilespmem:$0x19000] =	vst v63  }
0x10b: {  	_ =	swait.ge [sflag:s22], $0x4000  }
0x10c: {  	[sflag:s22] =	ssyncset.done $0x0  }
0x10d: {  	s14 =	rddreg [dreg:$0xd];
	[sflag:s22] =	ssyncadd.s32 $0xFFFFC000  }
0x10e: {  	[tilespmem:s21], [sflag:$0x1] =	stream.indirect.gather [hbm4b:s4+s24], $0x80, s14, s24, $0xb8;
	[tilespmem:$0x19000] =	vst v63  }
0x10f: {  	_ =	swait.ge [sflag:s25], $0x4000  }
0x110: {  	[sflag:s25] =	ssyncset.done $0x0  }
0x111: {  	s8 =	rddreg [dreg:$0xe];
	[sflag:s25] =	ssyncadd.s32 $0xFFFFC000  }
0x112: {  	[spmem:s2] =	stream.indirect.scatter.add.f32 [tilespmem:s21], [sflag:$0x2], $0x80, s8, s24, $0xb8;
	[tilespmem:$0x19000] =	vst v63  }
0x113: {  	_ =	swait.ge [sflag:s22], $0x4000  }
0x114: {  	[sflag:s22] =	ssyncset.done $0x0  }
0x115: {  	s14 =	rddreg [dreg:$0xf];
	[sflag:s22] =	ssyncadd.s32 $0xFFFFC000  }
0x116: {  	[tilespmem:s21], [sflag:$0x1] =	stream.indirect.gather [hbm4b:s4+s24], $0x80, s14, s24, $0xb8;
	[tilespmem:$0x19000] =	vst v63  }
0x117: {  	_ =	swait.ge [sflag:s25], $0x4000  }
0x118: {  	[sflag:s25] =	ssyncset.done $0x0  }
0x119: {  	[sflag:s25] =	ssyncadd.s32 $0xFFFFC000  }
0x11a: {  	[spmem:s2] =	stream.indirect.scatter.add.f32 [tilespmem:s21], [sflag:$0x2], $0x80, s26, s24, $0xb8;
	[tilespmem:$0x19000] =	vst v63  }
0x11b: {  	_ =	swait.ge [sflag:s22], $0x4000  }
0x11c: {  	[sflag:s22] =	ssyncset.done $0x0  }
0x11d: {  	[sflag:s22] =	ssyncadd.s32 $0xFFFFC000  }
0x11e: {  	[tilespmem:s21], [sflag:$0x1] =	stream.indirect.gather [hbm4b:s4+s24], $0x80, s28, s24, $0xb8;
	[tilespmem:$0x19000] =	vst v63  }
0x11f: {  	_ =	swait.ge [sflag:s25], $0x4000  }
0x120: {  	[sflag:s25] =	ssyncset.done $0x0  }
0x121: {  	[sflag:s25] =	ssyncadd.s32 $0xFFFFC000  }
0x122: {  	[spmem:s2] =	stream.indirect.scatter.add.f32 [tilespmem:s21], [sflag:$0x2], $0x80, s29, s24, $0xb8;
	[tilespmem:$0x19000] =	vst v63  }
0x123: {  	_ =	swait.ge [sflag:s22], $0x4000  }
0x124: {  	[sflag:s22] =	ssyncset.done $0x0  }
0x125: {  	[sflag:s22] =	ssyncadd.s32 $0xFFFFC000  }
0x126: {  	[tilespmem:s21], [sflag:$0x1] =	stream.indirect.gather [hbm4b:s4+s24], $0x80, s30, s24, $0xb8;
	[tilespmem:$0x19000] =	vst v63  }
0x127: {  	_ =	swait.ge [sflag:s25], $0x4000  }
0x128: {  	[sflag:s25] =	ssyncset.done $0x0  }
0x129: {  	[sflag:s25] =	ssyncadd.s32 $0xFFFFC000  }
0x12a: {  	[spmem:s2] =	stream.indirect.scatter.add.f32 [tilespmem:s21], [sflag:$0x2], $0x80, s31, s24, $0xb8;
	[tilespmem:$0x19000] =	vst v63  }
0x12b: {  	_ =	swait.ge [sflag:s22], $0x4000  }
0x12c: {  	[sflag:s22] =	ssyncset.done $0x0  }
0x12d: {  	[sflag:s22] =	ssyncadd.s32 $0xFFFFC000  }
0x12e: {  	[tilespmem:s21], [sflag:$0x1] =	stream.indirect.gather [hbm4b:s4+s24], $0x80, s1, s24, $0xb8;
	[tilespmem:$0x19000] =	vst v63  }
0x12f: {  	_ =	swait.ge [sflag:s25], $0x4000  }
0x130: {  	[sflag:s25] =	ssyncset.done $0x0  }
0x131: {  	[sflag:s25] =	ssyncadd.s32 $0xFFFFC000  }
0x132: {  	[spmem:s2] =	stream.indirect.scatter.add.f32 [tilespmem:s21], [sflag:$0x2], $0x80, s0, s24, $0xb8;
	[tilespmem:$0x19000] =	vst v63  }
0x133: {  	_ =	swait.ge [sflag:s22], $0x4000  }
0x134: {  	[sflag:s22] =	ssyncset.done $0x0  }
0x135: {  	[sflag:s22] =	ssyncadd.s32 $0xFFFFC000  }
0x136: {  	[tilespmem:s21], [sflag:$0x1] =	stream.indirect.gather [hbm4b:s4+s24], $0x80, s5, s24, $0xb8;
	[tilespmem:$0x19000] =	vst v63  }
0x137: {  	_ =	swait.ge [sflag:s25], $0x4000  }
0x138: {  	[sflag:s25] =	ssyncset.done $0x0  }
0x139: {  	[sflag:s25] =	ssyncadd.s32 $0xFFFFC000  }
0x13a: {  	[spmem:s2] =	stream.indirect.scatter.add.f32 [tilespmem:s21], [sflag:$0x2], $0x80, s7, s24, $0xb8;
	[tilespmem:$0x19000] =	vst v63  }
0x13b: {  	_ =	swait.ge [sflag:s22], $0x4000  }
0x13c: {  	[sflag:s22] =	ssyncset.done $0x0  }
0x13d: {  	[sflag:s22] =	ssyncadd.s32 $0xFFFFC000  }
0x13e: {  	[tilespmem:s21], [sflag:$0x1] =	stream.indirect.gather [hbm4b:s4+s24], $0x80, s9, s24, $0xb8;
	[tilespmem:$0x19000] =	vst v63  }
0x13f: {  	_ =	swait.ge [sflag:s25], $0x4000  }
0x140: {  	[sflag:s25] =	ssyncset.done $0x0  }
0x141: {  	[sflag:s25] =	ssyncadd.s32 $0xFFFFC000  }
0x142: {  	[spmem:s2] =	stream.indirect.scatter.add.f32 [tilespmem:s21], [sflag:$0x2], $0x80, s11, s24, $0xb8;
	[tilespmem:$0x19000] =	vst v63  }
0x143: {  	_ =	swait.ge [sflag:s22], $0x4000  }
0x144: {  	[sflag:s22] =	ssyncset.done $0x0  }
0x145: {  	[sflag:s22] =	ssyncadd.s32 $0xFFFFC000  }
0x146: {  	[tilespmem:s21], [sflag:$0x1] =	stream.indirect.gather [hbm4b:s4+s24], $0x80, s13, s24, $0xb8;
	[tilespmem:$0x19000] =	vst v63  }
0x147: {  	_ =	swait.ge [sflag:s25], $0x4000  }
0x148: {  	[sflag:s25] =	ssyncset.done $0x0  }
0x149: {  	[sflag:s25] =	ssyncadd.s32 $0xFFFFC000  }
0x14a: {  	[spmem:s2] =	stream.indirect.scatter.add.f32 [tilespmem:s21], [sflag:$0x2], $0x80, s15, s24, $0xb8;
	[tilespmem:$0x19000] =	vst v63  }
0x14b: {  	_ =	swait.ge [sflag:s22], $0x4000  }
0x14c: {  	[sflag:s22] =	ssyncset.done $0x0  }
0x14d: {  	[sflag:s22] =	ssyncadd.s32 $0xFFFFC000  }
0x14e: {  	[tilespmem:s21], [sflag:$0x1] =	stream.indirect.gather [hbm4b:s4+s24], $0x80, s16, s24, $0xb8;
	[tilespmem:$0x19000] =	vst v63  }
0x14f: {  	_ =	swait.ge [sflag:s25], $0x4000  }
0x150: {  	[sflag:s25] =	ssyncset.done $0x0  }
0x151: {  	[sflag:s25] =	ssyncadd.s32 $0xFFFFC000  }
0x152: {  	[spmem:s2] =	stream.indirect.scatter.add.f32 [tilespmem:s21], [sflag:$0x2], $0x80, s17, s24, $0xb8;
	[tilespmem:$0x19000] =	vst v63  }
0x153: {  	_ =	swait.ge [sflag:s22], $0x4000  }
0x154: {  	[sflag:s22] =	ssyncset.done $0x0  }
0x155: {  	[sflag:s22] =	ssyncadd.s32 $0xFFFFC000  }
0x156: {  	[tilespmem:s21], [sflag:$0x1] =	stream.indirect.gather [hbm4b:s4+s24], $0x80, s18, s24, $0xb8;
	[tilespmem:$0x19000] =	vst v63  }
0x157: {  	_ =	swait.ge [sflag:s25], $0x4000  }
0x158: {  	[sflag:s25] =	ssyncset.done $0x0  }
0x159: {  	[sflag:s25] =	ssyncadd.s32 $0xFFFFC000  }
0x15a: {  	[spmem:s2] =	stream.indirect.scatter.add.f32 [tilespmem:s21], [sflag:$0x2], $0x80, s19, s24, $0xb8;
	[tilespmem:$0x19000] =	vst v63  }
0x15b: {  	_ =	swait.ge [sflag:s22], $0x4000  }
0x15c: {  	[sflag:s22] =	ssyncset.done $0x0  }
0x15d: {  	p0 =	sne.s32 s10, $0x400;
	[sflag:s22] =	ssyncadd.s32 $0xFFFFC000  }
0x15e: {  	[tilespmem:s21], [sflag:$0x1] =	stream.indirect.gather [hbm4b:s4+s24], $0x80, s20, s24, $0xb8;
	[tilespmem:$0x19000] =	vst v63  }
.Ltmp0:
0x15f: {  	_ =	swait.ge [sflag:s25], $0x4000;
	(pc) =	sbr.rel @p0 .LBB2_2-.Ltmp0, $4  }
0x160: {  	[sflag:s25] =	ssyncset.done $0x0  }
0x161: {  	[sflag:s25] =	ssyncadd.s32 $0xFFFFC000  }
0x162: {  	[spmem:s2] =	stream.indirect.scatter.add.f32 [tilespmem:s21], [sflag:$0x2], $0x80, s6, s24, $0xb8;
	[tilespmem:$0x19000] =	vst v63  }
0x163: {  	s10 =	sadd.s32 $0x100, s10;
	_ =	swait.ge [sflag:s22], $0x4000  }
0x164: {  	[sflag:s22] =	ssyncset.done $0x0  }
0x165: {  	[sflag:s22] =	ssyncadd.s32 $0xFFFFC000  }
0x166: {  	[bflag:$0x0] =	sbarrier.arrive $0xFFFF  }
0x167: {  	s8 =	rddreg [dreg:$0x11]  }
0x168: {  	[tilespmem:s21], [sflag:$0x2] =	stream.linear.gather [spmem:s8], $0x4000, $0x38;
	[tilespmem:$0x19000] =	vst v63  }
0x169: {  	_ =	swait.ge [sflag:s22], $0x4000  }
0x16a: {  	[sflag:s22] =	ssyncset.done $0x0  }
0x16b: {  	s12 =	rddreg [dreg:$0x1a];
	[sflag:s22] =	ssyncadd.s32 $0xFFFFC000  }
0x16c: {  	[hbm4b:s12+s3] =	stream.linear.scatter [tilespmem:s21], [sflag:$0x2], $0x4000, $0x38;
	[tilespmem:$0x19000] =	vst v63  }
0x16d: {  	_ =	swait.ge [sflag:s22], $0x4000  }
0x16e: {  	[sflag:s22] =	ssyncset.done $0x0  }
0x16f: {  	s14 =	rddreg [dreg:$0x13];
	[sflag:s22] =	ssyncadd.s32 $0xFFFFC000  }
0x170: {  	[tilespmem:s21], [sflag:$0x2] =	stream.linear.gather [spmem:s14], $0x4000, $0x38;
	[tilespmem:$0x19000] =	vst v63  }
0x171: {  	_ =	swait.ge [sflag:s22], $0x4000  }
0x172: {  	[sflag:s22] =	ssyncset.done $0x0  }
0x173: {  	s10 =	rddreg [dreg:$0x1b];
	[sflag:s22] =	ssyncadd.s32 $0xFFFFC000  }
0x174: {  	[hbm4b:s10+s3] =	stream.linear.scatter [tilespmem:s21], [sflag:$0x2], $0x4000, $0x38;
	[tilespmem:$0x19000] =	vst v63  }
0x175: {  	_ =	swait.ge [sflag:s22], $0x4000  }
0x176: {  	[sflag:s22] =	ssyncset.done $0x0  }
0x177: {  	s12 =	rddreg [dreg:$0x15];
	[sflag:s22] =	ssyncadd.s32 $0xFFFFC000  }
0x178: {  	[tilespmem:s21], [sflag:$0x2] =	stream.linear.gather [spmem:s12], $0x4000, $0x38;
	[tilespmem:$0x19000] =	vst v63  }
0x179: {  	_ =	swait.ge [sflag:s22], $0x4000  }
0x17a: {  	[sflag:s22] =	ssyncset.done $0x0  }
0x17b: {  	s10 =	rddreg [dreg:$0x1c];
	[sflag:s22] =	ssyncadd.s32 $0xFFFFC000  }
0x17c: {  	[hbm4b:s10+s3] =	stream.linear.scatter [tilespmem:s21], [sflag:$0x2], $0x4000, $0x38;
	[tilespmem:$0x19000] =	vst v63  }
0x17d: {  	_ =	swait.ge [sflag:s22], $0x4000  }
0x17e: {  	[sflag:s22] =	ssyncset.done $0x0  }
0x17f: {  	s10 =	rddreg [dreg:$0x17];
	[sflag:s22] =	ssyncadd.s32 $0xFFFFC000  }
0x180: {  	[tilespmem:s21], [sflag:$0x2] =	stream.linear.gather [spmem:s10], $0x4000, $0x38;
	[tilespmem:$0x19000] =	vst v63  }
0x181: {  	_ =	swait.ge [sflag:s22], $0x4000  }
0x182: {  	[sflag:s22] =	ssyncset.done $0x0  }
0x183: {  	s12 =	rddreg [dreg:$0x1d];
	[sflag:s22] =	ssyncadd.s32 $0xFFFFC000  }
0x184: {  	[hbm4b:s12+s3] =	stream.linear.scatter [tilespmem:s21], [sflag:$0x2], $0x4000, $0x38;
	[tilespmem:$0x19000] =	vst v63  }
0x185: {  	_ =	swait.ge [sflag:s22], $0x4000  }
0x186: {  	[sflag:s22] =	ssyncset.done $0x0  }
0x187: {  	s12 =	rddreg [dreg:$0x19];
	[sflag:s22] =	ssyncadd.s32 $0xFFFFC000  }
0x188: {  	[tilespmem:s21], [sflag:$0x2] =	stream.linear.gather [spmem:s12], $0x4000, $0x38;
	[tilespmem:$0x19000] =	vst v63  }
0x189: {  	_ =	swait.ge [sflag:s22], $0x4000  }
0x18a: {  	[sflag:s22] =	ssyncset.done $0x0  }
0x18b: {  	s14 =	rddreg [dreg:$0x1e];
	[sflag:s22] =	ssyncadd.s32 $0xFFFFC000  }
0x18c: {  	[hbm4b:s14+s3] =	stream.linear.scatter [tilespmem:s21], [sflag:$0x2], $0x4000, $0x38;
	[tilespmem:$0x19000] =	vst v63  }
0x18d: {  	_ =	swait.ge [sflag:s22], $0x4000  }
0x18e: {  	s14 =	sld [smem:$0x7FD];
	_ =	sdelay $0x2  }
0x18f: {  	s8 =	sadd.s32 $0x1, s14;
	s14 =	rddreg [dreg:$0x1f]  }
0x190: {  	p0 =	sne.s32 s8, s14  }
.Ltmp1:
0x191: {  	_ = 	snop;
	(pc) =	sbr.rel @p0 .LBB2_1-.Ltmp1, $3  }
0x192: {  	_ =	sdelay $0x1  }
0x193: {  	[sflag:s22] =	ssyncset.done $0x0;
	[smem:$0x7FD] =	sst s8  }
0x194: {  	[sflag:s22] =	ssyncadd.s32 $0xFFFFC000;
	s8 =	rddreg [dreg:$0x11]  }
0x195: {  	_ =	sfence.sel $0x180000  }
0x196: {  	[bflag:$0x0] =	sbarrier.arrive $0xFFFF  }
0x197: {  	_ =	strace $0x9000004D  }
0x198: {  	s0 =	stileid.u32;
	[bflag:$0x2] =	sbarrier.arrive $0xFFFF  }
0x199: {  	p0 =	sne.s32 s0, $0x0;
	s0 =	rddreg [dreg:$0x3]  }
0x19a: {  	s0 =	sadd.s32 @!p0 $0x100000, s0  }
0x19b: {  	[sflag:s0] =	ssyncadd.tile.s32 @!p0 $0x1;
	_ =	shalt  }
.Lfunc_end2:
_tile_overlayer_lowered:
.L_overlay_start_2:
0x19c: {  	(tag) =	ssettag $0x2  }
0x19d: {  	s0 =	rddreg [dreg:$0x0];
	s2 =	stileid.u32  }
0x19e: {  	s1 =	rddreg [dreg:$0x1];
	p0 =	sne.s32 s2, $0x0  }
0x19f: {  	s3 =	rddreg [dreg:$0x2];
	[bflag:$0x3] =	sbarrier.arrive $0xFFFF;
	s2 =	simm.s32 @!p0 $0x1C02  }
0x1a0: {  	[timem:s3], [sflag:s2] =	dma.local @!p0 [hbm:s0], s1  }
0x1a1: {  	s0 =	simm.s32 @!p0 $0x2  }
0x1a2: {  	_ =	swait.ge @!p0 [sflag:s0], s1  }
0x1a3: {  	s1 =	ssub.s32 @!p0 $0x0, s1;
	[sflag:s0] =	ssyncset.done @!p0 $0x0  }
0x1a4: {  	[sflag:s0] =	ssyncadd.s32 @!p0 s1  }
0x1a5: {  	[bflag:$0x3] =	sbarrier.arrive $0xFFFF  }
0x1a6: {  	_ =	shalt  }

// kernel: kernel.8.cloned.1.call-start
scs
__scs_entry_jumppad:
0x0: {  	(pc) =	sbr.rel $0x88, $3  }
0x1: {  	(tag) =	ssettag $0x0;
	lr =	simm.s32 $0x1  }
0x2: {  	[smem:$0x3F9B] =	sst lr;
	_ =	strace $0xD0000000  }
0x3: {  	_ = 	snop  }
0x4: {  	_ = 	snop  }
0x5: {  	_ = 	snop  }
0x6: {  	_ = 	snop  }
0x7: {  	_ = 	snop  }
__scs_overlays_trampoline_lowered:
0x8: {  	[smem:$0x3FAA] =	sst s0  }
0x9: {  	[smem:$0x3FAB] =	sst s1  }
0xa: {  	[smem:$0x3FAC] =	sst s2  }
0xb: {  	[smem:$0x3FAD] =	sst s3  }
0xc: {  	[smem:$0x3FAE] =	sst s4  }
0xd: {  	[smem:$0x3FAF] =	sst s5  }
0xe: {  	[smem:$0x3FB0] =	sst s6  }
0xf: {  	[smem:$0x3FB1] =	sst s7  }
0x10: {  	[smem:$0x3FB2] =	sst s8  }
0x11: {  	[smem:$0x3FB3] =	sst s9;
	s0 =	simm.s32 @!p0 $0x0  }
0x12: {  	s1 =	sld [smem:$0x3F99];
	s0 =	simm.s32 @p0 $0x1  }
0x13: {  	[smem:$0x3FB4] =	sst s0;
	s0 =	simm.s32 @!p1 $0x0  }
0x14: {  	s2 =	sld [smem:$0x3F98];
	s0 =	simm.s32 @p1 $0x1  }
0x15: {  	[smem:$0x3FB5] =	sst s0;
	s0 =	simm.s32 @!p2 $0x0  }
0x16: {  	s3 =	sld [smem:$0x3FDB];
	s0 =	simm.s32 @p2 $0x1  }
0x17: {  	s4 =	simm.s32 $0x1BF5;
	[smem:$0x3FB7] =	sst s0  }
0x18: {  	s0 =	sld [smem:$0x3F9A];
	_ =	swait.ge [sflag:s4], $0x0  }
0x19: {  	s7 =	sld [smem:$0x3F9B]  }
0x1a: {  	s8 =	sadd.s32 $0xFFFFE003, lr  }
0x1b: {  	s9 =	sadd.s32 $0xFFFFFEF7, lr;
	s5 =	simm.s32 $0xFFFFFFFF;
	p2 =	slt.u32 s8, $0xFFFFF086  }
0x1c: {  	p1 =	slt.u32 s9, $0xF7A;
	s5 =	simm.s32 @!p2 $0x0  }
0x1d: {  	s5 =	simm.s32 @p1 $0x1;
	p0 =	seq.s32 s7, s2  }
0x1e: {  	s7 =	smul.u32 @!p0 $0xF7A, s2;
	p2 =	seq.s32 @!p0 s5, $0x0  }
0x1f: {  	s9 =	smul.u32 $0xF7A, s1;
	s8 =	simm.s32 @!p0 $0x1BF5;
	p2 =	por !p2, p0  }
0x20: {  	[sflag:s8] =	ssyncset.s32 @!p0 $0xFFFFF086;
	s6 =	sadd.s32 @!p0 s3, s7;
	s7 =	simm.s32 @!p0 $0x108  }
0x21: {  	s3 =	sadd.s32 s3, s9;
	s6 =	sadd.s32 @!p0 $0x88, s6;
	s7 =	simm.s32 @p2 $0x1082  }
0x22: {  	[simem:s7], [sflag:s8] =	dma.local @!p0 [hbm:s6], $0xF7A  }
0x23: {  	s9 =	sor.u32 $0xD0000000, s2;
	s6 =	simm.s32 $0x108;
	_ =	swait.ge @!p0 [sflag:s8], $0x0  }
0x24: {  	s3 =	sadd.s32 $0x88, s3;
	s6 =	simm.s32 @!p1 $0x1082;
	[sflag:s4] =	ssyncset.s32 $0xFFFFF086  }
0x25: {  	[simem:s6], [sflag:s4] =	dma.local [hbm:s3], $0xF7A  }
0x26: {  	[smem:$0x3F9B] =	sst s1;
	(tag) =	ssettag s2;
	_ =	strace s9  }
0x27: {  	s1 =	sld [smem:$0x3FAB]  }
0x28: {  	s2 =	sld [smem:$0x3FAC]  }
0x29: {  	s4 =	sld [smem:$0x3FAE]  }
0x2a: {  	p0 =	seq.s32 s5, $0x0;
	s5 =	sld [smem:$0x3FAF]  }
0x2b: {  	s6 =	sld [smem:$0x3FB0]  }
0x2c: {  	s7 =	sld [smem:$0x3FB1]  }
0x2d: {  	s3 =	simm.s32 $0x108;
	s8 =	sld [smem:$0x3FB2]  }
0x2e: {  	s3 =	simm.s32 @!p0 $0x1082;
	s9 =	sld [smem:$0x3FB3]  }
0x2f: {  	lr =	sadd.s32 s0, s3;
	s0 =	sld [smem:$0x3FAA]  }
0x30: {  	s3 =	sld [smem:$0x3FAD]  }
0x31: {  	[smem:$0x3FB6] =	sst s10  }
0x32: {  	s10 =	sld [smem:$0x3FB4];
	_ =	sdelay $0x3  }
0x33: {  	p0 =	seq.s32 s10, $0x1;
	s10 =	sld [smem:$0x3FB6];
	_ =	sdelay $0x3  }
0x34: {  	[smem:$0x3FB6] =	sst s10  }
0x35: {  	s10 =	sld [smem:$0x3FB5];
	_ =	sdelay $0x3  }
0x36: {  	p1 =	seq.s32 s10, $0x1;
	s10 =	sld [smem:$0x3FB6];
	_ =	sdelay $0x3  }
0x37: {  	[smem:$0x3FB6] =	sst s10  }
0x38: {  	s10 =	sld [smem:$0x3FB7]  }
0x39: {  	_ = 	snop;
	(pc) =	sbr.ind lr, $3  }
0x3a: {  	_ = 	snop  }
0x3b: {  	_ = 	snop  }
0x3c: {  	p2 =	seq.s32 s10, $0x1;
	s10 =	sld [smem:$0x3FB6]  }
0x3d: {  	_ =	shalt  }
0x3e: {  	_ =	shalt  }
0x3f: {  	_ =	shalt  }
0x40: {  	_ =	shalt  }
0x41: {  	_ =	shalt  }
0x42: {  	_ =	shalt  }
0x43: {  	_ =	shalt  }
0x44: {  	_ =	shalt  }
0x45: {  	_ =	shalt  }
0x46: {  	_ =	shalt  }
0x47: {  	_ =	shalt  }
0x48: {  	_ =	shalt  }
0x49: {  	_ =	shalt  }
0x4a: {  	_ =	shalt  }
0x4b: {  	_ =	shalt  }
0x4c: {  	_ =	shalt  }
0x4d: {  	_ =	shalt  }
0x4e: {  	_ =	shalt  }
0x4f: {  	_ =	shalt  }
0x50: {  	_ =	shalt  }
0x51: {  	_ =	shalt  }
0x52: {  	_ =	shalt  }
0x53: {  	_ =	shalt  }
0x54: {  	_ =	shalt  }
0x55: {  	_ =	shalt  }
0x56: {  	_ =	shalt  }
0x57: {  	_ =	shalt  }
0x58: {  	_ =	shalt  }
0x59: {  	_ =	shalt  }
0x5a: {  	_ =	shalt  }
0x5b: {  	_ =	shalt  }
0x5c: {  	_ =	shalt  }
0x5d: {  	_ =	shalt  }
0x5e: {  	_ =	shalt  }
0x5f: {  	_ =	shalt  }
0x60: {  	_ =	shalt  }
0x61: {  	_ =	shalt  }
0x62: {  	_ =	shalt  }
0x63: {  	_ =	shalt  }
0x64: {  	_ =	shalt  }
0x65: {  	_ =	shalt  }
0x66: {  	_ =	shalt  }
0x67: {  	_ =	shalt  }
0x68: {  	_ =	shalt  }
0x69: {  	_ =	shalt  }
0x6a: {  	_ =	shalt  }
0x6b: {  	_ =	shalt  }
0x6c: {  	_ =	shalt  }
0x6d: {  	_ =	shalt  }
0x6e: {  	_ =	shalt  }
0x6f: {  	_ =	shalt  }
0x70: {  	_ =	shalt  }
0x71: {  	_ =	shalt  }
0x72: {  	_ =	shalt  }
0x73: {  	_ =	shalt  }
0x74: {  	_ =	shalt  }
0x75: {  	_ =	shalt  }
0x76: {  	_ =	shalt  }
0x77: {  	_ =	shalt  }
0x78: {  	_ =	shalt  }
0x79: {  	_ =	shalt  }
0x7a: {  	_ =	shalt  }
0x7b: {  	_ =	shalt  }
0x7c: {  	_ =	shalt  }
0x7d: {  	_ =	shalt  }
0x7e: {  	_ =	shalt  }
0x7f: {  	_ =	shalt  }
0x80: {  	_ =	shalt  }
0x81: {  	_ =	shalt  }
0x82: {  	_ =	shalt  }
0x83: {  	_ =	shalt  }
0x84: {  	_ =	shalt  }
0x85: {  	_ =	shalt  }
0x86: {  	_ =	shalt  }
0x87: {  	_ =	shalt  }
.Lfunc_end0:
.L_simem_size_0:
called_computation_lowered:
.L_overlay_start_0:
0x88: {  	s2 =	sld [smem:$0x3FD9]  }
0x89: {  	s3 =	sld [smem:$0x3FFE];
	_ =	sdelay $0x1  }
0x8a: {  	s1 =	srdreg.scid  }
0x8b: {  	s0 =	sand.u32 $0x1, s1  }
0x8c: {  	s17 =	sshll.u32 s0, $0xA;
	s2 =	sadd.s32 s3, s2  }
0x8d: {  	s2 =	sadd.s32 s2, s17  }
0x8e: {  	[smem:$0x3FC2] =	sst s2  }
0x8f: {  	_ = 	snop  }
0x90: {  	s2 =	sld [smem:$0x3FD0];
	(tm) =	ssettm $0x1  }
0x91: {  	s18 =	sld [smem:$0x3FFB];
	_ =	sdelay $0x3  }
0x92: {  	_ =	strace s18  }
0x93: {  	s3 =	sld [smem:$0x3FFC];
	_ =	sdelay $0x3  }
0x94: {  	_ =	strace s3  }
0x95: {  	s3 =	sld [smem:$0x3FFD];
	_ =	sdelay $0x3  }
0x96: {  	_ =	strace s3  }
0x97: {  	_ =	strace $0x8FFFFFFF  }
0x98: {  	s19 =	sld [smem:$0x3FDB];
	_ =	sdelay $0x1  }
0x99: {  	s4 =	simm.s32 $_scs_section_size  }
0x9a: {  	s5 =	simm.s32 $_size__tile_overlayer_lowered;
	s6 =	simm.s32 $_tile_overlayer_lowered  }
0x9b: {  	s22 =	simm.s32 $0x1BFF;
	s21 =	sshll.u32 s6, $0x1;
	s3 =	sadd.s32 s4, s19  }
0x9c: {  	s7 =	simm.s32 $0x0;
	s20 =	sshll.u32 s5, $0x1;
	s5 =	sadd.s32 s21, s3  }
0x9d: {  	[timem:s7], [sflag:s22] =	dma.local [hbm:s5], s20  }
0x9e: {  	_ =	swait.ge [sflag:s22], s20  }
0x9f: {  	s4 =	ssub.s32 $0x0, s20;
	[sflag:s22] =	ssyncset.done $0x0  }
0xa0: {  	[sflag:s22] =	ssyncadd.s32 s4;
	_ =	sdelay $0x1  }
0xa1: {  	s23 =	simm.s32 $0x1B8B  }
0xa2: {  	_ =	swait.ge [sflag:s23], $0x1  }
0xa3: {  	[sflag:s23] =	ssyncset.done $0x0  }
0xa4: {  	s25 =	simm.s32 $0x1B8E;
	s24 =	sld [smem:$0x3FFE];
	[sflag:s23] =	ssyncadd.s32 $0xFFFFFFFF  }
0xa5: {  	s26 =	simm.s32 $execute0_lowered;
	[smem:$0x3FD2] =	sst s25  }
0xa6: {  	s5 =	sshll.u32 s26, $0x1;
	_ =	strace $0x80000046;
	[dreg:$0x1] =	wrdreg $0xFFFFFFFF  }
0xa7: {  	s28 =	simm.s32 $_size_execute0_lowered;
	s3 =	sadd.s32 s3, s5;
	[dreg:$0x0] =	wrdreg $0x0  }
0xa8: {  	s5 =	sshll.u32 s28, $0x1;
	[dreg:$0x2] =	wrdreg s3  }
0xa9: {  	[dreg:$0x3] =	wrdreg s5  }
0xaa: {  	[dreg:$0x4] =	wrdreg $0xC0  }
0xab: {  	_ =	task [dreg:s7], $0x5FFFF  }
0xac: {  	[dreg:$0x1] =	wrdreg $0xFFFFFFFF  }
0xad: {  	[dreg:$0x0] =	wrdreg $0x60  }
0xae: {  	[dreg:$0x2] =	wrdreg s24  }
0xaf: {  	[dreg:$0x3] =	wrdreg s2  }
0xb0: {  	[dreg:$0x4] =	wrdreg $0x48000  }
0xb1: {  	[dreg:$0x5] =	wrdreg $0x9  }
0xb2: {  	_ =	task.clear_ibuf [dreg:s7], $0x6FFFF;
	_ =	strace $0x90000046  }
0xb3: {  	s29 =	simm.s32 $0x9;
	_ =	strace $0x80000048  }
0xb4: {  	_ =	swait.ge [sflag:s29], $0x1  }
0xb5: {  	[sflag:s29] =	ssyncadd.s32 $0xFFFFFFFF  }
0xb6: {  	_ =	strace $0x90000048  }
0xb7: {  	_ =	sfence  }
0xb8: {  	s30 =	sld [smem:$0x0];
	_ =	sdelay $0x2  }
0xb9: {  	s31 =	sshll.u32 s1, $0xD;
	s1 =	sshrl.u32 s1, $0x2  }
0xba: {  	s3 =	sand.u32 $0x4000, s31;
	s1 =	sadd.s32 s1, s30  }
0xbb: {  	s0 =	sor.u32 s3, s0;
	s1 =	sshll.u32 s1, $0x11  }
0xbc: {  	s0 =	sor.u32 s1, s0  }
0xbd: {  	s0 =	sadd.s32 $0x8F2B, s0  }
0xbe: {  	[sflag:s0] =	ssyncadd.remote.s32 $0x1  }
0xbf: {  	_ =	sfence.sel $0xFFFF  }
0xc0: {  	[dreg:$0x0] =	wrdreg $0xFFFFFFFF;
	(pc) =	sbr.abs _section_cstart, $3  }
0xc1: {  	[dreg:$0x1] =	wrdreg $0xFFFFFFFF  }
0xc2: {  	_ =	task.clear_ibuf [dreg:s7], $0x2FFFF;
	_ =	strace $0x9FFFFFFF  }
0xc3: {  	(tm) =	ssettm $0x7FFFFFFF  }
tec
execute0_lowered:
.L_overlay_start_1:
0x0: {  	(tag) =	ssettag $0x1  }
0x1: {  	s0 =	rddreg [dreg:$0x0]  }
0x2: {  	s1 =	rddreg [dreg:$0x1]  }
0x3: {  	s2 =	rddreg [dreg:$0x2];
	s11 =	stileid.u32  }
0x4: {  	s4 =	srdreg.scid;
	s3 =	simm.s32 $0x0;
	s7 =	smul.u32 $0x280, s11  }
0x5: {  	s28 =	simm.s32 $0x200;
	s29 =	simm.s32 $0x280;
	s9 =	smul.u32 $0x2800, s11  }
0x6: {  	s30 =	simm.s32 $0x300;
	s5 =	sand.u32 $0x1, s4;
	s11 =	smul.u32 $0x50000, s11  }
0x7: {  	s31 =	simm.s32 $0x380;
	[smem:$0x7FF] =	sst s3;
	s4 =	smul.u32 $0x2800, s5  }
0x8: {  	_ =	strace $0x80000047;
	s6 =	ssub.s32 $0x2, s5;
	s5 =	smul.u32 $0x28000, s5  }
0x9: {  	s10 =	sshrl.u32 s6, $0x1;
	s14 =	sshrl.u32 s11, $0x2;
	s15 =	sadd.s32 $0x80, s7  }
0xa: {  	s17 =	sadd.s32 $0x100, s7;
	s4 =	sadd.s32 s7, s4;
	s13 =	ssub.s32 s6, s10  }
0xb: {  	s6 =	sadd.s32 s14, s2;
	s16 =	sshll.u32 s15, $0x4;
	s18 =	sshll.u32 s17, $0x4  }
0xc: {  	s5 =	sadd.s32 s9, s5;
	s8 =	sshll.u32 s4, $0x4;
	s4 =	sadd.s32 $0xC000, s0  }
0xd: {  	s5 =	sshrl.u32 s5, $0x3;
	s26 =	smax.u32 s13, $0x1;
	s13 =	simm.s32 $0x700  }
0xe: {  	s0 =	sadd.s32 s8, s0;
	s12 =	sadd.s32 s4, s9;
	s8 =	sshll.u32 s15, $0x7  }
0xf: {  	s10 =	sadd.s32 s4, s16;
	s11 =	sadd.s32 s4, s18;
	[dreg:$0xe] =	wrdreg s26  }
0x10: {  	s26 =	simm.s32 $0x180;
	s9 =	simm.s32 $0x600;
	[dreg:$0x4] =	wrdreg s12  }
0x11: {  	s15 =	simm.s32 $0x780;
	s16 =	simm.s32 $0x0;
	[dreg:$0x5] =	wrdreg s10  }
0x12: {  	s8 =	sadd.s32 s8, s2;
	s10 =	sshll.u32 s17, $0x7;
	s12 =	sadd.s32 $0x180, s7  }
0x13: {  	[dreg:$0x6] =	wrdreg s11;
	s7 =	sadd.s32 $0x200, s7;
	s22 =	sadd.s32 $0x34000, s0  }
0x14: {  	s23 =	sadd.s32 $0x34800, s0;
	s24 =	sadd.s32 $0x35000, s0;
	[dreg:$0x9] =	wrdreg s22  }
0x15: {  	s25 =	sadd.s32 $0x35800, s0;
	s0 =	sadd.s32 $0x36000, s0;
	[dreg:$0xa] =	wrdreg s23  }
0x16: {  	s10 =	sadd.s32 s10, s2;
	s19 =	sshll.u32 s12, $0x4;
	[dreg:$0xb] =	wrdreg s24  }
0x17: {  	s20 =	sshll.u32 s12, $0x7;
	s14 =	sshll.u32 s7, $0x4;
	[dreg:$0xc] =	wrdreg s25  }
0x18: {  	s7 =	sshll.u32 s7, $0x7;
	[dreg:$0xd] =	wrdreg s0;
	s22 =	simm.s32 $0x800  }
0x19: {  	s23 =	simm.s32 $0x1;
	s24 =	simm.s32 $0x80;
	s25 =	simm.s32 $0x100  }
0x1a: {  	s0 =	simm.s32 $0x400;
	s11 =	sadd.s32 s4, s19;
	s12 =	sadd.s32 s20, s2  }
0x1b: {  	s21 =	sadd.s32 s4, s14;
	s14 =	sadd.s32 s7, s2;
	[dreg:$0x7] =	wrdreg s11  }
0x1c: {  	s7 =	simm.s32 $0x580;
	[dreg:$0x8] =	wrdreg s21;
	s21 =	sadd.s32 s5, s1  }
0x1d: {  	s1 =	simm.s32 $0x480;
	s5 =	simm.s32 $0x500;
	s11 =	simm.s32 $0x680  }
.LBB2_1:
0x1e: {  	s17 =	rddreg [dreg:$0x4]  }
0x1f: {  	[tilespmem:s22], [sflag:$0x1] =	stream.linear.gather [hbm4b:s17+s3], $0x4000, $0x38;
	[tilespmem:$0x18800] =	vst v63  }
0x20: {  	_ =	swait.ge [sflag:s23], $0x4000  }
0x21: {  	[sflag:s23] =	ssyncset.done $0x0  }
0x22: {  	[sflag:s23] =	ssyncadd.s32 $0xFFFFC000  }
0x23: {  	[spmem:s6] =	stream.linear.scatter [tilespmem:s22], [sflag:$0x1], $0x4000, $0x38;
	[tilespmem:$0x18800] =	vst v63  }
0x24: {  	_ =	swait.ge [sflag:s23], $0x4000  }
0x25: {  	[sflag:s23] =	ssyncset.done $0x0  }
0x26: {  	s19 =	rddreg [dreg:$0x5];
	[sflag:s23] =	ssyncadd.s32 $0xFFFFC000  }
0x27: {  	[tilespmem:s22], [sflag:$0x1] =	stream.linear.gather [hbm4b:s19+s3], $0x4000, $0x38;
	[tilespmem:$0x18800] =	vst v63  }
0x28: {  	_ =	swait.ge [sflag:s23], $0x4000  }
0x29: {  	[sflag:s23] =	ssyncset.done $0x0  }
0x2a: {  	[sflag:s23] =	ssyncadd.s32 $0xFFFFC000  }
0x2b: {  	[spmem:s8] =	stream.linear.scatter [tilespmem:s22], [sflag:$0x1], $0x4000, $0x38;
	[tilespmem:$0x18800] =	vst v63  }
0x2c: {  	_ =	swait.ge [sflag:s23], $0x4000  }
0x2d: {  	[sflag:s23] =	ssyncset.done $0x0  }
0x2e: {  	s20 =	rddreg [dreg:$0x6];
	[sflag:s23] =	ssyncadd.s32 $0xFFFFC000  }
0x2f: {  	[tilespmem:s22], [sflag:$0x1] =	stream.linear.gather [hbm4b:s20+s3], $0x4000, $0x38;
	[tilespmem:$0x18800] =	vst v63  }
0x30: {  	_ =	swait.ge [sflag:s23], $0x4000  }
0x31: {  	[sflag:s23] =	ssyncset.done $0x0  }
0x32: {  	[sflag:s23] =	ssyncadd.s32 $0xFFFFC000  }
0x33: {  	[spmem:s10] =	stream.linear.scatter [tilespmem:s22], [sflag:$0x1], $0x4000, $0x38;
	[tilespmem:$0x18800] =	vst v63  }
0x34: {  	_ =	swait.ge [sflag:s23], $0x4000  }
0x35: {  	[sflag:s23] =	ssyncset.done $0x0  }
0x36: {  	s18 =	rddreg [dreg:$0x7];
	[sflag:s23] =	ssyncadd.s32 $0xFFFFC000  }
0x37: {  	[tilespmem:s22], [sflag:$0x1] =	stream.linear.gather [hbm4b:s18+s3], $0x4000, $0x38;
	[tilespmem:$0x18800] =	vst v63  }
0x38: {  	_ =	swait.ge [sflag:s23], $0x4000  }
0x39: {  	[sflag:s23] =	ssyncset.done $0x0  }
0x3a: {  	[sflag:s23] =	ssyncadd.s32 $0xFFFFC000  }
0x3b: {  	[spmem:s12] =	stream.linear.scatter [tilespmem:s22], [sflag:$0x1], $0x4000, $0x38;
	[tilespmem:$0x18800] =	vst v63  }
0x3c: {  	_ =	swait.ge [sflag:s23], $0x4000  }
0x3d: {  	[sflag:s23] =	ssyncset.done $0x0  }
0x3e: {  	s19 =	rddreg [dreg:$0x8];
	[sflag:s23] =	ssyncadd.s32 $0xFFFFC000  }
0x3f: {  	[tilespmem:s22], [sflag:$0x1] =	stream.linear.gather [hbm4b:s19+s3], $0x4000, $0x38;
	[tilespmem:$0x18800] =	vst v63  }
0x40: {  	_ =	swait.ge [sflag:s23], $0x4000  }
0x41: {  	[sflag:s23] =	ssyncset.done $0x0  }
0x42: {  	[sflag:s23] =	ssyncadd.s32 $0xFFFFC000  }
0x43: {  	[spmem:s14] =	stream.linear.scatter [tilespmem:s22], [sflag:$0x1], $0x4000, $0x38;
	[tilespmem:$0x18800] =	vst v63  }
0x44: {  	_ =	swait.ge [sflag:s23], $0x4000  }
0x45: {  	[sflag:s23] =	ssyncset.done $0x0  }
0x46: {  	[sflag:s23] =	ssyncadd.s32 $0xFFFFC000  }
0x47: {  	[bflag:$0x0] =	sbarrier.arrive $0xFFFF  }
0x48: {  	[tilespmem:s22], [sflag:$0x1] =	stream.linear.gather [hbm4b:s4+s3], $0x4000, $0x38;
	[tilespmem:$0x18800] =	vst v63  }
0x49: {  	_ =	swait.ge [sflag:s23], $0x4000  }
0x4a: {  	[sflag:s23] =	ssyncset.done $0x0  }
0x4b: {  	s20 =	sadd.s32 $0x0, s21;
	[sflag:s23] =	ssyncadd.s32 $0xFFFFC000  }
0x4c: {  	[tilespmem:s3], [sflag:$0x1] =	stream.linear.gather [hbm4b:s20+s3], $0x800, $0x38;
	[tilespmem:$0x18800] =	vst v63  }
0x4d: {  	_ =	swait.ge [sflag:s23], $0x800  }
0x4e: {  	[sflag:s23] =	ssyncset.done $0x0  }
0x4f: {  	[sflag:s23] =	ssyncadd.s32 $0xFFFFF800  }
0x50: {  	[spmem:s2] =	stream.indirect.scatter.add.f32 [tilespmem:s22], [sflag:$0x1], $0x80, s3, s24, $0xb8;
	[tilespmem:$0x18800] =	vst v63  }
0x51: {  	_ =	swait.ge [sflag:s23], $0x4000  }
0x52: {  	[sflag:s23] =	ssyncset.done $0x0  }
0x53: {  	[sflag:s23] =	ssyncadd.s32 $0xFFFFC000  }
0x54: {  	[spmem:s2] =	stream.indirect.scatter.add.f32 [tilespmem:s22], [sflag:$0x1], $0x80, s24, s24, $0xb8;
	[tilespmem:$0x18800] =	vst v63  }
0x55: {  	_ =	swait.ge [sflag:s23], $0x4000  }
0x56: {  	[sflag:s23] =	ssyncset.done $0x0  }
0x57: {  	[sflag:s23] =	ssyncadd.s32 $0xFFFFC000  }
0x58: {  	[spmem:s2] =	stream.indirect.scatter.add.f32 [tilespmem:s22], [sflag:$0x1], $0x80, s25, s24, $0xb8;
	[tilespmem:$0x18800] =	vst v63  }
0x59: {  	_ =	swait.ge [sflag:s23], $0x4000  }
0x5a: {  	[sflag:s23] =	ssyncset.done $0x0  }
0x5b: {  	[sflag:s23] =	ssyncadd.s32 $0xFFFFC000  }
0x5c: {  	[spmem:s2] =	stream.indirect.scatter.add.f32 [tilespmem:s22], [sflag:$0x1], $0x80, s26, s24, $0xb8;
	[tilespmem:$0x18800] =	vst v63  }
0x5d: {  	_ =	swait.ge [sflag:s23], $0x4000  }
0x5e: {  	[sflag:s23] =	ssyncset.done $0x0  }
0x5f: {  	[sflag:s23] =	ssyncadd.s32 $0xFFFFC000  }
0x60: {  	[spmem:s2] =	stream.indirect.scatter.add.f32 [tilespmem:s22], [sflag:$0x1], $0x80, s28, s24, $0xb8;
	[tilespmem:$0x18800] =	vst v63  }
0x61: {  	_ =	swait.ge [sflag:s23], $0x4000  }
0x62: {  	[sflag:s23] =	ssyncset.done $0x0  }
0x63: {  	[sflag:s23] =	ssyncadd.s32 $0xFFFFC000  }
0x64: {  	[spmem:s2] =	stream.indirect.scatter.add.f32 [tilespmem:s22], [sflag:$0x1], $0x80, s29, s24, $0xb8;
	[tilespmem:$0x18800] =	vst v63  }
0x65: {  	_ =	swait.ge [sflag:s23], $0x4000  }
0x66: {  	[sflag:s23] =	ssyncset.done $0x0  }
0x67: {  	[sflag:s23] =	ssyncadd.s32 $0xFFFFC000  }
0x68: {  	[spmem:s2] =	stream.indirect.scatter.add.f32 [tilespmem:s22], [sflag:$0x1], $0x80, s30, s24, $0xb8;
	[tilespmem:$0x18800] =	vst v63  }
0x69: {  	_ =	swait.ge [sflag:s23], $0x4000  }
0x6a: {  	[sflag:s23] =	ssyncset.done $0x0  }
0x6b: {  	[sflag:s23] =	ssyncadd.s32 $0xFFFFC000  }
0x6c: {  	[spmem:s2] =	stream.indirect.scatter.add.f32 [tilespmem:s22], [sflag:$0x1], $0x80, s31, s24, $0xb8;
	[tilespmem:$0x18800] =	vst v63  }
0x6d: {  	_ =	swait.ge [sflag:s23], $0x4000  }
0x6e: {  	[sflag:s23] =	ssyncset.done $0x0  }
0x6f: {  	[sflag:s23] =	ssyncadd.s32 $0xFFFFC000  }
0x70: {  	[spmem:s2] =	stream.indirect.scatter.add.f32 [tilespmem:s22], [sflag:$0x1], $0x80, s0, s24, $0xb8;
	[tilespmem:$0x18800] =	vst v63  }
0x71: {  	_ =	swait.ge [sflag:s23], $0x4000  }
0x72: {  	[sflag:s23] =	ssyncset.done $0x0  }
0x73: {  	[sflag:s23] =	ssyncadd.s32 $0xFFFFC000  }
0x74: {  	[spmem:s2] =	stream.indirect.scatter.add.f32 [tilespmem:s22], [sflag:$0x1], $0x80, s1, s24, $0xb8;
	[tilespmem:$0x18800] =	vst v63  }
0x75: {  	_ =	swait.ge [sflag:s23], $0x4000  }
0x76: {  	[sflag:s23] =	ssyncset.done $0x0  }
0x77: {  	[sflag:s23] =	ssyncadd.s32 $0xFFFFC000  }
0x78: {  	[spmem:s2] =	stream.indirect.scatter.add.f32 [tilespmem:s22], [sflag:$0x1], $0x80, s5, s24, $0xb8;
	[tilespmem:$0x18800] =	vst v63  }
0x79: {  	_ =	swait.ge [sflag:s23], $0x4000  }
0x7a: {  	[sflag:s23] =	ssyncset.done $0x0  }
0x7b: {  	[sflag:s23] =	ssyncadd.s32 $0xFFFFC000  }
0x7c: {  	[spmem:s2] =	stream.indirect.scatter.add.f32 [tilespmem:s22], [sflag:$0x1], $0x80, s7, s24, $0xb8;
	[tilespmem:$0x18800] =	vst v63  }
0x7d: {  	_ =	swait.ge [sflag:s23], $0x4000  }
0x7e: {  	[sflag:s23] =	ssyncset.done $0x0  }
0x7f: {  	[sflag:s23] =	ssyncadd.s32 $0xFFFFC000  }
0x80: {  	[spmem:s2] =	stream.indirect.scatter.add.f32 [tilespmem:s22], [sflag:$0x1], $0x80, s9, s24, $0xb8;
	[tilespmem:$0x18800] =	vst v63  }
0x81: {  	_ =	swait.ge [sflag:s23], $0x4000  }
0x82: {  	[sflag:s23] =	ssyncset.done $0x0  }
0x83: {  	[sflag:s23] =	ssyncadd.s32 $0xFFFFC000  }
0x84: {  	[spmem:s2] =	stream.indirect.scatter.add.f32 [tilespmem:s22], [sflag:$0x1], $0x80, s11, s24, $0xb8;
	[tilespmem:$0x18800] =	vst v63  }
0x85: {  	_ =	swait.ge [sflag:s23], $0x4000  }
0x86: {  	[sflag:s23] =	ssyncset.done $0x0  }
0x87: {  	[sflag:s23] =	ssyncadd.s32 $0xFFFFC000  }
0x88: {  	[spmem:s2] =	stream.indirect.scatter.add.f32 [tilespmem:s22], [sflag:$0x1], $0x80, s13, s24, $0xb8;
	[tilespmem:$0x18800] =	vst v63  }
0x89: {  	_ =	swait.ge [sflag:s23], $0x4000  }
0x8a: {  	[sflag:s23] =	ssyncset.done $0x0  }
0x8b: {  	[sflag:s23] =	ssyncadd.s32 $0xFFFFC000  }
0x8c: {  	[spmem:s2] =	stream.indirect.scatter.add.f32 [tilespmem:s22], [sflag:$0x1], $0x80, s15, s24, $0xb8;
	[tilespmem:$0x18800] =	vst v63  }
0x8d: {  	_ =	swait.ge [sflag:s23], $0x4000  }
0x8e: {  	s17 =	simm.s32 $0x100;
	s18 =	simm.s32 $0x200;
	[sflag:s23] =	ssyncset.done $0x0  }
.LBB2_2:
0x8f: {  	s20 =	sadd.s32 s17, s21  }
0x90: {  	[sflag:s23] =	ssyncadd.s32 $0xFFFFC000;
	s17 =	smov.u32 s18;
	s19 =	sadd.s32 $0x100, s18  }
0x91: {  	[tilespmem:s3], [sflag:$0x1] =	stream.linear.gather [hbm4b:s20+s3], $0x800, $0x38;
	[tilespmem:$0x18800] =	vst v63  }
0x92: {  	p0 =	sne.s32 s18, $0x400;
	_ =	swait.ge [sflag:s23], $0x800  }
0x93: {  	[sflag:s23] =	ssyncset.done $0x0  }
0x94: {  	[sflag:s23] =	ssyncadd.s32 $0xFFFFF800  }
0x95: {  	[spmem:s2] =	stream.indirect.scatter.add.f32 [tilespmem:s22], [sflag:$0x1], $0x80, s3, s24, $0xb8;
	[tilespmem:$0x18800] =	vst v63  }
0x96: {  	_ =	swait.ge [sflag:s23], $0x4000  }
0x97: {  	[sflag:s23] =	ssyncset.done $0x0  }
0x98: {  	[sflag:s23] =	ssyncadd.s32 $0xFFFFC000  }
0x99: {  	[spmem:s2] =	stream.indirect.scatter.add.f32 [tilespmem:s22], [sflag:$0x1], $0x80, s24, s24, $0xb8;
	[tilespmem:$0x18800] =	vst v63  }
0x9a: {  	_ =	swait.ge [sflag:s23], $0x4000  }
0x9b: {  	[sflag:s23] =	ssyncset.done $0x0  }
0x9c: {  	[sflag:s23] =	ssyncadd.s32 $0xFFFFC000  }
0x9d: {  	[spmem:s2] =	stream.indirect.scatter.add.f32 [tilespmem:s22], [sflag:$0x1], $0x80, s25, s24, $0xb8;
	[tilespmem:$0x18800] =	vst v63  }
0x9e: {  	_ =	swait.ge [sflag:s23], $0x4000  }
0x9f: {  	[sflag:s23] =	ssyncset.done $0x0  }
0xa0: {  	[sflag:s23] =	ssyncadd.s32 $0xFFFFC000  }
0xa1: {  	[spmem:s2] =	stream.indirect.scatter.add.f32 [tilespmem:s22], [sflag:$0x1], $0x80, s26, s24, $0xb8;
	[tilespmem:$0x18800] =	vst v63  }
0xa2: {  	_ =	swait.ge [sflag:s23], $0x4000  }
0xa3: {  	[sflag:s23] =	ssyncset.done $0x0  }
0xa4: {  	[sflag:s23] =	ssyncadd.s32 $0xFFFFC000  }
0xa5: {  	[spmem:s2] =	stream.indirect.scatter.add.f32 [tilespmem:s22], [sflag:$0x1], $0x80, s28, s24, $0xb8;
	[tilespmem:$0x18800] =	vst v63  }
0xa6: {  	_ =	swait.ge [sflag:s23], $0x4000  }
0xa7: {  	[sflag:s23] =	ssyncset.done $0x0  }
0xa8: {  	[sflag:s23] =	ssyncadd.s32 $0xFFFFC000  }
0xa9: {  	[spmem:s2] =	stream.indirect.scatter.add.f32 [tilespmem:s22], [sflag:$0x1], $0x80, s29, s24, $0xb8;
	[tilespmem:$0x18800] =	vst v63  }
0xaa: {  	_ =	swait.ge [sflag:s23], $0x4000  }
0xab: {  	[sflag:s23] =	ssyncset.done $0x0  }
0xac: {  	[sflag:s23] =	ssyncadd.s32 $0xFFFFC000  }
0xad: {  	[spmem:s2] =	stream.indirect.scatter.add.f32 [tilespmem:s22], [sflag:$0x1], $0x80, s30, s24, $0xb8;
	[tilespmem:$0x18800] =	vst v63  }
0xae: {  	_ =	swait.ge [sflag:s23], $0x4000  }
0xaf: {  	[sflag:s23] =	ssyncset.done $0x0  }
0xb0: {  	[sflag:s23] =	ssyncadd.s32 $0xFFFFC000  }
0xb1: {  	[spmem:s2] =	stream.indirect.scatter.add.f32 [tilespmem:s22], [sflag:$0x1], $0x80, s31, s24, $0xb8;
	[tilespmem:$0x18800] =	vst v63  }
0xb2: {  	_ =	swait.ge [sflag:s23], $0x4000  }
0xb3: {  	[sflag:s23] =	ssyncset.done $0x0  }
0xb4: {  	[sflag:s23] =	ssyncadd.s32 $0xFFFFC000  }
0xb5: {  	[spmem:s2] =	stream.indirect.scatter.add.f32 [tilespmem:s22], [sflag:$0x1], $0x80, s0, s24, $0xb8;
	[tilespmem:$0x18800] =	vst v63  }
0xb6: {  	_ =	swait.ge [sflag:s23], $0x4000  }
0xb7: {  	[sflag:s23] =	ssyncset.done $0x0  }
0xb8: {  	[sflag:s23] =	ssyncadd.s32 $0xFFFFC000  }
0xb9: {  	[spmem:s2] =	stream.indirect.scatter.add.f32 [tilespmem:s22], [sflag:$0x1], $0x80, s1, s24, $0xb8;
	[tilespmem:$0x18800] =	vst v63  }
0xba: {  	_ =	swait.ge [sflag:s23], $0x4000  }
0xbb: {  	[sflag:s23] =	ssyncset.done $0x0  }
0xbc: {  	[sflag:s23] =	ssyncadd.s32 $0xFFFFC000  }
0xbd: {  	[spmem:s2] =	stream.indirect.scatter.add.f32 [tilespmem:s22], [sflag:$0x1], $0x80, s5, s24, $0xb8;
	[tilespmem:$0x18800] =	vst v63  }
0xbe: {  	_ =	swait.ge [sflag:s23], $0x4000  }
0xbf: {  	[sflag:s23] =	ssyncset.done $0x0  }
0xc0: {  	[sflag:s23] =	ssyncadd.s32 $0xFFFFC000  }
0xc1: {  	[spmem:s2] =	stream.indirect.scatter.add.f32 [tilespmem:s22], [sflag:$0x1], $0x80, s7, s24, $0xb8;
	[tilespmem:$0x18800] =	vst v63  }
0xc2: {  	_ =	swait.ge [sflag:s23], $0x4000  }
0xc3: {  	[sflag:s23] =	ssyncset.done $0x0  }
0xc4: {  	[sflag:s23] =	ssyncadd.s32 $0xFFFFC000  }
0xc5: {  	[spmem:s2] =	stream.indirect.scatter.add.f32 [tilespmem:s22], [sflag:$0x1], $0x80, s9, s24, $0xb8;
	[tilespmem:$0x18800] =	vst v63  }
0xc6: {  	_ =	swait.ge [sflag:s23], $0x4000  }
0xc7: {  	[sflag:s23] =	ssyncset.done $0x0  }
0xc8: {  	[sflag:s23] =	ssyncadd.s32 $0xFFFFC000  }
0xc9: {  	[spmem:s2] =	stream.indirect.scatter.add.f32 [tilespmem:s22], [sflag:$0x1], $0x80, s11, s24, $0xb8;
	[tilespmem:$0x18800] =	vst v63  }
0xca: {  	_ =	swait.ge [sflag:s23], $0x4000  }
0xcb: {  	[sflag:s23] =	ssyncset.done $0x0  }
0xcc: {  	[sflag:s23] =	ssyncadd.s32 $0xFFFFC000  }
0xcd: {  	[spmem:s2] =	stream.indirect.scatter.add.f32 [tilespmem:s22], [sflag:$0x1], $0x80, s13, s24, $0xb8;
	[tilespmem:$0x18800] =	vst v63  }
0xce: {  	_ =	swait.ge [sflag:s23], $0x4000  }
.Ltmp0:
0xcf: {  	[sflag:s23] =	ssyncset.done $0x0;
	(pc) =	sbr.rel @p0 .LBB2_2-.Ltmp0, $4  }
0xd0: {  	[sflag:s23] =	ssyncadd.s32 $0xFFFFC000  }
0xd1: {  	[spmem:s2] =	stream.indirect.scatter.add.f32 [tilespmem:s22], [sflag:$0x1], $0x80, s15, s24, $0xb8;
	[tilespmem:$0x18800] =	vst v63  }
0xd2: {  	_ =	swait.ge [sflag:s23], $0x4000  }
0xd3: {  	s18 =	smov.u32 s19;
	[sflag:s23] =	ssyncset.done $0x0  }
0xd4: {  	s17 =	sadd.s32 s17, s21;
	[sflag:s23] =	ssyncadd.s32 $0xFFFFC000  }
0xd5: {  	[tilespmem:s3], [sflag:$0x1] =	stream.linear.gather [hbm4b:s17+s3], $0x800, $0x38;
	[tilespmem:$0x18800] =	vst v63  }
0xd6: {  	_ =	swait.ge [sflag:s23], $0x800  }
0xd7: {  	[sflag:s23] =	ssyncset.done $0x0  }
0xd8: {  	[sflag:s23] =	ssyncadd.s32 $0xFFFFF800  }
0xd9: {  	[spmem:s2] =	stream.indirect.scatter.add.f32 [tilespmem:s22], [sflag:$0x1], $0x80, s3, s24, $0xb8;
	[tilespmem:$0x18800] =	vst v63  }
0xda: {  	_ =	swait.ge [sflag:s23], $0x4000  }
0xdb: {  	[sflag:s23] =	ssyncset.done $0x0  }
0xdc: {  	[sflag:s23] =	ssyncadd.s32 $0xFFFFC000  }
0xdd: {  	[spmem:s2] =	stream.indirect.scatter.add.f32 [tilespmem:s22], [sflag:$0x1], $0x80, s24, s24, $0xb8;
	[tilespmem:$0x18800] =	vst v63  }
0xde: {  	_ =	swait.ge [sflag:s23], $0x4000  }
0xdf: {  	[sflag:s23] =	ssyncset.done $0x0  }
0xe0: {  	[sflag:s23] =	ssyncadd.s32 $0xFFFFC000  }
0xe1: {  	[spmem:s2] =	stream.indirect.scatter.add.f32 [tilespmem:s22], [sflag:$0x1], $0x80, s25, s24, $0xb8;
	[tilespmem:$0x18800] =	vst v63  }
0xe2: {  	_ =	swait.ge [sflag:s23], $0x4000  }
0xe3: {  	[sflag:s23] =	ssyncset.done $0x0  }
0xe4: {  	[sflag:s23] =	ssyncadd.s32 $0xFFFFC000  }
0xe5: {  	[spmem:s2] =	stream.indirect.scatter.add.f32 [tilespmem:s22], [sflag:$0x1], $0x80, s26, s24, $0xb8;
	[tilespmem:$0x18800] =	vst v63  }
0xe6: {  	_ =	swait.ge [sflag:s23], $0x4000  }
0xe7: {  	[sflag:s23] =	ssyncset.done $0x0  }
0xe8: {  	[sflag:s23] =	ssyncadd.s32 $0xFFFFC000  }
0xe9: {  	[spmem:s2] =	stream.indirect.scatter.add.f32 [tilespmem:s22], [sflag:$0x1], $0x80, s28, s24, $0xb8;
	[tilespmem:$0x18800] =	vst v63  }
0xea: {  	_ =	swait.ge [sflag:s23], $0x4000  }
0xeb: {  	[sflag:s23] =	ssyncset.done $0x0  }
0xec: {  	[sflag:s23] =	ssyncadd.s32 $0xFFFFC000  }
0xed: {  	[spmem:s2] =	stream.indirect.scatter.add.f32 [tilespmem:s22], [sflag:$0x1], $0x80, s29, s24, $0xb8;
	[tilespmem:$0x18800] =	vst v63  }
0xee: {  	_ =	swait.ge [sflag:s23], $0x4000  }
0xef: {  	[sflag:s23] =	ssyncset.done $0x0  }
0xf0: {  	[sflag:s23] =	ssyncadd.s32 $0xFFFFC000  }
0xf1: {  	[spmem:s2] =	stream.indirect.scatter.add.f32 [tilespmem:s22], [sflag:$0x1], $0x80, s30, s24, $0xb8;
	[tilespmem:$0x18800] =	vst v63  }
0xf2: {  	_ =	swait.ge [sflag:s23], $0x4000  }
0xf3: {  	[sflag:s23] =	ssyncset.done $0x0  }
0xf4: {  	[sflag:s23] =	ssyncadd.s32 $0xFFFFC000  }
0xf5: {  	[spmem:s2] =	stream.indirect.scatter.add.f32 [tilespmem:s22], [sflag:$0x1], $0x80, s31, s24, $0xb8;
	[tilespmem:$0x18800] =	vst v63  }
0xf6: {  	_ =	swait.ge [sflag:s23], $0x4000  }
0xf7: {  	[sflag:s23] =	ssyncset.done $0x0  }
0xf8: {  	[sflag:s23] =	ssyncadd.s32 $0xFFFFC000  }
0xf9: {  	[spmem:s2] =	stream.indirect.scatter.add.f32 [tilespmem:s22], [sflag:$0x1], $0x80, s0, s24, $0xb8;
	[tilespmem:$0x18800] =	vst v63  }
0xfa: {  	_ =	swait.ge [sflag:s23], $0x4000  }
0xfb: {  	[sflag:s23] =	ssyncset.done $0x0  }
0xfc: {  	[sflag:s23] =	ssyncadd.s32 $0xFFFFC000  }
0xfd: {  	[spmem:s2] =	stream.indirect.scatter.add.f32 [tilespmem:s22], [sflag:$0x1], $0x80, s1, s24, $0xb8;
	[tilespmem:$0x18800] =	vst v63  }
0xfe: {  	_ =	swait.ge [sflag:s23], $0x4000  }
0xff: {  	[sflag:s23] =	ssyncset.done $0x0  }
0x100: {  	[sflag:s23] =	ssyncadd.s32 $0xFFFFC000  }
0x101: {  	[spmem:s2] =	stream.indirect.scatter.add.f32 [tilespmem:s22], [sflag:$0x1], $0x80, s5, s24, $0xb8;
	[tilespmem:$0x18800] =	vst v63  }
0x102: {  	_ =	swait.ge [sflag:s23], $0x4000  }
0x103: {  	[sflag:s23] =	ssyncset.done $0x0  }
0x104: {  	[sflag:s23] =	ssyncadd.s32 $0xFFFFC000  }
0x105: {  	[spmem:s2] =	stream.indirect.scatter.add.f32 [tilespmem:s22], [sflag:$0x1], $0x80, s7, s24, $0xb8;
	[tilespmem:$0x18800] =	vst v63  }
0x106: {  	_ =	swait.ge [sflag:s23], $0x4000  }
0x107: {  	[sflag:s23] =	ssyncset.done $0x0  }
0x108: {  	[sflag:s23] =	ssyncadd.s32 $0xFFFFC000  }
0x109: {  	[spmem:s2] =	stream.indirect.scatter.add.f32 [tilespmem:s22], [sflag:$0x1], $0x80, s9, s24, $0xb8;
	[tilespmem:$0x18800] =	vst v63  }
0x10a: {  	_ =	swait.ge [sflag:s23], $0x4000  }
0x10b: {  	[sflag:s23] =	ssyncset.done $0x0  }
0x10c: {  	[sflag:s23] =	ssyncadd.s32 $0xFFFFC000  }
0x10d: {  	[spmem:s2] =	stream.indirect.scatter.add.f32 [tilespmem:s22], [sflag:$0x1], $0x80, s11, s24, $0xb8;
	[tilespmem:$0x18800] =	vst v63  }
0x10e: {  	_ =	swait.ge [sflag:s23], $0x4000  }
0x10f: {  	[sflag:s23] =	ssyncset.done $0x0  }
0x110: {  	[sflag:s23] =	ssyncadd.s32 $0xFFFFC000  }
0x111: {  	[spmem:s2] =	stream.indirect.scatter.add.f32 [tilespmem:s22], [sflag:$0x1], $0x80, s13, s24, $0xb8;
	[tilespmem:$0x18800] =	vst v63  }
0x112: {  	_ =	swait.ge [sflag:s23], $0x4000  }
0x113: {  	[sflag:s23] =	ssyncset.done $0x0  }
0x114: {  	[sflag:s23] =	ssyncadd.s32 $0xFFFFC000  }
0x115: {  	[spmem:s2] =	stream.indirect.scatter.add.f32 [tilespmem:s22], [sflag:$0x1], $0x80, s15, s24, $0xb8;
	[tilespmem:$0x18800] =	vst v63  }
0x116: {  	_ =	swait.ge [sflag:s23], $0x4000  }
0x117: {  	[sflag:s23] =	ssyncset.done $0x0  }
0x118: {  	[sflag:s23] =	ssyncadd.s32 $0xFFFFC000  }
0x119: {  	[bflag:$0x0] =	sbarrier.arrive $0xFFFF  }
0x11a: {  	[tilespmem:s22], [sflag:$0x1] =	stream.linear.gather [spmem:s6], $0x4000, $0x38;
	[tilespmem:$0x18800] =	vst v63  }
0x11b: {  	_ =	swait.ge [sflag:s23], $0x4000  }
0x11c: {  	[sflag:s23] =	ssyncset.done $0x0  }
0x11d: {  	s18 =	rddreg [dreg:$0x9];
	[sflag:s23] =	ssyncadd.s32 $0xFFFFC000  }
0x11e: {  	[hbm4b:s18+s3] =	stream.linear.scatter [tilespmem:s22], [sflag:$0x1], $0x4000, $0x38;
	[tilespmem:$0x18800] =	vst v63  }
0x11f: {  	_ =	swait.ge [sflag:s23], $0x4000  }
0x120: {  	[sflag:s23] =	ssyncset.done $0x0  }
0x121: {  	[sflag:s23] =	ssyncadd.s32 $0xFFFFC000  }
0x122: {  	[tilespmem:s22], [sflag:$0x1] =	stream.linear.gather [spmem:s8], $0x4000, $0x38;
	[tilespmem:$0x18800] =	vst v63  }
0x123: {  	_ =	swait.ge [sflag:s23], $0x4000  }
0x124: {  	[sflag:s23] =	ssyncset.done $0x0  }
0x125: {  	s19 =	rddreg [dreg:$0xa];
	[sflag:s23] =	ssyncadd.s32 $0xFFFFC000  }
0x126: {  	[hbm4b:s19+s3] =	stream.linear.scatter [tilespmem:s22], [sflag:$0x1], $0x4000, $0x38;
	[tilespmem:$0x18800] =	vst v63  }
0x127: {  	_ =	swait.ge [sflag:s23], $0x4000  }
0x128: {  	[sflag:s23] =	ssyncset.done $0x0  }
0x129: {  	[sflag:s23] =	ssyncadd.s32 $0xFFFFC000  }
0x12a: {  	[tilespmem:s22], [sflag:$0x1] =	stream.linear.gather [spmem:s10], $0x4000, $0x38;
	[tilespmem:$0x18800] =	vst v63  }
0x12b: {  	_ =	swait.ge [sflag:s23], $0x4000  }
0x12c: {  	[sflag:s23] =	ssyncset.done $0x0  }
0x12d: {  	s20 =	rddreg [dreg:$0xb];
	[sflag:s23] =	ssyncadd.s32 $0xFFFFC000  }
0x12e: {  	[hbm4b:s20+s3] =	stream.linear.scatter [tilespmem:s22], [sflag:$0x1], $0x4000, $0x38;
	[tilespmem:$0x18800] =	vst v63  }
0x12f: {  	_ =	swait.ge [sflag:s23], $0x4000  }
0x130: {  	[sflag:s23] =	ssyncset.done $0x0  }
0x131: {  	[sflag:s23] =	ssyncadd.s32 $0xFFFFC000  }
0x132: {  	[tilespmem:s22], [sflag:$0x1] =	stream.linear.gather [spmem:s12], $0x4000, $0x38;
	[tilespmem:$0x18800] =	vst v63  }
0x133: {  	_ =	swait.ge [sflag:s23], $0x4000  }
0x134: {  	[sflag:s23] =	ssyncset.done $0x0  }
0x135: {  	s18 =	rddreg [dreg:$0xc];
	[sflag:s23] =	ssyncadd.s32 $0xFFFFC000  }
0x136: {  	[hbm4b:s18+s3] =	stream.linear.scatter [tilespmem:s22], [sflag:$0x1], $0x4000, $0x38;
	[tilespmem:$0x18800] =	vst v63  }
0x137: {  	_ =	swait.ge [sflag:s23], $0x4000  }
0x138: {  	[sflag:s23] =	ssyncset.done $0x0  }
0x139: {  	[sflag:s23] =	ssyncadd.s32 $0xFFFFC000  }
0x13a: {  	[tilespmem:s22], [sflag:$0x1] =	stream.linear.gather [spmem:s14], $0x4000, $0x38;
	[tilespmem:$0x18800] =	vst v63  }
0x13b: {  	_ =	swait.ge [sflag:s23], $0x4000  }
0x13c: {  	[sflag:s23] =	ssyncset.done $0x0  }
0x13d: {  	s19 =	rddreg [dreg:$0xd];
	[sflag:s23] =	ssyncadd.s32 $0xFFFFC000  }
0x13e: {  	[hbm4b:s19+s3] =	stream.linear.scatter [tilespmem:s22], [sflag:$0x1], $0x4000, $0x38;
	[tilespmem:$0x18800] =	vst v63  }
0x13f: {  	_ =	swait.ge [sflag:s23], $0x4000  }
0x140: {  	s16 =	sadd.s32 $0x1, s16;
	s20 =	rddreg [dreg:$0xe]  }
0x141: {  	p0 =	sne.s32 s16, s20  }
.Ltmp1:
0x142: {  	_ = 	snop;
	(pc) =	sbr.rel @p0 .LBB2_1-.Ltmp1, $3  }
0x143: {  	_ =	sdelay $0x1  }
0x144: {  	[sflag:s23] =	ssyncset.done $0x0  }
0x145: {  	[sflag:s23] =	ssyncadd.s32 $0xFFFFC000  }
0x146: {  	_ =	sfence.sel $0x180000  }
0x147: {  	[bflag:$0x0] =	sbarrier.arrive $0xFFFF  }
0x148: {  	_ =	strace $0x90000047  }
0x149: {  	s0 =	stileid.u32;
	[bflag:$0x2] =	sbarrier.arrive $0xFFFF  }
0x14a: {  	p0 =	sne.s32 s0, $0x0;
	s0 =	rddreg [dreg:$0x3]  }
0x14b: {  	s0 =	sadd.s32 @!p0 $0x100000, s0  }
0x14c: {  	[sflag:s0] =	ssyncadd.tile.s32 @!p0 $0x1;
	_ =	shalt  }
.Lfunc_end2:
_tile_overlayer_lowered:
.L_overlay_start_2:
0x14d: {  	(tag) =	ssettag $0x2  }
0x14e: {  	s0 =	rddreg [dreg:$0x0];
	s2 =	stileid.u32  }
0x14f: {  	s1 =	rddreg [dreg:$0x1];
	p0 =	sne.s32 s2, $0x0  }
0x150: {  	s3 =	rddreg [dreg:$0x2];
	[bflag:$0x3] =	sbarrier.arrive $0xFFFF;
	s2 =	simm.s32 @!p0 $0x1C01  }
0x151: {  	[timem:s3], [sflag:s2] =	dma.local @!p0 [hbm:s0], s1  }
0x152: {  	s0 =	simm.s32 @!p0 $0x1  }
0x153: {  	_ =	swait.ge @!p0 [sflag:s0], s1  }
0x154: {  	s1 =	ssub.s32 @!p0 $0x0, s1;
	[sflag:s0] =	ssyncset.done @!p0 $0x0  }
0x155: {  	[sflag:s0] =	ssyncadd.s32 @!p0 s1  }
0x156: {  	[bflag:$0x3] =	sbarrier.arrive $0xFFFF  }
0x157: {  	_ =	shalt  }

</sc_bundles>
